<compile_context>
chip_gen: v7x
topology: tpu7x:2x2x1
jax: 0.10.2.dev20260603
libtpu: 0.0.44.dev20260713+nightly
codegen_flags: <defaults>
</compile_context>

<pallas_src>
import functools

import jax
import jax.numpy as jnp
from jax import lax
from jax.experimental import pallas as pl
from jax.experimental.pallas import tpu as pltpu
from jax.experimental.pallas import tpu_sc as plsc

NUM_CLASSES = 1000000
HIDDEN = 64
BATCH = 16384
HIST = 200
NW = 32
W_ROWS = BATCH // NW
R = 4
D = 4
NCH = W_ROWS // R
SPLITS = ((0, 104), (104, 96))


def _sc_gather(table_bf16, labels):
    mesh = plsc.VectorSubcoreMesh(core_axis_name="c", subcore_axis_name="s")

    scratch = ([pltpu.VMEM((R, HIST), jnp.int32) for _ in range(D)]
               + [pltpu.VMEM((R, HIST, HIDDEN // 2), jnp.int32) for _ in range(D)]
               + [pltpu.SemaphoreType.DMA for _ in range(2 * D)])

    @functools.partial(
        pl.kernel,
        mesh=mesh,
        out_type=jax.ShapeDtypeStruct((BATCH, HIST, HIDDEN // 2), jnp.int32),
        scratch_types=scratch,
        compiler_params=pltpu.CompilerParams(use_tc_tiling_on_sc=False),
    )
    def k(table_hbm, labels_hbm, out_hbm, *bufs):
        idx = bufs[0:D]
        rows = bufs[D:2 * D]
        gsem = bufs[2 * D:3 * D]
        ssem = bufs[3 * D:4 * D]

        nc = 2
        wid = lax.axis_index("s") * nc + lax.axis_index("c")
        base = wid * W_ROWS

        def load_idx(c, b):
            row0 = pl.multiple_of(base + c * R, R)
            pltpu.sync_copy(labels_hbm.at[pl.ds(row0, R)], idx[b])

        def fire_gathers(b):
            for r in range(R):
                for o, n in SPLITS:
                    pltpu.async_copy(
                        table_hbm.at[idx[b].at[r, pl.ds(o, n)]],
                        rows[b].at[r, pl.ds(o, n)],
                        gsem[b])

        def wait_gathers(b):
            for r in range(R):
                for o, n in SPLITS:
                    pltpu.make_async_copy(
                        table_hbm.at[idx[b].at[r, pl.ds(o, n)]],
                        rows[b].at[r, pl.ds(o, n)],
                        gsem[b]).wait()

        def fire_store(c, b):
            row0 = pl.multiple_of(base + c * R, R)
            pltpu.async_copy(rows[b], out_hbm.at[pl.ds(row0, R)], ssem[b])

        def wait_store(c, b):
            row0 = pl.multiple_of(base + c * R, R)
            pltpu.make_async_copy(rows[b], out_hbm.at[pl.ds(row0, R)],
                                  ssem[b]).wait()

        load_idx(0, 0)
        fire_gathers(0)
        load_idx(1, 1)
        fire_gathers(1)
        for c in (0, 1):
            wait_gathers(c)
            fire_store(c, c)
            load_idx(c + 2, c + 2)
            fire_gathers(c + 2)

        def body(g, carry):
            for u in range(4):
                c = 2 + g * 4 + u
                b = (2 + u) % 4
                b2 = u
                wait_gathers(b)
                fire_store(c, b)
                load_idx(c + 2, b2)
                wait_store(c - 2, b2)
                fire_gathers(b2)
            return carry

        lax.fori_loop(0, (NCH - 4) // 4, body, 0)

        for c in (NCH - 2, NCH - 1):
            b = c % 4
            wait_gathers(b)
            fire_store(c, b)
        for c in (NCH - 4, NCH - 3, NCH - 2, NCH - 1):
            wait_store(c, c % 4)

    return k(table_bf16, labels)


TB = 128
TG = BATCH // TB


QW = HIST * HIDDEN // 2 // 128


def _tc_format(out_i32):

    def body(x_ref, o_ref):
        for q in range(QW):
            xq = x_ref[pl.Slice(q, TB, QW), :]
            xqt = lax.transpose(xq, (1, 0))
            for ch in range(4):
                w = xqt[ch * 32:(ch + 1) * 32, :]
                o_ref[4 * q + ch, :, :] = pltpu.bitcast(w, jnp.bfloat16)

    flat = out_i32.reshape(BATCH * QW, 128)
    return pl.pallas_call(
        body,
        grid=(TG,),
        in_specs=[pl.BlockSpec((TB * QW, 128), lambda i: (i, 0))],
        out_specs=pl.BlockSpec((HIST, HIDDEN, TB), lambda i: (0, 0, i)),
        out_shape=jax.ShapeDtypeStruct((HIST, HIDDEN, BATCH), jnp.bfloat16),
    )(flat)


CB = 8192
TROWS = NUM_CLASSES * (HIDDEN // 2) // 128


def _tc_table(table_t):

    def body(x_ref, o_ref, scr_ref):
        x = x_ref[...]
        xb = x.astype(jnp.bfloat16)
        w = pltpu.bitcast(xb, jnp.int32)
        scr_ref[...] = lax.transpose(w, (1, 0))
        for rm in range(4):
            o_ref[:, rm * 32:(rm + 1) * 32] = scr_ref[pl.Slice(rm, CB // 4, 4), :]

    grid = (NUM_CLASSES + CB - 1) // CB
    return pl.pallas_call(
        body,
        grid=(grid,),
        in_specs=[pl.BlockSpec((HIDDEN, CB), lambda i: (0, i))],
        out_specs=pl.BlockSpec((CB // 4, 128), lambda i: (i, 0)),
        out_shape=jax.ShapeDtypeStruct((TROWS, 128), jnp.int32),
        scratch_shapes=[pltpu.VMEM((CB, 32), jnp.int32)],
    )(table_t)


def kernel(labels, embedding_table):
    table_i32 = _tc_table(embedding_table.T).reshape(NUM_CLASSES, HIDDEN // 2)
    out_i32 = _sc_gather(table_i32, labels.astype(jnp.int32))
    out_t = _tc_format(out_i32)
    return jnp.transpose(out_t, (2, 0, 1))

# --- scband reference (transcript-rebuilt; emitter-appended) ---
"""Pipeline reference for scband-token-embedder-75084618269170 (READ-ONLY COPY).

The authoritative reference and input builder live on the scoring server;
editing this copy changes nothing except your own understanding.
"""

import jax, jax.numpy as jnp
import numpy as np

NUM_CLASSES = 1000000
HIDDEN_SIZE = 64
BATCH = 16384
HIST_LEN = 200

def setup_inputs(seed: int = 0) -> dict:
    key = jax.random.key(seed)
    k_lab, k_emb = jax.random.split(key)
    labels = jax.random.randint(k_lab, (BATCH, HIST_LEN), 0, NUM_CLASSES, dtype=jnp.int64 if jax.config.jax_enable_x64 else jnp.int32)
    # Embedding table initialized with normal(stddev=0.02), stored in float32 (flax param dtype default)
    embedding_table = jax.random.normal(k_emb, (NUM_CLASSES, HIDDEN_SIZE), dtype=jnp.float32) * 0.02
    return {"labels": labels, "embedding_table": embedding_table}

def reference(labels, embedding_table):
    # flax nn.Embed with dtype=bfloat16: promotes the embedding table to bfloat16
    # before the gather, then performs the lookup.
    table_bf16 = embedding_table.astype(jnp.bfloat16)
    embeddings = jnp.take(table_bf16, labels, axis=0)
    return embeddings

if __name__ == "__main__":
    import jax
    _d = setup_inputs()
    print(jax.jit(kernel)(*tuple(_d.values())))

</pallas_src>

<mosaic_0001>
#map = affine_map<(d0, d1) -> (0, 0)>
#map1 = affine_map<(d0, d1) -> (0, 0, 0)>
module attributes {stable_mosaic.version = 14 : i64} {
  func.func @k(%arg0: i32, %arg1: i32, %arg2: memref<1000000x32xi32, #tpu.memory_space<hbm>>, %arg3: memref<16384x200xi32, #tpu.memory_space<hbm>>, %arg4: memref<16384x200x32xi32, #tpu.memory_space<hbm>>, %arg5: memref<4x200xi32, #tpu.memory_space<vmem>>, %arg6: memref<4x200xi32, #tpu.memory_space<vmem>>, %arg7: memref<4x200xi32, #tpu.memory_space<vmem>>, %arg8: memref<4x200xi32, #tpu.memory_space<vmem>>, %arg9: memref<4x200x32xi32, #tpu.memory_space<vmem>>, %arg10: memref<4x200x32xi32, #tpu.memory_space<vmem>>, %arg11: memref<4x200x32xi32, #tpu.memory_space<vmem>>, %arg12: memref<4x200x32xi32, #tpu.memory_space<vmem>>, %arg13: memref<!tpu.dma_semaphore, #tpu.memory_space<semaphore_mem>>, %arg14: memref<!tpu.dma_semaphore, #tpu.memory_space<semaphore_mem>>, %arg15: memref<!tpu.dma_semaphore, #tpu.memory_space<semaphore_mem>>, %arg16: memref<!tpu.dma_semaphore, #tpu.memory_space<semaphore_mem>>, %arg17: memref<!tpu.dma_semaphore, #tpu.memory_space<semaphore_mem>>, %arg18: memref<!tpu.dma_semaphore, #tpu.memory_space<semaphore_mem>>, %arg19: memref<!tpu.dma_semaphore, #tpu.memory_space<semaphore_mem>>, %arg20: memref<!tpu.dma_semaphore, #tpu.memory_space<semaphore_mem>>) attributes {dimension_semantics = [#tpu.dimension_semantics<core_parallel>, #tpu.dimension_semantics<subcore_parallel>], iteration_bounds = array<i64: 2, 16>, scalar_prefetch = 0 : i64, scratch_operands = 16 : i64, tpu.core_type = #tpu.core_type<sc_vector_subcore>, window_params = [{transform_indices = #map}, {transform_indices = #map}, {transform_indices = #map1}]} {
    %mul3A = arith.constant 2 : i32
    %mul3A_0 = arith.muli %arg1, %mul3A : i32
    %add3A = arith.addi %mul3A_0, %arg0 : i32
    %mul3A_1 = arith.constant 512 : i32
    %mul3A_2 = arith.muli %add3A, %mul3A_1 : i32
    %add3A_3 = arith.constant 0 : i32
    %add3A_4 = arith.addi %mul3A_2, %add3A_3 : i32
    %multiple_of3A = tpu.assume_multiple %add3A_4, 4 : i32
    "tpu.region"() ({
      %run_scoped3A = tpu.sem_alloc : memref<!tpu.dma_semaphore, #tpu.memory_space<semaphore_mem>>
      %dma_start3A_857 = arith.constant 0 : i32
      %dma_start3A_858 = tpu.memref_slice %arg3[%multiple_of3A, %dma_start3A_857] : memref<16384x200xi32, #tpu.memory_space<hbm>> -> memref<4x200xi32, #tpu.memory_space<hbm>>
      %dma_start3A_859 = arith.constant 0 : i32
      %dma_start3A_860 = tpu.memref_slice %arg3[%multiple_of3A, %dma_start3A_859] : memref<16384x200xi32, #tpu.memory_space<hbm>> -> memref<4x200xi32, #tpu.memory_space<hbm>>
      tpu.enqueue_dma source(%dma_start3A_860 : memref<4x200xi32, #tpu.memory_space<hbm>>) target(%arg5 : memref<4x200xi32, #tpu.memory_space<vmem>>) target_semaphore(%run_scoped3A : memref<!tpu.dma_semaphore, #tpu.memory_space<semaphore_mem>>)
      %dma_wait3A_861 = arith.constant 0 : i32
      %dma_wait3A_862 = tpu.memref_slice %arg3[%multiple_of3A, %dma_wait3A_861] : memref<16384x200xi32, #tpu.memory_space<hbm>> -> memref<4x200xi32, #tpu.memory_space<hbm>>
      %dma_wait3A_863 = arith.constant 0 : i32
      %dma_wait3A_864 = tpu.memref_slice %arg3[%multiple_of3A, %dma_wait3A_863] : memref<16384x200xi32, #tpu.memory_space<hbm>> -> memref<4x200xi32, #tpu.memory_space<hbm>>
      tpu.wait_dma2 semaphore(%run_scoped3A : memref<!tpu.dma_semaphore, #tpu.memory_space<semaphore_mem>>) src(%dma_wait3A_864 : memref<4x200xi32, #tpu.memory_space<hbm>>) dst(%arg5 : memref<4x200xi32, #tpu.memory_space<vmem>>)
      tpu.yield
    }) : () -> ()
    %dma_start3A = arith.constant 0 : i32
    %dma_start3A_5 = arith.constant 0 : i32
    %dma_start3A_6 = arith.constant 0 : i32
    %dma_start3A_7 = arith.constant 0 : i32
    %dma_start3A_8 = tpu.memref_slice %arg9[%dma_start3A_5, %dma_start3A_6, %dma_start3A_7] : memref<4x200x32xi32, #tpu.memory_space<vmem>> -> memref<1x104x32xi32, #tpu.memory_space<vmem>>
    %dma_start3A_9 = tpu.memref_squeeze %dma_start3A_8 : memref<1x104x32xi32, #tpu.memory_space<vmem>> -> memref<104x32xi32, #tpu.memory_space<vmem>>
    %dma_start3A_10 = arith.constant 0 : i32
    %dma_start3A_11 = tpu.memref_slice %arg5[%dma_start3A, %dma_start3A_10] : memref<4x200xi32, #tpu.memory_space<vmem>> -> memref<1x104xi32, #tpu.memory_space<vmem>>
    %dma_start3A_12 = tpu.memref_squeeze %dma_start3A_11 : memref<1x104xi32, #tpu.memory_space<vmem>> -> memref<104xi32, #tpu.memory_space<vmem>>
    %dma_start3A_13 = arith.constant 0 : i32
    %dma_start3A_14 = arith.constant 0 : i32
    %dma_start3A_15 = tpu.memref_slice %arg2[%dma_start3A_13, %dma_start3A_14] : memref<1000000x32xi32, #tpu.memory_space<hbm>> -> memref<1000000x32xi32, #tpu.memory_space<hbm>>
    tpu.enqueue_indirect_dma source(%dma_start3A_15 : memref<1000000x32xi32, #tpu.memory_space<hbm>>) target(%dma_start3A_9 : memref<104x32xi32, #tpu.memory_space<vmem>>) offsets(%dma_start3A_12 : memref<104xi32, #tpu.memory_space<vmem>>) semaphore(%arg13 : memref<!tpu.dma_semaphore, #tpu.memory_space<semaphore_mem>>)
    %dma_start3A_16 = arith.constant 0 : i32
    %dma_start3A_17 = arith.constant 0 : i32
    %dma_start3A_18 = arith.constant 104 : i32
    %dma_start3A_19 = arith.constant 0 : i32
    %dma_start3A_20 = tpu.memref_slice %arg9[%dma_start3A_17, %dma_start3A_18, %dma_start3A_19] : memref<4x200x32xi32, #tpu.memory_space<vmem>> -> memref<1x96x32xi32, #tpu.memory_space<vmem>>
    %dma_start3A_21 = tpu.memref_squeeze %dma_start3A_20 : memref<1x96x32xi32, #tpu.memory_space<vmem>> -> memref<96x32xi32, #tpu.memory_space<vmem>>
    %dma_start3A_22 = arith.constant 104 : i32
    %dma_start3A_23 = tpu.memref_slice %arg5[%dma_start3A_16, %dma_start3A_22] : memref<4x200xi32, #tpu.memory_space<vmem>> -> memref<1x96xi32, #tpu.memory_space<vmem>>
    %dma_start3A_24 = tpu.memref_squeeze %dma_start3A_23 : memref<1x96xi32, #tpu.memory_space<vmem>> -> memref<96xi32, #tpu.memory_space<vmem>>
    %dma_start3A_25 = arith.constant 0 : i32
    %dma_start3A_26 = arith.constant 0 : i32
    %dma_start3A_27 = tpu.memref_slice %arg2[%dma_start3A_25, %dma_start3A_26] : memref<1000000x32xi32, #tpu.memory_space<hbm>> -> memref<1000000x32xi32, #tpu.memory_space<hbm>>
    tpu.enqueue_indirect_dma source(%dma_start3A_27 : memref<1000000x32xi32, #tpu.memory_space<hbm>>) target(%dma_start3A_21 : memref<96x32xi32, #tpu.memory_space<vmem>>) offsets(%dma_start3A_24 : memref<96xi32, #tpu.memory_space<vmem>>) semaphore(%arg13 : memref<!tpu.dma_semaphore, #tpu.memory_space<semaphore_mem>>)
    %dma_start3A_28 = arith.constant 1 : i32
    %dma_start3A_29 = arith.constant 1 : i32
    %dma_start3A_30 = arith.constant 0 : i32
    %dma_start3A_31 = arith.constant 0 : i32
    %dma_start3A_32 = tpu.memref_slice %arg9[%dma_start3A_29, %dma_start3A_30, %dma_start3A_31] : memref<4x200x32xi32, #tpu.memory_space<vmem>> -> memref<1x104x32xi32, #tpu.memory_space<vmem>>
    %dma_start3A_33 = tpu.memref_squeeze %dma_start3A_32 : memref<1x104x32xi32, #tpu.memory_space<vmem>> -> memref<104x32xi32, #tpu.memory_space<vmem>>
    %dma_start3A_34 = arith.constant 0 : i32
    %dma_start3A_35 = tpu.memref_slice %arg5[%dma_start3A_28, %dma_start3A_34] : memref<4x200xi32, #tpu.memory_space<vmem>> -> memref<1x104xi32, #tpu.memory_space<vmem>>
    %dma_start3A_36 = tpu.memref_squeeze %dma_start3A_35 : memref<1x104xi32, #tpu.memory_space<vmem>> -> memref<104xi32, #tpu.memory_space<vmem>>
    %dma_start3A_37 = arith.constant 0 : i32
    %dma_start3A_38 = arith.constant 0 : i32
    %dma_start3A_39 = tpu.memref_slice %arg2[%dma_start3A_37, %dma_start3A_38] : memref<1000000x32xi32, #tpu.memory_space<hbm>> -> memref<1000000x32xi32, #tpu.memory_space<hbm>>
    tpu.enqueue_indirect_dma source(%dma_start3A_39 : memref<1000000x32xi32, #tpu.memory_space<hbm>>) target(%dma_start3A_33 : memref<104x32xi32, #tpu.memory_space<vmem>>) offsets(%dma_start3A_36 : memref<104xi32, #tpu.memory_space<vmem>>) semaphore(%arg13 : memref<!tpu.dma_semaphore, #tpu.memory_space<semaphore_mem>>)
    %dma_start3A_40 = arith.constant 1 : i32
    %dma_start3A_41 = arith.constant 1 : i32
    %dma_start3A_42 = arith.constant 104 : i32
    %dma_start3A_43 = arith.constant 0 : i32
    %dma_start3A_44 = tpu.memref_slice %arg9[%dma_start3A_41, %dma_start3A_42, %dma_start3A_43] : memref<4x200x32xi32, #tpu.memory_space<vmem>> -> memref<1x96x32xi32, #tpu.memory_space<vmem>>
    %dma_start3A_45 = tpu.memref_squeeze %dma_start3A_44 : memref<1x96x32xi32, #tpu.memory_space<vmem>> -> memref<96x32xi32, #tpu.memory_space<vmem>>
    %dma_start3A_46 = arith.constant 104 : i32
    %dma_start3A_47 = tpu.memref_slice %arg5[%dma_start3A_40, %dma_start3A_46] : memref<4x200xi32, #tpu.memory_space<vmem>> -> memref<1x96xi32, #tpu.memory_space<vmem>>
    %dma_start3A_48 = tpu.memref_squeeze %dma_start3A_47 : memref<1x96xi32, #tpu.memory_space<vmem>> -> memref<96xi32, #tpu.memory_space<vmem>>
    %dma_start3A_49 = arith.constant 0 : i32
    %dma_start3A_50 = arith.constant 0 : i32
    %dma_start3A_51 = tpu.memref_slice %arg2[%dma_start3A_49, %dma_start3A_50] : memref<1000000x32xi32, #tpu.memory_space<hbm>> -> memref<1000000x32xi32, #tpu.memory_space<hbm>>
    tpu.enqueue_indirect_dma source(%dma_start3A_51 : memref<1000000x32xi32, #tpu.memory_space<hbm>>) target(%dma_start3A_45 : memref<96x32xi32, #tpu.memory_space<vmem>>) offsets(%dma_start3A_48 : memref<96xi32, #tpu.memory_space<vmem>>) semaphore(%arg13 : memref<!tpu.dma_semaphore, #tpu.memory_space<semaphore_mem>>)
    %dma_start3A_52 = arith.constant 2 : i32
    %dma_start3A_53 = arith.constant 2 : i32
    %dma_start3A_54 = arith.constant 0 : i32
    %dma_start3A_55 = arith.constant 0 : i32
    %dma_start3A_56 = tpu.memref_slice %arg9[%dma_start3A_53, %dma_start3A_54, %dma_start3A_55] : memref<4x200x32xi32, #tpu.memory_space<vmem>> -> memref<1x104x32xi32, #tpu.memory_space<vmem>>
    %dma_start3A_57 = tpu.memref_squeeze %dma_start3A_56 : memref<1x104x32xi32, #tpu.memory_space<vmem>> -> memref<104x32xi32, #tpu.memory_space<vmem>>
    %dma_start3A_58 = arith.constant 0 : i32
    %dma_start3A_59 = tpu.memref_slice %arg5[%dma_start3A_52, %dma_start3A_58] : memref<4x200xi32, #tpu.memory_space<vmem>> -> memref<1x104xi32, #tpu.memory_space<vmem>>
    %dma_start3A_60 = tpu.memref_squeeze %dma_start3A_59 : memref<1x104xi32, #tpu.memory_space<vmem>> -> memref<104xi32, #tpu.memory_space<vmem>>
    %dma_start3A_61 = arith.constant 0 : i32
    %dma_start3A_62 = arith.constant 0 : i32
    %dma_start3A_63 = tpu.memref_slice %arg2[%dma_start3A_61, %dma_start3A_62] : memref<1000000x32xi32, #tpu.memory_space<hbm>> -> memref<1000000x32xi32, #tpu.memory_space<hbm>>
    tpu.enqueue_indirect_dma source(%dma_start3A_63 : memref<1000000x32xi32, #tpu.memory_space<hbm>>) target(%dma_start3A_57 : memref<104x32xi32, #tpu.memory_space<vmem>>) offsets(%dma_start3A_60 : memref<104xi32, #tpu.memory_space<vmem>>) semaphore(%arg13 : memref<!tpu.dma_semaphore, #tpu.memory_space<semaphore_mem>>)
    %dma_start3A_64 = arith.constant 2 : i32
    %dma_start3A_65 = arith.constant 2 : i32
    %dma_start3A_66 = arith.constant 104 : i32
    %dma_start3A_67 = arith.constant 0 : i32
    %dma_start3A_68 = tpu.memref_slice %arg9[%dma_start3A_65, %dma_start3A_66, %dma_start3A_67] : memref<4x200x32xi32, #tpu.memory_space<vmem>> -> memref<1x96x32xi32, #tpu.memory_space<vmem>>
    %dma_start3A_69 = tpu.memref_squeeze %dma_start3A_68 : memref<1x96x32xi32, #tpu.memory_space<vmem>> -> memref<96x32xi32, #tpu.memory_space<vmem>>
    %dma_start3A_70 = arith.constant 104 : i32
    %dma_start3A_71 = tpu.memref_slice %arg5[%dma_start3A_64, %dma_start3A_70] : memref<4x200xi32, #tpu.memory_space<vmem>> -> memref<1x96xi32, #tpu.memory_space<vmem>>
    %dma_start3A_72 = tpu.memref_squeeze %dma_start3A_71 : memref<1x96xi32, #tpu.memory_space<vmem>> -> memref<96xi32, #tpu.memory_space<vmem>>
    %dma_start3A_73 = arith.constant 0 : i32
    %dma_start3A_74 = arith.constant 0 : i32
    %dma_start3A_75 = tpu.memref_slice %arg2[%dma_start3A_73, %dma_start3A_74] : memref<1000000x32xi32, #tpu.memory_space<hbm>> -> memref<1000000x32xi32, #tpu.memory_space<hbm>>
    tpu.enqueue_indirect_dma source(%dma_start3A_75 : memref<1000000x32xi32, #tpu.memory_space<hbm>>) target(%dma_start3A_69 : memref<96x32xi32, #tpu.memory_space<vmem>>) offsets(%dma_start3A_72 : memref<96xi32, #tpu.memory_space<vmem>>) semaphore(%arg13 : memref<!tpu.dma_semaphore, #tpu.memory_space<semaphore_mem>>)
    %dma_start3A_76 = arith.constant 3 : i32
    %dma_start3A_77 = arith.constant 3 : i32
    %dma_start3A_78 = arith.constant 0 : i32
    %dma_start3A_79 = arith.constant 0 : i32
    %dma_start3A_80 = tpu.memref_slice %arg9[%dma_start3A_77, %dma_start3A_78, %dma_start3A_79] : memref<4x200x32xi32, #tpu.memory_space<vmem>> -> memref<1x104x32xi32, #tpu.memory_space<vmem>>
    %dma_start3A_81 = tpu.memref_squeeze %dma_start3A_80 : memref<1x104x32xi32, #tpu.memory_space<vmem>> -> memref<104x32xi32, #tpu.memory_space<vmem>>
    %dma_start3A_82 = arith.constant 0 : i32
    %dma_start3A_83 = tpu.memref_slice %arg5[%dma_start3A_76, %dma_start3A_82] : memref<4x200xi32, #tpu.memory_space<vmem>> -> memref<1x104xi32, #tpu.memory_space<vmem>>
    %dma_start3A_84 = tpu.memref_squeeze %dma_start3A_83 : memref<1x104xi32, #tpu.memory_space<vmem>> -> memref<104xi32, #tpu.memory_space<vmem>>
    %dma_start3A_85 = arith.constant 0 : i32
    %dma_start3A_86 = arith.constant 0 : i32
    %dma_start3A_87 = tpu.memref_slice %arg2[%dma_start3A_85, %dma_start3A_86] : memref<1000000x32xi32, #tpu.memory_space<hbm>> -> memref<1000000x32xi32, #tpu.memory_space<hbm>>
    tpu.enqueue_indirect_dma source(%dma_start3A_87 : memref<1000000x32xi32, #tpu.memory_space<hbm>>) target(%dma_start3A_81 : memref<104x32xi32, #tpu.memory_space<vmem>>) offsets(%dma_start3A_84 : memref<104xi32, #tpu.memory_space<vmem>>) semaphore(%arg13 : memref<!tpu.dma_semaphore, #tpu.memory_space<semaphore_mem>>)
    %dma_start3A_88 = arith.constant 3 : i32
    %dma_start3A_89 = arith.constant 3 : i32
    %dma_start3A_90 = arith.constant 104 : i32
    %dma_start3A_91 = arith.constant 0 : i32
    %dma_start3A_92 = tpu.memref_slice %arg9[%dma_start3A_89, %dma_start3A_90, %dma_start3A_91] : memref<4x200x32xi32, #tpu.memory_space<vmem>> -> memref<1x96x32xi32, #tpu.memory_space<vmem>>
    %dma_start3A_93 = tpu.memref_squeeze %dma_start3A_92 : memref<1x96x32xi32, #tpu.memory_space<vmem>> -> memref<96x32xi32, #tpu.memory_space<vmem>>
    %dma_start3A_94 = arith.constant 104 : i32
    %dma_start3A_95 = tpu.memref_slice %arg5[%dma_start3A_88, %dma_start3A_94] : memref<4x200xi32, #tpu.memory_space<vmem>> -> memref<1x96xi32, #tpu.memory_space<vmem>>
    %dma_start3A_96 = tpu.memref_squeeze %dma_start3A_95 : memref<1x96xi32, #tpu.memory_space<vmem>> -> memref<96xi32, #tpu.memory_space<vmem>>
    %dma_start3A_97 = arith.constant 0 : i32
    %dma_start3A_98 = arith.constant 0 : i32
    %dma_start3A_99 = tpu.memref_slice %arg2[%dma_start3A_97, %dma_start3A_98] : memref<1000000x32xi32, #tpu.memory_space<hbm>> -> memref<1000000x32xi32, #tpu.memory_space<hbm>>
    tpu.enqueue_indirect_dma source(%dma_start3A_99 : memref<1000000x32xi32, #tpu.memory_space<hbm>>) target(%dma_start3A_93 : memref<96x32xi32, #tpu.memory_space<vmem>>) offsets(%dma_start3A_96 : memref<96xi32, #tpu.memory_space<vmem>>) semaphore(%arg13 : memref<!tpu.dma_semaphore, #tpu.memory_space<semaphore_mem>>)
    %add3A_100 = arith.constant 4 : i32
    %add3A_101 = arith.addi %mul3A_2, %add3A_100 : i32
    %multiple_of3A_102 = tpu.assume_multiple %add3A_101, 4 : i32
    "tpu.region"() ({
      %run_scoped3A = tpu.sem_alloc : memref<!tpu.dma_semaphore, #tpu.memory_space<semaphore_mem>>
      %dma_start3A_857 = arith.constant 0 : i32
      %dma_start3A_858 = tpu.memref_slice %arg3[%multiple_of3A_102, %dma_start3A_857] : memref<16384x200xi32, #tpu.memory_space<hbm>> -> memref<4x200xi32, #tpu.memory_space<hbm>>
      %dma_start3A_859 = arith.constant 0 : i32
      %dma_start3A_860 = tpu.memref_slice %arg3[%multiple_of3A_102, %dma_start3A_859] : memref<16384x200xi32, #tpu.memory_space<hbm>> -> memref<4x200xi32, #tpu.memory_space<hbm>>
      tpu.enqueue_dma source(%dma_start3A_860 : memref<4x200xi32, #tpu.memory_space<hbm>>) target(%arg6 : memref<4x200xi32, #tpu.memory_space<vmem>>) target_semaphore(%run_scoped3A : memref<!tpu.dma_semaphore, #tpu.memory_space<semaphore_mem>>)
      %dma_wait3A_861 = arith.constant 0 : i32
      %dma_wait3A_862 = tpu.memref_slice %arg3[%multiple_of3A_102, %dma_wait3A_861] : memref<16384x200xi32, #tpu.memory_space<hbm>> -> memref<4x200xi32, #tpu.memory_space<hbm>>
      %dma_wait3A_863 = arith.constant 0 : i32
      %dma_wait3A_864 = tpu.memref_slice %arg3[%multiple_of3A_102, %dma_wait3A_863] : memref<16384x200xi32, #tpu.memory_space<hbm>> -> memref<4x200xi32, #tpu.memory_space<hbm>>
      tpu.wait_dma2 semaphore(%run_scoped3A : memref<!tpu.dma_semaphore, #tpu.memory_space<semaphore_mem>>) src(%dma_wait3A_864 : memref<4x200xi32, #tpu.memory_space<hbm>>) dst(%arg6 : memref<4x200xi32, #tpu.memory_space<vmem>>)
      tpu.yield
    }) : () -> ()
    %dma_start3A_103 = arith.constant 0 : i32
    %dma_start3A_104 = arith.constant 0 : i32
    %dma_start3A_105 = arith.constant 0 : i32
    %dma_start3A_106 = arith.constant 0 : i32
    %dma_start3A_107 = tpu.memref_slice %arg10[%dma_start3A_104, %dma_start3A_105, %dma_start3A_106] : memref<4x200x32xi32, #tpu.memory_space<vmem>> -> memref<1x104x32xi32, #tpu.memory_space<vmem>>
    %dma_start3A_108 = tpu.memref_squeeze %dma_start3A_107 : memref<1x104x32xi32, #tpu.memory_space<vmem>> -> memref<104x32xi32, #tpu.memory_space<vmem>>
    %dma_start3A_109 = arith.constant 0 : i32
    %dma_start3A_110 = tpu.memref_slice %arg6[%dma_start3A_103, %dma_start3A_109] : memref<4x200xi32, #tpu.memory_space<vmem>> -> memref<1x104xi32, #tpu.memory_space<vmem>>
    %dma_start3A_111 = tpu.memref_squeeze %dma_start3A_110 : memref<1x104xi32, #tpu.memory_space<vmem>> -> memref<104xi32, #tpu.memory_space<vmem>>
    %dma_start3A_112 = arith.constant 0 : i32
    %dma_start3A_113 = arith.constant 0 : i32
    %dma_start3A_114 = tpu.memref_slice %arg2[%dma_start3A_112, %dma_start3A_113] : memref<1000000x32xi32, #tpu.memory_space<hbm>> -> memref<1000000x32xi32, #tpu.memory_space<hbm>>
    tpu.enqueue_indirect_dma source(%dma_start3A_114 : memref<1000000x32xi32, #tpu.memory_space<hbm>>) target(%dma_start3A_108 : memref<104x32xi32, #tpu.memory_space<vmem>>) offsets(%dma_start3A_111 : memref<104xi32, #tpu.memory_space<vmem>>) semaphore(%arg14 : memref<!tpu.dma_semaphore, #tpu.memory_space<semaphore_mem>>)
    %dma_start3A_115 = arith.constant 0 : i32
    %dma_start3A_116 = arith.constant 0 : i32
    %dma_start3A_117 = arith.constant 104 : i32
    %dma_start3A_118 = arith.constant 0 : i32
    %dma_start3A_119 = tpu.memref_slice %arg10[%dma_start3A_116, %dma_start3A_117, %dma_start3A_118] : memref<4x200x32xi32, #tpu.memory_space<vmem>> -> memref<1x96x32xi32, #tpu.memory_space<vmem>>
    %dma_start3A_120 = tpu.memref_squeeze %dma_start3A_119 : memref<1x96x32xi32, #tpu.memory_space<vmem>> -> memref<96x32xi32, #tpu.memory_space<vmem>>
    %dma_start3A_121 = arith.constant 104 : i32
    %dma_start3A_122 = tpu.memref_slice %arg6[%dma_start3A_115, %dma_start3A_121] : memref<4x200xi32, #tpu.memory_space<vmem>> -> memref<1x96xi32, #tpu.memory_space<vmem>>
    %dma_start3A_123 = tpu.memref_squeeze %dma_start3A_122 : memref<1x96xi32, #tpu.memory_space<vmem>> -> memref<96xi32, #tpu.memory_space<vmem>>
    %dma_start3A_124 = arith.constant 0 : i32
    %dma_start3A_125 = arith.constant 0 : i32
    %dma_start3A_126 = tpu.memref_slice %arg2[%dma_start3A_124, %dma_start3A_125] : memref<1000000x32xi32, #tpu.memory_space<hbm>> -> memref<1000000x32xi32, #tpu.memory_space<hbm>>
    tpu.enqueue_indirect_dma source(%dma_start3A_126 : memref<1000000x32xi32, #tpu.memory_space<hbm>>) target(%dma_start3A_120 : memref<96x32xi32, #tpu.memory_space<vmem>>) offsets(%dma_start3A_123 : memref<96xi32, #tpu.memory_space<vmem>>) semaphore(%arg14 : memref<!tpu.dma_semaphore, #tpu.memory_space<semaphore_mem>>)
    %dma_start3A_127 = arith.constant 1 : i32
    %dma_start3A_128 = arith.constant 1 : i32
    %dma_start3A_129 = arith.constant 0 : i32
    %dma_start3A_130 = arith.constant 0 : i32
    %dma_start3A_131 = tpu.memref_slice %arg10[%dma_start3A_128, %dma_start3A_129, %dma_start3A_130] : memref<4x200x32xi32, #tpu.memory_space<vmem>> -> memref<1x104x32xi32, #tpu.memory_space<vmem>>
    %dma_start3A_132 = tpu.memref_squeeze %dma_start3A_131 : memref<1x104x32xi32, #tpu.memory_space<vmem>> -> memref<104x32xi32, #tpu.memory_space<vmem>>
    %dma_start3A_133 = arith.constant 0 : i32
    %dma_start3A_134 = tpu.memref_slice %arg6[%dma_start3A_127, %dma_start3A_133] : memref<4x200xi32, #tpu.memory_space<vmem>> -> memref<1x104xi32, #tpu.memory_space<vmem>>
    %dma_start3A_135 = tpu.memref_squeeze %dma_start3A_134 : memref<1x104xi32, #tpu.memory_space<vmem>> -> memref<104xi32, #tpu.memory_space<vmem>>
    %dma_start3A_136 = arith.constant 0 : i32
    %dma_start3A_137 = arith.constant 0 : i32
    %dma_start3A_138 = tpu.memref_slice %arg2[%dma_start3A_136, %dma_start3A_137] : memref<1000000x32xi32, #tpu.memory_space<hbm>> -> memref<1000000x32xi32, #tpu.memory_space<hbm>>
    tpu.enqueue_indirect_dma source(%dma_start3A_138 : memref<1000000x32xi32, #tpu.memory_space<hbm>>) target(%dma_start3A_132 : memref<104x32xi32, #tpu.memory_space<vmem>>) offsets(%dma_start3A_135 : memref<104xi32, #tpu.memory_space<vmem>>) semaphore(%arg14 : memref<!tpu.dma_semaphore, #tpu.memory_space<semaphore_mem>>)
    %dma_start3A_139 = arith.constant 1 : i32
    %dma_start3A_140 = arith.constant 1 : i32
    %dma_start3A_141 = arith.constant 104 : i32
    %dma_start3A_142 = arith.constant 0 : i32
    %dma_start3A_143 = tpu.memref_slice %arg10[%dma_start3A_140, %dma_start3A_141, %dma_start3A_142] : memref<4x200x32xi32, #tpu.memory_space<vmem>> -> memref<1x96x32xi32, #tpu.memory_space<vmem>>
    %dma_start3A_144 = tpu.memref_squeeze %dma_start3A_143 : memref<1x96x32xi32, #tpu.memory_space<vmem>> -> memref<96x32xi32, #tpu.memory_space<vmem>>
    %dma_start3A_145 = arith.constant 104 : i32
    %dma_start3A_146 = tpu.memref_slice %arg6[%dma_start3A_139, %dma_start3A_145] : memref<4x200xi32, #tpu.memory_space<vmem>> -> memref<1x96xi32, #tpu.memory_space<vmem>>
    %dma_start3A_147 = tpu.memref_squeeze %dma_start3A_146 : memref<1x96xi32, #tpu.memory_space<vmem>> -> memref<96xi32, #tpu.memory_space<vmem>>
    %dma_start3A_148 = arith.constant 0 : i32
    %dma_start3A_149 = arith.constant 0 : i32
    %dma_start3A_150 = tpu.memref_slice %arg2[%dma_start3A_148, %dma_start3A_149] : memref<1000000x32xi32, #tpu.memory_space<hbm>> -> memref<1000000x32xi32, #tpu.memory_space<hbm>>
    tpu.enqueue_indirect_dma source(%dma_start3A_150 : memref<1000000x32xi32, #tpu.memory_space<hbm>>) target(%dma_start3A_144 : memref<96x32xi32, #tpu.memory_space<vmem>>) offsets(%dma_start3A_147 : memref<96xi32, #tpu.memory_space<vmem>>) semaphore(%arg14 : memref<!tpu.dma_semaphore, #tpu.memory_space<semaphore_mem>>)
    %dma_start3A_151 = arith.constant 2 : i32
    %dma_start3A_152 = arith.constant 2 : i32
    %dma_start3A_153 = arith.constant 0 : i32
    %dma_start3A_154 = arith.constant 0 : i32
    %dma_start3A_155 = tpu.memref_slice %arg10[%dma_start3A_152, %dma_start3A_153, %dma_start3A_154] : memref<4x200x32xi32, #tpu.memory_space<vmem>> -> memref<1x104x32xi32, #tpu.memory_space<vmem>>
    %dma_start3A_156 = tpu.memref_squeeze %dma_start3A_155 : memref<1x104x32xi32, #tpu.memory_space<vmem>> -> memref<104x32xi32, #tpu.memory_space<vmem>>
    %dma_start3A_157 = arith.constant 0 : i32
    %dma_start3A_158 = tpu.memref_slice %arg6[%dma_start3A_151, %dma_start3A_157] : memref<4x200xi32, #tpu.memory_space<vmem>> -> memref<1x104xi32, #tpu.memory_space<vmem>>
    %dma_start3A_159 = tpu.memref_squeeze %dma_start3A_158 : memref<1x104xi32, #tpu.memory_space<vmem>> -> memref<104xi32, #tpu.memory_space<vmem>>
    %dma_start3A_160 = arith.constant 0 : i32
    %dma_start3A_161 = arith.constant 0 : i32
    %dma_start3A_162 = tpu.memref_slice %arg2[%dma_start3A_160, %dma_start3A_161] : memref<1000000x32xi32, #tpu.memory_space<hbm>> -> memref<1000000x32xi32, #tpu.memory_space<hbm>>
    tpu.enqueue_indirect_dma source(%dma_start3A_162 : memref<1000000x32xi32, #tpu.memory_space<hbm>>) target(%dma_start3A_156 : memref<104x32xi32, #tpu.memory_space<vmem>>) offsets(%dma_start3A_159 : memref<104xi32, #tpu.memory_space<vmem>>) semaphore(%arg14 : memref<!tpu.dma_semaphore, #tpu.memory_space<semaphore_mem>>)
    %dma_start3A_163 = arith.constant 2 : i32
    %dma_start3A_164 = arith.constant 2 : i32
    %dma_start3A_165 = arith.constant 104 : i32
    %dma_start3A_166 = arith.constant 0 : i32
    %dma_start3A_167 = tpu.memref_slice %arg10[%dma_start3A_164, %dma_start3A_165, %dma_start3A_166] : memref<4x200x32xi32, #tpu.memory_space<vmem>> -> memref<1x96x32xi32, #tpu.memory_space<vmem>>
    %dma_start3A_168 = tpu.memref_squeeze %dma_start3A_167 : memref<1x96x32xi32, #tpu.memory_space<vmem>> -> memref<96x32xi32, #tpu.memory_space<vmem>>
    %dma_start3A_169 = arith.constant 104 : i32
    %dma_start3A_170 = tpu.memref_slice %arg6[%dma_start3A_163, %dma_start3A_169] : memref<4x200xi32, #tpu.memory_space<vmem>> -> memref<1x96xi32, #tpu.memory_space<vmem>>
    %dma_start3A_171 = tpu.memref_squeeze %dma_start3A_170 : memref<1x96xi32, #tpu.memory_space<vmem>> -> memref<96xi32, #tpu.memory_space<vmem>>
    %dma_start3A_172 = arith.constant 0 : i32
    %dma_start3A_173 = arith.constant 0 : i32
    %dma_start3A_174 = tpu.memref_slice %arg2[%dma_start3A_172, %dma_start3A_173] : memref<1000000x32xi32, #tpu.memory_space<hbm>> -> memref<1000000x32xi32, #tpu.memory_space<hbm>>
    tpu.enqueue_indirect_dma source(%dma_start3A_174 : memref<1000000x32xi32, #tpu.memory_space<hbm>>) target(%dma_start3A_168 : memref<96x32xi32, #tpu.memory_space<vmem>>) offsets(%dma_start3A_171 : memref<96xi32, #tpu.memory_space<vmem>>) semaphore(%arg14 : memref<!tpu.dma_semaphore, #tpu.memory_space<semaphore_mem>>)
    %dma_start3A_175 = arith.constant 3 : i32
    %dma_start3A_176 = arith.constant 3 : i32
    %dma_start3A_177 = arith.constant 0 : i32
    %dma_start3A_178 = arith.constant 0 : i32
    %dma_start3A_179 = tpu.memref_slice %arg10[%dma_start3A_176, %dma_start3A_177, %dma_start3A_178] : memref<4x200x32xi32, #tpu.memory_space<vmem>> -> memref<1x104x32xi32, #tpu.memory_space<vmem>>
    %dma_start3A_180 = tpu.memref_squeeze %dma_start3A_179 : memref<1x104x32xi32, #tpu.memory_space<vmem>> -> memref<104x32xi32, #tpu.memory_space<vmem>>
    %dma_start3A_181 = arith.constant 0 : i32
    %dma_start3A_182 = tpu.memref_slice %arg6[%dma_start3A_175, %dma_start3A_181] : memref<4x200xi32, #tpu.memory_space<vmem>> -> memref<1x104xi32, #tpu.memory_space<vmem>>
    %dma_start3A_183 = tpu.memref_squeeze %dma_start3A_182 : memref<1x104xi32, #tpu.memory_space<vmem>> -> memref<104xi32, #tpu.memory_space<vmem>>
    %dma_start3A_184 = arith.constant 0 : i32
    %dma_start3A_185 = arith.constant 0 : i32
    %dma_start3A_186 = tpu.memref_slice %arg2[%dma_start3A_184, %dma_start3A_185] : memref<1000000x32xi32, #tpu.memory_space<hbm>> -> memref<1000000x32xi32, #tpu.memory_space<hbm>>
    tpu.enqueue_indirect_dma source(%dma_start3A_186 : memref<1000000x32xi32, #tpu.memory_space<hbm>>) target(%dma_start3A_180 : memref<104x32xi32, #tpu.memory_space<vmem>>) offsets(%dma_start3A_183 : memref<104xi32, #tpu.memory_space<vmem>>) semaphore(%arg14 : memref<!tpu.dma_semaphore, #tpu.memory_space<semaphore_mem>>)
    %dma_start3A_187 = arith.constant 3 : i32
    %dma_start3A_188 = arith.constant 3 : i32
    %dma_start3A_189 = arith.constant 104 : i32
    %dma_start3A_190 = arith.constant 0 : i32
    %dma_start3A_191 = tpu.memref_slice %arg10[%dma_start3A_188, %dma_start3A_189, %dma_start3A_190] : memref<4x200x32xi32, #tpu.memory_space<vmem>> -> memref<1x96x32xi32, #tpu.memory_space<vmem>>
    %dma_start3A_192 = tpu.memref_squeeze %dma_start3A_191 : memref<1x96x32xi32, #tpu.memory_space<vmem>> -> memref<96x32xi32, #tpu.memory_space<vmem>>
    %dma_start3A_193 = arith.constant 104 : i32
    %dma_start3A_194 = tpu.memref_slice %arg6[%dma_start3A_187, %dma_start3A_193] : memref<4x200xi32, #tpu.memory_space<vmem>> -> memref<1x96xi32, #tpu.memory_space<vmem>>
    %dma_start3A_195 = tpu.memref_squeeze %dma_start3A_194 : memref<1x96xi32, #tpu.memory_space<vmem>> -> memref<96xi32, #tpu.memory_space<vmem>>
    %dma_start3A_196 = arith.constant 0 : i32
    %dma_start3A_197 = arith.constant 0 : i32
    %dma_start3A_198 = tpu.memref_slice %arg2[%dma_start3A_196, %dma_start3A_197] : memref<1000000x32xi32, #tpu.memory_space<hbm>> -> memref<1000000x32xi32, #tpu.memory_space<hbm>>
    tpu.enqueue_indirect_dma source(%dma_start3A_198 : memref<1000000x32xi32, #tpu.memory_space<hbm>>) target(%dma_start3A_192 : memref<96x32xi32, #tpu.memory_space<vmem>>) offsets(%dma_start3A_195 : memref<96xi32, #tpu.memory_space<vmem>>) semaphore(%arg14 : memref<!tpu.dma_semaphore, #tpu.memory_space<semaphore_mem>>)
    %dma_wait3A = arith.constant 0 : i32
    %dma_wait3A_199 = arith.constant 0 : i32
    %dma_wait3A_200 = arith.constant 0 : i32
    %dma_wait3A_201 = arith.constant 0 : i32
    %dma_wait3A_202 = tpu.memref_slice %arg9[%dma_wait3A_199, %dma_wait3A_200, %dma_wait3A_201] : memref<4x200x32xi32, #tpu.memory_space<vmem>> -> memref<1x104x32xi32, #tpu.memory_space<vmem>>
    %dma_wait3A_203 = tpu.memref_squeeze %dma_wait3A_202 : memref<1x104x32xi32, #tpu.memory_space<vmem>> -> memref<104x32xi32, #tpu.memory_space<vmem>>
    %dma_wait3A_204 = arith.constant 0 : i32
    %dma_wait3A_205 = tpu.memref_slice %arg5[%dma_wait3A, %dma_wait3A_204] : memref<4x200xi32, #tpu.memory_space<vmem>> -> memref<1x104xi32, #tpu.memory_space<vmem>>
    %dma_wait3A_206 = tpu.memref_squeeze %dma_wait3A_205 : memref<1x104xi32, #tpu.memory_space<vmem>> -> memref<104xi32, #tpu.memory_space<vmem>>
    %dma_wait3A_207 = arith.constant 0 : i32
    %dma_wait3A_208 = arith.constant 0 : i32
    %dma_wait3A_209 = tpu.memref_slice %arg2[%dma_wait3A_207, %dma_wait3A_208] : memref<1000000x32xi32, #tpu.memory_space<hbm>> -> memref<1000000x32xi32, #tpu.memory_space<hbm>>
    tpu.wait_indirect_dma semaphore(%arg13 : memref<!tpu.dma_semaphore, #tpu.memory_space<semaphore_mem>>) src(%dma_wait3A_209 : memref<1000000x32xi32, #tpu.memory_space<hbm>>) dst(%dma_wait3A_203 : memref<104x32xi32, #tpu.memory_space<vmem>>)
    %dma_wait3A_210 = arith.constant 0 : i32
    %dma_wait3A_211 = arith.constant 0 : i32
    %dma_wait3A_212 = arith.constant 104 : i32
    %dma_wait3A_213 = arith.constant 0 : i32
    %dma_wait3A_214 = tpu.memref_slice %arg9[%dma_wait3A_211, %dma_wait3A_212, %dma_wait3A_213] : memref<4x200x32xi32, #tpu.memory_space<vmem>> -> memref<1x96x32xi32, #tpu.memory_space<vmem>>
    %dma_wait3A_215 = tpu.memref_squeeze %dma_wait3A_214 : memref<1x96x32xi32, #tpu.memory_space<vmem>> -> memref<96x32xi32, #tpu.memory_space<vmem>>
    %dma_wait3A_216 = arith.constant 104 : i32
    %dma_wait3A_217 = tpu.memref_slice %arg5[%dma_wait3A_210, %dma_wait3A_216] : memref<4x200xi32, #tpu.memory_space<vmem>> -> memref<1x96xi32, #tpu.memory_space<vmem>>
    %dma_wait3A_218 = tpu.memref_squeeze %dma_wait3A_217 : memref<1x96xi32, #tpu.memory_space<vmem>> -> memref<96xi32, #tpu.memory_space<vmem>>
    %dma_wait3A_219 = arith.constant 0 : i32
    %dma_wait3A_220 = arith.constant 0 : i32
    %dma_wait3A_221 = tpu.memref_slice %arg2[%dma_wait3A_219, %dma_wait3A_220] : memref<1000000x32xi32, #tpu.memory_space<hbm>> -> memref<1000000x32xi32, #tpu.memory_space<hbm>>
    tpu.wait_indirect_dma semaphore(%arg13 : memref<!tpu.dma_semaphore, #tpu.memory_space<semaphore_mem>>) src(%dma_wait3A_221 : memref<1000000x32xi32, #tpu.memory_space<hbm>>) dst(%dma_wait3A_215 : memref<96x32xi32, #tpu.memory_space<vmem>>)
    %dma_wait3A_222 = arith.constant 1 : i32
    %dma_wait3A_223 = arith.constant 1 : i32
    %dma_wait3A_224 = arith.constant 0 : i32
    %dma_wait3A_225 = arith.constant 0 : i32
    %dma_wait3A_226 = tpu.memref_slice %arg9[%dma_wait3A_223, %dma_wait3A_224, %dma_wait3A_225] : memref<4x200x32xi32, #tpu.memory_space<vmem>> -> memref<1x104x32xi32, #tpu.memory_space<vmem>>
    %dma_wait3A_227 = tpu.memref_squeeze %dma_wait3A_226 : memref<1x104x32xi32, #tpu.memory_space<vmem>> -> memref<104x32xi32, #tpu.memory_space<vmem>>
    %dma_wait3A_228 = arith.constant 0 : i32
    %dma_wait3A_229 = tpu.memref_slice %arg5[%dma_wait3A_222, %dma_wait3A_228] : memref<4x200xi32, #tpu.memory_space<vmem>> -> memref<1x104xi32, #tpu.memory_space<vmem>>
    %dma_wait3A_230 = tpu.memref_squeeze %dma_wait3A_229 : memref<1x104xi32, #tpu.memory_space<vmem>> -> memref<104xi32, #tpu.memory_space<vmem>>
    %dma_wait3A_231 = arith.constant 0 : i32
    %dma_wait3A_232 = arith.constant 0 : i32
    %dma_wait3A_233 = tpu.memref_slice %arg2[%dma_wait3A_231, %dma_wait3A_232] : memref<1000000x32xi32, #tpu.memory_space<hbm>> -> memref<1000000x32xi32, #tpu.memory_space<hbm>>
    tpu.wait_indirect_dma semaphore(%arg13 : memref<!tpu.dma_semaphore, #tpu.memory_space<semaphore_mem>>) src(%dma_wait3A_233 : memref<1000000x32xi32, #tpu.memory_space<hbm>>) dst(%dma_wait3A_227 : memref<104x32xi32, #tpu.memory_space<vmem>>)
    %dma_wait3A_234 = arith.constant 1 : i32
    %dma_wait3A_235 = arith.constant 1 : i32
    %dma_wait3A_236 = arith.constant 104 : i32
    %dma_wait3A_237 = arith.constant 0 : i32
    %dma_wait3A_238 = tpu.memref_slice %arg9[%dma_wait3A_235, %dma_wait3A_236, %dma_wait3A_237] : memref<4x200x32xi32, #tpu.memory_space<vmem>> -> memref<1x96x32xi32, #tpu.memory_space<vmem>>
    %dma_wait3A_239 = tpu.memref_squeeze %dma_wait3A_238 : memref<1x96x32xi32, #tpu.memory_space<vmem>> -> memref<96x32xi32, #tpu.memory_space<vmem>>
    %dma_wait3A_240 = arith.constant 104 : i32
    %dma_wait3A_241 = tpu.memref_slice %arg5[%dma_wait3A_234, %dma_wait3A_240] : memref<4x200xi32, #tpu.memory_space<vmem>> -> memref<1x96xi32, #tpu.memory_space<vmem>>
    %dma_wait3A_242 = tpu.memref_squeeze %dma_wait3A_241 : memref<1x96xi32, #tpu.memory_space<vmem>> -> memref<96xi32, #tpu.memory_space<vmem>>
    %dma_wait3A_243 = arith.constant 0 : i32
    %dma_wait3A_244 = arith.constant 0 : i32
    %dma_wait3A_245 = tpu.memref_slice %arg2[%dma_wait3A_243, %dma_wait3A_244] : memref<1000000x32xi32, #tpu.memory_space<hbm>> -> memref<1000000x32xi32, #tpu.memory_space<hbm>>
    tpu.wait_indirect_dma semaphore(%arg13 : memref<!tpu.dma_semaphore, #tpu.memory_space<semaphore_mem>>) src(%dma_wait3A_245 : memref<1000000x32xi32, #tpu.memory_space<hbm>>) dst(%dma_wait3A_239 : memref<96x32xi32, #tpu.memory_space<vmem>>)
    %dma_wait3A_246 = arith.constant 2 : i32
    %dma_wait3A_247 = arith.constant 2 : i32
    %dma_wait3A_248 = arith.constant 0 : i32
    %dma_wait3A_249 = arith.constant 0 : i32
    %dma_wait3A_250 = tpu.memref_slice %arg9[%dma_wait3A_247, %dma_wait3A_248, %dma_wait3A_249] : memref<4x200x32xi32, #tpu.memory_space<vmem>> -> memref<1x104x32xi32, #tpu.memory_space<vmem>>
    %dma_wait3A_251 = tpu.memref_squeeze %dma_wait3A_250 : memref<1x104x32xi32, #tpu.memory_space<vmem>> -> memref<104x32xi32, #tpu.memory_space<vmem>>
    %dma_wait3A_252 = arith.constant 0 : i32
    %dma_wait3A_253 = tpu.memref_slice %arg5[%dma_wait3A_246, %dma_wait3A_252] : memref<4x200xi32, #tpu.memory_space<vmem>> -> memref<1x104xi32, #tpu.memory_space<vmem>>
    %dma_wait3A_254 = tpu.memref_squeeze %dma_wait3A_253 : memref<1x104xi32, #tpu.memory_space<vmem>> -> memref<104xi32, #tpu.memory_space<vmem>>
    %dma_wait3A_255 = arith.constant 0 : i32
    %dma_wait3A_256 = arith.constant 0 : i32
    %dma_wait3A_257 = tpu.memref_slice %arg2[%dma_wait3A_255, %dma_wait3A_256] : memref<1000000x32xi32, #tpu.memory_space<hbm>> -> memref<1000000x32xi32, #tpu.memory_space<hbm>>
    tpu.wait_indirect_dma semaphore(%arg13 : memref<!tpu.dma_semaphore, #tpu.memory_space<semaphore_mem>>) src(%dma_wait3A_257 : memref<1000000x32xi32, #tpu.memory_space<hbm>>) dst(%dma_wait3A_251 : memref<104x32xi32, #tpu.memory_space<vmem>>)
    %dma_wait3A_258 = arith.constant 2 : i32
    %dma_wait3A_259 = arith.constant 2 : i32
    %dma_wait3A_260 = arith.constant 104 : i32
    %dma_wait3A_261 = arith.constant 0 : i32
    %dma_wait3A_262 = tpu.memref_slice %arg9[%dma_wait3A_259, %dma_wait3A_260, %dma_wait3A_261] : memref<4x200x32xi32, #tpu.memory_space<vmem>> -> memref<1x96x32xi32, #tpu.memory_space<vmem>>
    %dma_wait3A_263 = tpu.memref_squeeze %dma_wait3A_262 : memref<1x96x32xi32, #tpu.memory_space<vmem>> -> memref<96x32xi32, #tpu.memory_space<vmem>>
    %dma_wait3A_264 = arith.constant 104 : i32
    %dma_wait3A_265 = tpu.memref_slice %arg5[%dma_wait3A_258, %dma_wait3A_264] : memref<4x200xi32, #tpu.memory_space<vmem>> -> memref<1x96xi32, #tpu.memory_space<vmem>>
    %dma_wait3A_266 = tpu.memref_squeeze %dma_wait3A_265 : memref<1x96xi32, #tpu.memory_space<vmem>> -> memref<96xi32, #tpu.memory_space<vmem>>
    %dma_wait3A_267 = arith.constant 0 : i32
    %dma_wait3A_268 = arith.constant 0 : i32
    %dma_wait3A_269 = tpu.memref_slice %arg2[%dma_wait3A_267, %dma_wait3A_268] : memref<1000000x32xi32, #tpu.memory_space<hbm>> -> memref<1000000x32xi32, #tpu.memory_space<hbm>>
    tpu.wait_indirect_dma semaphore(%arg13 : memref<!tpu.dma_semaphore, #tpu.memory_space<semaphore_mem>>) src(%dma_wait3A_269 : memref<1000000x32xi32, #tpu.memory_space<hbm>>) dst(%dma_wait3A_263 : memref<96x32xi32, #tpu.memory_space<vmem>>)
    %dma_wait3A_270 = arith.constant 3 : i32
    %dma_wait3A_271 = arith.constant 3 : i32
    %dma_wait3A_272 = arith.constant 0 : i32
    %dma_wait3A_273 = arith.constant 0 : i32
    %dma_wait3A_274 = tpu.memref_slice %arg9[%dma_wait3A_271, %dma_wait3A_272, %dma_wait3A_273] : memref<4x200x32xi32, #tpu.memory_space<vmem>> -> memref<1x104x32xi32, #tpu.memory_space<vmem>>
    %dma_wait3A_275 = tpu.memref_squeeze %dma_wait3A_274 : memref<1x104x32xi32, #tpu.memory_space<vmem>> -> memref<104x32xi32, #tpu.memory_space<vmem>>
    %dma_wait3A_276 = arith.constant 0 : i32
    %dma_wait3A_277 = tpu.memref_slice %arg5[%dma_wait3A_270, %dma_wait3A_276] : memref<4x200xi32, #tpu.memory_space<vmem>> -> memref<1x104xi32, #tpu.memory_space<vmem>>
    %dma_wait3A_278 = tpu.memref_squeeze %dma_wait3A_277 : memref<1x104xi32, #tpu.memory_space<vmem>> -> memref<104xi32, #tpu.memory_space<vmem>>
    %dma_wait3A_279 = arith.constant 0 : i32
    %dma_wait3A_280 = arith.constant 0 : i32
    %dma_wait3A_281 = tpu.memref_slice %arg2[%dma_wait3A_279, %dma_wait3A_280] : memref<1000000x32xi32, #tpu.memory_space<hbm>> -> memref<1000000x32xi32, #tpu.memory_space<hbm>>
    tpu.wait_indirect_dma semaphore(%arg13 : memref<!tpu.dma_semaphore, #tpu.memory_space<semaphore_mem>>) src(%dma_wait3A_281 : memref<1000000x32xi32, #tpu.memory_space<hbm>>) dst(%dma_wait3A_275 : memref<104x32xi32, #tpu.memory_space<vmem>>)
    %dma_wait3A_282 = arith.constant 3 : i32
    %dma_wait3A_283 = arith.constant 3 : i32
    %dma_wait3A_284 = arith.constant 104 : i32
    %dma_wait3A_285 = arith.constant 0 : i32
    %dma_wait3A_286 = tpu.memref_slice %arg9[%dma_wait3A_283, %dma_wait3A_284, %dma_wait3A_285] : memref<4x200x32xi32, #tpu.memory_space<vmem>> -> memref<1x96x32xi32, #tpu.memory_space<vmem>>
    %dma_wait3A_287 = tpu.memref_squeeze %dma_wait3A_286 : memref<1x96x32xi32, #tpu.memory_space<vmem>> -> memref<96x32xi32, #tpu.memory_space<vmem>>
    %dma_wait3A_288 = arith.constant 104 : i32
    %dma_wait3A_289 = tpu.memref_slice %arg5[%dma_wait3A_282, %dma_wait3A_288] : memref<4x200xi32, #tpu.memory_space<vmem>> -> memref<1x96xi32, #tpu.memory_space<vmem>>
    %dma_wait3A_290 = tpu.memref_squeeze %dma_wait3A_289 : memref<1x96xi32, #tpu.memory_space<vmem>> -> memref<96xi32, #tpu.memory_space<vmem>>
    %dma_wait3A_291 = arith.constant 0 : i32
    %dma_wait3A_292 = arith.constant 0 : i32
    %dma_wait3A_293 = tpu.memref_slice %arg2[%dma_wait3A_291, %dma_wait3A_292] : memref<1000000x32xi32, #tpu.memory_space<hbm>> -> memref<1000000x32xi32, #tpu.memory_space<hbm>>
    tpu.wait_indirect_dma semaphore(%arg13 : memref<!tpu.dma_semaphore, #tpu.memory_space<semaphore_mem>>) src(%dma_wait3A_293 : memref<1000000x32xi32, #tpu.memory_space<hbm>>) dst(%dma_wait3A_287 : memref<96x32xi32, #tpu.memory_space<vmem>>)
    %add3A_294 = arith.constant 0 : i32
    %add3A_295 = arith.addi %mul3A_2, %add3A_294 : i32
    %multiple_of3A_296 = tpu.assume_multiple %add3A_295, 4 : i32
    %dma_start3A_297 = arith.constant 0 : i32
    %dma_start3A_298 = arith.constant 0 : i32
    %dma_start3A_299 = tpu.memref_slice %arg4[%multiple_of3A_296, %dma_start3A_297, %dma_start3A_298] : memref<16384x200x32xi32, #tpu.memory_space<hbm>> -> memref<4x200x32xi32, #tpu.memory_space<hbm>>
    %dma_start3A_300 = arith.constant 0 : i32
    %dma_start3A_301 = arith.constant 0 : i32
    %dma_start3A_302 = tpu.memref_slice %arg4[%multiple_of3A_296, %dma_start3A_300, %dma_start3A_301] : memref<16384x200x32xi32, #tpu.memory_space<hbm>> -> memref<4x200x32xi32, #tpu.memory_space<hbm>>
    tpu.enqueue_dma source(%arg9 : memref<4x200x32xi32, #tpu.memory_space<vmem>>) target(%dma_start3A_302 : memref<4x200x32xi32, #tpu.memory_space<hbm>>) target_semaphore(%arg17 : memref<!tpu.dma_semaphore, #tpu.memory_space<semaphore_mem>>)
    %add3A_303 = arith.constant 8 : i32
    %add3A_304 = arith.addi %mul3A_2, %add3A_303 : i32
    %multiple_of3A_305 = tpu.assume_multiple %add3A_304, 4 : i32
    "tpu.region"() ({
      %run_scoped3A = tpu.sem_alloc : memref<!tpu.dma_semaphore, #tpu.memory_space<semaphore_mem>>
      %dma_start3A_857 = arith.constant 0 : i32
      %dma_start3A_858 = tpu.memref_slice %arg3[%multiple_of3A_305, %dma_start3A_857] : memref<16384x200xi32, #tpu.memory_space<hbm>> -> memref<4x200xi32, #tpu.memory_space<hbm>>
      %dma_start3A_859 = arith.constant 0 : i32
      %dma_start3A_860 = tpu.memref_slice %arg3[%multiple_of3A_305, %dma_start3A_859] : memref<16384x200xi32, #tpu.memory_space<hbm>> -> memref<4x200xi32, #tpu.memory_space<hbm>>
      tpu.enqueue_dma source(%dma_start3A_860 : memref<4x200xi32, #tpu.memory_space<hbm>>) target(%arg7 : memref<4x200xi32, #tpu.memory_space<vmem>>) target_semaphore(%run_scoped3A : memref<!tpu.dma_semaphore, #tpu.memory_space<semaphore_mem>>)
      %dma_wait3A_861 = arith.constant 0 : i32
      %dma_wait3A_862 = tpu.memref_slice %arg3[%multiple_of3A_305, %dma_wait3A_861] : memref<16384x200xi32, #tpu.memory_space<hbm>> -> memref<4x200xi32, #tpu.memory_space<hbm>>
      %dma_wait3A_863 = arith.constant 0 : i32
      %dma_wait3A_864 = tpu.memref_slice %arg3[%multiple_of3A_305, %dma_wait3A_863] : memref<16384x200xi32, #tpu.memory_space<hbm>> -> memref<4x200xi32, #tpu.memory_space<hbm>>
      tpu.wait_dma2 semaphore(%run_scoped3A : memref<!tpu.dma_semaphore, #tpu.memory_space<semaphore_mem>>) src(%dma_wait3A_864 : memref<4x200xi32, #tpu.memory_space<hbm>>) dst(%arg7 : memref<4x200xi32, #tpu.memory_space<vmem>>)
      tpu.yield
    }) : () -> ()
    %dma_start3A_306 = arith.constant 0 : i32
    %dma_start3A_307 = arith.constant 0 : i32
    %dma_start3A_308 = arith.constant 0 : i32
    %dma_start3A_309 = arith.constant 0 : i32
    %dma_start3A_310 = tpu.memref_slice %arg11[%dma_start3A_307, %dma_start3A_308, %dma_start3A_309] : memref<4x200x32xi32, #tpu.memory_space<vmem>> -> memref<1x104x32xi32, #tpu.memory_space<vmem>>
    %dma_start3A_311 = tpu.memref_squeeze %dma_start3A_310 : memref<1x104x32xi32, #tpu.memory_space<vmem>> -> memref<104x32xi32, #tpu.memory_space<vmem>>
    %dma_start3A_312 = arith.constant 0 : i32
    %dma_start3A_313 = tpu.memref_slice %arg7[%dma_start3A_306, %dma_start3A_312] : memref<4x200xi32, #tpu.memory_space<vmem>> -> memref<1x104xi32, #tpu.memory_space<vmem>>
    %dma_start3A_314 = tpu.memref_squeeze %dma_start3A_313 : memref<1x104xi32, #tpu.memory_space<vmem>> -> memref<104xi32, #tpu.memory_space<vmem>>
    %dma_start3A_315 = arith.constant 0 : i32
    %dma_start3A_316 = arith.constant 0 : i32
    %dma_start3A_317 = tpu.memref_slice %arg2[%dma_start3A_315, %dma_start3A_316] : memref<1000000x32xi32, #tpu.memory_space<hbm>> -> memref<1000000x32xi32, #tpu.memory_space<hbm>>
    tpu.enqueue_indirect_dma source(%dma_start3A_317 : memref<1000000x32xi32, #tpu.memory_space<hbm>>) target(%dma_start3A_311 : memref<104x32xi32, #tpu.memory_space<vmem>>) offsets(%dma_start3A_314 : memref<104xi32, #tpu.memory_space<vmem>>) semaphore(%arg15 : memref<!tpu.dma_semaphore, #tpu.memory_space<semaphore_mem>>)
    %dma_start3A_318 = arith.constant 0 : i32
    %dma_start3A_319 = arith.constant 0 : i32
    %dma_start3A_320 = arith.constant 104 : i32
    %dma_start3A_321 = arith.constant 0 : i32
    %dma_start3A_322 = tpu.memref_slice %arg11[%dma_start3A_319, %dma_start3A_320, %dma_start3A_321] : memref<4x200x32xi32, #tpu.memory_space<vmem>> -> memref<1x96x32xi32, #tpu.memory_space<vmem>>
    %dma_start3A_323 = tpu.memref_squeeze %dma_start3A_322 : memref<1x96x32xi32, #tpu.memory_space<vmem>> -> memref<96x32xi32, #tpu.memory_space<vmem>>
    %dma_start3A_324 = arith.constant 104 : i32
    %dma_start3A_325 = tpu.memref_slice %arg7[%dma_start3A_318, %dma_start3A_324] : memref<4x200xi32, #tpu.memory_space<vmem>> -> memref<1x96xi32, #tpu.memory_space<vmem>>
    %dma_start3A_326 = tpu.memref_squeeze %dma_start3A_325 : memref<1x96xi32, #tpu.memory_space<vmem>> -> memref<96xi32, #tpu.memory_space<vmem>>
    %dma_start3A_327 = arith.constant 0 : i32
    %dma_start3A_328 = arith.constant 0 : i32
    %dma_start3A_329 = tpu.memref_slice %arg2[%dma_start3A_327, %dma_start3A_328] : memref<1000000x32xi32, #tpu.memory_space<hbm>> -> memref<1000000x32xi32, #tpu.memory_space<hbm>>
    tpu.enqueue_indirect_dma source(%dma_start3A_329 : memref<1000000x32xi32, #tpu.memory_space<hbm>>) target(%dma_start3A_323 : memref<96x32xi32, #tpu.memory_space<vmem>>) offsets(%dma_start3A_326 : memref<96xi32, #tpu.memory_space<vmem>>) semaphore(%arg15 : memref<!tpu.dma_semaphore, #tpu.memory_space<semaphore_mem>>)
    %dma_start3A_330 = arith.constant 1 : i32
    %dma_start3A_331 = arith.constant 1 : i32
    %dma_start3A_332 = arith.constant 0 : i32
    %dma_start3A_333 = arith.constant 0 : i32
    %dma_start3A_334 = tpu.memref_slice %arg11[%dma_start3A_331, %dma_start3A_332, %dma_start3A_333] : memref<4x200x32xi32, #tpu.memory_space<vmem>> -> memref<1x104x32xi32, #tpu.memory_space<vmem>>
    %dma_start3A_335 = tpu.memref_squeeze %dma_start3A_334 : memref<1x104x32xi32, #tpu.memory_space<vmem>> -> memref<104x32xi32, #tpu.memory_space<vmem>>
    %dma_start3A_336 = arith.constant 0 : i32
    %dma_start3A_337 = tpu.memref_slice %arg7[%dma_start3A_330, %dma_start3A_336] : memref<4x200xi32, #tpu.memory_space<vmem>> -> memref<1x104xi32, #tpu.memory_space<vmem>>
    %dma_start3A_338 = tpu.memref_squeeze %dma_start3A_337 : memref<1x104xi32, #tpu.memory_space<vmem>> -> memref<104xi32, #tpu.memory_space<vmem>>
    %dma_start3A_339 = arith.constant 0 : i32
    %dma_start3A_340 = arith.constant 0 : i32
    %dma_start3A_341 = tpu.memref_slice %arg2[%dma_start3A_339, %dma_start3A_340] : memref<1000000x32xi32, #tpu.memory_space<hbm>> -> memref<1000000x32xi32, #tpu.memory_space<hbm>>
    tpu.enqueue_indirect_dma source(%dma_start3A_341 : memref<1000000x32xi32, #tpu.memory_space<hbm>>) target(%dma_start3A_335 : memref<104x32xi32, #tpu.memory_space<vmem>>) offsets(%dma_start3A_338 : memref<104xi32, #tpu.memory_space<vmem>>) semaphore(%arg15 : memref<!tpu.dma_semaphore, #tpu.memory_space<semaphore_mem>>)
    %dma_start3A_342 = arith.constant 1 : i32
    %dma_start3A_343 = arith.constant 1 : i32
    %dma_start3A_344 = arith.constant 104 : i32
    %dma_start3A_345 = arith.constant 0 : i32
    %dma_start3A_346 = tpu.memref_slice %arg11[%dma_start3A_343, %dma_start3A_344, %dma_start3A_345] : memref<4x200x32xi32, #tpu.memory_space<vmem>> -> memref<1x96x32xi32, #tpu.memory_space<vmem>>
    %dma_start3A_347 = tpu.memref_squeeze %dma_start3A_346 : memref<1x96x32xi32, #tpu.memory_space<vmem>> -> memref<96x32xi32, #tpu.memory_space<vmem>>
    %dma_start3A_348 = arith.constant 104 : i32
    %dma_start3A_349 = tpu.memref_slice %arg7[%dma_start3A_342, %dma_start3A_348] : memref<4x200xi32, #tpu.memory_space<vmem>> -> memref<1x96xi32, #tpu.memory_space<vmem>>
    %dma_start3A_350 = tpu.memref_squeeze %dma_start3A_349 : memref<1x96xi32, #tpu.memory_space<vmem>> -> memref<96xi32, #tpu.memory_space<vmem>>
    %dma_start3A_351 = arith.constant 0 : i32
    %dma_start3A_352 = arith.constant 0 : i32
    %dma_start3A_353 = tpu.memref_slice %arg2[%dma_start3A_351, %dma_start3A_352] : memref<1000000x32xi32, #tpu.memory_space<hbm>> -> memref<1000000x32xi32, #tpu.memory_space<hbm>>
    tpu.enqueue_indirect_dma source(%dma_start3A_353 : memref<1000000x32xi32, #tpu.memory_space<hbm>>) target(%dma_start3A_347 : memref<96x32xi32, #tpu.memory_space<vmem>>) offsets(%dma_start3A_350 : memref<96xi32, #tpu.memory_space<vmem>>) semaphore(%arg15 : memref<!tpu.dma_semaphore, #tpu.memory_space<semaphore_mem>>)
    %dma_start3A_354 = arith.constant 2 : i32
    %dma_start3A_355 = arith.constant 2 : i32
    %dma_start3A_356 = arith.constant 0 : i32
    %dma_start3A_357 = arith.constant 0 : i32
    %dma_start3A_358 = tpu.memref_slice %arg11[%dma_start3A_355, %dma_start3A_356, %dma_start3A_357] : memref<4x200x32xi32, #tpu.memory_space<vmem>> -> memref<1x104x32xi32, #tpu.memory_space<vmem>>
    %dma_start3A_359 = tpu.memref_squeeze %dma_start3A_358 : memref<1x104x32xi32, #tpu.memory_space<vmem>> -> memref<104x32xi32, #tpu.memory_space<vmem>>
    %dma_start3A_360 = arith.constant 0 : i32
    %dma_start3A_361 = tpu.memref_slice %arg7[%dma_start3A_354, %dma_start3A_360] : memref<4x200xi32, #tpu.memory_space<vmem>> -> memref<1x104xi32, #tpu.memory_space<vmem>>
    %dma_start3A_362 = tpu.memref_squeeze %dma_start3A_361 : memref<1x104xi32, #tpu.memory_space<vmem>> -> memref<104xi32, #tpu.memory_space<vmem>>
    %dma_start3A_363 = arith.constant 0 : i32
    %dma_start3A_364 = arith.constant 0 : i32
    %dma_start3A_365 = tpu.memref_slice %arg2[%dma_start3A_363, %dma_start3A_364] : memref<1000000x32xi32, #tpu.memory_space<hbm>> -> memref<1000000x32xi32, #tpu.memory_space<hbm>>
    tpu.enqueue_indirect_dma source(%dma_start3A_365 : memref<1000000x32xi32, #tpu.memory_space<hbm>>) target(%dma_start3A_359 : memref<104x32xi32, #tpu.memory_space<vmem>>) offsets(%dma_start3A_362 : memref<104xi32, #tpu.memory_space<vmem>>) semaphore(%arg15 : memref<!tpu.dma_semaphore, #tpu.memory_space<semaphore_mem>>)
    %dma_start3A_366 = arith.constant 2 : i32
    %dma_start3A_367 = arith.constant 2 : i32
    %dma_start3A_368 = arith.constant 104 : i32
    %dma_start3A_369 = arith.constant 0 : i32
    %dma_start3A_370 = tpu.memref_slice %arg11[%dma_start3A_367, %dma_start3A_368, %dma_start3A_369] : memref<4x200x32xi32, #tpu.memory_space<vmem>> -> memref<1x96x32xi32, #tpu.memory_space<vmem>>
    %dma_start3A_371 = tpu.memref_squeeze %dma_start3A_370 : memref<1x96x32xi32, #tpu.memory_space<vmem>> -> memref<96x32xi32, #tpu.memory_space<vmem>>
    %dma_start3A_372 = arith.constant 104 : i32
    %dma_start3A_373 = tpu.memref_slice %arg7[%dma_start3A_366, %dma_start3A_372] : memref<4x200xi32, #tpu.memory_space<vmem>> -> memref<1x96xi32, #tpu.memory_space<vmem>>
    %dma_start3A_374 = tpu.memref_squeeze %dma_start3A_373 : memref<1x96xi32, #tpu.memory_space<vmem>> -> memref<96xi32, #tpu.memory_space<vmem>>
    %dma_start3A_375 = arith.constant 0 : i32
    %dma_start3A_376 = arith.constant 0 : i32
    %dma_start3A_377 = tpu.memref_slice %arg2[%dma_start3A_375, %dma_start3A_376] : memref<1000000x32xi32, #tpu.memory_space<hbm>> -> memref<1000000x32xi32, #tpu.memory_space<hbm>>
    tpu.enqueue_indirect_dma source(%dma_start3A_377 : memref<1000000x32xi32, #tpu.memory_space<hbm>>) target(%dma_start3A_371 : memref<96x32xi32, #tpu.memory_space<vmem>>) offsets(%dma_start3A_374 : memref<96xi32, #tpu.memory_space<vmem>>) semaphore(%arg15 : memref<!tpu.dma_semaphore, #tpu.memory_space<semaphore_mem>>)
    %dma_start3A_378 = arith.constant 3 : i32
    %dma_start3A_379 = arith.constant 3 : i32
    %dma_start3A_380 = arith.constant 0 : i32
    %dma_start3A_381 = arith.constant 0 : i32
    %dma_start3A_382 = tpu.memref_slice %arg11[%dma_start3A_379, %dma_start3A_380, %dma_start3A_381] : memref<4x200x32xi32, #tpu.memory_space<vmem>> -> memref<1x104x32xi32, #tpu.memory_space<vmem>>
    %dma_start3A_383 = tpu.memref_squeeze %dma_start3A_382 : memref<1x104x32xi32, #tpu.memory_space<vmem>> -> memref<104x32xi32, #tpu.memory_space<vmem>>
    %dma_start3A_384 = arith.constant 0 : i32
    %dma_start3A_385 = tpu.memref_slice %arg7[%dma_start3A_378, %dma_start3A_384] : memref<4x200xi32, #tpu.memory_space<vmem>> -> memref<1x104xi32, #tpu.memory_space<vmem>>
    %dma_start3A_386 = tpu.memref_squeeze %dma_start3A_385 : memref<1x104xi32, #tpu.memory_space<vmem>> -> memref<104xi32, #tpu.memory_space<vmem>>
    %dma_start3A_387 = arith.constant 0 : i32
    %dma_start3A_388 = arith.constant 0 : i32
    %dma_start3A_389 = tpu.memref_slice %arg2[%dma_start3A_387, %dma_start3A_388] : memref<1000000x32xi32, #tpu.memory_space<hbm>> -> memref<1000000x32xi32, #tpu.memory_space<hbm>>
    tpu.enqueue_indirect_dma source(%dma_start3A_389 : memref<1000000x32xi32, #tpu.memory_space<hbm>>) target(%dma_start3A_383 : memref<104x32xi32, #tpu.memory_space<vmem>>) offsets(%dma_start3A_386 : memref<104xi32, #tpu.memory_space<vmem>>) semaphore(%arg15 : memref<!tpu.dma_semaphore, #tpu.memory_space<semaphore_mem>>)
    %dma_start3A_390 = arith.constant 3 : i32
    %dma_start3A_391 = arith.constant 3 : i32
    %dma_start3A_392 = arith.constant 104 : i32
    %dma_start3A_393 = arith.constant 0 : i32
    %dma_start3A_394 = tpu.memref_slice %arg11[%dma_start3A_391, %dma_start3A_392, %dma_start3A_393] : memref<4x200x32xi32, #tpu.memory_space<vmem>> -> memref<1x96x32xi32, #tpu.memory_space<vmem>>
    %dma_start3A_395 = tpu.memref_squeeze %dma_start3A_394 : memref<1x96x32xi32, #tpu.memory_space<vmem>> -> memref<96x32xi32, #tpu.memory_space<vmem>>
    %dma_start3A_396 = arith.constant 104 : i32
    %dma_start3A_397 = tpu.memref_slice %arg7[%dma_start3A_390, %dma_start3A_396] : memref<4x200xi32, #tpu.memory_space<vmem>> -> memref<1x96xi32, #tpu.memory_space<vmem>>
    %dma_start3A_398 = tpu.memref_squeeze %dma_start3A_397 : memref<1x96xi32, #tpu.memory_space<vmem>> -> memref<96xi32, #tpu.memory_space<vmem>>
    %dma_start3A_399 = arith.constant 0 : i32
    %dma_start3A_400 = arith.constant 0 : i32
    %dma_start3A_401 = tpu.memref_slice %arg2[%dma_start3A_399, %dma_start3A_400] : memref<1000000x32xi32, #tpu.memory_space<hbm>> -> memref<1000000x32xi32, #tpu.memory_space<hbm>>
    tpu.enqueue_indirect_dma source(%dma_start3A_401 : memref<1000000x32xi32, #tpu.memory_space<hbm>>) target(%dma_start3A_395 : memref<96x32xi32, #tpu.memory_space<vmem>>) offsets(%dma_start3A_398 : memref<96xi32, #tpu.memory_space<vmem>>) semaphore(%arg15 : memref<!tpu.dma_semaphore, #tpu.memory_space<semaphore_mem>>)
    %dma_wait3A_402 = arith.constant 0 : i32
    %dma_wait3A_403 = arith.constant 0 : i32
    %dma_wait3A_404 = arith.constant 0 : i32
    %dma_wait3A_405 = arith.constant 0 : i32
    %dma_wait3A_406 = tpu.memref_slice %arg10[%dma_wait3A_403, %dma_wait3A_404, %dma_wait3A_405] : memref<4x200x32xi32, #tpu.memory_space<vmem>> -> memref<1x104x32xi32, #tpu.memory_space<vmem>>
    %dma_wait3A_407 = tpu.memref_squeeze %dma_wait3A_406 : memref<1x104x32xi32, #tpu.memory_space<vmem>> -> memref<104x32xi32, #tpu.memory_space<vmem>>
    %dma_wait3A_408 = arith.constant 0 : i32
    %dma_wait3A_409 = tpu.memref_slice %arg6[%dma_wait3A_402, %dma_wait3A_408] : memref<4x200xi32, #tpu.memory_space<vmem>> -> memref<1x104xi32, #tpu.memory_space<vmem>>
    %dma_wait3A_410 = tpu.memref_squeeze %dma_wait3A_409 : memref<1x104xi32, #tpu.memory_space<vmem>> -> memref<104xi32, #tpu.memory_space<vmem>>
    %dma_wait3A_411 = arith.constant 0 : i32
    %dma_wait3A_412 = arith.constant 0 : i32
    %dma_wait3A_413 = tpu.memref_slice %arg2[%dma_wait3A_411, %dma_wait3A_412] : memref<1000000x32xi32, #tpu.memory_space<hbm>> -> memref<1000000x32xi32, #tpu.memory_space<hbm>>
    tpu.wait_indirect_dma semaphore(%arg14 : memref<!tpu.dma_semaphore, #tpu.memory_space<semaphore_mem>>) src(%dma_wait3A_413 : memref<1000000x32xi32, #tpu.memory_space<hbm>>) dst(%dma_wait3A_407 : memref<104x32xi32, #tpu.memory_space<vmem>>)
    %dma_wait3A_414 = arith.constant 0 : i32
    %dma_wait3A_415 = arith.constant 0 : i32
    %dma_wait3A_416 = arith.constant 104 : i32
    %dma_wait3A_417 = arith.constant 0 : i32
    %dma_wait3A_418 = tpu.memref_slice %arg10[%dma_wait3A_415, %dma_wait3A_416, %dma_wait3A_417] : memref<4x200x32xi32, #tpu.memory_space<vmem>> -> memref<1x96x32xi32, #tpu.memory_space<vmem>>
    %dma_wait3A_419 = tpu.memref_squeeze %dma_wait3A_418 : memref<1x96x32xi32, #tpu.memory_space<vmem>> -> memref<96x32xi32, #tpu.memory_space<vmem>>
    %dma_wait3A_420 = arith.constant 104 : i32
    %dma_wait3A_421 = tpu.memref_slice %arg6[%dma_wait3A_414, %dma_wait3A_420] : memref<4x200xi32, #tpu.memory_space<vmem>> -> memref<1x96xi32, #tpu.memory_space<vmem>>
    %dma_wait3A_422 = tpu.memref_squeeze %dma_wait3A_421 : memref<1x96xi32, #tpu.memory_space<vmem>> -> memref<96xi32, #tpu.memory_space<vmem>>
    %dma_wait3A_423 = arith.constant 0 : i32
    %dma_wait3A_424 = arith.constant 0 : i32
    %dma_wait3A_425 = tpu.memref_slice %arg2[%dma_wait3A_423, %dma_wait3A_424] : memref<1000000x32xi32, #tpu.memory_space<hbm>> -> memref<1000000x32xi32, #tpu.memory_space<hbm>>
    tpu.wait_indirect_dma semaphore(%arg14 : memref<!tpu.dma_semaphore, #tpu.memory_space<semaphore_mem>>) src(%dma_wait3A_425 : memref<1000000x32xi32, #tpu.memory_space<hbm>>) dst(%dma_wait3A_419 : memref<96x32xi32, #tpu.memory_space<vmem>>)
    %dma_wait3A_426 = arith.constant 1 : i32
    %dma_wait3A_427 = arith.constant 1 : i32
    %dma_wait3A_428 = arith.constant 0 : i32
    %dma_wait3A_429 = arith.constant 0 : i32
    %dma_wait3A_430 = tpu.memref_slice %arg10[%dma_wait3A_427, %dma_wait3A_428, %dma_wait3A_429] : memref<4x200x32xi32, #tpu.memory_space<vmem>> -> memref<1x104x32xi32, #tpu.memory_space<vmem>>
    %dma_wait3A_431 = tpu.memref_squeeze %dma_wait3A_430 : memref<1x104x32xi32, #tpu.memory_space<vmem>> -> memref<104x32xi32, #tpu.memory_space<vmem>>
    %dma_wait3A_432 = arith.constant 0 : i32
    %dma_wait3A_433 = tpu.memref_slice %arg6[%dma_wait3A_426, %dma_wait3A_432] : memref<4x200xi32, #tpu.memory_space<vmem>> -> memref<1x104xi32, #tpu.memory_space<vmem>>
    %dma_wait3A_434 = tpu.memref_squeeze %dma_wait3A_433 : memref<1x104xi32, #tpu.memory_space<vmem>> -> memref<104xi32, #tpu.memory_space<vmem>>
    %dma_wait3A_435 = arith.constant 0 : i32
    %dma_wait3A_436 = arith.constant 0 : i32
    %dma_wait3A_437 = tpu.memref_slice %arg2[%dma_wait3A_435, %dma_wait3A_436] : memref<1000000x32xi32, #tpu.memory_space<hbm>> -> memref<1000000x32xi32, #tpu.memory_space<hbm>>
    tpu.wait_indirect_dma semaphore(%arg14 : memref<!tpu.dma_semaphore, #tpu.memory_space<semaphore_mem>>) src(%dma_wait3A_437 : memref<1000000x32xi32, #tpu.memory_space<hbm>>) dst(%dma_wait3A_431 : memref<104x32xi32, #tpu.memory_space<vmem>>)
    %dma_wait3A_438 = arith.constant 1 : i32
    %dma_wait3A_439 = arith.constant 1 : i32
    %dma_wait3A_440 = arith.constant 104 : i32
    %dma_wait3A_441 = arith.constant 0 : i32
    %dma_wait3A_442 = tpu.memref_slice %arg10[%dma_wait3A_439, %dma_wait3A_440, %dma_wait3A_441] : memref<4x200x32xi32, #tpu.memory_space<vmem>> -> memref<1x96x32xi32, #tpu.memory_space<vmem>>
    %dma_wait3A_443 = tpu.memref_squeeze %dma_wait3A_442 : memref<1x96x32xi32, #tpu.memory_space<vmem>> -> memref<96x32xi32, #tpu.memory_space<vmem>>
    %dma_wait3A_444 = arith.constant 104 : i32
    %dma_wait3A_445 = tpu.memref_slice %arg6[%dma_wait3A_438, %dma_wait3A_444] : memref<4x200xi32, #tpu.memory_space<vmem>> -> memref<1x96xi32, #tpu.memory_space<vmem>>
    %dma_wait3A_446 = tpu.memref_squeeze %dma_wait3A_445 : memref<1x96xi32, #tpu.memory_space<vmem>> -> memref<96xi32, #tpu.memory_space<vmem>>
    %dma_wait3A_447 = arith.constant 0 : i32
    %dma_wait3A_448 = arith.constant 0 : i32
    %dma_wait3A_449 = tpu.memref_slice %arg2[%dma_wait3A_447, %dma_wait3A_448] : memref<1000000x32xi32, #tpu.memory_space<hbm>> -> memref<1000000x32xi32, #tpu.memory_space<hbm>>
    tpu.wait_indirect_dma semaphore(%arg14 : memref<!tpu.dma_semaphore, #tpu.memory_space<semaphore_mem>>) src(%dma_wait3A_449 : memref<1000000x32xi32, #tpu.memory_space<hbm>>) dst(%dma_wait3A_443 : memref<96x32xi32, #tpu.memory_space<vmem>>)
    %dma_wait3A_450 = arith.constant 2 : i32
    %dma_wait3A_451 = arith.constant 2 : i32
    %dma_wait3A_452 = arith.constant 0 : i32
    %dma_wait3A_453 = arith.constant 0 : i32
    %dma_wait3A_454 = tpu.memref_slice %arg10[%dma_wait3A_451, %dma_wait3A_452, %dma_wait3A_453] : memref<4x200x32xi32, #tpu.memory_space<vmem>> -> memref<1x104x32xi32, #tpu.memory_space<vmem>>
    %dma_wait3A_455 = tpu.memref_squeeze %dma_wait3A_454 : memref<1x104x32xi32, #tpu.memory_space<vmem>> -> memref<104x32xi32, #tpu.memory_space<vmem>>
    %dma_wait3A_456 = arith.constant 0 : i32
    %dma_wait3A_457 = tpu.memref_slice %arg6[%dma_wait3A_450, %dma_wait3A_456] : memref<4x200xi32, #tpu.memory_space<vmem>> -> memref<1x104xi32, #tpu.memory_space<vmem>>
    %dma_wait3A_458 = tpu.memref_squeeze %dma_wait3A_457 : memref<1x104xi32, #tpu.memory_space<vmem>> -> memref<104xi32, #tpu.memory_space<vmem>>
    %dma_wait3A_459 = arith.constant 0 : i32
    %dma_wait3A_460 = arith.constant 0 : i32
    %dma_wait3A_461 = tpu.memref_slice %arg2[%dma_wait3A_459, %dma_wait3A_460] : memref<1000000x32xi32, #tpu.memory_space<hbm>> -> memref<1000000x32xi32, #tpu.memory_space<hbm>>
    tpu.wait_indirect_dma semaphore(%arg14 : memref<!tpu.dma_semaphore, #tpu.memory_space<semaphore_mem>>) src(%dma_wait3A_461 : memref<1000000x32xi32, #tpu.memory_space<hbm>>) dst(%dma_wait3A_455 : memref<104x32xi32, #tpu.memory_space<vmem>>)
    %dma_wait3A_462 = arith.constant 2 : i32
    %dma_wait3A_463 = arith.constant 2 : i32
    %dma_wait3A_464 = arith.constant 104 : i32
    %dma_wait3A_465 = arith.constant 0 : i32
    %dma_wait3A_466 = tpu.memref_slice %arg10[%dma_wait3A_463, %dma_wait3A_464, %dma_wait3A_465] : memref<4x200x32xi32, #tpu.memory_space<vmem>> -> memref<1x96x32xi32, #tpu.memory_space<vmem>>
    %dma_wait3A_467 = tpu.memref_squeeze %dma_wait3A_466 : memref<1x96x32xi32, #tpu.memory_space<vmem>> -> memref<96x32xi32, #tpu.memory_space<vmem>>
    %dma_wait3A_468 = arith.constant 104 : i32
    %dma_wait3A_469 = tpu.memref_slice %arg6[%dma_wait3A_462, %dma_wait3A_468] : memref<4x200xi32, #tpu.memory_space<vmem>> -> memref<1x96xi32, #tpu.memory_space<vmem>>
    %dma_wait3A_470 = tpu.memref_squeeze %dma_wait3A_469 : memref<1x96xi32, #tpu.memory_space<vmem>> -> memref<96xi32, #tpu.memory_space<vmem>>
    %dma_wait3A_471 = arith.constant 0 : i32
    %dma_wait3A_472 = arith.constant 0 : i32
    %dma_wait3A_473 = tpu.memref_slice %arg2[%dma_wait3A_471, %dma_wait3A_472] : memref<1000000x32xi32, #tpu.memory_space<hbm>> -> memref<1000000x32xi32, #tpu.memory_space<hbm>>
    tpu.wait_indirect_dma semaphore(%arg14 : memref<!tpu.dma_semaphore, #tpu.memory_space<semaphore_mem>>) src(%dma_wait3A_473 : memref<1000000x32xi32, #tpu.memory_space<hbm>>) dst(%dma_wait3A_467 : memref<96x32xi32, #tpu.memory_space<vmem>>)
    %dma_wait3A_474 = arith.constant 3 : i32
    %dma_wait3A_475 = arith.constant 3 : i32
    %dma_wait3A_476 = arith.constant 0 : i32
    %dma_wait3A_477 = arith.constant 0 : i32
    %dma_wait3A_478 = tpu.memref_slice %arg10[%dma_wait3A_475, %dma_wait3A_476, %dma_wait3A_477] : memref<4x200x32xi32, #tpu.memory_space<vmem>> -> memref<1x104x32xi32, #tpu.memory_space<vmem>>
    %dma_wait3A_479 = tpu.memref_squeeze %dma_wait3A_478 : memref<1x104x32xi32, #tpu.memory_space<vmem>> -> memref<104x32xi32, #tpu.memory_space<vmem>>
    %dma_wait3A_480 = arith.constant 0 : i32
    %dma_wait3A_481 = tpu.memref_slice %arg6[%dma_wait3A_474, %dma_wait3A_480] : memref<4x200xi32, #tpu.memory_space<vmem>> -> memref<1x104xi32, #tpu.memory_space<vmem>>
    %dma_wait3A_482 = tpu.memref_squeeze %dma_wait3A_481 : memref<1x104xi32, #tpu.memory_space<vmem>> -> memref<104xi32, #tpu.memory_space<vmem>>
    %dma_wait3A_483 = arith.constant 0 : i32
    %dma_wait3A_484 = arith.constant 0 : i32
    %dma_wait3A_485 = tpu.memref_slice %arg2[%dma_wait3A_483, %dma_wait3A_484] : memref<1000000x32xi32, #tpu.memory_space<hbm>> -> memref<1000000x32xi32, #tpu.memory_space<hbm>>
    tpu.wait_indirect_dma semaphore(%arg14 : memref<!tpu.dma_semaphore, #tpu.memory_space<semaphore_mem>>) src(%dma_wait3A_485 : memref<1000000x32xi32, #tpu.memory_space<hbm>>) dst(%dma_wait3A_479 : memref<104x32xi32, #tpu.memory_space<vmem>>)
    %dma_wait3A_486 = arith.constant 3 : i32
    %dma_wait3A_487 = arith.constant 3 : i32
    %dma_wait3A_488 = arith.constant 104 : i32
    %dma_wait3A_489 = arith.constant 0 : i32
    %dma_wait3A_490 = tpu.memref_slice %arg10[%dma_wait3A_487, %dma_wait3A_488, %dma_wait3A_489] : memref<4x200x32xi32, #tpu.memory_space<vmem>> -> memref<1x96x32xi32, #tpu.memory_space<vmem>>
    %dma_wait3A_491 = tpu.memref_squeeze %dma_wait3A_490 : memref<1x96x32xi32, #tpu.memory_space<vmem>> -> memref<96x32xi32, #tpu.memory_space<vmem>>
    %dma_wait3A_492 = arith.constant 104 : i32
    %dma_wait3A_493 = tpu.memref_slice %arg6[%dma_wait3A_486, %dma_wait3A_492] : memref<4x200xi32, #tpu.memory_space<vmem>> -> memref<1x96xi32, #tpu.memory_space<vmem>>
    %dma_wait3A_494 = tpu.memref_squeeze %dma_wait3A_493 : memref<1x96xi32, #tpu.memory_space<vmem>> -> memref<96xi32, #tpu.memory_space<vmem>>
    %dma_wait3A_495 = arith.constant 0 : i32
    %dma_wait3A_496 = arith.constant 0 : i32
    %dma_wait3A_497 = tpu.memref_slice %arg2[%dma_wait3A_495, %dma_wait3A_496] : memref<1000000x32xi32, #tpu.memory_space<hbm>> -> memref<1000000x32xi32, #tpu.memory_space<hbm>>
    tpu.wait_indirect_dma semaphore(%arg14 : memref<!tpu.dma_semaphore, #tpu.memory_space<semaphore_mem>>) src(%dma_wait3A_497 : memref<1000000x32xi32, #tpu.memory_space<hbm>>) dst(%dma_wait3A_491 : memref<96x32xi32, #tpu.memory_space<vmem>>)
    %add3A_498 = arith.constant 4 : i32
    %add3A_499 = arith.addi %mul3A_2, %add3A_498 : i32
    %multiple_of3A_500 = tpu.assume_multiple %add3A_499, 4 : i32
    %dma_start3A_501 = arith.constant 0 : i32
    %dma_start3A_502 = arith.constant 0 : i32
    %dma_start3A_503 = tpu.memref_slice %arg4[%multiple_of3A_500, %dma_start3A_501, %dma_start3A_502] : memref<16384x200x32xi32, #tpu.memory_space<hbm>> -> memref<4x200x32xi32, #tpu.memory_space<hbm>>
    %dma_start3A_504 = arith.constant 0 : i32
    %dma_start3A_505 = arith.constant 0 : i32
    %dma_start3A_506 = tpu.memref_slice %arg4[%multiple_of3A_500, %dma_start3A_504, %dma_start3A_505] : memref<16384x200x32xi32, #tpu.memory_space<hbm>> -> memref<4x200x32xi32, #tpu.memory_space<hbm>>
    tpu.enqueue_dma source(%arg10 : memref<4x200x32xi32, #tpu.memory_space<vmem>>) target(%dma_start3A_506 : memref<4x200x32xi32, #tpu.memory_space<hbm>>) target_semaphore(%arg18 : memref<!tpu.dma_semaphore, #tpu.memory_space<semaphore_mem>>)
    %add3A_507 = arith.constant 12 : i32
    %add3A_508 = arith.addi %mul3A_2, %add3A_507 : i32
    %multiple_of3A_509 = tpu.assume_multiple %add3A_508, 4 : i32
    "tpu.region"() ({
      %run_scoped3A = tpu.sem_alloc : memref<!tpu.dma_semaphore, #tpu.memory_space<semaphore_mem>>
      %dma_start3A_857 = arith.constant 0 : i32
      %dma_start3A_858 = tpu.memref_slice %arg3[%multiple_of3A_509, %dma_start3A_857] : memref<16384x200xi32, #tpu.memory_space<hbm>> -> memref<4x200xi32, #tpu.memory_space<hbm>>
      %dma_start3A_859 = arith.constant 0 : i32
      %dma_start3A_860 = tpu.memref_slice %arg3[%multiple_of3A_509, %dma_start3A_859] : memref<16384x200xi32, #tpu.memory_space<hbm>> -> memref<4x200xi32, #tpu.memory_space<hbm>>
      tpu.enqueue_dma source(%dma_start3A_860 : memref<4x200xi32, #tpu.memory_space<hbm>>) target(%arg8 : memref<4x200xi32, #tpu.memory_space<vmem>>) target_semaphore(%run_scoped3A : memref<!tpu.dma_semaphore, #tpu.memory_space<semaphore_mem>>)
      %dma_wait3A_861 = arith.constant 0 : i32
      %dma_wait3A_862 = tpu.memref_slice %arg3[%multiple_of3A_509, %dma_wait3A_861] : memref<16384x200xi32, #tpu.memory_space<hbm>> -> memref<4x200xi32, #tpu.memory_space<hbm>>
      %dma_wait3A_863 = arith.constant 0 : i32
      %dma_wait3A_864 = tpu.memref_slice %arg3[%multiple_of3A_509, %dma_wait3A_863] : memref<16384x200xi32, #tpu.memory_space<hbm>> -> memref<4x200xi32, #tpu.memory_space<hbm>>
      tpu.wait_dma2 semaphore(%run_scoped3A : memref<!tpu.dma_semaphore, #tpu.memory_space<semaphore_mem>>) src(%dma_wait3A_864 : memref<4x200xi32, #tpu.memory_space<hbm>>) dst(%arg8 : memref<4x200xi32, #tpu.memory_space<vmem>>)
      tpu.yield
    }) : () -> ()
    %dma_start3A_510 = arith.constant 0 : i32
    %dma_start3A_511 = arith.constant 0 : i32
    %dma_start3A_512 = arith.constant 0 : i32
    %dma_start3A_513 = arith.constant 0 : i32
    %dma_start3A_514 = tpu.memref_slice %arg12[%dma_start3A_511, %dma_start3A_512, %dma_start3A_513] : memref<4x200x32xi32, #tpu.memory_space<vmem>> -> memref<1x104x32xi32, #tpu.memory_space<vmem>>
    %dma_start3A_515 = tpu.memref_squeeze %dma_start3A_514 : memref<1x104x32xi32, #tpu.memory_space<vmem>> -> memref<104x32xi32, #tpu.memory_space<vmem>>
    %dma_start3A_516 = arith.constant 0 : i32
    %dma_start3A_517 = tpu.memref_slice %arg8[%dma_start3A_510, %dma_start3A_516] : memref<4x200xi32, #tpu.memory_space<vmem>> -> memref<1x104xi32, #tpu.memory_space<vmem>>
    %dma_start3A_518 = tpu.memref_squeeze %dma_start3A_517 : memref<1x104xi32, #tpu.memory_space<vmem>> -> memref<104xi32, #tpu.memory_space<vmem>>
    %dma_start3A_519 = arith.constant 0 : i32
    %dma_start3A_520 = arith.constant 0 : i32
    %dma_start3A_521 = tpu.memref_slice %arg2[%dma_start3A_519, %dma_start3A_520] : memref<1000000x32xi32, #tpu.memory_space<hbm>> -> memref<1000000x32xi32, #tpu.memory_space<hbm>>
    tpu.enqueue_indirect_dma source(%dma_start3A_521 : memref<1000000x32xi32, #tpu.memory_space<hbm>>) target(%dma_start3A_515 : memref<104x32xi32, #tpu.memory_space<vmem>>) offsets(%dma_start3A_518 : memref<104xi32, #tpu.memory_space<vmem>>) semaphore(%arg16 : memref<!tpu.dma_semaphore, #tpu.memory_space<semaphore_mem>>)
    %dma_start3A_522 = arith.constant 0 : i32
    %dma_start3A_523 = arith.constant 0 : i32
    %dma_start3A_524 = arith.constant 104 : i32
    %dma_start3A_525 = arith.constant 0 : i32
    %dma_start3A_526 = tpu.memref_slice %arg12[%dma_start3A_523, %dma_start3A_524, %dma_start3A_525] : memref<4x200x32xi32, #tpu.memory_space<vmem>> -> memref<1x96x32xi32, #tpu.memory_space<vmem>>
    %dma_start3A_527 = tpu.memref_squeeze %dma_start3A_526 : memref<1x96x32xi32, #tpu.memory_space<vmem>> -> memref<96x32xi32, #tpu.memory_space<vmem>>
    %dma_start3A_528 = arith.constant 104 : i32
    %dma_start3A_529 = tpu.memref_slice %arg8[%dma_start3A_522, %dma_start3A_528] : memref<4x200xi32, #tpu.memory_space<vmem>> -> memref<1x96xi32, #tpu.memory_space<vmem>>
    %dma_start3A_530 = tpu.memref_squeeze %dma_start3A_529 : memref<1x96xi32, #tpu.memory_space<vmem>> -> memref<96xi32, #tpu.memory_space<vmem>>
    %dma_start3A_531 = arith.constant 0 : i32
    %dma_start3A_532 = arith.constant 0 : i32
    %dma_start3A_533 = tpu.memref_slice %arg2[%dma_start3A_531, %dma_start3A_532] : memref<1000000x32xi32, #tpu.memory_space<hbm>> -> memref<1000000x32xi32, #tpu.memory_space<hbm>>
    tpu.enqueue_indirect_dma source(%dma_start3A_533 : memref<1000000x32xi32, #tpu.memory_space<hbm>>) target(%dma_start3A_527 : memref<96x32xi32, #tpu.memory_space<vmem>>) offsets(%dma_start3A_530 : memref<96xi32, #tpu.memory_space<vmem>>) semaphore(%arg16 : memref<!tpu.dma_semaphore, #tpu.memory_space<semaphore_mem>>)
    %dma_start3A_534 = arith.constant 1 : i32
    %dma_start3A_535 = arith.constant 1 : i32
    %dma_start3A_536 = arith.constant 0 : i32
    %dma_start3A_537 = arith.constant 0 : i32
    %dma_start3A_538 = tpu.memref_slice %arg12[%dma_start3A_535, %dma_start3A_536, %dma_start3A_537] : memref<4x200x32xi32, #tpu.memory_space<vmem>> -> memref<1x104x32xi32, #tpu.memory_space<vmem>>
    %dma_start3A_539 = tpu.memref_squeeze %dma_start3A_538 : memref<1x104x32xi32, #tpu.memory_space<vmem>> -> memref<104x32xi32, #tpu.memory_space<vmem>>
    %dma_start3A_540 = arith.constant 0 : i32
    %dma_start3A_541 = tpu.memref_slice %arg8[%dma_start3A_534, %dma_start3A_540] : memref<4x200xi32, #tpu.memory_space<vmem>> -> memref<1x104xi32, #tpu.memory_space<vmem>>
    %dma_start3A_542 = tpu.memref_squeeze %dma_start3A_541 : memref<1x104xi32, #tpu.memory_space<vmem>> -> memref<104xi32, #tpu.memory_space<vmem>>
    %dma_start3A_543 = arith.constant 0 : i32
    %dma_start3A_544 = arith.constant 0 : i32
    %dma_start3A_545 = tpu.memref_slice %arg2[%dma_start3A_543, %dma_start3A_544] : memref<1000000x32xi32, #tpu.memory_space<hbm>> -> memref<1000000x32xi32, #tpu.memory_space<hbm>>
    tpu.enqueue_indirect_dma source(%dma_start3A_545 : memref<1000000x32xi32, #tpu.memory_space<hbm>>) target(%dma_start3A_539 : memref<104x32xi32, #tpu.memory_space<vmem>>) offsets(%dma_start3A_542 : memref<104xi32, #tpu.memory_space<vmem>>) semaphore(%arg16 : memref<!tpu.dma_semaphore, #tpu.memory_space<semaphore_mem>>)
    %dma_start3A_546 = arith.constant 1 : i32
    %dma_start3A_547 = arith.constant 1 : i32
    %dma_start3A_548 = arith.constant 104 : i32
    %dma_start3A_549 = arith.constant 0 : i32
    %dma_start3A_550 = tpu.memref_slice %arg12[%dma_start3A_547, %dma_start3A_548, %dma_start3A_549] : memref<4x200x32xi32, #tpu.memory_space<vmem>> -> memref<1x96x32xi32, #tpu.memory_space<vmem>>
    %dma_start3A_551 = tpu.memref_squeeze %dma_start3A_550 : memref<1x96x32xi32, #tpu.memory_space<vmem>> -> memref<96x32xi32, #tpu.memory_space<vmem>>
    %dma_start3A_552 = arith.constant 104 : i32
    %dma_start3A_553 = tpu.memref_slice %arg8[%dma_start3A_546, %dma_start3A_552] : memref<4x200xi32, #tpu.memory_space<vmem>> -> memref<1x96xi32, #tpu.memory_space<vmem>>
    %dma_start3A_554 = tpu.memref_squeeze %dma_start3A_553 : memref<1x96xi32, #tpu.memory_space<vmem>> -> memref<96xi32, #tpu.memory_space<vmem>>
    %dma_start3A_555 = arith.constant 0 : i32
    %dma_start3A_556 = arith.constant 0 : i32
    %dma_start3A_557 = tpu.memref_slice %arg2[%dma_start3A_555, %dma_start3A_556] : memref<1000000x32xi32, #tpu.memory_space<hbm>> -> memref<1000000x32xi32, #tpu.memory_space<hbm>>
    tpu.enqueue_indirect_dma source(%dma_start3A_557 : memref<1000000x32xi32, #tpu.memory_space<hbm>>) target(%dma_start3A_551 : memref<96x32xi32, #tpu.memory_space<vmem>>) offsets(%dma_start3A_554 : memref<96xi32, #tpu.memory_space<vmem>>) semaphore(%arg16 : memref<!tpu.dma_semaphore, #tpu.memory_space<semaphore_mem>>)
    %dma_start3A_558 = arith.constant 2 : i32
    %dma_start3A_559 = arith.constant 2 : i32
    %dma_start3A_560 = arith.constant 0 : i32
    %dma_start3A_561 = arith.constant 0 : i32
    %dma_start3A_562 = tpu.memref_slice %arg12[%dma_start3A_559, %dma_start3A_560, %dma_start3A_561] : memref<4x200x32xi32, #tpu.memory_space<vmem>> -> memref<1x104x32xi32, #tpu.memory_space<vmem>>
    %dma_start3A_563 = tpu.memref_squeeze %dma_start3A_562 : memref<1x104x32xi32, #tpu.memory_space<vmem>> -> memref<104x32xi32, #tpu.memory_space<vmem>>
    %dma_start3A_564 = arith.constant 0 : i32
    %dma_start3A_565 = tpu.memref_slice %arg8[%dma_start3A_558, %dma_start3A_564] : memref<4x200xi32, #tpu.memory_space<vmem>> -> memref<1x104xi32, #tpu.memory_space<vmem>>
    %dma_start3A_566 = tpu.memref_squeeze %dma_start3A_565 : memref<1x104xi32, #tpu.memory_space<vmem>> -> memref<104xi32, #tpu.memory_space<vmem>>
    %dma_start3A_567 = arith.constant 0 : i32
    %dma_start3A_568 = arith.constant 0 : i32
    %dma_start3A_569 = tpu.memref_slice %arg2[%dma_start3A_567, %dma_start3A_568] : memref<1000000x32xi32, #tpu.memory_space<hbm>> -> memref<1000000x32xi32, #tpu.memory_space<hbm>>
    tpu.enqueue_indirect_dma source(%dma_start3A_569 : memref<1000000x32xi32, #tpu.memory_space<hbm>>) target(%dma_start3A_563 : memref<104x32xi32, #tpu.memory_space<vmem>>) offsets(%dma_start3A_566 : memref<104xi32, #tpu.memory_space<vmem>>) semaphore(%arg16 : memref<!tpu.dma_semaphore, #tpu.memory_space<semaphore_mem>>)
    %dma_start3A_570 = arith.constant 2 : i32
    %dma_start3A_571 = arith.constant 2 : i32
    %dma_start3A_572 = arith.constant 104 : i32
    %dma_start3A_573 = arith.constant 0 : i32
    %dma_start3A_574 = tpu.memref_slice %arg12[%dma_start3A_571, %dma_start3A_572, %dma_start3A_573] : memref<4x200x32xi32, #tpu.memory_space<vmem>> -> memref<1x96x32xi32, #tpu.memory_space<vmem>>
    %dma_start3A_575 = tpu.memref_squeeze %dma_start3A_574 : memref<1x96x32xi32, #tpu.memory_space<vmem>> -> memref<96x32xi32, #tpu.memory_space<vmem>>
    %dma_start3A_576 = arith.constant 104 : i32
    %dma_start3A_577 = tpu.memref_slice %arg8[%dma_start3A_570, %dma_start3A_576] : memref<4x200xi32, #tpu.memory_space<vmem>> -> memref<1x96xi32, #tpu.memory_space<vmem>>
    %dma_start3A_578 = tpu.memref_squeeze %dma_start3A_577 : memref<1x96xi32, #tpu.memory_space<vmem>> -> memref<96xi32, #tpu.memory_space<vmem>>
    %dma_start3A_579 = arith.constant 0 : i32
    %dma_start3A_580 = arith.constant 0 : i32
    %dma_start3A_581 = tpu.memref_slice %arg2[%dma_start3A_579, %dma_start3A_580] : memref<1000000x32xi32, #tpu.memory_space<hbm>> -> memref<1000000x32xi32, #tpu.memory_space<hbm>>
    tpu.enqueue_indirect_dma source(%dma_start3A_581 : memref<1000000x32xi32, #tpu.memory_space<hbm>>) target(%dma_start3A_575 : memref<96x32xi32, #tpu.memory_space<vmem>>) offsets(%dma_start3A_578 : memref<96xi32, #tpu.memory_space<vmem>>) semaphore(%arg16 : memref<!tpu.dma_semaphore, #tpu.memory_space<semaphore_mem>>)
    %dma_start3A_582 = arith.constant 3 : i32
    %dma_start3A_583 = arith.constant 3 : i32
    %dma_start3A_584 = arith.constant 0 : i32
    %dma_start3A_585 = arith.constant 0 : i32
    %dma_start3A_586 = tpu.memref_slice %arg12[%dma_start3A_583, %dma_start3A_584, %dma_start3A_585] : memref<4x200x32xi32, #tpu.memory_space<vmem>> -> memref<1x104x32xi32, #tpu.memory_space<vmem>>
    %dma_start3A_587 = tpu.memref_squeeze %dma_start3A_586 : memref<1x104x32xi32, #tpu.memory_space<vmem>> -> memref<104x32xi32, #tpu.memory_space<vmem>>
    %dma_start3A_588 = arith.constant 0 : i32
    %dma_start3A_589 = tpu.memref_slice %arg8[%dma_start3A_582, %dma_start3A_588] : memref<4x200xi32, #tpu.memory_space<vmem>> -> memref<1x104xi32, #tpu.memory_space<vmem>>
    %dma_start3A_590 = tpu.memref_squeeze %dma_start3A_589 : memref<1x104xi32, #tpu.memory_space<vmem>> -> memref<104xi32, #tpu.memory_space<vmem>>
    %dma_start3A_591 = arith.constant 0 : i32
    %dma_start3A_592 = arith.constant 0 : i32
    %dma_start3A_593 = tpu.memref_slice %arg2[%dma_start3A_591, %dma_start3A_592] : memref<1000000x32xi32, #tpu.memory_space<hbm>> -> memref<1000000x32xi32, #tpu.memory_space<hbm>>
    tpu.enqueue_indirect_dma source(%dma_start3A_593 : memref<1000000x32xi32, #tpu.memory_space<hbm>>) target(%dma_start3A_587 : memref<104x32xi32, #tpu.memory_space<vmem>>) offsets(%dma_start3A_590 : memref<104xi32, #tpu.memory_space<vmem>>) semaphore(%arg16 : memref<!tpu.dma_semaphore, #tpu.memory_space<semaphore_mem>>)
    %dma_start3A_594 = arith.constant 3 : i32
    %dma_start3A_595 = arith.constant 3 : i32
    %dma_start3A_596 = arith.constant 104 : i32
    %dma_start3A_597 = arith.constant 0 : i32
    %dma_start3A_598 = tpu.memref_slice %arg12[%dma_start3A_595, %dma_start3A_596, %dma_start3A_597] : memref<4x200x32xi32, #tpu.memory_space<vmem>> -> memref<1x96x32xi32, #tpu.memory_space<vmem>>
    %dma_start3A_599 = tpu.memref_squeeze %dma_start3A_598 : memref<1x96x32xi32, #tpu.memory_space<vmem>> -> memref<96x32xi32, #tpu.memory_space<vmem>>
    %dma_start3A_600 = arith.constant 104 : i32
    %dma_start3A_601 = tpu.memref_slice %arg8[%dma_start3A_594, %dma_start3A_600] : memref<4x200xi32, #tpu.memory_space<vmem>> -> memref<1x96xi32, #tpu.memory_space<vmem>>
    %dma_start3A_602 = tpu.memref_squeeze %dma_start3A_601 : memref<1x96xi32, #tpu.memory_space<vmem>> -> memref<96xi32, #tpu.memory_space<vmem>>
    %dma_start3A_603 = arith.constant 0 : i32
    %dma_start3A_604 = arith.constant 0 : i32
    %dma_start3A_605 = tpu.memref_slice %arg2[%dma_start3A_603, %dma_start3A_604] : memref<1000000x32xi32, #tpu.memory_space<hbm>> -> memref<1000000x32xi32, #tpu.memory_space<hbm>>
    tpu.enqueue_indirect_dma source(%dma_start3A_605 : memref<1000000x32xi32, #tpu.memory_space<hbm>>) target(%dma_start3A_599 : memref<96x32xi32, #tpu.memory_space<vmem>>) offsets(%dma_start3A_602 : memref<96xi32, #tpu.memory_space<vmem>>) semaphore(%arg16 : memref<!tpu.dma_semaphore, #tpu.memory_space<semaphore_mem>>)
    %scan3A = arith.constant 0 : i32
    %scan3A_606 = arith.constant 0 : i32
    %scan3A_607 = arith.constant 31 : i32
    %scan3A_608 = arith.addi %scan3A_606, %scan3A_607 : i32
    %scan3A_609 = arith.constant 1 : i32
    scf.for %scan3A_857 = %scan3A_606 to %scan3A_608 step %scan3A_609  : i32 {
      %mul3A_858 = arith.constant 4 : i32
      %mul3A_859 = arith.muli %scan3A_857, %mul3A_858 : i32
      %add3A_860 = arith.constant 2 : i32
      %add3A_861 = arith.addi %add3A_860, %mul3A_859 : i32
      %add3A_862 = arith.constant 0 : i32
      %add3A_863 = arith.addi %add3A_861, %add3A_862 : i32
      %dma_wait3A_864 = arith.constant 0 : i32
      %dma_wait3A_865 = arith.constant 0 : i32
      %dma_wait3A_866 = arith.constant 0 : i32
      %dma_wait3A_867 = arith.constant 0 : i32
      %dma_wait3A_868 = tpu.memref_slice %arg11[%dma_wait3A_865, %dma_wait3A_866, %dma_wait3A_867] : memref<4x200x32xi32, #tpu.memory_space<vmem>> -> memref<1x104x32xi32, #tpu.memory_space<vmem>>
      %dma_wait3A_869 = tpu.memref_squeeze %dma_wait3A_868 : memref<1x104x32xi32, #tpu.memory_space<vmem>> -> memref<104x32xi32, #tpu.memory_space<vmem>>
      %dma_wait3A_870 = arith.constant 0 : i32
      %dma_wait3A_871 = tpu.memref_slice %arg7[%dma_wait3A_864, %dma_wait3A_870] : memref<4x200xi32, #tpu.memory_space<vmem>> -> memref<1x104xi32, #tpu.memory_space<vmem>>
      %dma_wait3A_872 = tpu.memref_squeeze %dma_wait3A_871 : memref<1x104xi32, #tpu.memory_space<vmem>> -> memref<104xi32, #tpu.memory_space<vmem>>
      %dma_wait3A_873 = arith.constant 0 : i32
      %dma_wait3A_874 = arith.constant 0 : i32
      %dma_wait3A_875 = tpu.memref_slice %arg2[%dma_wait3A_873, %dma_wait3A_874] : memref<1000000x32xi32, #tpu.memory_space<hbm>> -> memref<1000000x32xi32, #tpu.memory_space<hbm>>
      tpu.wait_indirect_dma semaphore(%arg15 : memref<!tpu.dma_semaphore, #tpu.memory_space<semaphore_mem>>) src(%dma_wait3A_875 : memref<1000000x32xi32, #tpu.memory_space<hbm>>) dst(%dma_wait3A_869 : memref<104x32xi32, #tpu.memory_space<vmem>>)
      %dma_wait3A_876 = arith.constant 0 : i32
      %dma_wait3A_877 = arith.constant 0 : i32
      %dma_wait3A_878 = arith.constant 104 : i32
      %dma_wait3A_879 = arith.constant 0 : i32
      %dma_wait3A_880 = tpu.memref_slice %arg11[%dma_wait3A_877, %dma_wait3A_878, %dma_wait3A_879] : memref<4x200x32xi32, #tpu.memory_space<vmem>> -> memref<1x96x32xi32, #tpu.memory_space<vmem>>
      %dma_wait3A_881 = tpu.memref_squeeze %dma_wait3A_880 : memref<1x96x32xi32, #tpu.memory_space<vmem>> -> memref<96x32xi32, #tpu.memory_space<vmem>>
      %dma_wait3A_882 = arith.constant 104 : i32
      %dma_wait3A_883 = tpu.memref_slice %arg7[%dma_wait3A_876, %dma_wait3A_882] : memref<4x200xi32, #tpu.memory_space<vmem>> -> memref<1x96xi32, #tpu.memory_space<vmem>>
      %dma_wait3A_884 = tpu.memref_squeeze %dma_wait3A_883 : memref<1x96xi32, #tpu.memory_space<vmem>> -> memref<96xi32, #tpu.memory_space<vmem>>
      %dma_wait3A_885 = arith.constant 0 : i32
      %dma_wait3A_886 = arith.constant 0 : i32
      %dma_wait3A_887 = tpu.memref_slice %arg2[%dma_wait3A_885, %dma_wait3A_886] : memref<1000000x32xi32, #tpu.memory_space<hbm>> -> memref<1000000x32xi32, #tpu.memory_space<hbm>>
      tpu.wait_indirect_dma semaphore(%arg15 : memref<!tpu.dma_semaphore, #tpu.memory_space<semaphore_mem>>) src(%dma_wait3A_887 : memref<1000000x32xi32, #tpu.memory_space<hbm>>) dst(%dma_wait3A_881 : memref<96x32xi32, #tpu.memory_space<vmem>>)
      %dma_wait3A_888 = arith.constant 1 : i32
      %dma_wait3A_889 = arith.constant 1 : i32
      %dma_wait3A_890 = arith.constant 0 : i32
      %dma_wait3A_891 = arith.constant 0 : i32
      %dma_wait3A_892 = tpu.memref_slice %arg11[%dma_wait3A_889, %dma_wait3A_890, %dma_wait3A_891] : memref<4x200x32xi32, #tpu.memory_space<vmem>> -> memref<1x104x32xi32, #tpu.memory_space<vmem>>
      %dma_wait3A_893 = tpu.memref_squeeze %dma_wait3A_892 : memref<1x104x32xi32, #tpu.memory_space<vmem>> -> memref<104x32xi32, #tpu.memory_space<vmem>>
      %dma_wait3A_894 = arith.constant 0 : i32
      %dma_wait3A_895 = tpu.memref_slice %arg7[%dma_wait3A_888, %dma_wait3A_894] : memref<4x200xi32, #tpu.memory_space<vmem>> -> memref<1x104xi32, #tpu.memory_space<vmem>>
      %dma_wait3A_896 = tpu.memref_squeeze %dma_wait3A_895 : memref<1x104xi32, #tpu.memory_space<vmem>> -> memref<104xi32, #tpu.memory_space<vmem>>
      %dma_wait3A_897 = arith.constant 0 : i32
      %dma_wait3A_898 = arith.constant 0 : i32
      %dma_wait3A_899 = tpu.memref_slice %arg2[%dma_wait3A_897, %dma_wait3A_898] : memref<1000000x32xi32, #tpu.memory_space<hbm>> -> memref<1000000x32xi32, #tpu.memory_space<hbm>>
      tpu.wait_indirect_dma semaphore(%arg15 : memref<!tpu.dma_semaphore, #tpu.memory_space<semaphore_mem>>) src(%dma_wait3A_899 : memref<1000000x32xi32, #tpu.memory_space<hbm>>) dst(%dma_wait3A_893 : memref<104x32xi32, #tpu.memory_space<vmem>>)
      %dma_wait3A_900 = arith.constant 1 : i32
      %dma_wait3A_901 = arith.constant 1 : i32
      %dma_wait3A_902 = arith.constant 104 : i32
      %dma_wait3A_903 = arith.constant 0 : i32
      %dma_wait3A_904 = tpu.memref_slice %arg11[%dma_wait3A_901, %dma_wait3A_902, %dma_wait3A_903] : memref<4x200x32xi32, #tpu.memory_space<vmem>> -> memref<1x96x32xi32, #tpu.memory_space<vmem>>
      %dma_wait3A_905 = tpu.memref_squeeze %dma_wait3A_904 : memref<1x96x32xi32, #tpu.memory_space<vmem>> -> memref<96x32xi32, #tpu.memory_space<vmem>>
      %dma_wait3A_906 = arith.constant 104 : i32
      %dma_wait3A_907 = tpu.memref_slice %arg7[%dma_wait3A_900, %dma_wait3A_906] : memref<4x200xi32, #tpu.memory_space<vmem>> -> memref<1x96xi32, #tpu.memory_space<vmem>>
      %dma_wait3A_908 = tpu.memref_squeeze %dma_wait3A_907 : memref<1x96xi32, #tpu.memory_space<vmem>> -> memref<96xi32, #tpu.memory_space<vmem>>
      %dma_wait3A_909 = arith.constant 0 : i32
      %dma_wait3A_910 = arith.constant 0 : i32
      %dma_wait3A_911 = tpu.memref_slice %arg2[%dma_wait3A_909, %dma_wait3A_910] : memref<1000000x32xi32, #tpu.memory_space<hbm>> -> memref<1000000x32xi32, #tpu.memory_space<hbm>>
      tpu.wait_indirect_dma semaphore(%arg15 : memref<!tpu.dma_semaphore, #tpu.memory_space<semaphore_mem>>) src(%dma_wait3A_911 : memref<1000000x32xi32, #tpu.memory_space<hbm>>) dst(%dma_wait3A_905 : memref<96x32xi32, #tpu.memory_space<vmem>>)
      %dma_wait3A_912 = arith.constant 2 : i32
      %dma_wait3A_913 = arith.constant 2 : i32
      %dma_wait3A_914 = arith.constant 0 : i32
      %dma_wait3A_915 = arith.constant 0 : i32
      %dma_wait3A_916 = tpu.memref_slice %arg11[%dma_wait3A_913, %dma_wait3A_914, %dma_wait3A_915] : memref<4x200x32xi32, #tpu.memory_space<vmem>> -> memref<1x104x32xi32, #tpu.memory_space<vmem>>
      %dma_wait3A_917 = tpu.memref_squeeze %dma_wait3A_916 : memref<1x104x32xi32, #tpu.memory_space<vmem>> -> memref<104x32xi32, #tpu.memory_space<vmem>>
      %dma_wait3A_918 = arith.constant 0 : i32
      %dma_wait3A_919 = tpu.memref_slice %arg7[%dma_wait3A_912, %dma_wait3A_918] : memref<4x200xi32, #tpu.memory_space<vmem>> -> memref<1x104xi32, #tpu.memory_space<vmem>>
      %dma_wait3A_920 = tpu.memref_squeeze %dma_wait3A_919 : memref<1x104xi32, #tpu.memory_space<vmem>> -> memref<104xi32, #tpu.memory_space<vmem>>
      %dma_wait3A_921 = arith.constant 0 : i32
      %dma_wait3A_922 = arith.constant 0 : i32
      %dma_wait3A_923 = tpu.memref_slice %arg2[%dma_wait3A_921, %dma_wait3A_922] : memref<1000000x32xi32, #tpu.memory_space<hbm>> -> memref<1000000x32xi32, #tpu.memory_space<hbm>>
      tpu.wait_indirect_dma semaphore(%arg15 : memref<!tpu.dma_semaphore, #tpu.memory_space<semaphore_mem>>) src(%dma_wait3A_923 : memref<1000000x32xi32, #tpu.memory_space<hbm>>) dst(%dma_wait3A_917 : memref<104x32xi32, #tpu.memory_space<vmem>>)
      %dma_wait3A_924 = arith.constant 2 : i32
      %dma_wait3A_925 = arith.constant 2 : i32
      %dma_wait3A_926 = arith.constant 104 : i32
      %dma_wait3A_927 = arith.constant 0 : i32
      %dma_wait3A_928 = tpu.memref_slice %arg11[%dma_wait3A_925, %dma_wait3A_926, %dma_wait3A_927] : memref<4x200x32xi32, #tpu.memory_space<vmem>> -> memref<1x96x32xi32, #tpu.memory_space<vmem>>
      %dma_wait3A_929 = tpu.memref_squeeze %dma_wait3A_928 : memref<1x96x32xi32, #tpu.memory_space<vmem>> -> memref<96x32xi32, #tpu.memory_space<vmem>>
      %dma_wait3A_930 = arith.constant 104 : i32
      %dma_wait3A_931 = tpu.memref_slice %arg7[%dma_wait3A_924, %dma_wait3A_930] : memref<4x200xi32, #tpu.memory_space<vmem>> -> memref<1x96xi32, #tpu.memory_space<vmem>>
      %dma_wait3A_932 = tpu.memref_squeeze %dma_wait3A_931 : memref<1x96xi32, #tpu.memory_space<vmem>> -> memref<96xi32, #tpu.memory_space<vmem>>
      %dma_wait3A_933 = arith.constant 0 : i32
      %dma_wait3A_934 = arith.constant 0 : i32
      %dma_wait3A_935 = tpu.memref_slice %arg2[%dma_wait3A_933, %dma_wait3A_934] : memref<1000000x32xi32, #tpu.memory_space<hbm>> -> memref<1000000x32xi32, #tpu.memory_space<hbm>>
      tpu.wait_indirect_dma semaphore(%arg15 : memref<!tpu.dma_semaphore, #tpu.memory_space<semaphore_mem>>) src(%dma_wait3A_935 : memref<1000000x32xi32, #tpu.memory_space<hbm>>) dst(%dma_wait3A_929 : memref<96x32xi32, #tpu.memory_space<vmem>>)
      %dma_wait3A_936 = arith.constant 3 : i32
      %dma_wait3A_937 = arith.constant 3 : i32
      %dma_wait3A_938 = arith.constant 0 : i32
      %dma_wait3A_939 = arith.constant 0 : i32
      %dma_wait3A_940 = tpu.memref_slice %arg11[%dma_wait3A_937, %dma_wait3A_938, %dma_wait3A_939] : memref<4x200x32xi32, #tpu.memory_space<vmem>> -> memref<1x104x32xi32, #tpu.memory_space<vmem>>
      %dma_wait3A_941 = tpu.memref_squeeze %dma_wait3A_940 : memref<1x104x32xi32, #tpu.memory_space<vmem>> -> memref<104x32xi32, #tpu.memory_space<vmem>>
      %dma_wait3A_942 = arith.constant 0 : i32
      %dma_wait3A_943 = tpu.memref_slice %arg7[%dma_wait3A_936, %dma_wait3A_942] : memref<4x200xi32, #tpu.memory_space<vmem>> -> memref<1x104xi32, #tpu.memory_space<vmem>>
      %dma_wait3A_944 = tpu.memref_squeeze %dma_wait3A_943 : memref<1x104xi32, #tpu.memory_space<vmem>> -> memref<104xi32, #tpu.memory_space<vmem>>
      %dma_wait3A_945 = arith.constant 0 : i32
      %dma_wait3A_946 = arith.constant 0 : i32
      %dma_wait3A_947 = tpu.memref_slice %arg2[%dma_wait3A_945, %dma_wait3A_946] : memref<1000000x32xi32, #tpu.memory_space<hbm>> -> memref<1000000x32xi32, #tpu.memory_space<hbm>>
      tpu.wait_indirect_dma semaphore(%arg15 : memref<!tpu.dma_semaphore, #tpu.memory_space<semaphore_mem>>) src(%dma_wait3A_947 : memref<1000000x32xi32, #tpu.memory_space<hbm>>) dst(%dma_wait3A_941 : memref<104x32xi32, #tpu.memory_space<vmem>>)
      %dma_wait3A_948 = arith.constant 3 : i32
      %dma_wait3A_949 = arith.constant 3 : i32
      %dma_wait3A_950 = arith.constant 104 : i32
      %dma_wait3A_951 = arith.constant 0 : i32
      %dma_wait3A_952 = tpu.memref_slice %arg11[%dma_wait3A_949, %dma_wait3A_950, %dma_wait3A_951] : memref<4x200x32xi32, #tpu.memory_space<vmem>> -> memref<1x96x32xi32, #tpu.memory_space<vmem>>
      %dma_wait3A_953 = tpu.memref_squeeze %dma_wait3A_952 : memref<1x96x32xi32, #tpu.memory_space<vmem>> -> memref<96x32xi32, #tpu.memory_space<vmem>>
      %dma_wait3A_954 = arith.constant 104 : i32
      %dma_wait3A_955 = tpu.memref_slice %arg7[%dma_wait3A_948, %dma_wait3A_954] : memref<4x200xi32, #tpu.memory_space<vmem>> -> memref<1x96xi32, #tpu.memory_space<vmem>>
      %dma_wait3A_956 = tpu.memref_squeeze %dma_wait3A_955 : memref<1x96xi32, #tpu.memory_space<vmem>> -> memref<96xi32, #tpu.memory_space<vmem>>
      %dma_wait3A_957 = arith.constant 0 : i32
      %dma_wait3A_958 = arith.constant 0 : i32
      %dma_wait3A_959 = tpu.memref_slice %arg2[%dma_wait3A_957, %dma_wait3A_958] : memref<1000000x32xi32, #tpu.memory_space<hbm>> -> memref<1000000x32xi32, #tpu.memory_space<hbm>>
      tpu.wait_indirect_dma semaphore(%arg15 : memref<!tpu.dma_semaphore, #tpu.memory_space<semaphore_mem>>) src(%dma_wait3A_959 : memref<1000000x32xi32, #tpu.memory_space<hbm>>) dst(%dma_wait3A_953 : memref<96x32xi32, #tpu.memory_space<vmem>>)
      %mul3A_960 = arith.constant 4 : i32
      %mul3A_961 = arith.muli %add3A_863, %mul3A_960 : i32
      %add3A_962 = arith.addi %mul3A_2, %mul3A_961 : i32
      %multiple_of3A_963 = tpu.assume_multiple %add3A_962, 4 : i32
      %dma_start3A_964 = arith.constant 0 : i32
      %dma_start3A_965 = arith.constant 0 : i32
      %dma_start3A_966 = tpu.memref_slice %arg4[%multiple_of3A_963, %dma_start3A_964, %dma_start3A_965] : memref<16384x200x32xi32, #tpu.memory_space<hbm>> -> memref<4x200x32xi32, #tpu.memory_space<hbm>>
      %dma_start3A_967 = arith.constant 0 : i32
      %dma_start3A_968 = arith.constant 0 : i32
      %dma_start3A_969 = tpu.memref_slice %arg4[%multiple_of3A_963, %dma_start3A_967, %dma_start3A_968] : memref<16384x200x32xi32, #tpu.memory_space<hbm>> -> memref<4x200x32xi32, #tpu.memory_space<hbm>>
      tpu.enqueue_dma source(%arg11 : memref<4x200x32xi32, #tpu.memory_space<vmem>>) target(%dma_start3A_969 : memref<4x200x32xi32, #tpu.memory_space<hbm>>) target_semaphore(%arg19 : memref<!tpu.dma_semaphore, #tpu.memory_space<semaphore_mem>>)
      %add3A_970 = arith.constant 2 : i32
      %add3A_971 = arith.addi %add3A_863, %add3A_970 : i32
      %mul3A_972 = arith.constant 4 : i32
      %mul3A_973 = arith.muli %add3A_971, %mul3A_972 : i32
      %add3A_974 = arith.addi %mul3A_2, %mul3A_973 : i32
      %multiple_of3A_975 = tpu.assume_multiple %add3A_974, 4 : i32
      "tpu.region"() ({
        %run_scoped3A = tpu.sem_alloc : memref<!tpu.dma_semaphore, #tpu.memory_space<semaphore_mem>>
        %dma_start3A_1761 = arith.constant 0 : i32
        %dma_start3A_1762 = tpu.memref_slice %arg3[%multiple_of3A_975, %dma_start3A_1761] : memref<16384x200xi32, #tpu.memory_space<hbm>> -> memref<4x200xi32, #tpu.memory_space<hbm>>
        %dma_start3A_1763 = arith.constant 0 : i32
        %dma_start3A_1764 = tpu.memref_slice %arg3[%multiple_of3A_975, %dma_start3A_1763] : memref<16384x200xi32, #tpu.memory_space<hbm>> -> memref<4x200xi32, #tpu.memory_space<hbm>>
        tpu.enqueue_dma source(%dma_start3A_1764 : memref<4x200xi32, #tpu.memory_space<hbm>>) target(%arg5 : memref<4x200xi32, #tpu.memory_space<vmem>>) target_semaphore(%run_scoped3A : memref<!tpu.dma_semaphore, #tpu.memory_space<semaphore_mem>>)
        %dma_wait3A_1765 = arith.constant 0 : i32
        %dma_wait3A_1766 = tpu.memref_slice %arg3[%multiple_of3A_975, %dma_wait3A_1765] : memref<16384x200xi32, #tpu.memory_space<hbm>> -> memref<4x200xi32, #tpu.memory_space<hbm>>
        %dma_wait3A_1767 = arith.constant 0 : i32
        %dma_wait3A_1768 = tpu.memref_slice %arg3[%multiple_of3A_975, %dma_wait3A_1767] : memref<16384x200xi32, #tpu.memory_space<hbm>> -> memref<4x200xi32, #tpu.memory_space<hbm>>
        tpu.wait_dma2 semaphore(%run_scoped3A : memref<!tpu.dma_semaphore, #tpu.memory_space<semaphore_mem>>) src(%dma_wait3A_1768 : memref<4x200xi32, #tpu.memory_space<hbm>>) dst(%arg5 : memref<4x200xi32, #tpu.memory_space<vmem>>)
        tpu.yield
      }) : () -> ()
      %sub3A = arith.constant 2 : i32
      %sub3A_976 = arith.subi %add3A_863, %sub3A : i32
      %mul3A_977 = arith.constant 4 : i32
      %mul3A_978 = arith.muli %sub3A_976, %mul3A_977 : i32
      %add3A_979 = arith.addi %mul3A_2, %mul3A_978 : i32
      %multiple_of3A_980 = tpu.assume_multiple %add3A_979, 4 : i32
      %dma_wait3A_981 = arith.constant 0 : i32
      %dma_wait3A_982 = arith.constant 0 : i32
      %dma_wait3A_983 = tpu.memref_slice %arg4[%multiple_of3A_980, %dma_wait3A_981, %dma_wait3A_982] : memref<16384x200x32xi32, #tpu.memory_space<hbm>> -> memref<4x200x32xi32, #tpu.memory_space<hbm>>
      %dma_wait3A_984 = arith.constant 0 : i32
      %dma_wait3A_985 = arith.constant 0 : i32
      %dma_wait3A_986 = tpu.memref_slice %arg4[%multiple_of3A_980, %dma_wait3A_984, %dma_wait3A_985] : memref<16384x200x32xi32, #tpu.memory_space<hbm>> -> memref<4x200x32xi32, #tpu.memory_space<hbm>>
      tpu.wait_dma2 semaphore(%arg17 : memref<!tpu.dma_semaphore, #tpu.memory_space<semaphore_mem>>) src(%arg9 : memref<4x200x32xi32, #tpu.memory_space<vmem>>) dst(%dma_wait3A_986 : memref<4x200x32xi32, #tpu.memory_space<hbm>>)
      %dma_start3A_987 = arith.constant 0 : i32
      %dma_start3A_988 = arith.constant 0 : i32
      %dma_start3A_989 = arith.constant 0 : i32
      %dma_start3A_990 = arith.constant 0 : i32
      %dma_start3A_991 = tpu.memref_slice %arg9[%dma_start3A_988, %dma_start3A_989, %dma_start3A_990] : memref<4x200x32xi32, #tpu.memory_space<vmem>> -> memref<1x104x32xi32, #tpu.memory_space<vmem>>
      %dma_start3A_992 = tpu.memref_squeeze %dma_start3A_991 : memref<1x104x32xi32, #tpu.memory_space<vmem>> -> memref<104x32xi32, #tpu.memory_space<vmem>>
      %dma_start3A_993 = arith.constant 0 : i32
      %dma_start3A_994 = tpu.memref_slice %arg5[%dma_start3A_987, %dma_start3A_993] : memref<4x200xi32, #tpu.memory_space<vmem>> -> memref<1x104xi32, #tpu.memory_space<vmem>>
      %dma_start3A_995 = tpu.memref_squeeze %dma_start3A_994 : memref<1x104xi32, #tpu.memory_space<vmem>> -> memref<104xi32, #tpu.memory_space<vmem>>
      %dma_start3A_996 = arith.constant 0 : i32
      %dma_start3A_997 = arith.constant 0 : i32
      %dma_start3A_998 = tpu.memref_slice %arg2[%dma_start3A_996, %dma_start3A_997] : memref<1000000x32xi32, #tpu.memory_space<hbm>> -> memref<1000000x32xi32, #tpu.memory_space<hbm>>
      tpu.enqueue_indirect_dma source(%dma_start3A_998 : memref<1000000x32xi32, #tpu.memory_space<hbm>>) target(%dma_start3A_992 : memref<104x32xi32, #tpu.memory_space<vmem>>) offsets(%dma_start3A_995 : memref<104xi32, #tpu.memory_space<vmem>>) semaphore(%arg13 : memref<!tpu.dma_semaphore, #tpu.memory_space<semaphore_mem>>)
      %dma_start3A_999 = arith.constant 0 : i32
      %dma_start3A_1000 = arith.constant 0 : i32
      %dma_start3A_1001 = arith.constant 104 : i32
      %dma_start3A_1002 = arith.constant 0 : i32
      %dma_start3A_1003 = tpu.memref_slice %arg9[%dma_start3A_1000, %dma_start3A_1001, %dma_start3A_1002] : memref<4x200x32xi32, #tpu.memory_space<vmem>> -> memref<1x96x32xi32, #tpu.memory_space<vmem>>
      %dma_start3A_1004 = tpu.memref_squeeze %dma_start3A_1003 : memref<1x96x32xi32, #tpu.memory_space<vmem>> -> memref<96x32xi32, #tpu.memory_space<vmem>>
      %dma_start3A_1005 = arith.constant 104 : i32
      %dma_start3A_1006 = tpu.memref_slice %arg5[%dma_start3A_999, %dma_start3A_1005] : memref<4x200xi32, #tpu.memory_space<vmem>> -> memref<1x96xi32, #tpu.memory_space<vmem>>
      %dma_start3A_1007 = tpu.memref_squeeze %dma_start3A_1006 : memref<1x96xi32, #tpu.memory_space<vmem>> -> memref<96xi32, #tpu.memory_space<vmem>>
      %dma_start3A_1008 = arith.constant 0 : i32
      %dma_start3A_1009 = arith.constant 0 : i32
      %dma_start3A_1010 = tpu.memref_slice %arg2[%dma_start3A_1008, %dma_start3A_1009] : memref<1000000x32xi32, #tpu.memory_space<hbm>> -> memref<1000000x32xi32, #tpu.memory_space<hbm>>
      tpu.enqueue_indirect_dma source(%dma_start3A_1010 : memref<1000000x32xi32, #tpu.memory_space<hbm>>) target(%dma_start3A_1004 : memref<96x32xi32, #tpu.memory_space<vmem>>) offsets(%dma_start3A_1007 : memref<96xi32, #tpu.memory_space<vmem>>) semaphore(%arg13 : memref<!tpu.dma_semaphore, #tpu.memory_space<semaphore_mem>>)
      %dma_start3A_1011 = arith.constant 1 : i32
      %dma_start3A_1012 = arith.constant 1 : i32
      %dma_start3A_1013 = arith.constant 0 : i32
      %dma_start3A_1014 = arith.constant 0 : i32
      %dma_start3A_1015 = tpu.memref_slice %arg9[%dma_start3A_1012, %dma_start3A_1013, %dma_start3A_1014] : memref<4x200x32xi32, #tpu.memory_space<vmem>> -> memref<1x104x32xi32, #tpu.memory_space<vmem>>
      %dma_start3A_1016 = tpu.memref_squeeze %dma_start3A_1015 : memref<1x104x32xi32, #tpu.memory_space<vmem>> -> memref<104x32xi32, #tpu.memory_space<vmem>>
      %dma_start3A_1017 = arith.constant 0 : i32
      %dma_start3A_1018 = tpu.memref_slice %arg5[%dma_start3A_1011, %dma_start3A_1017] : memref<4x200xi32, #tpu.memory_space<vmem>> -> memref<1x104xi32, #tpu.memory_space<vmem>>
      %dma_start3A_1019 = tpu.memref_squeeze %dma_start3A_1018 : memref<1x104xi32, #tpu.memory_space<vmem>> -> memref<104xi32, #tpu.memory_space<vmem>>
      %dma_start3A_1020 = arith.constant 0 : i32
      %dma_start3A_1021 = arith.constant 0 : i32
      %dma_start3A_1022 = tpu.memref_slice %arg2[%dma_start3A_1020, %dma_start3A_1021] : memref<1000000x32xi32, #tpu.memory_space<hbm>> -> memref<1000000x32xi32, #tpu.memory_space<hbm>>
      tpu.enqueue_indirect_dma source(%dma_start3A_1022 : memref<1000000x32xi32, #tpu.memory_space<hbm>>) target(%dma_start3A_1016 : memref<104x32xi32, #tpu.memory_space<vmem>>) offsets(%dma_start3A_1019 : memref<104xi32, #tpu.memory_space<vmem>>) semaphore(%arg13 : memref<!tpu.dma_semaphore, #tpu.memory_space<semaphore_mem>>)
      %dma_start3A_1023 = arith.constant 1 : i32
      %dma_start3A_1024 = arith.constant 1 : i32
      %dma_start3A_1025 = arith.constant 104 : i32
      %dma_start3A_1026 = arith.constant 0 : i32
      %dma_start3A_1027 = tpu.memref_slice %arg9[%dma_start3A_1024, %dma_start3A_1025, %dma_start3A_1026] : memref<4x200x32xi32, #tpu.memory_space<vmem>> -> memref<1x96x32xi32, #tpu.memory_space<vmem>>
      %dma_start3A_1028 = tpu.memref_squeeze %dma_start3A_1027 : memref<1x96x32xi32, #tpu.memory_space<vmem>> -> memref<96x32xi32, #tpu.memory_space<vmem>>
      %dma_start3A_1029 = arith.constant 104 : i32
      %dma_start3A_1030 = tpu.memref_slice %arg5[%dma_start3A_1023, %dma_start3A_1029] : memref<4x200xi32, #tpu.memory_space<vmem>> -> memref<1x96xi32, #tpu.memory_space<vmem>>
      %dma_start3A_1031 = tpu.memref_squeeze %dma_start3A_1030 : memref<1x96xi32, #tpu.memory_space<vmem>> -> memref<96xi32, #tpu.memory_space<vmem>>
      %dma_start3A_1032 = arith.constant 0 : i32
      %dma_start3A_1033 = arith.constant 0 : i32
      %dma_start3A_1034 = tpu.memref_slice %arg2[%dma_start3A_1032, %dma_start3A_1033] : memref<1000000x32xi32, #tpu.memory_space<hbm>> -> memref<1000000x32xi32, #tpu.memory_space<hbm>>
      tpu.enqueue_indirect_dma source(%dma_start3A_1034 : memref<1000000x32xi32, #tpu.memory_space<hbm>>) target(%dma_start3A_1028 : memref<96x32xi32, #tpu.memory_space<vmem>>) offsets(%dma_start3A_1031 : memref<96xi32, #tpu.memory_space<vmem>>) semaphore(%arg13 : memref<!tpu.dma_semaphore, #tpu.memory_space<semaphore_mem>>)
      %dma_start3A_1035 = arith.constant 2 : i32
      %dma_start3A_1036 = arith.constant 2 : i32
      %dma_start3A_1037 = arith.constant 0 : i32
      %dma_start3A_1038 = arith.constant 0 : i32
      %dma_start3A_1039 = tpu.memref_slice %arg9[%dma_start3A_1036, %dma_start3A_1037, %dma_start3A_1038] : memref<4x200x32xi32, #tpu.memory_space<vmem>> -> memref<1x104x32xi32, #tpu.memory_space<vmem>>
      %dma_start3A_1040 = tpu.memref_squeeze %dma_start3A_1039 : memref<1x104x32xi32, #tpu.memory_space<vmem>> -> memref<104x32xi32, #tpu.memory_space<vmem>>
      %dma_start3A_1041 = arith.constant 0 : i32
      %dma_start3A_1042 = tpu.memref_slice %arg5[%dma_start3A_1035, %dma_start3A_1041] : memref<4x200xi32, #tpu.memory_space<vmem>> -> memref<1x104xi32, #tpu.memory_space<vmem>>
      %dma_start3A_1043 = tpu.memref_squeeze %dma_start3A_1042 : memref<1x104xi32, #tpu.memory_space<vmem>> -> memref<104xi32, #tpu.memory_space<vmem>>
      %dma_start3A_1044 = arith.constant 0 : i32
      %dma_start3A_1045 = arith.constant 0 : i32
      %dma_start3A_1046 = tpu.memref_slice %arg2[%dma_start3A_1044, %dma_start3A_1045] : memref<1000000x32xi32, #tpu.memory_space<hbm>> -> memref<1000000x32xi32, #tpu.memory_space<hbm>>
      tpu.enqueue_indirect_dma source(%dma_start3A_1046 : memref<1000000x32xi32, #tpu.memory_space<hbm>>) target(%dma_start3A_1040 : memref<104x32xi32, #tpu.memory_space<vmem>>) offsets(%dma_start3A_1043 : memref<104xi32, #tpu.memory_space<vmem>>) semaphore(%arg13 : memref<!tpu.dma_semaphore, #tpu.memory_space<semaphore_mem>>)
      %dma_start3A_1047 = arith.constant 2 : i32
      %dma_start3A_1048 = arith.constant 2 : i32
      %dma_start3A_1049 = arith.constant 104 : i32
      %dma_start3A_1050 = arith.constant 0 : i32
      %dma_start3A_1051 = tpu.memref_slice %arg9[%dma_start3A_1048, %dma_start3A_1049, %dma_start3A_1050] : memref<4x200x32xi32, #tpu.memory_space<vmem>> -> memref<1x96x32xi32, #tpu.memory_space<vmem>>
      %dma_start3A_1052 = tpu.memref_squeeze %dma_start3A_1051 : memref<1x96x32xi32, #tpu.memory_space<vmem>> -> memref<96x32xi32, #tpu.memory_space<vmem>>
      %dma_start3A_1053 = arith.constant 104 : i32
      %dma_start3A_1054 = tpu.memref_slice %arg5[%dma_start3A_1047, %dma_start3A_1053] : memref<4x200xi32, #tpu.memory_space<vmem>> -> memref<1x96xi32, #tpu.memory_space<vmem>>
      %dma_start3A_1055 = tpu.memref_squeeze %dma_start3A_1054 : memref<1x96xi32, #tpu.memory_space<vmem>> -> memref<96xi32, #tpu.memory_space<vmem>>
      %dma_start3A_1056 = arith.constant 0 : i32
      %dma_start3A_1057 = arith.constant 0 : i32
      %dma_start3A_1058 = tpu.memref_slice %arg2[%dma_start3A_1056, %dma_start3A_1057] : memref<1000000x32xi32, #tpu.memory_space<hbm>> -> memref<1000000x32xi32, #tpu.memory_space<hbm>>
      tpu.enqueue_indirect_dma source(%dma_start3A_1058 : memref<1000000x32xi32, #tpu.memory_space<hbm>>) target(%dma_start3A_1052 : memref<96x32xi32, #tpu.memory_space<vmem>>) offsets(%dma_start3A_1055 : memref<96xi32, #tpu.memory_space<vmem>>) semaphore(%arg13 : memref<!tpu.dma_semaphore, #tpu.memory_space<semaphore_mem>>)
      %dma_start3A_1059 = arith.constant 3 : i32
      %dma_start3A_1060 = arith.constant 3 : i32
      %dma_start3A_1061 = arith.constant 0 : i32
      %dma_start3A_1062 = arith.constant 0 : i32
      %dma_start3A_1063 = tpu.memref_slice %arg9[%dma_start3A_1060, %dma_start3A_1061, %dma_start3A_1062] : memref<4x200x32xi32, #tpu.memory_space<vmem>> -> memref<1x104x32xi32, #tpu.memory_space<vmem>>
      %dma_start3A_1064 = tpu.memref_squeeze %dma_start3A_1063 : memref<1x104x32xi32, #tpu.memory_space<vmem>> -> memref<104x32xi32, #tpu.memory_space<vmem>>
      %dma_start3A_1065 = arith.constant 0 : i32
      %dma_start3A_1066 = tpu.memref_slice %arg5[%dma_start3A_1059, %dma_start3A_1065] : memref<4x200xi32, #tpu.memory_space<vmem>> -> memref<1x104xi32, #tpu.memory_space<vmem>>
      %dma_start3A_1067 = tpu.memref_squeeze %dma_start3A_1066 : memref<1x104xi32, #tpu.memory_space<vmem>> -> memref<104xi32, #tpu.memory_space<vmem>>
      %dma_start3A_1068 = arith.constant 0 : i32
      %dma_start3A_1069 = arith.constant 0 : i32
      %dma_start3A_1070 = tpu.memref_slice %arg2[%dma_start3A_1068, %dma_start3A_1069] : memref<1000000x32xi32, #tpu.memory_space<hbm>> -> memref<1000000x32xi32, #tpu.memory_space<hbm>>
      tpu.enqueue_indirect_dma source(%dma_start3A_1070 : memref<1000000x32xi32, #tpu.memory_space<hbm>>) target(%dma_start3A_1064 : memref<104x32xi32, #tpu.memory_space<vmem>>) offsets(%dma_start3A_1067 : memref<104xi32, #tpu.memory_space<vmem>>) semaphore(%arg13 : memref<!tpu.dma_semaphore, #tpu.memory_space<semaphore_mem>>)
      %dma_start3A_1071 = arith.constant 3 : i32
      %dma_start3A_1072 = arith.constant 3 : i32
      %dma_start3A_1073 = arith.constant 104 : i32
      %dma_start3A_1074 = arith.constant 0 : i32
      %dma_start3A_1075 = tpu.memref_slice %arg9[%dma_start3A_1072, %dma_start3A_1073, %dma_start3A_1074] : memref<4x200x32xi32, #tpu.memory_space<vmem>> -> memref<1x96x32xi32, #tpu.memory_space<vmem>>
      %dma_start3A_1076 = tpu.memref_squeeze %dma_start3A_1075 : memref<1x96x32xi32, #tpu.memory_space<vmem>> -> memref<96x32xi32, #tpu.memory_space<vmem>>
      %dma_start3A_1077 = arith.constant 104 : i32
      %dma_start3A_1078 = tpu.memref_slice %arg5[%dma_start3A_1071, %dma_start3A_1077] : memref<4x200xi32, #tpu.memory_space<vmem>> -> memref<1x96xi32, #tpu.memory_space<vmem>>
      %dma_start3A_1079 = tpu.memref_squeeze %dma_start3A_1078 : memref<1x96xi32, #tpu.memory_space<vmem>> -> memref<96xi32, #tpu.memory_space<vmem>>
      %dma_start3A_1080 = arith.constant 0 : i32
      %dma_start3A_1081 = arith.constant 0 : i32
      %dma_start3A_1082 = tpu.memref_slice %arg2[%dma_start3A_1080, %dma_start3A_1081] : memref<1000000x32xi32, #tpu.memory_space<hbm>> -> memref<1000000x32xi32, #tpu.memory_space<hbm>>
      tpu.enqueue_indirect_dma source(%dma_start3A_1082 : memref<1000000x32xi32, #tpu.memory_space<hbm>>) target(%dma_start3A_1076 : memref<96x32xi32, #tpu.memory_space<vmem>>) offsets(%dma_start3A_1079 : memref<96xi32, #tpu.memory_space<vmem>>) semaphore(%arg13 : memref<!tpu.dma_semaphore, #tpu.memory_space<semaphore_mem>>)
      %mul3A_1083 = arith.constant 4 : i32
      %mul3A_1084 = arith.muli %scan3A_857, %mul3A_1083 : i32
      %add3A_1085 = arith.constant 2 : i32
      %add3A_1086 = arith.addi %add3A_1085, %mul3A_1084 : i32
      %add3A_1087 = arith.constant 1 : i32
      %add3A_1088 = arith.addi %add3A_1086, %add3A_1087 : i32
      %dma_wait3A_1089 = arith.constant 0 : i32
      %dma_wait3A_1090 = arith.constant 0 : i32
      %dma_wait3A_1091 = arith.constant 0 : i32
      %dma_wait3A_1092 = arith.constant 0 : i32
      %dma_wait3A_1093 = tpu.memref_slice %arg12[%dma_wait3A_1090, %dma_wait3A_1091, %dma_wait3A_1092] : memref<4x200x32xi32, #tpu.memory_space<vmem>> -> memref<1x104x32xi32, #tpu.memory_space<vmem>>
      %dma_wait3A_1094 = tpu.memref_squeeze %dma_wait3A_1093 : memref<1x104x32xi32, #tpu.memory_space<vmem>> -> memref<104x32xi32, #tpu.memory_space<vmem>>
      %dma_wait3A_1095 = arith.constant 0 : i32
      %dma_wait3A_1096 = tpu.memref_slice %arg8[%dma_wait3A_1089, %dma_wait3A_1095] : memref<4x200xi32, #tpu.memory_space<vmem>> -> memref<1x104xi32, #tpu.memory_space<vmem>>
      %dma_wait3A_1097 = tpu.memref_squeeze %dma_wait3A_1096 : memref<1x104xi32, #tpu.memory_space<vmem>> -> memref<104xi32, #tpu.memory_space<vmem>>
      %dma_wait3A_1098 = arith.constant 0 : i32
      %dma_wait3A_1099 = arith.constant 0 : i32
      %dma_wait3A_1100 = tpu.memref_slice %arg2[%dma_wait3A_1098, %dma_wait3A_1099] : memref<1000000x32xi32, #tpu.memory_space<hbm>> -> memref<1000000x32xi32, #tpu.memory_space<hbm>>
      tpu.wait_indirect_dma semaphore(%arg16 : memref<!tpu.dma_semaphore, #tpu.memory_space<semaphore_mem>>) src(%dma_wait3A_1100 : memref<1000000x32xi32, #tpu.memory_space<hbm>>) dst(%dma_wait3A_1094 : memref<104x32xi32, #tpu.memory_space<vmem>>)
      %dma_wait3A_1101 = arith.constant 0 : i32
      %dma_wait3A_1102 = arith.constant 0 : i32
      %dma_wait3A_1103 = arith.constant 104 : i32
      %dma_wait3A_1104 = arith.constant 0 : i32
      %dma_wait3A_1105 = tpu.memref_slice %arg12[%dma_wait3A_1102, %dma_wait3A_1103, %dma_wait3A_1104] : memref<4x200x32xi32, #tpu.memory_space<vmem>> -> memref<1x96x32xi32, #tpu.memory_space<vmem>>
      %dma_wait3A_1106 = tpu.memref_squeeze %dma_wait3A_1105 : memref<1x96x32xi32, #tpu.memory_space<vmem>> -> memref<96x32xi32, #tpu.memory_space<vmem>>
      %dma_wait3A_1107 = arith.constant 104 : i32
      %dma_wait3A_1108 = tpu.memref_slice %arg8[%dma_wait3A_1101, %dma_wait3A_1107] : memref<4x200xi32, #tpu.memory_space<vmem>> -> memref<1x96xi32, #tpu.memory_space<vmem>>
      %dma_wait3A_1109 = tpu.memref_squeeze %dma_wait3A_1108 : memref<1x96xi32, #tpu.memory_space<vmem>> -> memref<96xi32, #tpu.memory_space<vmem>>
      %dma_wait3A_1110 = arith.constant 0 : i32
      %dma_wait3A_1111 = arith.constant 0 : i32
      %dma_wait3A_1112 = tpu.memref_slice %arg2[%dma_wait3A_1110, %dma_wait3A_1111] : memref<1000000x32xi32, #tpu.memory_space<hbm>> -> memref<1000000x32xi32, #tpu.memory_space<hbm>>
      tpu.wait_indirect_dma semaphore(%arg16 : memref<!tpu.dma_semaphore, #tpu.memory_space<semaphore_mem>>) src(%dma_wait3A_1112 : memref<1000000x32xi32, #tpu.memory_space<hbm>>) dst(%dma_wait3A_1106 : memref<96x32xi32, #tpu.memory_space<vmem>>)
      %dma_wait3A_1113 = arith.constant 1 : i32
      %dma_wait3A_1114 = arith.constant 1 : i32
      %dma_wait3A_1115 = arith.constant 0 : i32
      %dma_wait3A_1116 = arith.constant 0 : i32
      %dma_wait3A_1117 = tpu.memref_slice %arg12[%dma_wait3A_1114, %dma_wait3A_1115, %dma_wait3A_1116] : memref<4x200x32xi32, #tpu.memory_space<vmem>> -> memref<1x104x32xi32, #tpu.memory_space<vmem>>
      %dma_wait3A_1118 = tpu.memref_squeeze %dma_wait3A_1117 : memref<1x104x32xi32, #tpu.memory_space<vmem>> -> memref<104x32xi32, #tpu.memory_space<vmem>>
      %dma_wait3A_1119 = arith.constant 0 : i32
      %dma_wait3A_1120 = tpu.memref_slice %arg8[%dma_wait3A_1113, %dma_wait3A_1119] : memref<4x200xi32, #tpu.memory_space<vmem>> -> memref<1x104xi32, #tpu.memory_space<vmem>>
      %dma_wait3A_1121 = tpu.memref_squeeze %dma_wait3A_1120 : memref<1x104xi32, #tpu.memory_space<vmem>> -> memref<104xi32, #tpu.memory_space<vmem>>
      %dma_wait3A_1122 = arith.constant 0 : i32
      %dma_wait3A_1123 = arith.constant 0 : i32
      %dma_wait3A_1124 = tpu.memref_slice %arg2[%dma_wait3A_1122, %dma_wait3A_1123] : memref<1000000x32xi32, #tpu.memory_space<hbm>> -> memref<1000000x32xi32, #tpu.memory_space<hbm>>
      tpu.wait_indirect_dma semaphore(%arg16 : memref<!tpu.dma_semaphore, #tpu.memory_space<semaphore_mem>>) src(%dma_wait3A_1124 : memref<1000000x32xi32, #tpu.memory_space<hbm>>) dst(%dma_wait3A_1118 : memref<104x32xi32, #tpu.memory_space<vmem>>)
      %dma_wait3A_1125 = arith.constant 1 : i32
      %dma_wait3A_1126 = arith.constant 1 : i32
      %dma_wait3A_1127 = arith.constant 104 : i32
      %dma_wait3A_1128 = arith.constant 0 : i32
      %dma_wait3A_1129 = tpu.memref_slice %arg12[%dma_wait3A_1126, %dma_wait3A_1127, %dma_wait3A_1128] : memref<4x200x32xi32, #tpu.memory_space<vmem>> -> memref<1x96x32xi32, #tpu.memory_space<vmem>>
      %dma_wait3A_1130 = tpu.memref_squeeze %dma_wait3A_1129 : memref<1x96x32xi32, #tpu.memory_space<vmem>> -> memref<96x32xi32, #tpu.memory_space<vmem>>
      %dma_wait3A_1131 = arith.constant 104 : i32
      %dma_wait3A_1132 = tpu.memref_slice %arg8[%dma_wait3A_1125, %dma_wait3A_1131] : memref<4x200xi32, #tpu.memory_space<vmem>> -> memref<1x96xi32, #tpu.memory_space<vmem>>
      %dma_wait3A_1133 = tpu.memref_squeeze %dma_wait3A_1132 : memref<1x96xi32, #tpu.memory_space<vmem>> -> memref<96xi32, #tpu.memory_space<vmem>>
      %dma_wait3A_1134 = arith.constant 0 : i32
      %dma_wait3A_1135 = arith.constant 0 : i32
      %dma_wait3A_1136 = tpu.memref_slice %arg2[%dma_wait3A_1134, %dma_wait3A_1135] : memref<1000000x32xi32, #tpu.memory_space<hbm>> -> memref<1000000x32xi32, #tpu.memory_space<hbm>>
      tpu.wait_indirect_dma semaphore(%arg16 : memref<!tpu.dma_semaphore, #tpu.memory_space<semaphore_mem>>) src(%dma_wait3A_1136 : memref<1000000x32xi32, #tpu.memory_space<hbm>>) dst(%dma_wait3A_1130 : memref<96x32xi32, #tpu.memory_space<vmem>>)
      %dma_wait3A_1137 = arith.constant 2 : i32
      %dma_wait3A_1138 = arith.constant 2 : i32
      %dma_wait3A_1139 = arith.constant 0 : i32
      %dma_wait3A_1140 = arith.constant 0 : i32
      %dma_wait3A_1141 = tpu.memref_slice %arg12[%dma_wait3A_1138, %dma_wait3A_1139, %dma_wait3A_1140] : memref<4x200x32xi32, #tpu.memory_space<vmem>> -> memref<1x104x32xi32, #tpu.memory_space<vmem>>
      %dma_wait3A_1142 = tpu.memref_squeeze %dma_wait3A_1141 : memref<1x104x32xi32, #tpu.memory_space<vmem>> -> memref<104x32xi32, #tpu.memory_space<vmem>>
      %dma_wait3A_1143 = arith.constant 0 : i32
      %dma_wait3A_1144 = tpu.memref_slice %arg8[%dma_wait3A_1137, %dma_wait3A_1143] : memref<4x200xi32, #tpu.memory_space<vmem>> -> memref<1x104xi32, #tpu.memory_space<vmem>>
      %dma_wait3A_1145 = tpu.memref_squeeze %dma_wait3A_1144 : memref<1x104xi32, #tpu.memory_space<vmem>> -> memref<104xi32, #tpu.memory_space<vmem>>
      %dma_wait3A_1146 = arith.constant 0 : i32
      %dma_wait3A_1147 = arith.constant 0 : i32
      %dma_wait3A_1148 = tpu.memref_slice %arg2[%dma_wait3A_1146, %dma_wait3A_1147] : memref<1000000x32xi32, #tpu.memory_space<hbm>> -> memref<1000000x32xi32, #tpu.memory_space<hbm>>
      tpu.wait_indirect_dma semaphore(%arg16 : memref<!tpu.dma_semaphore, #tpu.memory_space<semaphore_mem>>) src(%dma_wait3A_1148 : memref<1000000x32xi32, #tpu.memory_space<hbm>>) dst(%dma_wait3A_1142 : memref<104x32xi32, #tpu.memory_space<vmem>>)
      %dma_wait3A_1149 = arith.constant 2 : i32
      %dma_wait3A_1150 = arith.constant 2 : i32
      %dma_wait3A_1151 = arith.constant 104 : i32
      %dma_wait3A_1152 = arith.constant 0 : i32
      %dma_wait3A_1153 = tpu.memref_slice %arg12[%dma_wait3A_1150, %dma_wait3A_1151, %dma_wait3A_1152] : memref<4x200x32xi32, #tpu.memory_space<vmem>> -> memref<1x96x32xi32, #tpu.memory_space<vmem>>
      %dma_wait3A_1154 = tpu.memref_squeeze %dma_wait3A_1153 : memref<1x96x32xi32, #tpu.memory_space<vmem>> -> memref<96x32xi32, #tpu.memory_space<vmem>>
      %dma_wait3A_1155 = arith.constant 104 : i32
      %dma_wait3A_1156 = tpu.memref_slice %arg8[%dma_wait3A_1149, %dma_wait3A_1155] : memref<4x200xi32, #tpu.memory_space<vmem>> -> memref<1x96xi32, #tpu.memory_space<vmem>>
      %dma_wait3A_1157 = tpu.memref_squeeze %dma_wait3A_1156 : memref<1x96xi32, #tpu.memory_space<vmem>> -> memref<96xi32, #tpu.memory_space<vmem>>
      %dma_wait3A_1158 = arith.constant 0 : i32
      %dma_wait3A_1159 = arith.constant 0 : i32
      %dma_wait3A_1160 = tpu.memref_slice %arg2[%dma_wait3A_1158, %dma_wait3A_1159] : memref<1000000x32xi32, #tpu.memory_space<hbm>> -> memref<1000000x32xi32, #tpu.memory_space<hbm>>
      tpu.wait_indirect_dma semaphore(%arg16 : memref<!tpu.dma_semaphore, #tpu.memory_space<semaphore_mem>>) src(%dma_wait3A_1160 : memref<1000000x32xi32, #tpu.memory_space<hbm>>) dst(%dma_wait3A_1154 : memref<96x32xi32, #tpu.memory_space<vmem>>)
      %dma_wait3A_1161 = arith.constant 3 : i32
      %dma_wait3A_1162 = arith.constant 3 : i32
      %dma_wait3A_1163 = arith.constant 0 : i32
      %dma_wait3A_1164 = arith.constant 0 : i32
      %dma_wait3A_1165 = tpu.memref_slice %arg12[%dma_wait3A_1162, %dma_wait3A_1163, %dma_wait3A_1164] : memref<4x200x32xi32, #tpu.memory_space<vmem>> -> memref<1x104x32xi32, #tpu.memory_space<vmem>>
      %dma_wait3A_1166 = tpu.memref_squeeze %dma_wait3A_1165 : memref<1x104x32xi32, #tpu.memory_space<vmem>> -> memref<104x32xi32, #tpu.memory_space<vmem>>
      %dma_wait3A_1167 = arith.constant 0 : i32
      %dma_wait3A_1168 = tpu.memref_slice %arg8[%dma_wait3A_1161, %dma_wait3A_1167] : memref<4x200xi32, #tpu.memory_space<vmem>> -> memref<1x104xi32, #tpu.memory_space<vmem>>
      %dma_wait3A_1169 = tpu.memref_squeeze %dma_wait3A_1168 : memref<1x104xi32, #tpu.memory_space<vmem>> -> memref<104xi32, #tpu.memory_space<vmem>>
      %dma_wait3A_1170 = arith.constant 0 : i32
      %dma_wait3A_1171 = arith.constant 0 : i32
      %dma_wait3A_1172 = tpu.memref_slice %arg2[%dma_wait3A_1170, %dma_wait3A_1171] : memref<1000000x32xi32, #tpu.memory_space<hbm>> -> memref<1000000x32xi32, #tpu.memory_space<hbm>>
      tpu.wait_indirect_dma semaphore(%arg16 : memref<!tpu.dma_semaphore, #tpu.memory_space<semaphore_mem>>) src(%dma_wait3A_1172 : memref<1000000x32xi32, #tpu.memory_space<hbm>>) dst(%dma_wait3A_1166 : memref<104x32xi32, #tpu.memory_space<vmem>>)
      %dma_wait3A_1173 = arith.constant 3 : i32
      %dma_wait3A_1174 = arith.constant 3 : i32
      %dma_wait3A_1175 = arith.constant 104 : i32
      %dma_wait3A_1176 = arith.constant 0 : i32
      %dma_wait3A_1177 = tpu.memref_slice %arg12[%dma_wait3A_1174, %dma_wait3A_1175, %dma_wait3A_1176] : memref<4x200x32xi32, #tpu.memory_space<vmem>> -> memref<1x96x32xi32, #tpu.memory_space<vmem>>
      %dma_wait3A_1178 = tpu.memref_squeeze %dma_wait3A_1177 : memref<1x96x32xi32, #tpu.memory_space<vmem>> -> memref<96x32xi32, #tpu.memory_space<vmem>>
      %dma_wait3A_1179 = arith.constant 104 : i32
      %dma_wait3A_1180 = tpu.memref_slice %arg8[%dma_wait3A_1173, %dma_wait3A_1179] : memref<4x200xi32, #tpu.memory_space<vmem>> -> memref<1x96xi32, #tpu.memory_space<vmem>>
      %dma_wait3A_1181 = tpu.memref_squeeze %dma_wait3A_1180 : memref<1x96xi32, #tpu.memory_space<vmem>> -> memref<96xi32, #tpu.memory_space<vmem>>
      %dma_wait3A_1182 = arith.constant 0 : i32
      %dma_wait3A_1183 = arith.constant 0 : i32
      %dma_wait3A_1184 = tpu.memref_slice %arg2[%dma_wait3A_1182, %dma_wait3A_1183] : memref<1000000x32xi32, #tpu.memory_space<hbm>> -> memref<1000000x32xi32, #tpu.memory_space<hbm>>
      tpu.wait_indirect_dma semaphore(%arg16 : memref<!tpu.dma_semaphore, #tpu.memory_space<semaphore_mem>>) src(%dma_wait3A_1184 : memref<1000000x32xi32, #tpu.memory_space<hbm>>) dst(%dma_wait3A_1178 : memref<96x32xi32, #tpu.memory_space<vmem>>)
      %mul3A_1185 = arith.constant 4 : i32
      %mul3A_1186 = arith.muli %add3A_1088, %mul3A_1185 : i32
      %add3A_1187 = arith.addi %mul3A_2, %mul3A_1186 : i32
      %multiple_of3A_1188 = tpu.assume_multiple %add3A_1187, 4 : i32
      %dma_start3A_1189 = arith.constant 0 : i32
      %dma_start3A_1190 = arith.constant 0 : i32
      %dma_start3A_1191 = tpu.memref_slice %arg4[%multiple_of3A_1188, %dma_start3A_1189, %dma_start3A_1190] : memref<16384x200x32xi32, #tpu.memory_space<hbm>> -> memref<4x200x32xi32, #tpu.memory_space<hbm>>
      %dma_start3A_1192 = arith.constant 0 : i32
      %dma_start3A_1193 = arith.constant 0 : i32
      %dma_start3A_1194 = tpu.memref_slice %arg4[%multiple_of3A_1188, %dma_start3A_1192, %dma_start3A_1193] : memref<16384x200x32xi32, #tpu.memory_space<hbm>> -> memref<4x200x32xi32, #tpu.memory_space<hbm>>
      tpu.enqueue_dma source(%arg12 : memref<4x200x32xi32, #tpu.memory_space<vmem>>) target(%dma_start3A_1194 : memref<4x200x32xi32, #tpu.memory_space<hbm>>) target_semaphore(%arg20 : memref<!tpu.dma_semaphore, #tpu.memory_space<semaphore_mem>>)
      %add3A_1195 = arith.constant 2 : i32
      %add3A_1196 = arith.addi %add3A_1088, %add3A_1195 : i32
      %mul3A_1197 = arith.constant 4 : i32
      %mul3A_1198 = arith.muli %add3A_1196, %mul3A_1197 : i32
      %add3A_1199 = arith.addi %mul3A_2, %mul3A_1198 : i32
      %multiple_of3A_1200 = tpu.assume_multiple %add3A_1199, 4 : i32
      "tpu.region"() ({
        %run_scoped3A = tpu.sem_alloc : memref<!tpu.dma_semaphore, #tpu.memory_space<semaphore_mem>>
        %dma_start3A_1761 = arith.constant 0 : i32
        %dma_start3A_1762 = tpu.memref_slice %arg3[%multiple_of3A_1200, %dma_start3A_1761] : memref<16384x200xi32, #tpu.memory_space<hbm>> -> memref<4x200xi32, #tpu.memory_space<hbm>>
        %dma_start3A_1763 = arith.constant 0 : i32
        %dma_start3A_1764 = tpu.memref_slice %arg3[%multiple_of3A_1200, %dma_start3A_1763] : memref<16384x200xi32, #tpu.memory_space<hbm>> -> memref<4x200xi32, #tpu.memory_space<hbm>>
        tpu.enqueue_dma source(%dma_start3A_1764 : memref<4x200xi32, #tpu.memory_space<hbm>>) target(%arg6 : memref<4x200xi32, #tpu.memory_space<vmem>>) target_semaphore(%run_scoped3A : memref<!tpu.dma_semaphore, #tpu.memory_space<semaphore_mem>>)
        %dma_wait3A_1765 = arith.constant 0 : i32
        %dma_wait3A_1766 = tpu.memref_slice %arg3[%multiple_of3A_1200, %dma_wait3A_1765] : memref<16384x200xi32, #tpu.memory_space<hbm>> -> memref<4x200xi32, #tpu.memory_space<hbm>>
        %dma_wait3A_1767 = arith.constant 0 : i32
        %dma_wait3A_1768 = tpu.memref_slice %arg3[%multiple_of3A_1200, %dma_wait3A_1767] : memref<16384x200xi32, #tpu.memory_space<hbm>> -> memref<4x200xi32, #tpu.memory_space<hbm>>
        tpu.wait_dma2 semaphore(%run_scoped3A : memref<!tpu.dma_semaphore, #tpu.memory_space<semaphore_mem>>) src(%dma_wait3A_1768 : memref<4x200xi32, #tpu.memory_space<hbm>>) dst(%arg6 : memref<4x200xi32, #tpu.memory_space<vmem>>)
        tpu.yield
      }) : () -> ()
      %sub3A_1201 = arith.constant 2 : i32
      %sub3A_1202 = arith.subi %add3A_1088, %sub3A_1201 : i32
      %mul3A_1203 = arith.constant 4 : i32
      %mul3A_1204 = arith.muli %sub3A_1202, %mul3A_1203 : i32
      %add3A_1205 = arith.addi %mul3A_2, %mul3A_1204 : i32
      %multiple_of3A_1206 = tpu.assume_multiple %add3A_1205, 4 : i32
      %dma_wait3A_1207 = arith.constant 0 : i32
      %dma_wait3A_1208 = arith.constant 0 : i32
      %dma_wait3A_1209 = tpu.memref_slice %arg4[%multiple_of3A_1206, %dma_wait3A_1207, %dma_wait3A_1208] : memref<16384x200x32xi32, #tpu.memory_space<hbm>> -> memref<4x200x32xi32, #tpu.memory_space<hbm>>
      %dma_wait3A_1210 = arith.constant 0 : i32
      %dma_wait3A_1211 = arith.constant 0 : i32
      %dma_wait3A_1212 = tpu.memref_slice %arg4[%multiple_of3A_1206, %dma_wait3A_1210, %dma_wait3A_1211] : memref<16384x200x32xi32, #tpu.memory_space<hbm>> -> memref<4x200x32xi32, #tpu.memory_space<hbm>>
      tpu.wait_dma2 semaphore(%arg18 : memref<!tpu.dma_semaphore, #tpu.memory_space<semaphore_mem>>) src(%arg10 : memref<4x200x32xi32, #tpu.memory_space<vmem>>) dst(%dma_wait3A_1212 : memref<4x200x32xi32, #tpu.memory_space<hbm>>)
      %dma_start3A_1213 = arith.constant 0 : i32
      %dma_start3A_1214 = arith.constant 0 : i32
      %dma_start3A_1215 = arith.constant 0 : i32
      %dma_start3A_1216 = arith.constant 0 : i32
      %dma_start3A_1217 = tpu.memref_slice %arg10[%dma_start3A_1214, %dma_start3A_1215, %dma_start3A_1216] : memref<4x200x32xi32, #tpu.memory_space<vmem>> -> memref<1x104x32xi32, #tpu.memory_space<vmem>>
      %dma_start3A_1218 = tpu.memref_squeeze %dma_start3A_1217 : memref<1x104x32xi32, #tpu.memory_space<vmem>> -> memref<104x32xi32, #tpu.memory_space<vmem>>
      %dma_start3A_1219 = arith.constant 0 : i32
      %dma_start3A_1220 = tpu.memref_slice %arg6[%dma_start3A_1213, %dma_start3A_1219] : memref<4x200xi32, #tpu.memory_space<vmem>> -> memref<1x104xi32, #tpu.memory_space<vmem>>
      %dma_start3A_1221 = tpu.memref_squeeze %dma_start3A_1220 : memref<1x104xi32, #tpu.memory_space<vmem>> -> memref<104xi32, #tpu.memory_space<vmem>>
      %dma_start3A_1222 = arith.constant 0 : i32
      %dma_start3A_1223 = arith.constant 0 : i32
      %dma_start3A_1224 = tpu.memref_slice %arg2[%dma_start3A_1222, %dma_start3A_1223] : memref<1000000x32xi32, #tpu.memory_space<hbm>> -> memref<1000000x32xi32, #tpu.memory_space<hbm>>
      tpu.enqueue_indirect_dma source(%dma_start3A_1224 : memref<1000000x32xi32, #tpu.memory_space<hbm>>) target(%dma_start3A_1218 : memref<104x32xi32, #tpu.memory_space<vmem>>) offsets(%dma_start3A_1221 : memref<104xi32, #tpu.memory_space<vmem>>) semaphore(%arg14 : memref<!tpu.dma_semaphore, #tpu.memory_space<semaphore_mem>>)
      %dma_start3A_1225 = arith.constant 0 : i32
      %dma_start3A_1226 = arith.constant 0 : i32
      %dma_start3A_1227 = arith.constant 104 : i32
      %dma_start3A_1228 = arith.constant 0 : i32
      %dma_start3A_1229 = tpu.memref_slice %arg10[%dma_start3A_1226, %dma_start3A_1227, %dma_start3A_1228] : memref<4x200x32xi32, #tpu.memory_space<vmem>> -> memref<1x96x32xi32, #tpu.memory_space<vmem>>
      %dma_start3A_1230 = tpu.memref_squeeze %dma_start3A_1229 : memref<1x96x32xi32, #tpu.memory_space<vmem>> -> memref<96x32xi32, #tpu.memory_space<vmem>>
      %dma_start3A_1231 = arith.constant 104 : i32
      %dma_start3A_1232 = tpu.memref_slice %arg6[%dma_start3A_1225, %dma_start3A_1231] : memref<4x200xi32, #tpu.memory_space<vmem>> -> memref<1x96xi32, #tpu.memory_space<vmem>>
      %dma_start3A_1233 = tpu.memref_squeeze %dma_start3A_1232 : memref<1x96xi32, #tpu.memory_space<vmem>> -> memref<96xi32, #tpu.memory_space<vmem>>
      %dma_start3A_1234 = arith.constant 0 : i32
      %dma_start3A_1235 = arith.constant 0 : i32
      %dma_start3A_1236 = tpu.memref_slice %arg2[%dma_start3A_1234, %dma_start3A_1235] : memref<1000000x32xi32, #tpu.memory_space<hbm>> -> memref<1000000x32xi32, #tpu.memory_space<hbm>>
      tpu.enqueue_indirect_dma source(%dma_start3A_1236 : memref<1000000x32xi32, #tpu.memory_space<hbm>>) target(%dma_start3A_1230 : memref<96x32xi32, #tpu.memory_space<vmem>>) offsets(%dma_start3A_1233 : memref<96xi32, #tpu.memory_space<vmem>>) semaphore(%arg14 : memref<!tpu.dma_semaphore, #tpu.memory_space<semaphore_mem>>)
      %dma_start3A_1237 = arith.constant 1 : i32
      %dma_start3A_1238 = arith.constant 1 : i32
      %dma_start3A_1239 = arith.constant 0 : i32
      %dma_start3A_1240 = arith.constant 0 : i32
      %dma_start3A_1241 = tpu.memref_slice %arg10[%dma_start3A_1238, %dma_start3A_1239, %dma_start3A_1240] : memref<4x200x32xi32, #tpu.memory_space<vmem>> -> memref<1x104x32xi32, #tpu.memory_space<vmem>>
      %dma_start3A_1242 = tpu.memref_squeeze %dma_start3A_1241 : memref<1x104x32xi32, #tpu.memory_space<vmem>> -> memref<104x32xi32, #tpu.memory_space<vmem>>
      %dma_start3A_1243 = arith.constant 0 : i32
      %dma_start3A_1244 = tpu.memref_slice %arg6[%dma_start3A_1237, %dma_start3A_1243] : memref<4x200xi32, #tpu.memory_space<vmem>> -> memref<1x104xi32, #tpu.memory_space<vmem>>
      %dma_start3A_1245 = tpu.memref_squeeze %dma_start3A_1244 : memref<1x104xi32, #tpu.memory_space<vmem>> -> memref<104xi32, #tpu.memory_space<vmem>>
      %dma_start3A_1246 = arith.constant 0 : i32
      %dma_start3A_1247 = arith.constant 0 : i32
      %dma_start3A_1248 = tpu.memref_slice %arg2[%dma_start3A_1246, %dma_start3A_1247] : memref<1000000x32xi32, #tpu.memory_space<hbm>> -> memref<1000000x32xi32, #tpu.memory_space<hbm>>
      tpu.enqueue_indirect_dma source(%dma_start3A_1248 : memref<1000000x32xi32, #tpu.memory_space<hbm>>) target(%dma_start3A_1242 : memref<104x32xi32, #tpu.memory_space<vmem>>) offsets(%dma_start3A_1245 : memref<104xi32, #tpu.memory_space<vmem>>) semaphore(%arg14 : memref<!tpu.dma_semaphore, #tpu.memory_space<semaphore_mem>>)
      %dma_start3A_1249 = arith.constant 1 : i32
      %dma_start3A_1250 = arith.constant 1 : i32
      %dma_start3A_1251 = arith.constant 104 : i32
      %dma_start3A_1252 = arith.constant 0 : i32
      %dma_start3A_1253 = tpu.memref_slice %arg10[%dma_start3A_1250, %dma_start3A_1251, %dma_start3A_1252] : memref<4x200x32xi32, #tpu.memory_space<vmem>> -> memref<1x96x32xi32, #tpu.memory_space<vmem>>
      %dma_start3A_1254 = tpu.memref_squeeze %dma_start3A_1253 : memref<1x96x32xi32, #tpu.memory_space<vmem>> -> memref<96x32xi32, #tpu.memory_space<vmem>>
      %dma_start3A_1255 = arith.constant 104 : i32
      %dma_start3A_1256 = tpu.memref_slice %arg6[%dma_start3A_1249, %dma_start3A_1255] : memref<4x200xi32, #tpu.memory_space<vmem>> -> memref<1x96xi32, #tpu.memory_space<vmem>>
      %dma_start3A_1257 = tpu.memref_squeeze %dma_start3A_1256 : memref<1x96xi32, #tpu.memory_space<vmem>> -> memref<96xi32, #tpu.memory_space<vmem>>
      %dma_start3A_1258 = arith.constant 0 : i32
      %dma_start3A_1259 = arith.constant 0 : i32
      %dma_start3A_1260 = tpu.memref_slice %arg2[%dma_start3A_1258, %dma_start3A_1259] : memref<1000000x32xi32, #tpu.memory_space<hbm>> -> memref<1000000x32xi32, #tpu.memory_space<hbm>>
      tpu.enqueue_indirect_dma source(%dma_start3A_1260 : memref<1000000x32xi32, #tpu.memory_space<hbm>>) target(%dma_start3A_1254 : memref<96x32xi32, #tpu.memory_space<vmem>>) offsets(%dma_start3A_1257 : memref<96xi32, #tpu.memory_space<vmem>>) semaphore(%arg14 : memref<!tpu.dma_semaphore, #tpu.memory_space<semaphore_mem>>)
      %dma_start3A_1261 = arith.constant 2 : i32
      %dma_start3A_1262 = arith.constant 2 : i32
      %dma_start3A_1263 = arith.constant 0 : i32
      %dma_start3A_1264 = arith.constant 0 : i32
      %dma_start3A_1265 = tpu.memref_slice %arg10[%dma_start3A_1262, %dma_start3A_1263, %dma_start3A_1264] : memref<4x200x32xi32, #tpu.memory_space<vmem>> -> memref<1x104x32xi32, #tpu.memory_space<vmem>>
      %dma_start3A_1266 = tpu.memref_squeeze %dma_start3A_1265 : memref<1x104x32xi32, #tpu.memory_space<vmem>> -> memref<104x32xi32, #tpu.memory_space<vmem>>
      %dma_start3A_1267 = arith.constant 0 : i32
      %dma_start3A_1268 = tpu.memref_slice %arg6[%dma_start3A_1261, %dma_start3A_1267] : memref<4x200xi32, #tpu.memory_space<vmem>> -> memref<1x104xi32, #tpu.memory_space<vmem>>
      %dma_start3A_1269 = tpu.memref_squeeze %dma_start3A_1268 : memref<1x104xi32, #tpu.memory_space<vmem>> -> memref<104xi32, #tpu.memory_space<vmem>>
      %dma_start3A_1270 = arith.constant 0 : i32
      %dma_start3A_1271 = arith.constant 0 : i32
      %dma_start3A_1272 = tpu.memref_slice %arg2[%dma_start3A_1270, %dma_start3A_1271] : memref<1000000x32xi32, #tpu.memory_space<hbm>> -> memref<1000000x32xi32, #tpu.memory_space<hbm>>
      tpu.enqueue_indirect_dma source(%dma_start3A_1272 : memref<1000000x32xi32, #tpu.memory_space<hbm>>) target(%dma_start3A_1266 : memref<104x32xi32, #tpu.memory_space<vmem>>) offsets(%dma_start3A_1269 : memref<104xi32, #tpu.memory_space<vmem>>) semaphore(%arg14 : memref<!tpu.dma_semaphore, #tpu.memory_space<semaphore_mem>>)
      %dma_start3A_1273 = arith.constant 2 : i32
      %dma_start3A_1274 = arith.constant 2 : i32
      %dma_start3A_1275 = arith.constant 104 : i32
      %dma_start3A_1276 = arith.constant 0 : i32
      %dma_start3A_1277 = tpu.memref_slice %arg10[%dma_start3A_1274, %dma_start3A_1275, %dma_start3A_1276] : memref<4x200x32xi32, #tpu.memory_space<vmem>> -> memref<1x96x32xi32, #tpu.memory_space<vmem>>
      %dma_start3A_1278 = tpu.memref_squeeze %dma_start3A_1277 : memref<1x96x32xi32, #tpu.memory_space<vmem>> -> memref<96x32xi32, #tpu.memory_space<vmem>>
      %dma_start3A_1279 = arith.constant 104 : i32
      %dma_start3A_1280 = tpu.memref_slice %arg6[%dma_start3A_1273, %dma_start3A_1279] : memref<4x200xi32, #tpu.memory_space<vmem>> -> memref<1x96xi32, #tpu.memory_space<vmem>>
      %dma_start3A_1281 = tpu.memref_squeeze %dma_start3A_1280 : memref<1x96xi32, #tpu.memory_space<vmem>> -> memref<96xi32, #tpu.memory_space<vmem>>
      %dma_start3A_1282 = arith.constant 0 : i32
      %dma_start3A_1283 = arith.constant 0 : i32
      %dma_start3A_1284 = tpu.memref_slice %arg2[%dma_start3A_1282, %dma_start3A_1283] : memref<1000000x32xi32, #tpu.memory_space<hbm>> -> memref<1000000x32xi32, #tpu.memory_space<hbm>>
      tpu.enqueue_indirect_dma source(%dma_start3A_1284 : memref<1000000x32xi32, #tpu.memory_space<hbm>>) target(%dma_start3A_1278 : memref<96x32xi32, #tpu.memory_space<vmem>>) offsets(%dma_start3A_1281 : memref<96xi32, #tpu.memory_space<vmem>>) semaphore(%arg14 : memref<!tpu.dma_semaphore, #tpu.memory_space<semaphore_mem>>)
      %dma_start3A_1285 = arith.constant 3 : i32
      %dma_start3A_1286 = arith.constant 3 : i32
      %dma_start3A_1287 = arith.constant 0 : i32
      %dma_start3A_1288 = arith.constant 0 : i32
      %dma_start3A_1289 = tpu.memref_slice %arg10[%dma_start3A_1286, %dma_start3A_1287, %dma_start3A_1288] : memref<4x200x32xi32, #tpu.memory_space<vmem>> -> memref<1x104x32xi32, #tpu.memory_space<vmem>>
      %dma_start3A_1290 = tpu.memref_squeeze %dma_start3A_1289 : memref<1x104x32xi32, #tpu.memory_space<vmem>> -> memref<104x32xi32, #tpu.memory_space<vmem>>
      %dma_start3A_1291 = arith.constant 0 : i32
      %dma_start3A_1292 = tpu.memref_slice %arg6[%dma_start3A_1285, %dma_start3A_1291] : memref<4x200xi32, #tpu.memory_space<vmem>> -> memref<1x104xi32, #tpu.memory_space<vmem>>
      %dma_start3A_1293 = tpu.memref_squeeze %dma_start3A_1292 : memref<1x104xi32, #tpu.memory_space<vmem>> -> memref<104xi32, #tpu.memory_space<vmem>>
      %dma_start3A_1294 = arith.constant 0 : i32
      %dma_start3A_1295 = arith.constant 0 : i32
      %dma_start3A_1296 = tpu.memref_slice %arg2[%dma_start3A_1294, %dma_start3A_1295] : memref<1000000x32xi32, #tpu.memory_space<hbm>> -> memref<1000000x32xi32, #tpu.memory_space<hbm>>
      tpu.enqueue_indirect_dma source(%dma_start3A_1296 : memref<1000000x32xi32, #tpu.memory_space<hbm>>) target(%dma_start3A_1290 : memref<104x32xi32, #tpu.memory_space<vmem>>) offsets(%dma_start3A_1293 : memref<104xi32, #tpu.memory_space<vmem>>) semaphore(%arg14 : memref<!tpu.dma_semaphore, #tpu.memory_space<semaphore_mem>>)
      %dma_start3A_1297 = arith.constant 3 : i32
      %dma_start3A_1298 = arith.constant 3 : i32
      %dma_start3A_1299 = arith.constant 104 : i32
      %dma_start3A_1300 = arith.constant 0 : i32
      %dma_start3A_1301 = tpu.memref_slice %arg10[%dma_start3A_1298, %dma_start3A_1299, %dma_start3A_1300] : memref<4x200x32xi32, #tpu.memory_space<vmem>> -> memref<1x96x32xi32, #tpu.memory_space<vmem>>
      %dma_start3A_1302 = tpu.memref_squeeze %dma_start3A_1301 : memref<1x96x32xi32, #tpu.memory_space<vmem>> -> memref<96x32xi32, #tpu.memory_space<vmem>>
      %dma_start3A_1303 = arith.constant 104 : i32
      %dma_start3A_1304 = tpu.memref_slice %arg6[%dma_start3A_1297, %dma_start3A_1303] : memref<4x200xi32, #tpu.memory_space<vmem>> -> memref<1x96xi32, #tpu.memory_space<vmem>>
      %dma_start3A_1305 = tpu.memref_squeeze %dma_start3A_1304 : memref<1x96xi32, #tpu.memory_space<vmem>> -> memref<96xi32, #tpu.memory_space<vmem>>
      %dma_start3A_1306 = arith.constant 0 : i32
      %dma_start3A_1307 = arith.constant 0 : i32
      %dma_start3A_1308 = tpu.memref_slice %arg2[%dma_start3A_1306, %dma_start3A_1307] : memref<1000000x32xi32, #tpu.memory_space<hbm>> -> memref<1000000x32xi32, #tpu.memory_space<hbm>>
      tpu.enqueue_indirect_dma source(%dma_start3A_1308 : memref<1000000x32xi32, #tpu.memory_space<hbm>>) target(%dma_start3A_1302 : memref<96x32xi32, #tpu.memory_space<vmem>>) offsets(%dma_start3A_1305 : memref<96xi32, #tpu.memory_space<vmem>>) semaphore(%arg14 : memref<!tpu.dma_semaphore, #tpu.memory_space<semaphore_mem>>)
      %mul3A_1309 = arith.constant 4 : i32
      %mul3A_1310 = arith.muli %scan3A_857, %mul3A_1309 : i32
      %add3A_1311 = arith.constant 2 : i32
      %add3A_1312 = arith.addi %add3A_1311, %mul3A_1310 : i32
      %add3A_1313 = arith.constant 2 : i32
      %add3A_1314 = arith.addi %add3A_1312, %add3A_1313 : i32
      %dma_wait3A_1315 = arith.constant 0 : i32
      %dma_wait3A_1316 = arith.constant 0 : i32
      %dma_wait3A_1317 = arith.constant 0 : i32
      %dma_wait3A_1318 = arith.constant 0 : i32
      %dma_wait3A_1319 = tpu.memref_slice %arg9[%dma_wait3A_1316, %dma_wait3A_1317, %dma_wait3A_1318] : memref<4x200x32xi32, #tpu.memory_space<vmem>> -> memref<1x104x32xi32, #tpu.memory_space<vmem>>
      %dma_wait3A_1320 = tpu.memref_squeeze %dma_wait3A_1319 : memref<1x104x32xi32, #tpu.memory_space<vmem>> -> memref<104x32xi32, #tpu.memory_space<vmem>>
      %dma_wait3A_1321 = arith.constant 0 : i32
      %dma_wait3A_1322 = tpu.memref_slice %arg5[%dma_wait3A_1315, %dma_wait3A_1321] : memref<4x200xi32, #tpu.memory_space<vmem>> -> memref<1x104xi32, #tpu.memory_space<vmem>>
      %dma_wait3A_1323 = tpu.memref_squeeze %dma_wait3A_1322 : memref<1x104xi32, #tpu.memory_space<vmem>> -> memref<104xi32, #tpu.memory_space<vmem>>
      %dma_wait3A_1324 = arith.constant 0 : i32
      %dma_wait3A_1325 = arith.constant 0 : i32
      %dma_wait3A_1326 = tpu.memref_slice %arg2[%dma_wait3A_1324, %dma_wait3A_1325] : memref<1000000x32xi32, #tpu.memory_space<hbm>> -> memref<1000000x32xi32, #tpu.memory_space<hbm>>
      tpu.wait_indirect_dma semaphore(%arg13 : memref<!tpu.dma_semaphore, #tpu.memory_space<semaphore_mem>>) src(%dma_wait3A_1326 : memref<1000000x32xi32, #tpu.memory_space<hbm>>) dst(%dma_wait3A_1320 : memref<104x32xi32, #tpu.memory_space<vmem>>)
      %dma_wait3A_1327 = arith.constant 0 : i32
      %dma_wait3A_1328 = arith.constant 0 : i32
      %dma_wait3A_1329 = arith.constant 104 : i32
      %dma_wait3A_1330 = arith.constant 0 : i32
      %dma_wait3A_1331 = tpu.memref_slice %arg9[%dma_wait3A_1328, %dma_wait3A_1329, %dma_wait3A_1330] : memref<4x200x32xi32, #tpu.memory_space<vmem>> -> memref<1x96x32xi32, #tpu.memory_space<vmem>>
      %dma_wait3A_1332 = tpu.memref_squeeze %dma_wait3A_1331 : memref<1x96x32xi32, #tpu.memory_space<vmem>> -> memref<96x32xi32, #tpu.memory_space<vmem>>
      %dma_wait3A_1333 = arith.constant 104 : i32
      %dma_wait3A_1334 = tpu.memref_slice %arg5[%dma_wait3A_1327, %dma_wait3A_1333] : memref<4x200xi32, #tpu.memory_space<vmem>> -> memref<1x96xi32, #tpu.memory_space<vmem>>
      %dma_wait3A_1335 = tpu.memref_squeeze %dma_wait3A_1334 : memref<1x96xi32, #tpu.memory_space<vmem>> -> memref<96xi32, #tpu.memory_space<vmem>>
      %dma_wait3A_1336 = arith.constant 0 : i32
      %dma_wait3A_1337 = arith.constant 0 : i32
      %dma_wait3A_1338 = tpu.memref_slice %arg2[%dma_wait3A_1336, %dma_wait3A_1337] : memref<1000000x32xi32, #tpu.memory_space<hbm>> -> memref<1000000x32xi32, #tpu.memory_space<hbm>>
      tpu.wait_indirect_dma semaphore(%arg13 : memref<!tpu.dma_semaphore, #tpu.memory_space<semaphore_mem>>) src(%dma_wait3A_1338 : memref<1000000x32xi32, #tpu.memory_space<hbm>>) dst(%dma_wait3A_1332 : memref<96x32xi32, #tpu.memory_space<vmem>>)
      %dma_wait3A_1339 = arith.constant 1 : i32
      %dma_wait3A_1340 = arith.constant 1 : i32
      %dma_wait3A_1341 = arith.constant 0 : i32
      %dma_wait3A_1342 = arith.constant 0 : i32
      %dma_wait3A_1343 = tpu.memref_slice %arg9[%dma_wait3A_1340, %dma_wait3A_1341, %dma_wait3A_1342] : memref<4x200x32xi32, #tpu.memory_space<vmem>> -> memref<1x104x32xi32, #tpu.memory_space<vmem>>
      %dma_wait3A_1344 = tpu.memref_squeeze %dma_wait3A_1343 : memref<1x104x32xi32, #tpu.memory_space<vmem>> -> memref<104x32xi32, #tpu.memory_space<vmem>>
      %dma_wait3A_1345 = arith.constant 0 : i32
      %dma_wait3A_1346 = tpu.memref_slice %arg5[%dma_wait3A_1339, %dma_wait3A_1345] : memref<4x200xi32, #tpu.memory_space<vmem>> -> memref<1x104xi32, #tpu.memory_space<vmem>>
      %dma_wait3A_1347 = tpu.memref_squeeze %dma_wait3A_1346 : memref<1x104xi32, #tpu.memory_space<vmem>> -> memref<104xi32, #tpu.memory_space<vmem>>
      %dma_wait3A_1348 = arith.constant 0 : i32
      %dma_wait3A_1349 = arith.constant 0 : i32
      %dma_wait3A_1350 = tpu.memref_slice %arg2[%dma_wait3A_1348, %dma_wait3A_1349] : memref<1000000x32xi32, #tpu.memory_space<hbm>> -> memref<1000000x32xi32, #tpu.memory_space<hbm>>
      tpu.wait_indirect_dma semaphore(%arg13 : memref<!tpu.dma_semaphore, #tpu.memory_space<semaphore_mem>>) src(%dma_wait3A_1350 : memref<1000000x32xi32, #tpu.memory_space<hbm>>) dst(%dma_wait3A_1344 : memref<104x32xi32, #tpu.memory_space<vmem>>)
      %dma_wait3A_1351 = arith.constant 1 : i32
      %dma_wait3A_1352 = arith.constant 1 : i32
      %dma_wait3A_1353 = arith.constant 104 : i32
      %dma_wait3A_1354 = arith.constant 0 : i32
      %dma_wait3A_1355 = tpu.memref_slice %arg9[%dma_wait3A_1352, %dma_wait3A_1353, %dma_wait3A_1354] : memref<4x200x32xi32, #tpu.memory_space<vmem>> -> memref<1x96x32xi32, #tpu.memory_space<vmem>>
      %dma_wait3A_1356 = tpu.memref_squeeze %dma_wait3A_1355 : memref<1x96x32xi32, #tpu.memory_space<vmem>> -> memref<96x32xi32, #tpu.memory_space<vmem>>
      %dma_wait3A_1357 = arith.constant 104 : i32
      %dma_wait3A_1358 = tpu.memref_slice %arg5[%dma_wait3A_1351, %dma_wait3A_1357] : memref<4x200xi32, #tpu.memory_space<vmem>> -> memref<1x96xi32, #tpu.memory_space<vmem>>
      %dma_wait3A_1359 = tpu.memref_squeeze %dma_wait3A_1358 : memref<1x96xi32, #tpu.memory_space<vmem>> -> memref<96xi32, #tpu.memory_space<vmem>>
      %dma_wait3A_1360 = arith.constant 0 : i32
      %dma_wait3A_1361 = arith.constant 0 : i32
      %dma_wait3A_1362 = tpu.memref_slice %arg2[%dma_wait3A_1360, %dma_wait3A_1361] : memref<1000000x32xi32, #tpu.memory_space<hbm>> -> memref<1000000x32xi32, #tpu.memory_space<hbm>>
      tpu.wait_indirect_dma semaphore(%arg13 : memref<!tpu.dma_semaphore, #tpu.memory_space<semaphore_mem>>) src(%dma_wait3A_1362 : memref<1000000x32xi32, #tpu.memory_space<hbm>>) dst(%dma_wait3A_1356 : memref<96x32xi32, #tpu.memory_space<vmem>>)
      %dma_wait3A_1363 = arith.constant 2 : i32
      %dma_wait3A_1364 = arith.constant 2 : i32
      %dma_wait3A_1365 = arith.constant 0 : i32
      %dma_wait3A_1366 = arith.constant 0 : i32
      %dma_wait3A_1367 = tpu.memref_slice %arg9[%dma_wait3A_1364, %dma_wait3A_1365, %dma_wait3A_1366] : memref<4x200x32xi32, #tpu.memory_space<vmem>> -> memref<1x104x32xi32, #tpu.memory_space<vmem>>
      %dma_wait3A_1368 = tpu.memref_squeeze %dma_wait3A_1367 : memref<1x104x32xi32, #tpu.memory_space<vmem>> -> memref<104x32xi32, #tpu.memory_space<vmem>>
      %dma_wait3A_1369 = arith.constant 0 : i32
      %dma_wait3A_1370 = tpu.memref_slice %arg5[%dma_wait3A_1363, %dma_wait3A_1369] : memref<4x200xi32, #tpu.memory_space<vmem>> -> memref<1x104xi32, #tpu.memory_space<vmem>>
      %dma_wait3A_1371 = tpu.memref_squeeze %dma_wait3A_1370 : memref<1x104xi32, #tpu.memory_space<vmem>> -> memref<104xi32, #tpu.memory_space<vmem>>
      %dma_wait3A_1372 = arith.constant 0 : i32
      %dma_wait3A_1373 = arith.constant 0 : i32
      %dma_wait3A_1374 = tpu.memref_slice %arg2[%dma_wait3A_1372, %dma_wait3A_1373] : memref<1000000x32xi32, #tpu.memory_space<hbm>> -> memref<1000000x32xi32, #tpu.memory_space<hbm>>
      tpu.wait_indirect_dma semaphore(%arg13 : memref<!tpu.dma_semaphore, #tpu.memory_space<semaphore_mem>>) src(%dma_wait3A_1374 : memref<1000000x32xi32, #tpu.memory_space<hbm>>) dst(%dma_wait3A_1368 : memref<104x32xi32, #tpu.memory_space<vmem>>)
      %dma_wait3A_1375 = arith.constant 2 : i32
      %dma_wait3A_1376 = arith.constant 2 : i32
      %dma_wait3A_1377 = arith.constant 104 : i32
      %dma_wait3A_1378 = arith.constant 0 : i32
      %dma_wait3A_1379 = tpu.memref_slice %arg9[%dma_wait3A_1376, %dma_wait3A_1377, %dma_wait3A_1378] : memref<4x200x32xi32, #tpu.memory_space<vmem>> -> memref<1x96x32xi32, #tpu.memory_space<vmem>>
      %dma_wait3A_1380 = tpu.memref_squeeze %dma_wait3A_1379 : memref<1x96x32xi32, #tpu.memory_space<vmem>> -> memref<96x32xi32, #tpu.memory_space<vmem>>
      %dma_wait3A_1381 = arith.constant 104 : i32
      %dma_wait3A_1382 = tpu.memref_slice %arg5[%dma_wait3A_1375, %dma_wait3A_1381] : memref<4x200xi32, #tpu.memory_space<vmem>> -> memref<1x96xi32, #tpu.memory_space<vmem>>
      %dma_wait3A_1383 = tpu.memref_squeeze %dma_wait3A_1382 : memref<1x96xi32, #tpu.memory_space<vmem>> -> memref<96xi32, #tpu.memory_space<vmem>>
      %dma_wait3A_1384 = arith.constant 0 : i32
      %dma_wait3A_1385 = arith.constant 0 : i32
      %dma_wait3A_1386 = tpu.memref_slice %arg2[%dma_wait3A_1384, %dma_wait3A_1385] : memref<1000000x32xi32, #tpu.memory_space<hbm>> -> memref<1000000x32xi32, #tpu.memory_space<hbm>>
      tpu.wait_indirect_dma semaphore(%arg13 : memref<!tpu.dma_semaphore, #tpu.memory_space<semaphore_mem>>) src(%dma_wait3A_1386 : memref<1000000x32xi32, #tpu.memory_space<hbm>>) dst(%dma_wait3A_1380 : memref<96x32xi32, #tpu.memory_space<vmem>>)
      %dma_wait3A_1387 = arith.constant 3 : i32
      %dma_wait3A_1388 = arith.constant 3 : i32
      %dma_wait3A_1389 = arith.constant 0 : i32
      %dma_wait3A_1390 = arith.constant 0 : i32
      %dma_wait3A_1391 = tpu.memref_slice %arg9[%dma_wait3A_1388, %dma_wait3A_1389, %dma_wait3A_1390] : memref<4x200x32xi32, #tpu.memory_space<vmem>> -> memref<1x104x32xi32, #tpu.memory_space<vmem>>
      %dma_wait3A_1392 = tpu.memref_squeeze %dma_wait3A_1391 : memref<1x104x32xi32, #tpu.memory_space<vmem>> -> memref<104x32xi32, #tpu.memory_space<vmem>>
      %dma_wait3A_1393 = arith.constant 0 : i32
      %dma_wait3A_1394 = tpu.memref_slice %arg5[%dma_wait3A_1387, %dma_wait3A_1393] : memref<4x200xi32, #tpu.memory_space<vmem>> -> memref<1x104xi32, #tpu.memory_space<vmem>>
      %dma_wait3A_1395 = tpu.memref_squeeze %dma_wait3A_1394 : memref<1x104xi32, #tpu.memory_space<vmem>> -> memref<104xi32, #tpu.memory_space<vmem>>
      %dma_wait3A_1396 = arith.constant 0 : i32
      %dma_wait3A_1397 = arith.constant 0 : i32
      %dma_wait3A_1398 = tpu.memref_slice %arg2[%dma_wait3A_1396, %dma_wait3A_1397] : memref<1000000x32xi32, #tpu.memory_space<hbm>> -> memref<1000000x32xi32, #tpu.memory_space<hbm>>
      tpu.wait_indirect_dma semaphore(%arg13 : memref<!tpu.dma_semaphore, #tpu.memory_space<semaphore_mem>>) src(%dma_wait3A_1398 : memref<1000000x32xi32, #tpu.memory_space<hbm>>) dst(%dma_wait3A_1392 : memref<104x32xi32, #tpu.memory_space<vmem>>)
      %dma_wait3A_1399 = arith.constant 3 : i32
      %dma_wait3A_1400 = arith.constant 3 : i32
      %dma_wait3A_1401 = arith.constant 104 : i32
      %dma_wait3A_1402 = arith.constant 0 : i32
      %dma_wait3A_1403 = tpu.memref_slice %arg9[%dma_wait3A_1400, %dma_wait3A_1401, %dma_wait3A_1402] : memref<4x200x32xi32, #tpu.memory_space<vmem>> -> memref<1x96x32xi32, #tpu.memory_space<vmem>>
      %dma_wait3A_1404 = tpu.memref_squeeze %dma_wait3A_1403 : memref<1x96x32xi32, #tpu.memory_space<vmem>> -> memref<96x32xi32, #tpu.memory_space<vmem>>
      %dma_wait3A_1405 = arith.constant 104 : i32
      %dma_wait3A_1406 = tpu.memref_slice %arg5[%dma_wait3A_1399, %dma_wait3A_1405] : memref<4x200xi32, #tpu.memory_space<vmem>> -> memref<1x96xi32, #tpu.memory_space<vmem>>
      %dma_wait3A_1407 = tpu.memref_squeeze %dma_wait3A_1406 : memref<1x96xi32, #tpu.memory_space<vmem>> -> memref<96xi32, #tpu.memory_space<vmem>>
      %dma_wait3A_1408 = arith.constant 0 : i32
      %dma_wait3A_1409 = arith.constant 0 : i32
      %dma_wait3A_1410 = tpu.memref_slice %arg2[%dma_wait3A_1408, %dma_wait3A_1409] : memref<1000000x32xi32, #tpu.memory_space<hbm>> -> memref<1000000x32xi32, #tpu.memory_space<hbm>>
      tpu.wait_indirect_dma semaphore(%arg13 : memref<!tpu.dma_semaphore, #tpu.memory_space<semaphore_mem>>) src(%dma_wait3A_1410 : memref<1000000x32xi32, #tpu.memory_space<hbm>>) dst(%dma_wait3A_1404 : memref<96x32xi32, #tpu.memory_space<vmem>>)
      %mul3A_1411 = arith.constant 4 : i32
      %mul3A_1412 = arith.muli %add3A_1314, %mul3A_1411 : i32
      %add3A_1413 = arith.addi %mul3A_2, %mul3A_1412 : i32
      %multiple_of3A_1414 = tpu.assume_multiple %add3A_1413, 4 : i32
      %dma_start3A_1415 = arith.constant 0 : i32
      %dma_start3A_1416 = arith.constant 0 : i32
      %dma_start3A_1417 = tpu.memref_slice %arg4[%multiple_of3A_1414, %dma_start3A_1415, %dma_start3A_1416] : memref<16384x200x32xi32, #tpu.memory_space<hbm>> -> memref<4x200x32xi32, #tpu.memory_space<hbm>>
      %dma_start3A_1418 = arith.constant 0 : i32
      %dma_start3A_1419 = arith.constant 0 : i32
      %dma_start3A_1420 = tpu.memref_slice %arg4[%multiple_of3A_1414, %dma_start3A_1418, %dma_start3A_1419] : memref<16384x200x32xi32, #tpu.memory_space<hbm>> -> memref<4x200x32xi32, #tpu.memory_space<hbm>>
      tpu.enqueue_dma source(%arg9 : memref<4x200x32xi32, #tpu.memory_space<vmem>>) target(%dma_start3A_1420 : memref<4x200x32xi32, #tpu.memory_space<hbm>>) target_semaphore(%arg17 : memref<!tpu.dma_semaphore, #tpu.memory_space<semaphore_mem>>)
      %add3A_1421 = arith.constant 2 : i32
      %add3A_1422 = arith.addi %add3A_1314, %add3A_1421 : i32
      %mul3A_1423 = arith.constant 4 : i32
      %mul3A_1424 = arith.muli %add3A_1422, %mul3A_1423 : i32
      %add3A_1425 = arith.addi %mul3A_2, %mul3A_1424 : i32
      %multiple_of3A_1426 = tpu.assume_multiple %add3A_1425, 4 : i32
      "tpu.region"() ({
        %run_scoped3A = tpu.sem_alloc : memref<!tpu.dma_semaphore, #tpu.memory_space<semaphore_mem>>
        %dma_start3A_1761 = arith.constant 0 : i32
        %dma_start3A_1762 = tpu.memref_slice %arg3[%multiple_of3A_1426, %dma_start3A_1761] : memref<16384x200xi32, #tpu.memory_space<hbm>> -> memref<4x200xi32, #tpu.memory_space<hbm>>
        %dma_start3A_1763 = arith.constant 0 : i32
        %dma_start3A_1764 = tpu.memref_slice %arg3[%multiple_of3A_1426, %dma_start3A_1763] : memref<16384x200xi32, #tpu.memory_space<hbm>> -> memref<4x200xi32, #tpu.memory_space<hbm>>
        tpu.enqueue_dma source(%dma_start3A_1764 : memref<4x200xi32, #tpu.memory_space<hbm>>) target(%arg7 : memref<4x200xi32, #tpu.memory_space<vmem>>) target_semaphore(%run_scoped3A : memref<!tpu.dma_semaphore, #tpu.memory_space<semaphore_mem>>)
        %dma_wait3A_1765 = arith.constant 0 : i32
        %dma_wait3A_1766 = tpu.memref_slice %arg3[%multiple_of3A_1426, %dma_wait3A_1765] : memref<16384x200xi32, #tpu.memory_space<hbm>> -> memref<4x200xi32, #tpu.memory_space<hbm>>
        %dma_wait3A_1767 = arith.constant 0 : i32
        %dma_wait3A_1768 = tpu.memref_slice %arg3[%multiple_of3A_1426, %dma_wait3A_1767] : memref<16384x200xi32, #tpu.memory_space<hbm>> -> memref<4x200xi32, #tpu.memory_space<hbm>>
        tpu.wait_dma2 semaphore(%run_scoped3A : memref<!tpu.dma_semaphore, #tpu.memory_space<semaphore_mem>>) src(%dma_wait3A_1768 : memref<4x200xi32, #tpu.memory_space<hbm>>) dst(%arg7 : memref<4x200xi32, #tpu.memory_space<vmem>>)
        tpu.yield
      }) : () -> ()
      %sub3A_1427 = arith.constant 2 : i32
      %sub3A_1428 = arith.subi %add3A_1314, %sub3A_1427 : i32
      %mul3A_1429 = arith.constant 4 : i32
      %mul3A_1430 = arith.muli %sub3A_1428, %mul3A_1429 : i32
      %add3A_1431 = arith.addi %mul3A_2, %mul3A_1430 : i32
      %multiple_of3A_1432 = tpu.assume_multiple %add3A_1431, 4 : i32
      %dma_wait3A_1433 = arith.constant 0 : i32
      %dma_wait3A_1434 = arith.constant 0 : i32
      %dma_wait3A_1435 = tpu.memref_slice %arg4[%multiple_of3A_1432, %dma_wait3A_1433, %dma_wait3A_1434] : memref<16384x200x32xi32, #tpu.memory_space<hbm>> -> memref<4x200x32xi32, #tpu.memory_space<hbm>>
      %dma_wait3A_1436 = arith.constant 0 : i32
      %dma_wait3A_1437 = arith.constant 0 : i32
      %dma_wait3A_1438 = tpu.memref_slice %arg4[%multiple_of3A_1432, %dma_wait3A_1436, %dma_wait3A_1437] : memref<16384x200x32xi32, #tpu.memory_space<hbm>> -> memref<4x200x32xi32, #tpu.memory_space<hbm>>
      tpu.wait_dma2 semaphore(%arg19 : memref<!tpu.dma_semaphore, #tpu.memory_space<semaphore_mem>>) src(%arg11 : memref<4x200x32xi32, #tpu.memory_space<vmem>>) dst(%dma_wait3A_1438 : memref<4x200x32xi32, #tpu.memory_space<hbm>>)
      %dma_start3A_1439 = arith.constant 0 : i32
      %dma_start3A_1440 = arith.constant 0 : i32
      %dma_start3A_1441 = arith.constant 0 : i32
      %dma_start3A_1442 = arith.constant 0 : i32
      %dma_start3A_1443 = tpu.memref_slice %arg11[%dma_start3A_1440, %dma_start3A_1441, %dma_start3A_1442] : memref<4x200x32xi32, #tpu.memory_space<vmem>> -> memref<1x104x32xi32, #tpu.memory_space<vmem>>
      %dma_start3A_1444 = tpu.memref_squeeze %dma_start3A_1443 : memref<1x104x32xi32, #tpu.memory_space<vmem>> -> memref<104x32xi32, #tpu.memory_space<vmem>>
      %dma_start3A_1445 = arith.constant 0 : i32
      %dma_start3A_1446 = tpu.memref_slice %arg7[%dma_start3A_1439, %dma_start3A_1445] : memref<4x200xi32, #tpu.memory_space<vmem>> -> memref<1x104xi32, #tpu.memory_space<vmem>>
      %dma_start3A_1447 = tpu.memref_squeeze %dma_start3A_1446 : memref<1x104xi32, #tpu.memory_space<vmem>> -> memref<104xi32, #tpu.memory_space<vmem>>
      %dma_start3A_1448 = arith.constant 0 : i32
      %dma_start3A_1449 = arith.constant 0 : i32
      %dma_start3A_1450 = tpu.memref_slice %arg2[%dma_start3A_1448, %dma_start3A_1449] : memref<1000000x32xi32, #tpu.memory_space<hbm>> -> memref<1000000x32xi32, #tpu.memory_space<hbm>>
      tpu.enqueue_indirect_dma source(%dma_start3A_1450 : memref<1000000x32xi32, #tpu.memory_space<hbm>>) target(%dma_start3A_1444 : memref<104x32xi32, #tpu.memory_space<vmem>>) offsets(%dma_start3A_1447 : memref<104xi32, #tpu.memory_space<vmem>>) semaphore(%arg15 : memref<!tpu.dma_semaphore, #tpu.memory_space<semaphore_mem>>)
      %dma_start3A_1451 = arith.constant 0 : i32
      %dma_start3A_1452 = arith.constant 0 : i32
      %dma_start3A_1453 = arith.constant 104 : i32
      %dma_start3A_1454 = arith.constant 0 : i32
      %dma_start3A_1455 = tpu.memref_slice %arg11[%dma_start3A_1452, %dma_start3A_1453, %dma_start3A_1454] : memref<4x200x32xi32, #tpu.memory_space<vmem>> -> memref<1x96x32xi32, #tpu.memory_space<vmem>>
      %dma_start3A_1456 = tpu.memref_squeeze %dma_start3A_1455 : memref<1x96x32xi32, #tpu.memory_space<vmem>> -> memref<96x32xi32, #tpu.memory_space<vmem>>
      %dma_start3A_1457 = arith.constant 104 : i32
      %dma_start3A_1458 = tpu.memref_slice %arg7[%dma_start3A_1451, %dma_start3A_1457] : memref<4x200xi32, #tpu.memory_space<vmem>> -> memref<1x96xi32, #tpu.memory_space<vmem>>
      %dma_start3A_1459 = tpu.memref_squeeze %dma_start3A_1458 : memref<1x96xi32, #tpu.memory_space<vmem>> -> memref<96xi32, #tpu.memory_space<vmem>>
      %dma_start3A_1460 = arith.constant 0 : i32
      %dma_start3A_1461 = arith.constant 0 : i32
      %dma_start3A_1462 = tpu.memref_slice %arg2[%dma_start3A_1460, %dma_start3A_1461] : memref<1000000x32xi32, #tpu.memory_space<hbm>> -> memref<1000000x32xi32, #tpu.memory_space<hbm>>
      tpu.enqueue_indirect_dma source(%dma_start3A_1462 : memref<1000000x32xi32, #tpu.memory_space<hbm>>) target(%dma_start3A_1456 : memref<96x32xi32, #tpu.memory_space<vmem>>) offsets(%dma_start3A_1459 : memref<96xi32, #tpu.memory_space<vmem>>) semaphore(%arg15 : memref<!tpu.dma_semaphore, #tpu.memory_space<semaphore_mem>>)
      %dma_start3A_1463 = arith.constant 1 : i32
      %dma_start3A_1464 = arith.constant 1 : i32
      %dma_start3A_1465 = arith.constant 0 : i32
      %dma_start3A_1466 = arith.constant 0 : i32
      %dma_start3A_1467 = tpu.memref_slice %arg11[%dma_start3A_1464, %dma_start3A_1465, %dma_start3A_1466] : memref<4x200x32xi32, #tpu.memory_space<vmem>> -> memref<1x104x32xi32, #tpu.memory_space<vmem>>
      %dma_start3A_1468 = tpu.memref_squeeze %dma_start3A_1467 : memref<1x104x32xi32, #tpu.memory_space<vmem>> -> memref<104x32xi32, #tpu.memory_space<vmem>>
      %dma_start3A_1469 = arith.constant 0 : i32
      %dma_start3A_1470 = tpu.memref_slice %arg7[%dma_start3A_1463, %dma_start3A_1469] : memref<4x200xi32, #tpu.memory_space<vmem>> -> memref<1x104xi32, #tpu.memory_space<vmem>>
      %dma_start3A_1471 = tpu.memref_squeeze %dma_start3A_1470 : memref<1x104xi32, #tpu.memory_space<vmem>> -> memref<104xi32, #tpu.memory_space<vmem>>
      %dma_start3A_1472 = arith.constant 0 : i32
      %dma_start3A_1473 = arith.constant 0 : i32
      %dma_start3A_1474 = tpu.memref_slice %arg2[%dma_start3A_1472, %dma_start3A_1473] : memref<1000000x32xi32, #tpu.memory_space<hbm>> -> memref<1000000x32xi32, #tpu.memory_space<hbm>>
      tpu.enqueue_indirect_dma source(%dma_start3A_1474 : memref<1000000x32xi32, #tpu.memory_space<hbm>>) target(%dma_start3A_1468 : memref<104x32xi32, #tpu.memory_space<vmem>>) offsets(%dma_start3A_1471 : memref<104xi32, #tpu.memory_space<vmem>>) semaphore(%arg15 : memref<!tpu.dma_semaphore, #tpu.memory_space<semaphore_mem>>)
      %dma_start3A_1475 = arith.constant 1 : i32
      %dma_start3A_1476 = arith.constant 1 : i32
      %dma_start3A_1477 = arith.constant 104 : i32
      %dma_start3A_1478 = arith.constant 0 : i32
      %dma_start3A_1479 = tpu.memref_slice %arg11[%dma_start3A_1476, %dma_start3A_1477, %dma_start3A_1478] : memref<4x200x32xi32, #tpu.memory_space<vmem>> -> memref<1x96x32xi32, #tpu.memory_space<vmem>>
      %dma_start3A_1480 = tpu.memref_squeeze %dma_start3A_1479 : memref<1x96x32xi32, #tpu.memory_space<vmem>> -> memref<96x32xi32, #tpu.memory_space<vmem>>
      %dma_start3A_1481 = arith.constant 104 : i32
      %dma_start3A_1482 = tpu.memref_slice %arg7[%dma_start3A_1475, %dma_start3A_1481] : memref<4x200xi32, #tpu.memory_space<vmem>> -> memref<1x96xi32, #tpu.memory_space<vmem>>
      %dma_start3A_1483 = tpu.memref_squeeze %dma_start3A_1482 : memref<1x96xi32, #tpu.memory_space<vmem>> -> memref<96xi32, #tpu.memory_space<vmem>>
      %dma_start3A_1484 = arith.constant 0 : i32
      %dma_start3A_1485 = arith.constant 0 : i32
      %dma_start3A_1486 = tpu.memref_slice %arg2[%dma_start3A_1484, %dma_start3A_1485] : memref<1000000x32xi32, #tpu.memory_space<hbm>> -> memref<1000000x32xi32, #tpu.memory_space<hbm>>
      tpu.enqueue_indirect_dma source(%dma_start3A_1486 : memref<1000000x32xi32, #tpu.memory_space<hbm>>) target(%dma_start3A_1480 : memref<96x32xi32, #tpu.memory_space<vmem>>) offsets(%dma_start3A_1483 : memref<96xi32, #tpu.memory_space<vmem>>) semaphore(%arg15 : memref<!tpu.dma_semaphore, #tpu.memory_space<semaphore_mem>>)
      %dma_start3A_1487 = arith.constant 2 : i32
      %dma_start3A_1488 = arith.constant 2 : i32
      %dma_start3A_1489 = arith.constant 0 : i32
      %dma_start3A_1490 = arith.constant 0 : i32
      %dma_start3A_1491 = tpu.memref_slice %arg11[%dma_start3A_1488, %dma_start3A_1489, %dma_start3A_1490] : memref<4x200x32xi32, #tpu.memory_space<vmem>> -> memref<1x104x32xi32, #tpu.memory_space<vmem>>
      %dma_start3A_1492 = tpu.memref_squeeze %dma_start3A_1491 : memref<1x104x32xi32, #tpu.memory_space<vmem>> -> memref<104x32xi32, #tpu.memory_space<vmem>>
      %dma_start3A_1493 = arith.constant 0 : i32
      %dma_start3A_1494 = tpu.memref_slice %arg7[%dma_start3A_1487, %dma_start3A_1493] : memref<4x200xi32, #tpu.memory_space<vmem>> -> memref<1x104xi32, #tpu.memory_space<vmem>>
      %dma_start3A_1495 = tpu.memref_squeeze %dma_start3A_1494 : memref<1x104xi32, #tpu.memory_space<vmem>> -> memref<104xi32, #tpu.memory_space<vmem>>
      %dma_start3A_1496 = arith.constant 0 : i32
      %dma_start3A_1497 = arith.constant 0 : i32
      %dma_start3A_1498 = tpu.memref_slice %arg2[%dma_start3A_1496, %dma_start3A_1497] : memref<1000000x32xi32, #tpu.memory_space<hbm>> -> memref<1000000x32xi32, #tpu.memory_space<hbm>>
      tpu.enqueue_indirect_dma source(%dma_start3A_1498 : memref<1000000x32xi32, #tpu.memory_space<hbm>>) target(%dma_start3A_1492 : memref<104x32xi32, #tpu.memory_space<vmem>>) offsets(%dma_start3A_1495 : memref<104xi32, #tpu.memory_space<vmem>>) semaphore(%arg15 : memref<!tpu.dma_semaphore, #tpu.memory_space<semaphore_mem>>)
      %dma_start3A_1499 = arith.constant 2 : i32
      %dma_start3A_1500 = arith.constant 2 : i32
      %dma_start3A_1501 = arith.constant 104 : i32
      %dma_start3A_1502 = arith.constant 0 : i32
      %dma_start3A_1503 = tpu.memref_slice %arg11[%dma_start3A_1500, %dma_start3A_1501, %dma_start3A_1502] : memref<4x200x32xi32, #tpu.memory_space<vmem>> -> memref<1x96x32xi32, #tpu.memory_space<vmem>>
      %dma_start3A_1504 = tpu.memref_squeeze %dma_start3A_1503 : memref<1x96x32xi32, #tpu.memory_space<vmem>> -> memref<96x32xi32, #tpu.memory_space<vmem>>
      %dma_start3A_1505 = arith.constant 104 : i32
      %dma_start3A_1506 = tpu.memref_slice %arg7[%dma_start3A_1499, %dma_start3A_1505] : memref<4x200xi32, #tpu.memory_space<vmem>> -> memref<1x96xi32, #tpu.memory_space<vmem>>
      %dma_start3A_1507 = tpu.memref_squeeze %dma_start3A_1506 : memref<1x96xi32, #tpu.memory_space<vmem>> -> memref<96xi32, #tpu.memory_space<vmem>>
      %dma_start3A_1508 = arith.constant 0 : i32
      %dma_start3A_1509 = arith.constant 0 : i32
      %dma_start3A_1510 = tpu.memref_slice %arg2[%dma_start3A_1508, %dma_start3A_1509] : memref<1000000x32xi32, #tpu.memory_space<hbm>> -> memref<1000000x32xi32, #tpu.memory_space<hbm>>
      tpu.enqueue_indirect_dma source(%dma_start3A_1510 : memref<1000000x32xi32, #tpu.memory_space<hbm>>) target(%dma_start3A_1504 : memref<96x32xi32, #tpu.memory_space<vmem>>) offsets(%dma_start3A_1507 : memref<96xi32, #tpu.memory_space<vmem>>) semaphore(%arg15 : memref<!tpu.dma_semaphore, #tpu.memory_space<semaphore_mem>>)
      %dma_start3A_1511 = arith.constant 3 : i32
      %dma_start3A_1512 = arith.constant 3 : i32
      %dma_start3A_1513 = arith.constant 0 : i32
      %dma_start3A_1514 = arith.constant 0 : i32
      %dma_start3A_1515 = tpu.memref_slice %arg11[%dma_start3A_1512, %dma_start3A_1513, %dma_start3A_1514] : memref<4x200x32xi32, #tpu.memory_space<vmem>> -> memref<1x104x32xi32, #tpu.memory_space<vmem>>
      %dma_start3A_1516 = tpu.memref_squeeze %dma_start3A_1515 : memref<1x104x32xi32, #tpu.memory_space<vmem>> -> memref<104x32xi32, #tpu.memory_space<vmem>>
      %dma_start3A_1517 = arith.constant 0 : i32
      %dma_start3A_1518 = tpu.memref_slice %arg7[%dma_start3A_1511, %dma_start3A_1517] : memref<4x200xi32, #tpu.memory_space<vmem>> -> memref<1x104xi32, #tpu.memory_space<vmem>>
      %dma_start3A_1519 = tpu.memref_squeeze %dma_start3A_1518 : memref<1x104xi32, #tpu.memory_space<vmem>> -> memref<104xi32, #tpu.memory_space<vmem>>
      %dma_start3A_1520 = arith.constant 0 : i32
      %dma_start3A_1521 = arith.constant 0 : i32
      %dma_start3A_1522 = tpu.memref_slice %arg2[%dma_start3A_1520, %dma_start3A_1521] : memref<1000000x32xi32, #tpu.memory_space<hbm>> -> memref<1000000x32xi32, #tpu.memory_space<hbm>>
      tpu.enqueue_indirect_dma source(%dma_start3A_1522 : memref<1000000x32xi32, #tpu.memory_space<hbm>>) target(%dma_start3A_1516 : memref<104x32xi32, #tpu.memory_space<vmem>>) offsets(%dma_start3A_1519 : memref<104xi32, #tpu.memory_space<vmem>>) semaphore(%arg15 : memref<!tpu.dma_semaphore, #tpu.memory_space<semaphore_mem>>)
      %dma_start3A_1523 = arith.constant 3 : i32
      %dma_start3A_1524 = arith.constant 3 : i32
      %dma_start3A_1525 = arith.constant 104 : i32
      %dma_start3A_1526 = arith.constant 0 : i32
      %dma_start3A_1527 = tpu.memref_slice %arg11[%dma_start3A_1524, %dma_start3A_1525, %dma_start3A_1526] : memref<4x200x32xi32, #tpu.memory_space<vmem>> -> memref<1x96x32xi32, #tpu.memory_space<vmem>>
      %dma_start3A_1528 = tpu.memref_squeeze %dma_start3A_1527 : memref<1x96x32xi32, #tpu.memory_space<vmem>> -> memref<96x32xi32, #tpu.memory_space<vmem>>
      %dma_start3A_1529 = arith.constant 104 : i32
      %dma_start3A_1530 = tpu.memref_slice %arg7[%dma_start3A_1523, %dma_start3A_1529] : memref<4x200xi32, #tpu.memory_space<vmem>> -> memref<1x96xi32, #tpu.memory_space<vmem>>
      %dma_start3A_1531 = tpu.memref_squeeze %dma_start3A_1530 : memref<1x96xi32, #tpu.memory_space<vmem>> -> memref<96xi32, #tpu.memory_space<vmem>>
      %dma_start3A_1532 = arith.constant 0 : i32
      %dma_start3A_1533 = arith.constant 0 : i32
      %dma_start3A_1534 = tpu.memref_slice %arg2[%dma_start3A_1532, %dma_start3A_1533] : memref<1000000x32xi32, #tpu.memory_space<hbm>> -> memref<1000000x32xi32, #tpu.memory_space<hbm>>
      tpu.enqueue_indirect_dma source(%dma_start3A_1534 : memref<1000000x32xi32, #tpu.memory_space<hbm>>) target(%dma_start3A_1528 : memref<96x32xi32, #tpu.memory_space<vmem>>) offsets(%dma_start3A_1531 : memref<96xi32, #tpu.memory_space<vmem>>) semaphore(%arg15 : memref<!tpu.dma_semaphore, #tpu.memory_space<semaphore_mem>>)
      %mul3A_1535 = arith.constant 4 : i32
      %mul3A_1536 = arith.muli %scan3A_857, %mul3A_1535 : i32
      %add3A_1537 = arith.constant 2 : i32
      %add3A_1538 = arith.addi %add3A_1537, %mul3A_1536 : i32
      %add3A_1539 = arith.constant 3 : i32
      %add3A_1540 = arith.addi %add3A_1538, %add3A_1539 : i32
      %dma_wait3A_1541 = arith.constant 0 : i32
      %dma_wait3A_1542 = arith.constant 0 : i32
      %dma_wait3A_1543 = arith.constant 0 : i32
      %dma_wait3A_1544 = arith.constant 0 : i32
      %dma_wait3A_1545 = tpu.memref_slice %arg10[%dma_wait3A_1542, %dma_wait3A_1543, %dma_wait3A_1544] : memref<4x200x32xi32, #tpu.memory_space<vmem>> -> memref<1x104x32xi32, #tpu.memory_space<vmem>>
      %dma_wait3A_1546 = tpu.memref_squeeze %dma_wait3A_1545 : memref<1x104x32xi32, #tpu.memory_space<vmem>> -> memref<104x32xi32, #tpu.memory_space<vmem>>
      %dma_wait3A_1547 = arith.constant 0 : i32
      %dma_wait3A_1548 = tpu.memref_slice %arg6[%dma_wait3A_1541, %dma_wait3A_1547] : memref<4x200xi32, #tpu.memory_space<vmem>> -> memref<1x104xi32, #tpu.memory_space<vmem>>
      %dma_wait3A_1549 = tpu.memref_squeeze %dma_wait3A_1548 : memref<1x104xi32, #tpu.memory_space<vmem>> -> memref<104xi32, #tpu.memory_space<vmem>>
      %dma_wait3A_1550 = arith.constant 0 : i32
      %dma_wait3A_1551 = arith.constant 0 : i32
      %dma_wait3A_1552 = tpu.memref_slice %arg2[%dma_wait3A_1550, %dma_wait3A_1551] : memref<1000000x32xi32, #tpu.memory_space<hbm>> -> memref<1000000x32xi32, #tpu.memory_space<hbm>>
      tpu.wait_indirect_dma semaphore(%arg14 : memref<!tpu.dma_semaphore, #tpu.memory_space<semaphore_mem>>) src(%dma_wait3A_1552 : memref<1000000x32xi32, #tpu.memory_space<hbm>>) dst(%dma_wait3A_1546 : memref<104x32xi32, #tpu.memory_space<vmem>>)
      %dma_wait3A_1553 = arith.constant 0 : i32
      %dma_wait3A_1554 = arith.constant 0 : i32
      %dma_wait3A_1555 = arith.constant 104 : i32
      %dma_wait3A_1556 = arith.constant 0 : i32
      %dma_wait3A_1557 = tpu.memref_slice %arg10[%dma_wait3A_1554, %dma_wait3A_1555, %dma_wait3A_1556] : memref<4x200x32xi32, #tpu.memory_space<vmem>> -> memref<1x96x32xi32, #tpu.memory_space<vmem>>
      %dma_wait3A_1558 = tpu.memref_squeeze %dma_wait3A_1557 : memref<1x96x32xi32, #tpu.memory_space<vmem>> -> memref<96x32xi32, #tpu.memory_space<vmem>>
      %dma_wait3A_1559 = arith.constant 104 : i32
      %dma_wait3A_1560 = tpu.memref_slice %arg6[%dma_wait3A_1553, %dma_wait3A_1559] : memref<4x200xi32, #tpu.memory_space<vmem>> -> memref<1x96xi32, #tpu.memory_space<vmem>>
      %dma_wait3A_1561 = tpu.memref_squeeze %dma_wait3A_1560 : memref<1x96xi32, #tpu.memory_space<vmem>> -> memref<96xi32, #tpu.memory_space<vmem>>
      %dma_wait3A_1562 = arith.constant 0 : i32
      %dma_wait3A_1563 = arith.constant 0 : i32
      %dma_wait3A_1564 = tpu.memref_slice %arg2[%dma_wait3A_1562, %dma_wait3A_1563] : memref<1000000x32xi32, #tpu.memory_space<hbm>> -> memref<1000000x32xi32, #tpu.memory_space<hbm>>
      tpu.wait_indirect_dma semaphore(%arg14 : memref<!tpu.dma_semaphore, #tpu.memory_space<semaphore_mem>>) src(%dma_wait3A_1564 : memref<1000000x32xi32, #tpu.memory_space<hbm>>) dst(%dma_wait3A_1558 : memref<96x32xi32, #tpu.memory_space<vmem>>)
      %dma_wait3A_1565 = arith.constant 1 : i32
      %dma_wait3A_1566 = arith.constant 1 : i32
      %dma_wait3A_1567 = arith.constant 0 : i32
      %dma_wait3A_1568 = arith.constant 0 : i32
      %dma_wait3A_1569 = tpu.memref_slice %arg10[%dma_wait3A_1566, %dma_wait3A_1567, %dma_wait3A_1568] : memref<4x200x32xi32, #tpu.memory_space<vmem>> -> memref<1x104x32xi32, #tpu.memory_space<vmem>>
      %dma_wait3A_1570 = tpu.memref_squeeze %dma_wait3A_1569 : memref<1x104x32xi32, #tpu.memory_space<vmem>> -> memref<104x32xi32, #tpu.memory_space<vmem>>
      %dma_wait3A_1571 = arith.constant 0 : i32
      %dma_wait3A_1572 = tpu.memref_slice %arg6[%dma_wait3A_1565, %dma_wait3A_1571] : memref<4x200xi32, #tpu.memory_space<vmem>> -> memref<1x104xi32, #tpu.memory_space<vmem>>
      %dma_wait3A_1573 = tpu.memref_squeeze %dma_wait3A_1572 : memref<1x104xi32, #tpu.memory_space<vmem>> -> memref<104xi32, #tpu.memory_space<vmem>>
      %dma_wait3A_1574 = arith.constant 0 : i32
      %dma_wait3A_1575 = arith.constant 0 : i32
      %dma_wait3A_1576 = tpu.memref_slice %arg2[%dma_wait3A_1574, %dma_wait3A_1575] : memref<1000000x32xi32, #tpu.memory_space<hbm>> -> memref<1000000x32xi32, #tpu.memory_space<hbm>>
      tpu.wait_indirect_dma semaphore(%arg14 : memref<!tpu.dma_semaphore, #tpu.memory_space<semaphore_mem>>) src(%dma_wait3A_1576 : memref<1000000x32xi32, #tpu.memory_space<hbm>>) dst(%dma_wait3A_1570 : memref<104x32xi32, #tpu.memory_space<vmem>>)
      %dma_wait3A_1577 = arith.constant 1 : i32
      %dma_wait3A_1578 = arith.constant 1 : i32
      %dma_wait3A_1579 = arith.constant 104 : i32
      %dma_wait3A_1580 = arith.constant 0 : i32
      %dma_wait3A_1581 = tpu.memref_slice %arg10[%dma_wait3A_1578, %dma_wait3A_1579, %dma_wait3A_1580] : memref<4x200x32xi32, #tpu.memory_space<vmem>> -> memref<1x96x32xi32, #tpu.memory_space<vmem>>
      %dma_wait3A_1582 = tpu.memref_squeeze %dma_wait3A_1581 : memref<1x96x32xi32, #tpu.memory_space<vmem>> -> memref<96x32xi32, #tpu.memory_space<vmem>>
      %dma_wait3A_1583 = arith.constant 104 : i32
      %dma_wait3A_1584 = tpu.memref_slice %arg6[%dma_wait3A_1577, %dma_wait3A_1583] : memref<4x200xi32, #tpu.memory_space<vmem>> -> memref<1x96xi32, #tpu.memory_space<vmem>>
      %dma_wait3A_1585 = tpu.memref_squeeze %dma_wait3A_1584 : memref<1x96xi32, #tpu.memory_space<vmem>> -> memref<96xi32, #tpu.memory_space<vmem>>
      %dma_wait3A_1586 = arith.constant 0 : i32
      %dma_wait3A_1587 = arith.constant 0 : i32
      %dma_wait3A_1588 = tpu.memref_slice %arg2[%dma_wait3A_1586, %dma_wait3A_1587] : memref<1000000x32xi32, #tpu.memory_space<hbm>> -> memref<1000000x32xi32, #tpu.memory_space<hbm>>
      tpu.wait_indirect_dma semaphore(%arg14 : memref<!tpu.dma_semaphore, #tpu.memory_space<semaphore_mem>>) src(%dma_wait3A_1588 : memref<1000000x32xi32, #tpu.memory_space<hbm>>) dst(%dma_wait3A_1582 : memref<96x32xi32, #tpu.memory_space<vmem>>)
      %dma_wait3A_1589 = arith.constant 2 : i32
      %dma_wait3A_1590 = arith.constant 2 : i32
      %dma_wait3A_1591 = arith.constant 0 : i32
      %dma_wait3A_1592 = arith.constant 0 : i32
      %dma_wait3A_1593 = tpu.memref_slice %arg10[%dma_wait3A_1590, %dma_wait3A_1591, %dma_wait3A_1592] : memref<4x200x32xi32, #tpu.memory_space<vmem>> -> memref<1x104x32xi32, #tpu.memory_space<vmem>>
      %dma_wait3A_1594 = tpu.memref_squeeze %dma_wait3A_1593 : memref<1x104x32xi32, #tpu.memory_space<vmem>> -> memref<104x32xi32, #tpu.memory_space<vmem>>
      %dma_wait3A_1595 = arith.constant 0 : i32
      %dma_wait3A_1596 = tpu.memref_slice %arg6[%dma_wait3A_1589, %dma_wait3A_1595] : memref<4x200xi32, #tpu.memory_space<vmem>> -> memref<1x104xi32, #tpu.memory_space<vmem>>
      %dma_wait3A_1597 = tpu.memref_squeeze %dma_wait3A_1596 : memref<1x104xi32, #tpu.memory_space<vmem>> -> memref<104xi32, #tpu.memory_space<vmem>>
      %dma_wait3A_1598 = arith.constant 0 : i32
      %dma_wait3A_1599 = arith.constant 0 : i32
      %dma_wait3A_1600 = tpu.memref_slice %arg2[%dma_wait3A_1598, %dma_wait3A_1599] : memref<1000000x32xi32, #tpu.memory_space<hbm>> -> memref<1000000x32xi32, #tpu.memory_space<hbm>>
      tpu.wait_indirect_dma semaphore(%arg14 : memref<!tpu.dma_semaphore, #tpu.memory_space<semaphore_mem>>) src(%dma_wait3A_1600 : memref<1000000x32xi32, #tpu.memory_space<hbm>>) dst(%dma_wait3A_1594 : memref<104x32xi32, #tpu.memory_space<vmem>>)
      %dma_wait3A_1601 = arith.constant 2 : i32
      %dma_wait3A_1602 = arith.constant 2 : i32
      %dma_wait3A_1603 = arith.constant 104 : i32
      %dma_wait3A_1604 = arith.constant 0 : i32
      %dma_wait3A_1605 = tpu.memref_slice %arg10[%dma_wait3A_1602, %dma_wait3A_1603, %dma_wait3A_1604] : memref<4x200x32xi32, #tpu.memory_space<vmem>> -> memref<1x96x32xi32, #tpu.memory_space<vmem>>
      %dma_wait3A_1606 = tpu.memref_squeeze %dma_wait3A_1605 : memref<1x96x32xi32, #tpu.memory_space<vmem>> -> memref<96x32xi32, #tpu.memory_space<vmem>>
      %dma_wait3A_1607 = arith.constant 104 : i32
      %dma_wait3A_1608 = tpu.memref_slice %arg6[%dma_wait3A_1601, %dma_wait3A_1607] : memref<4x200xi32, #tpu.memory_space<vmem>> -> memref<1x96xi32, #tpu.memory_space<vmem>>
      %dma_wait3A_1609 = tpu.memref_squeeze %dma_wait3A_1608 : memref<1x96xi32, #tpu.memory_space<vmem>> -> memref<96xi32, #tpu.memory_space<vmem>>
      %dma_wait3A_1610 = arith.constant 0 : i32
      %dma_wait3A_1611 = arith.constant 0 : i32
      %dma_wait3A_1612 = tpu.memref_slice %arg2[%dma_wait3A_1610, %dma_wait3A_1611] : memref<1000000x32xi32, #tpu.memory_space<hbm>> -> memref<1000000x32xi32, #tpu.memory_space<hbm>>
      tpu.wait_indirect_dma semaphore(%arg14 : memref<!tpu.dma_semaphore, #tpu.memory_space<semaphore_mem>>) src(%dma_wait3A_1612 : memref<1000000x32xi32, #tpu.memory_space<hbm>>) dst(%dma_wait3A_1606 : memref<96x32xi32, #tpu.memory_space<vmem>>)
      %dma_wait3A_1613 = arith.constant 3 : i32
      %dma_wait3A_1614 = arith.constant 3 : i32
      %dma_wait3A_1615 = arith.constant 0 : i32
      %dma_wait3A_1616 = arith.constant 0 : i32
      %dma_wait3A_1617 = tpu.memref_slice %arg10[%dma_wait3A_1614, %dma_wait3A_1615, %dma_wait3A_1616] : memref<4x200x32xi32, #tpu.memory_space<vmem>> -> memref<1x104x32xi32, #tpu.memory_space<vmem>>
      %dma_wait3A_1618 = tpu.memref_squeeze %dma_wait3A_1617 : memref<1x104x32xi32, #tpu.memory_space<vmem>> -> memref<104x32xi32, #tpu.memory_space<vmem>>
      %dma_wait3A_1619 = arith.constant 0 : i32
      %dma_wait3A_1620 = tpu.memref_slice %arg6[%dma_wait3A_1613, %dma_wait3A_1619] : memref<4x200xi32, #tpu.memory_space<vmem>> -> memref<1x104xi32, #tpu.memory_space<vmem>>
      %dma_wait3A_1621 = tpu.memref_squeeze %dma_wait3A_1620 : memref<1x104xi32, #tpu.memory_space<vmem>> -> memref<104xi32, #tpu.memory_space<vmem>>
      %dma_wait3A_1622 = arith.constant 0 : i32
      %dma_wait3A_1623 = arith.constant 0 : i32
      %dma_wait3A_1624 = tpu.memref_slice %arg2[%dma_wait3A_1622, %dma_wait3A_1623] : memref<1000000x32xi32, #tpu.memory_space<hbm>> -> memref<1000000x32xi32, #tpu.memory_space<hbm>>
      tpu.wait_indirect_dma semaphore(%arg14 : memref<!tpu.dma_semaphore, #tpu.memory_space<semaphore_mem>>) src(%dma_wait3A_1624 : memref<1000000x32xi32, #tpu.memory_space<hbm>>) dst(%dma_wait3A_1618 : memref<104x32xi32, #tpu.memory_space<vmem>>)
      %dma_wait3A_1625 = arith.constant 3 : i32
      %dma_wait3A_1626 = arith.constant 3 : i32
      %dma_wait3A_1627 = arith.constant 104 : i32
      %dma_wait3A_1628 = arith.constant 0 : i32
      %dma_wait3A_1629 = tpu.memref_slice %arg10[%dma_wait3A_1626, %dma_wait3A_1627, %dma_wait3A_1628] : memref<4x200x32xi32, #tpu.memory_space<vmem>> -> memref<1x96x32xi32, #tpu.memory_space<vmem>>
      %dma_wait3A_1630 = tpu.memref_squeeze %dma_wait3A_1629 : memref<1x96x32xi32, #tpu.memory_space<vmem>> -> memref<96x32xi32, #tpu.memory_space<vmem>>
      %dma_wait3A_1631 = arith.constant 104 : i32
      %dma_wait3A_1632 = tpu.memref_slice %arg6[%dma_wait3A_1625, %dma_wait3A_1631] : memref<4x200xi32, #tpu.memory_space<vmem>> -> memref<1x96xi32, #tpu.memory_space<vmem>>
      %dma_wait3A_1633 = tpu.memref_squeeze %dma_wait3A_1632 : memref<1x96xi32, #tpu.memory_space<vmem>> -> memref<96xi32, #tpu.memory_space<vmem>>
      %dma_wait3A_1634 = arith.constant 0 : i32
      %dma_wait3A_1635 = arith.constant 0 : i32
      %dma_wait3A_1636 = tpu.memref_slice %arg2[%dma_wait3A_1634, %dma_wait3A_1635] : memref<1000000x32xi32, #tpu.memory_space<hbm>> -> memref<1000000x32xi32, #tpu.memory_space<hbm>>
      tpu.wait_indirect_dma semaphore(%arg14 : memref<!tpu.dma_semaphore, #tpu.memory_space<semaphore_mem>>) src(%dma_wait3A_1636 : memref<1000000x32xi32, #tpu.memory_space<hbm>>) dst(%dma_wait3A_1630 : memref<96x32xi32, #tpu.memory_space<vmem>>)
      %mul3A_1637 = arith.constant 4 : i32
      %mul3A_1638 = arith.muli %add3A_1540, %mul3A_1637 : i32
      %add3A_1639 = arith.addi %mul3A_2, %mul3A_1638 : i32
      %multiple_of3A_1640 = tpu.assume_multiple %add3A_1639, 4 : i32
      %dma_start3A_1641 = arith.constant 0 : i32
      %dma_start3A_1642 = arith.constant 0 : i32
      %dma_start3A_1643 = tpu.memref_slice %arg4[%multiple_of3A_1640, %dma_start3A_1641, %dma_start3A_1642] : memref<16384x200x32xi32, #tpu.memory_space<hbm>> -> memref<4x200x32xi32, #tpu.memory_space<hbm>>
      %dma_start3A_1644 = arith.constant 0 : i32
      %dma_start3A_1645 = arith.constant 0 : i32
      %dma_start3A_1646 = tpu.memref_slice %arg4[%multiple_of3A_1640, %dma_start3A_1644, %dma_start3A_1645] : memref<16384x200x32xi32, #tpu.memory_space<hbm>> -> memref<4x200x32xi32, #tpu.memory_space<hbm>>
      tpu.enqueue_dma source(%arg10 : memref<4x200x32xi32, #tpu.memory_space<vmem>>) target(%dma_start3A_1646 : memref<4x200x32xi32, #tpu.memory_space<hbm>>) target_semaphore(%arg18 : memref<!tpu.dma_semaphore, #tpu.memory_space<semaphore_mem>>)
      %add3A_1647 = arith.constant 2 : i32
      %add3A_1648 = arith.addi %add3A_1540, %add3A_1647 : i32
      %mul3A_1649 = arith.constant 4 : i32
      %mul3A_1650 = arith.muli %add3A_1648, %mul3A_1649 : i32
      %add3A_1651 = arith.addi %mul3A_2, %mul3A_1650 : i32
      %multiple_of3A_1652 = tpu.assume_multiple %add3A_1651, 4 : i32
      "tpu.region"() ({
        %run_scoped3A = tpu.sem_alloc : memref<!tpu.dma_semaphore, #tpu.memory_space<semaphore_mem>>
        %dma_start3A_1761 = arith.constant 0 : i32
        %dma_start3A_1762 = tpu.memref_slice %arg3[%multiple_of3A_1652, %dma_start3A_1761] : memref<16384x200xi32, #tpu.memory_space<hbm>> -> memref<4x200xi32, #tpu.memory_space<hbm>>
        %dma_start3A_1763 = arith.constant 0 : i32
        %dma_start3A_1764 = tpu.memref_slice %arg3[%multiple_of3A_1652, %dma_start3A_1763] : memref<16384x200xi32, #tpu.memory_space<hbm>> -> memref<4x200xi32, #tpu.memory_space<hbm>>
        tpu.enqueue_dma source(%dma_start3A_1764 : memref<4x200xi32, #tpu.memory_space<hbm>>) target(%arg8 : memref<4x200xi32, #tpu.memory_space<vmem>>) target_semaphore(%run_scoped3A : memref<!tpu.dma_semaphore, #tpu.memory_space<semaphore_mem>>)
        %dma_wait3A_1765 = arith.constant 0 : i32
        %dma_wait3A_1766 = tpu.memref_slice %arg3[%multiple_of3A_1652, %dma_wait3A_1765] : memref<16384x200xi32, #tpu.memory_space<hbm>> -> memref<4x200xi32, #tpu.memory_space<hbm>>
        %dma_wait3A_1767 = arith.constant 0 : i32
        %dma_wait3A_1768 = tpu.memref_slice %arg3[%multiple_of3A_1652, %dma_wait3A_1767] : memref<16384x200xi32, #tpu.memory_space<hbm>> -> memref<4x200xi32, #tpu.memory_space<hbm>>
        tpu.wait_dma2 semaphore(%run_scoped3A : memref<!tpu.dma_semaphore, #tpu.memory_space<semaphore_mem>>) src(%dma_wait3A_1768 : memref<4x200xi32, #tpu.memory_space<hbm>>) dst(%arg8 : memref<4x200xi32, #tpu.memory_space<vmem>>)
        tpu.yield
      }) : () -> ()
      %sub3A_1653 = arith.constant 2 : i32
      %sub3A_1654 = arith.subi %add3A_1540, %sub3A_1653 : i32
      %mul3A_1655 = arith.constant 4 : i32
      %mul3A_1656 = arith.muli %sub3A_1654, %mul3A_1655 : i32
      %add3A_1657 = arith.addi %mul3A_2, %mul3A_1656 : i32
      %multiple_of3A_1658 = tpu.assume_multiple %add3A_1657, 4 : i32
      %dma_wait3A_1659 = arith.constant 0 : i32
      %dma_wait3A_1660 = arith.constant 0 : i32
      %dma_wait3A_1661 = tpu.memref_slice %arg4[%multiple_of3A_1658, %dma_wait3A_1659, %dma_wait3A_1660] : memref<16384x200x32xi32, #tpu.memory_space<hbm>> -> memref<4x200x32xi32, #tpu.memory_space<hbm>>
      %dma_wait3A_1662 = arith.constant 0 : i32
      %dma_wait3A_1663 = arith.constant 0 : i32
      %dma_wait3A_1664 = tpu.memref_slice %arg4[%multiple_of3A_1658, %dma_wait3A_1662, %dma_wait3A_1663] : memref<16384x200x32xi32, #tpu.memory_space<hbm>> -> memref<4x200x32xi32, #tpu.memory_space<hbm>>
      tpu.wait_dma2 semaphore(%arg20 : memref<!tpu.dma_semaphore, #tpu.memory_space<semaphore_mem>>) src(%arg12 : memref<4x200x32xi32, #tpu.memory_space<vmem>>) dst(%dma_wait3A_1664 : memref<4x200x32xi32, #tpu.memory_space<hbm>>)
      %dma_start3A_1665 = arith.constant 0 : i32
      %dma_start3A_1666 = arith.constant 0 : i32
      %dma_start3A_1667 = arith.constant 0 : i32
      %dma_start3A_1668 = arith.constant 0 : i32
      %dma_start3A_1669 = tpu.memref_slice %arg12[%dma_start3A_1666, %dma_start3A_1667, %dma_start3A_1668] : memref<4x200x32xi32, #tpu.memory_space<vmem>> -> memref<1x104x32xi32, #tpu.memory_space<vmem>>
      %dma_start3A_1670 = tpu.memref_squeeze %dma_start3A_1669 : memref<1x104x32xi32, #tpu.memory_space<vmem>> -> memref<104x32xi32, #tpu.memory_space<vmem>>
      %dma_start3A_1671 = arith.constant 0 : i32
      %dma_start3A_1672 = tpu.memref_slice %arg8[%dma_start3A_1665, %dma_start3A_1671] : memref<4x200xi32, #tpu.memory_space<vmem>> -> memref<1x104xi32, #tpu.memory_space<vmem>>
      %dma_start3A_1673 = tpu.memref_squeeze %dma_start3A_1672 : memref<1x104xi32, #tpu.memory_space<vmem>> -> memref<104xi32, #tpu.memory_space<vmem>>
      %dma_start3A_1674 = arith.constant 0 : i32
      %dma_start3A_1675 = arith.constant 0 : i32
      %dma_start3A_1676 = tpu.memref_slice %arg2[%dma_start3A_1674, %dma_start3A_1675] : memref<1000000x32xi32, #tpu.memory_space<hbm>> -> memref<1000000x32xi32, #tpu.memory_space<hbm>>
      tpu.enqueue_indirect_dma source(%dma_start3A_1676 : memref<1000000x32xi32, #tpu.memory_space<hbm>>) target(%dma_start3A_1670 : memref<104x32xi32, #tpu.memory_space<vmem>>) offsets(%dma_start3A_1673 : memref<104xi32, #tpu.memory_space<vmem>>) semaphore(%arg16 : memref<!tpu.dma_semaphore, #tpu.memory_space<semaphore_mem>>)
      %dma_start3A_1677 = arith.constant 0 : i32
      %dma_start3A_1678 = arith.constant 0 : i32
      %dma_start3A_1679 = arith.constant 104 : i32
      %dma_start3A_1680 = arith.constant 0 : i32
      %dma_start3A_1681 = tpu.memref_slice %arg12[%dma_start3A_1678, %dma_start3A_1679, %dma_start3A_1680] : memref<4x200x32xi32, #tpu.memory_space<vmem>> -> memref<1x96x32xi32, #tpu.memory_space<vmem>>
      %dma_start3A_1682 = tpu.memref_squeeze %dma_start3A_1681 : memref<1x96x32xi32, #tpu.memory_space<vmem>> -> memref<96x32xi32, #tpu.memory_space<vmem>>
      %dma_start3A_1683 = arith.constant 104 : i32
      %dma_start3A_1684 = tpu.memref_slice %arg8[%dma_start3A_1677, %dma_start3A_1683] : memref<4x200xi32, #tpu.memory_space<vmem>> -> memref<1x96xi32, #tpu.memory_space<vmem>>
      %dma_start3A_1685 = tpu.memref_squeeze %dma_start3A_1684 : memref<1x96xi32, #tpu.memory_space<vmem>> -> memref<96xi32, #tpu.memory_space<vmem>>
      %dma_start3A_1686 = arith.constant 0 : i32
      %dma_start3A_1687 = arith.constant 0 : i32
      %dma_start3A_1688 = tpu.memref_slice %arg2[%dma_start3A_1686, %dma_start3A_1687] : memref<1000000x32xi32, #tpu.memory_space<hbm>> -> memref<1000000x32xi32, #tpu.memory_space<hbm>>
      tpu.enqueue_indirect_dma source(%dma_start3A_1688 : memref<1000000x32xi32, #tpu.memory_space<hbm>>) target(%dma_start3A_1682 : memref<96x32xi32, #tpu.memory_space<vmem>>) offsets(%dma_start3A_1685 : memref<96xi32, #tpu.memory_space<vmem>>) semaphore(%arg16 : memref<!tpu.dma_semaphore, #tpu.memory_space<semaphore_mem>>)
      %dma_start3A_1689 = arith.constant 1 : i32
      %dma_start3A_1690 = arith.constant 1 : i32
      %dma_start3A_1691 = arith.constant 0 : i32
      %dma_start3A_1692 = arith.constant 0 : i32
      %dma_start3A_1693 = tpu.memref_slice %arg12[%dma_start3A_1690, %dma_start3A_1691, %dma_start3A_1692] : memref<4x200x32xi32, #tpu.memory_space<vmem>> -> memref<1x104x32xi32, #tpu.memory_space<vmem>>
      %dma_start3A_1694 = tpu.memref_squeeze %dma_start3A_1693 : memref<1x104x32xi32, #tpu.memory_space<vmem>> -> memref<104x32xi32, #tpu.memory_space<vmem>>
      %dma_start3A_1695 = arith.constant 0 : i32
      %dma_start3A_1696 = tpu.memref_slice %arg8[%dma_start3A_1689, %dma_start3A_1695] : memref<4x200xi32, #tpu.memory_space<vmem>> -> memref<1x104xi32, #tpu.memory_space<vmem>>
      %dma_start3A_1697 = tpu.memref_squeeze %dma_start3A_1696 : memref<1x104xi32, #tpu.memory_space<vmem>> -> memref<104xi32, #tpu.memory_space<vmem>>
      %dma_start3A_1698 = arith.constant 0 : i32
      %dma_start3A_1699 = arith.constant 0 : i32
      %dma_start3A_1700 = tpu.memref_slice %arg2[%dma_start3A_1698, %dma_start3A_1699] : memref<1000000x32xi32, #tpu.memory_space<hbm>> -> memref<1000000x32xi32, #tpu.memory_space<hbm>>
      tpu.enqueue_indirect_dma source(%dma_start3A_1700 : memref<1000000x32xi32, #tpu.memory_space<hbm>>) target(%dma_start3A_1694 : memref<104x32xi32, #tpu.memory_space<vmem>>) offsets(%dma_start3A_1697 : memref<104xi32, #tpu.memory_space<vmem>>) semaphore(%arg16 : memref<!tpu.dma_semaphore, #tpu.memory_space<semaphore_mem>>)
      %dma_start3A_1701 = arith.constant 1 : i32
      %dma_start3A_1702 = arith.constant 1 : i32
      %dma_start3A_1703 = arith.constant 104 : i32
      %dma_start3A_1704 = arith.constant 0 : i32
      %dma_start3A_1705 = tpu.memref_slice %arg12[%dma_start3A_1702, %dma_start3A_1703, %dma_start3A_1704] : memref<4x200x32xi32, #tpu.memory_space<vmem>> -> memref<1x96x32xi32, #tpu.memory_space<vmem>>
      %dma_start3A_1706 = tpu.memref_squeeze %dma_start3A_1705 : memref<1x96x32xi32, #tpu.memory_space<vmem>> -> memref<96x32xi32, #tpu.memory_space<vmem>>
      %dma_start3A_1707 = arith.constant 104 : i32
      %dma_start3A_1708 = tpu.memref_slice %arg8[%dma_start3A_1701, %dma_start3A_1707] : memref<4x200xi32, #tpu.memory_space<vmem>> -> memref<1x96xi32, #tpu.memory_space<vmem>>
      %dma_start3A_1709 = tpu.memref_squeeze %dma_start3A_1708 : memref<1x96xi32, #tpu.memory_space<vmem>> -> memref<96xi32, #tpu.memory_space<vmem>>
      %dma_start3A_1710 = arith.constant 0 : i32
      %dma_start3A_1711 = arith.constant 0 : i32
      %dma_start3A_1712 = tpu.memref_slice %arg2[%dma_start3A_1710, %dma_start3A_1711] : memref<1000000x32xi32, #tpu.memory_space<hbm>> -> memref<1000000x32xi32, #tpu.memory_space<hbm>>
      tpu.enqueue_indirect_dma source(%dma_start3A_1712 : memref<1000000x32xi32, #tpu.memory_space<hbm>>) target(%dma_start3A_1706 : memref<96x32xi32, #tpu.memory_space<vmem>>) offsets(%dma_start3A_1709 : memref<96xi32, #tpu.memory_space<vmem>>) semaphore(%arg16 : memref<!tpu.dma_semaphore, #tpu.memory_space<semaphore_mem>>)
      %dma_start3A_1713 = arith.constant 2 : i32
      %dma_start3A_1714 = arith.constant 2 : i32
      %dma_start3A_1715 = arith.constant 0 : i32
      %dma_start3A_1716 = arith.constant 0 : i32
      %dma_start3A_1717 = tpu.memref_slice %arg12[%dma_start3A_1714, %dma_start3A_1715, %dma_start3A_1716] : memref<4x200x32xi32, #tpu.memory_space<vmem>> -> memref<1x104x32xi32, #tpu.memory_space<vmem>>
      %dma_start3A_1718 = tpu.memref_squeeze %dma_start3A_1717 : memref<1x104x32xi32, #tpu.memory_space<vmem>> -> memref<104x32xi32, #tpu.memory_space<vmem>>
      %dma_start3A_1719 = arith.constant 0 : i32
      %dma_start3A_1720 = tpu.memref_slice %arg8[%dma_start3A_1713, %dma_start3A_1719] : memref<4x200xi32, #tpu.memory_space<vmem>> -> memref<1x104xi32, #tpu.memory_space<vmem>>
      %dma_start3A_1721 = tpu.memref_squeeze %dma_start3A_1720 : memref<1x104xi32, #tpu.memory_space<vmem>> -> memref<104xi32, #tpu.memory_space<vmem>>
      %dma_start3A_1722 = arith.constant 0 : i32
      %dma_start3A_1723 = arith.constant 0 : i32
      %dma_start3A_1724 = tpu.memref_slice %arg2[%dma_start3A_1722, %dma_start3A_1723] : memref<1000000x32xi32, #tpu.memory_space<hbm>> -> memref<1000000x32xi32, #tpu.memory_space<hbm>>
      tpu.enqueue_indirect_dma source(%dma_start3A_1724 : memref<1000000x32xi32, #tpu.memory_space<hbm>>) target(%dma_start3A_1718 : memref<104x32xi32, #tpu.memory_space<vmem>>) offsets(%dma_start3A_1721 : memref<104xi32, #tpu.memory_space<vmem>>) semaphore(%arg16 : memref<!tpu.dma_semaphore, #tpu.memory_space<semaphore_mem>>)
      %dma_start3A_1725 = arith.constant 2 : i32
      %dma_start3A_1726 = arith.constant 2 : i32
      %dma_start3A_1727 = arith.constant 104 : i32
      %dma_start3A_1728 = arith.constant 0 : i32
      %dma_start3A_1729 = tpu.memref_slice %arg12[%dma_start3A_1726, %dma_start3A_1727, %dma_start3A_1728] : memref<4x200x32xi32, #tpu.memory_space<vmem>> -> memref<1x96x32xi32, #tpu.memory_space<vmem>>
      %dma_start3A_1730 = tpu.memref_squeeze %dma_start3A_1729 : memref<1x96x32xi32, #tpu.memory_space<vmem>> -> memref<96x32xi32, #tpu.memory_space<vmem>>
      %dma_start3A_1731 = arith.constant 104 : i32
      %dma_start3A_1732 = tpu.memref_slice %arg8[%dma_start3A_1725, %dma_start3A_1731] : memref<4x200xi32, #tpu.memory_space<vmem>> -> memref<1x96xi32, #tpu.memory_space<vmem>>
      %dma_start3A_1733 = tpu.memref_squeeze %dma_start3A_1732 : memref<1x96xi32, #tpu.memory_space<vmem>> -> memref<96xi32, #tpu.memory_space<vmem>>
      %dma_start3A_1734 = arith.constant 0 : i32
      %dma_start3A_1735 = arith.constant 0 : i32
      %dma_start3A_1736 = tpu.memref_slice %arg2[%dma_start3A_1734, %dma_start3A_1735] : memref<1000000x32xi32, #tpu.memory_space<hbm>> -> memref<1000000x32xi32, #tpu.memory_space<hbm>>
      tpu.enqueue_indirect_dma source(%dma_start3A_1736 : memref<1000000x32xi32, #tpu.memory_space<hbm>>) target(%dma_start3A_1730 : memref<96x32xi32, #tpu.memory_space<vmem>>) offsets(%dma_start3A_1733 : memref<96xi32, #tpu.memory_space<vmem>>) semaphore(%arg16 : memref<!tpu.dma_semaphore, #tpu.memory_space<semaphore_mem>>)
      %dma_start3A_1737 = arith.constant 3 : i32
      %dma_start3A_1738 = arith.constant 3 : i32
      %dma_start3A_1739 = arith.constant 0 : i32
      %dma_start3A_1740 = arith.constant 0 : i32
      %dma_start3A_1741 = tpu.memref_slice %arg12[%dma_start3A_1738, %dma_start3A_1739, %dma_start3A_1740] : memref<4x200x32xi32, #tpu.memory_space<vmem>> -> memref<1x104x32xi32, #tpu.memory_space<vmem>>
      %dma_start3A_1742 = tpu.memref_squeeze %dma_start3A_1741 : memref<1x104x32xi32, #tpu.memory_space<vmem>> -> memref<104x32xi32, #tpu.memory_space<vmem>>
      %dma_start3A_1743 = arith.constant 0 : i32
      %dma_start3A_1744 = tpu.memref_slice %arg8[%dma_start3A_1737, %dma_start3A_1743] : memref<4x200xi32, #tpu.memory_space<vmem>> -> memref<1x104xi32, #tpu.memory_space<vmem>>
      %dma_start3A_1745 = tpu.memref_squeeze %dma_start3A_1744 : memref<1x104xi32, #tpu.memory_space<vmem>> -> memref<104xi32, #tpu.memory_space<vmem>>
      %dma_start3A_1746 = arith.constant 0 : i32
      %dma_start3A_1747 = arith.constant 0 : i32
      %dma_start3A_1748 = tpu.memref_slice %arg2[%dma_start3A_1746, %dma_start3A_1747] : memref<1000000x32xi32, #tpu.memory_space<hbm>> -> memref<1000000x32xi32, #tpu.memory_space<hbm>>
      tpu.enqueue_indirect_dma source(%dma_start3A_1748 : memref<1000000x32xi32, #tpu.memory_space<hbm>>) target(%dma_start3A_1742 : memref<104x32xi32, #tpu.memory_space<vmem>>) offsets(%dma_start3A_1745 : memref<104xi32, #tpu.memory_space<vmem>>) semaphore(%arg16 : memref<!tpu.dma_semaphore, #tpu.memory_space<semaphore_mem>>)
      %dma_start3A_1749 = arith.constant 3 : i32
      %dma_start3A_1750 = arith.constant 3 : i32
      %dma_start3A_1751 = arith.constant 104 : i32
      %dma_start3A_1752 = arith.constant 0 : i32
      %dma_start3A_1753 = tpu.memref_slice %arg12[%dma_start3A_1750, %dma_start3A_1751, %dma_start3A_1752] : memref<4x200x32xi32, #tpu.memory_space<vmem>> -> memref<1x96x32xi32, #tpu.memory_space<vmem>>
      %dma_start3A_1754 = tpu.memref_squeeze %dma_start3A_1753 : memref<1x96x32xi32, #tpu.memory_space<vmem>> -> memref<96x32xi32, #tpu.memory_space<vmem>>
      %dma_start3A_1755 = arith.constant 104 : i32
      %dma_start3A_1756 = tpu.memref_slice %arg8[%dma_start3A_1749, %dma_start3A_1755] : memref<4x200xi32, #tpu.memory_space<vmem>> -> memref<1x96xi32, #tpu.memory_space<vmem>>
      %dma_start3A_1757 = tpu.memref_squeeze %dma_start3A_1756 : memref<1x96xi32, #tpu.memory_space<vmem>> -> memref<96xi32, #tpu.memory_space<vmem>>
      %dma_start3A_1758 = arith.constant 0 : i32
      %dma_start3A_1759 = arith.constant 0 : i32
      %dma_start3A_1760 = tpu.memref_slice %arg2[%dma_start3A_1758, %dma_start3A_1759] : memref<1000000x32xi32, #tpu.memory_space<hbm>> -> memref<1000000x32xi32, #tpu.memory_space<hbm>>
      tpu.enqueue_indirect_dma source(%dma_start3A_1760 : memref<1000000x32xi32, #tpu.memory_space<hbm>>) target(%dma_start3A_1754 : memref<96x32xi32, #tpu.memory_space<vmem>>) offsets(%dma_start3A_1757 : memref<96xi32, #tpu.memory_space<vmem>>) semaphore(%arg16 : memref<!tpu.dma_semaphore, #tpu.memory_space<semaphore_mem>>)
    }
    %scan3A_610 = arith.constant 31 : i32
    %dma_wait3A_611 = arith.constant 0 : i32
    %dma_wait3A_612 = arith.constant 0 : i32
    %dma_wait3A_613 = arith.constant 0 : i32
    %dma_wait3A_614 = arith.constant 0 : i32
    %dma_wait3A_615 = tpu.memref_slice %arg11[%dma_wait3A_612, %dma_wait3A_613, %dma_wait3A_614] : memref<4x200x32xi32, #tpu.memory_space<vmem>> -> memref<1x104x32xi32, #tpu.memory_space<vmem>>
    %dma_wait3A_616 = tpu.memref_squeeze %dma_wait3A_615 : memref<1x104x32xi32, #tpu.memory_space<vmem>> -> memref<104x32xi32, #tpu.memory_space<vmem>>
    %dma_wait3A_617 = arith.constant 0 : i32
    %dma_wait3A_618 = tpu.memref_slice %arg7[%dma_wait3A_611, %dma_wait3A_617] : memref<4x200xi32, #tpu.memory_space<vmem>> -> memref<1x104xi32, #tpu.memory_space<vmem>>
    %dma_wait3A_619 = tpu.memref_squeeze %dma_wait3A_618 : memref<1x104xi32, #tpu.memory_space<vmem>> -> memref<104xi32, #tpu.memory_space<vmem>>
    %dma_wait3A_620 = arith.constant 0 : i32
    %dma_wait3A_621 = arith.constant 0 : i32
    %dma_wait3A_622 = tpu.memref_slice %arg2[%dma_wait3A_620, %dma_wait3A_621] : memref<1000000x32xi32, #tpu.memory_space<hbm>> -> memref<1000000x32xi32, #tpu.memory_space<hbm>>
    tpu.wait_indirect_dma semaphore(%arg15 : memref<!tpu.dma_semaphore, #tpu.memory_space<semaphore_mem>>) src(%dma_wait3A_622 : memref<1000000x32xi32, #tpu.memory_space<hbm>>) dst(%dma_wait3A_616 : memref<104x32xi32, #tpu.memory_space<vmem>>)
    %dma_wait3A_623 = arith.constant 0 : i32
    %dma_wait3A_624 = arith.constant 0 : i32
    %dma_wait3A_625 = arith.constant 104 : i32
    %dma_wait3A_626 = arith.constant 0 : i32
    %dma_wait3A_627 = tpu.memref_slice %arg11[%dma_wait3A_624, %dma_wait3A_625, %dma_wait3A_626] : memref<4x200x32xi32, #tpu.memory_space<vmem>> -> memref<1x96x32xi32, #tpu.memory_space<vmem>>
    %dma_wait3A_628 = tpu.memref_squeeze %dma_wait3A_627 : memref<1x96x32xi32, #tpu.memory_space<vmem>> -> memref<96x32xi32, #tpu.memory_space<vmem>>
    %dma_wait3A_629 = arith.constant 104 : i32
    %dma_wait3A_630 = tpu.memref_slice %arg7[%dma_wait3A_623, %dma_wait3A_629] : memref<4x200xi32, #tpu.memory_space<vmem>> -> memref<1x96xi32, #tpu.memory_space<vmem>>
    %dma_wait3A_631 = tpu.memref_squeeze %dma_wait3A_630 : memref<1x96xi32, #tpu.memory_space<vmem>> -> memref<96xi32, #tpu.memory_space<vmem>>
    %dma_wait3A_632 = arith.constant 0 : i32
    %dma_wait3A_633 = arith.constant 0 : i32
    %dma_wait3A_634 = tpu.memref_slice %arg2[%dma_wait3A_632, %dma_wait3A_633] : memref<1000000x32xi32, #tpu.memory_space<hbm>> -> memref<1000000x32xi32, #tpu.memory_space<hbm>>
    tpu.wait_indirect_dma semaphore(%arg15 : memref<!tpu.dma_semaphore, #tpu.memory_space<semaphore_mem>>) src(%dma_wait3A_634 : memref<1000000x32xi32, #tpu.memory_space<hbm>>) dst(%dma_wait3A_628 : memref<96x32xi32, #tpu.memory_space<vmem>>)
    %dma_wait3A_635 = arith.constant 1 : i32
    %dma_wait3A_636 = arith.constant 1 : i32
    %dma_wait3A_637 = arith.constant 0 : i32
    %dma_wait3A_638 = arith.constant 0 : i32
    %dma_wait3A_639 = tpu.memref_slice %arg11[%dma_wait3A_636, %dma_wait3A_637, %dma_wait3A_638] : memref<4x200x32xi32, #tpu.memory_space<vmem>> -> memref<1x104x32xi32, #tpu.memory_space<vmem>>
    %dma_wait3A_640 = tpu.memref_squeeze %dma_wait3A_639 : memref<1x104x32xi32, #tpu.memory_space<vmem>> -> memref<104x32xi32, #tpu.memory_space<vmem>>
    %dma_wait3A_641 = arith.constant 0 : i32
    %dma_wait3A_642 = tpu.memref_slice %arg7[%dma_wait3A_635, %dma_wait3A_641] : memref<4x200xi32, #tpu.memory_space<vmem>> -> memref<1x104xi32, #tpu.memory_space<vmem>>
    %dma_wait3A_643 = tpu.memref_squeeze %dma_wait3A_642 : memref<1x104xi32, #tpu.memory_space<vmem>> -> memref<104xi32, #tpu.memory_space<vmem>>
    %dma_wait3A_644 = arith.constant 0 : i32
    %dma_wait3A_645 = arith.constant 0 : i32
    %dma_wait3A_646 = tpu.memref_slice %arg2[%dma_wait3A_644, %dma_wait3A_645] : memref<1000000x32xi32, #tpu.memory_space<hbm>> -> memref<1000000x32xi32, #tpu.memory_space<hbm>>
    tpu.wait_indirect_dma semaphore(%arg15 : memref<!tpu.dma_semaphore, #tpu.memory_space<semaphore_mem>>) src(%dma_wait3A_646 : memref<1000000x32xi32, #tpu.memory_space<hbm>>) dst(%dma_wait3A_640 : memref<104x32xi32, #tpu.memory_space<vmem>>)
    %dma_wait3A_647 = arith.constant 1 : i32
    %dma_wait3A_648 = arith.constant 1 : i32
    %dma_wait3A_649 = arith.constant 104 : i32
    %dma_wait3A_650 = arith.constant 0 : i32
    %dma_wait3A_651 = tpu.memref_slice %arg11[%dma_wait3A_648, %dma_wait3A_649, %dma_wait3A_650] : memref<4x200x32xi32, #tpu.memory_space<vmem>> -> memref<1x96x32xi32, #tpu.memory_space<vmem>>
    %dma_wait3A_652 = tpu.memref_squeeze %dma_wait3A_651 : memref<1x96x32xi32, #tpu.memory_space<vmem>> -> memref<96x32xi32, #tpu.memory_space<vmem>>
    %dma_wait3A_653 = arith.constant 104 : i32
    %dma_wait3A_654 = tpu.memref_slice %arg7[%dma_wait3A_647, %dma_wait3A_653] : memref<4x200xi32, #tpu.memory_space<vmem>> -> memref<1x96xi32, #tpu.memory_space<vmem>>
    %dma_wait3A_655 = tpu.memref_squeeze %dma_wait3A_654 : memref<1x96xi32, #tpu.memory_space<vmem>> -> memref<96xi32, #tpu.memory_space<vmem>>
    %dma_wait3A_656 = arith.constant 0 : i32
    %dma_wait3A_657 = arith.constant 0 : i32
    %dma_wait3A_658 = tpu.memref_slice %arg2[%dma_wait3A_656, %dma_wait3A_657] : memref<1000000x32xi32, #tpu.memory_space<hbm>> -> memref<1000000x32xi32, #tpu.memory_space<hbm>>
    tpu.wait_indirect_dma semaphore(%arg15 : memref<!tpu.dma_semaphore, #tpu.memory_space<semaphore_mem>>) src(%dma_wait3A_658 : memref<1000000x32xi32, #tpu.memory_space<hbm>>) dst(%dma_wait3A_652 : memref<96x32xi32, #tpu.memory_space<vmem>>)
    %dma_wait3A_659 = arith.constant 2 : i32
    %dma_wait3A_660 = arith.constant 2 : i32
    %dma_wait3A_661 = arith.constant 0 : i32
    %dma_wait3A_662 = arith.constant 0 : i32
    %dma_wait3A_663 = tpu.memref_slice %arg11[%dma_wait3A_660, %dma_wait3A_661, %dma_wait3A_662] : memref<4x200x32xi32, #tpu.memory_space<vmem>> -> memref<1x104x32xi32, #tpu.memory_space<vmem>>
    %dma_wait3A_664 = tpu.memref_squeeze %dma_wait3A_663 : memref<1x104x32xi32, #tpu.memory_space<vmem>> -> memref<104x32xi32, #tpu.memory_space<vmem>>
    %dma_wait3A_665 = arith.constant 0 : i32
    %dma_wait3A_666 = tpu.memref_slice %arg7[%dma_wait3A_659, %dma_wait3A_665] : memref<4x200xi32, #tpu.memory_space<vmem>> -> memref<1x104xi32, #tpu.memory_space<vmem>>
    %dma_wait3A_667 = tpu.memref_squeeze %dma_wait3A_666 : memref<1x104xi32, #tpu.memory_space<vmem>> -> memref<104xi32, #tpu.memory_space<vmem>>
    %dma_wait3A_668 = arith.constant 0 : i32
    %dma_wait3A_669 = arith.constant 0 : i32
    %dma_wait3A_670 = tpu.memref_slice %arg2[%dma_wait3A_668, %dma_wait3A_669] : memref<1000000x32xi32, #tpu.memory_space<hbm>> -> memref<1000000x32xi32, #tpu.memory_space<hbm>>
    tpu.wait_indirect_dma semaphore(%arg15 : memref<!tpu.dma_semaphore, #tpu.memory_space<semaphore_mem>>) src(%dma_wait3A_670 : memref<1000000x32xi32, #tpu.memory_space<hbm>>) dst(%dma_wait3A_664 : memref<104x32xi32, #tpu.memory_space<vmem>>)
    %dma_wait3A_671 = arith.constant 2 : i32
    %dma_wait3A_672 = arith.constant 2 : i32
    %dma_wait3A_673 = arith.constant 104 : i32
    %dma_wait3A_674 = arith.constant 0 : i32
    %dma_wait3A_675 = tpu.memref_slice %arg11[%dma_wait3A_672, %dma_wait3A_673, %dma_wait3A_674] : memref<4x200x32xi32, #tpu.memory_space<vmem>> -> memref<1x96x32xi32, #tpu.memory_space<vmem>>
    %dma_wait3A_676 = tpu.memref_squeeze %dma_wait3A_675 : memref<1x96x32xi32, #tpu.memory_space<vmem>> -> memref<96x32xi32, #tpu.memory_space<vmem>>
    %dma_wait3A_677 = arith.constant 104 : i32
    %dma_wait3A_678 = tpu.memref_slice %arg7[%dma_wait3A_671, %dma_wait3A_677] : memref<4x200xi32, #tpu.memory_space<vmem>> -> memref<1x96xi32, #tpu.memory_space<vmem>>
    %dma_wait3A_679 = tpu.memref_squeeze %dma_wait3A_678 : memref<1x96xi32, #tpu.memory_space<vmem>> -> memref<96xi32, #tpu.memory_space<vmem>>
    %dma_wait3A_680 = arith.constant 0 : i32
    %dma_wait3A_681 = arith.constant 0 : i32
    %dma_wait3A_682 = tpu.memref_slice %arg2[%dma_wait3A_680, %dma_wait3A_681] : memref<1000000x32xi32, #tpu.memory_space<hbm>> -> memref<1000000x32xi32, #tpu.memory_space<hbm>>
    tpu.wait_indirect_dma semaphore(%arg15 : memref<!tpu.dma_semaphore, #tpu.memory_space<semaphore_mem>>) src(%dma_wait3A_682 : memref<1000000x32xi32, #tpu.memory_space<hbm>>) dst(%dma_wait3A_676 : memref<96x32xi32, #tpu.memory_space<vmem>>)
    %dma_wait3A_683 = arith.constant 3 : i32
    %dma_wait3A_684 = arith.constant 3 : i32
    %dma_wait3A_685 = arith.constant 0 : i32
    %dma_wait3A_686 = arith.constant 0 : i32
    %dma_wait3A_687 = tpu.memref_slice %arg11[%dma_wait3A_684, %dma_wait3A_685, %dma_wait3A_686] : memref<4x200x32xi32, #tpu.memory_space<vmem>> -> memref<1x104x32xi32, #tpu.memory_space<vmem>>
    %dma_wait3A_688 = tpu.memref_squeeze %dma_wait3A_687 : memref<1x104x32xi32, #tpu.memory_space<vmem>> -> memref<104x32xi32, #tpu.memory_space<vmem>>
    %dma_wait3A_689 = arith.constant 0 : i32
    %dma_wait3A_690 = tpu.memref_slice %arg7[%dma_wait3A_683, %dma_wait3A_689] : memref<4x200xi32, #tpu.memory_space<vmem>> -> memref<1x104xi32, #tpu.memory_space<vmem>>
    %dma_wait3A_691 = tpu.memref_squeeze %dma_wait3A_690 : memref<1x104xi32, #tpu.memory_space<vmem>> -> memref<104xi32, #tpu.memory_space<vmem>>
    %dma_wait3A_692 = arith.constant 0 : i32
    %dma_wait3A_693 = arith.constant 0 : i32
    %dma_wait3A_694 = tpu.memref_slice %arg2[%dma_wait3A_692, %dma_wait3A_693] : memref<1000000x32xi32, #tpu.memory_space<hbm>> -> memref<1000000x32xi32, #tpu.memory_space<hbm>>
    tpu.wait_indirect_dma semaphore(%arg15 : memref<!tpu.dma_semaphore, #tpu.memory_space<semaphore_mem>>) src(%dma_wait3A_694 : memref<1000000x32xi32, #tpu.memory_space<hbm>>) dst(%dma_wait3A_688 : memref<104x32xi32, #tpu.memory_space<vmem>>)
    %dma_wait3A_695 = arith.constant 3 : i32
    %dma_wait3A_696 = arith.constant 3 : i32
    %dma_wait3A_697 = arith.constant 104 : i32
    %dma_wait3A_698 = arith.constant 0 : i32
    %dma_wait3A_699 = tpu.memref_slice %arg11[%dma_wait3A_696, %dma_wait3A_697, %dma_wait3A_698] : memref<4x200x32xi32, #tpu.memory_space<vmem>> -> memref<1x96x32xi32, #tpu.memory_space<vmem>>
    %dma_wait3A_700 = tpu.memref_squeeze %dma_wait3A_699 : memref<1x96x32xi32, #tpu.memory_space<vmem>> -> memref<96x32xi32, #tpu.memory_space<vmem>>
    %dma_wait3A_701 = arith.constant 104 : i32
    %dma_wait3A_702 = tpu.memref_slice %arg7[%dma_wait3A_695, %dma_wait3A_701] : memref<4x200xi32, #tpu.memory_space<vmem>> -> memref<1x96xi32, #tpu.memory_space<vmem>>
    %dma_wait3A_703 = tpu.memref_squeeze %dma_wait3A_702 : memref<1x96xi32, #tpu.memory_space<vmem>> -> memref<96xi32, #tpu.memory_space<vmem>>
    %dma_wait3A_704 = arith.constant 0 : i32
    %dma_wait3A_705 = arith.constant 0 : i32
    %dma_wait3A_706 = tpu.memref_slice %arg2[%dma_wait3A_704, %dma_wait3A_705] : memref<1000000x32xi32, #tpu.memory_space<hbm>> -> memref<1000000x32xi32, #tpu.memory_space<hbm>>
    tpu.wait_indirect_dma semaphore(%arg15 : memref<!tpu.dma_semaphore, #tpu.memory_space<semaphore_mem>>) src(%dma_wait3A_706 : memref<1000000x32xi32, #tpu.memory_space<hbm>>) dst(%dma_wait3A_700 : memref<96x32xi32, #tpu.memory_space<vmem>>)
    %add3A_707 = arith.constant 504 : i32
    %add3A_708 = arith.addi %mul3A_2, %add3A_707 : i32
    %multiple_of3A_709 = tpu.assume_multiple %add3A_708, 4 : i32
    %dma_start3A_710 = arith.constant 0 : i32
    %dma_start3A_711 = arith.constant 0 : i32
    %dma_start3A_712 = tpu.memref_slice %arg4[%multiple_of3A_709, %dma_start3A_710, %dma_start3A_711] : memref<16384x200x32xi32, #tpu.memory_space<hbm>> -> memref<4x200x32xi32, #tpu.memory_space<hbm>>
    %dma_start3A_713 = arith.constant 0 : i32
    %dma_start3A_714 = arith.constant 0 : i32
    %dma_start3A_715 = tpu.memref_slice %arg4[%multiple_of3A_709, %dma_start3A_713, %dma_start3A_714] : memref<16384x200x32xi32, #tpu.memory_space<hbm>> -> memref<4x200x32xi32, #tpu.memory_space<hbm>>
    tpu.enqueue_dma source(%arg11 : memref<4x200x32xi32, #tpu.memory_space<vmem>>) target(%dma_start3A_715 : memref<4x200x32xi32, #tpu.memory_space<hbm>>) target_semaphore(%arg19 : memref<!tpu.dma_semaphore, #tpu.memory_space<semaphore_mem>>)
    %dma_wait3A_716 = arith.constant 0 : i32
    %dma_wait3A_717 = arith.constant 0 : i32
    %dma_wait3A_718 = arith.constant 0 : i32
    %dma_wait3A_719 = arith.constant 0 : i32
    %dma_wait3A_720 = tpu.memref_slice %arg12[%dma_wait3A_717, %dma_wait3A_718, %dma_wait3A_719] : memref<4x200x32xi32, #tpu.memory_space<vmem>> -> memref<1x104x32xi32, #tpu.memory_space<vmem>>
    %dma_wait3A_721 = tpu.memref_squeeze %dma_wait3A_720 : memref<1x104x32xi32, #tpu.memory_space<vmem>> -> memref<104x32xi32, #tpu.memory_space<vmem>>
    %dma_wait3A_722 = arith.constant 0 : i32
    %dma_wait3A_723 = tpu.memref_slice %arg8[%dma_wait3A_716, %dma_wait3A_722] : memref<4x200xi32, #tpu.memory_space<vmem>> -> memref<1x104xi32, #tpu.memory_space<vmem>>
    %dma_wait3A_724 = tpu.memref_squeeze %dma_wait3A_723 : memref<1x104xi32, #tpu.memory_space<vmem>> -> memref<104xi32, #tpu.memory_space<vmem>>
    %dma_wait3A_725 = arith.constant 0 : i32
    %dma_wait3A_726 = arith.constant 0 : i32
    %dma_wait3A_727 = tpu.memref_slice %arg2[%dma_wait3A_725, %dma_wait3A_726] : memref<1000000x32xi32, #tpu.memory_space<hbm>> -> memref<1000000x32xi32, #tpu.memory_space<hbm>>
    tpu.wait_indirect_dma semaphore(%arg16 : memref<!tpu.dma_semaphore, #tpu.memory_space<semaphore_mem>>) src(%dma_wait3A_727 : memref<1000000x32xi32, #tpu.memory_space<hbm>>) dst(%dma_wait3A_721 : memref<104x32xi32, #tpu.memory_space<vmem>>)
    %dma_wait3A_728 = arith.constant 0 : i32
    %dma_wait3A_729 = arith.constant 0 : i32
    %dma_wait3A_730 = arith.constant 104 : i32
    %dma_wait3A_731 = arith.constant 0 : i32
    %dma_wait3A_732 = tpu.memref_slice %arg12[%dma_wait3A_729, %dma_wait3A_730, %dma_wait3A_731] : memref<4x200x32xi32, #tpu.memory_space<vmem>> -> memref<1x96x32xi32, #tpu.memory_space<vmem>>
    %dma_wait3A_733 = tpu.memref_squeeze %dma_wait3A_732 : memref<1x96x32xi32, #tpu.memory_space<vmem>> -> memref<96x32xi32, #tpu.memory_space<vmem>>
    %dma_wait3A_734 = arith.constant 104 : i32
    %dma_wait3A_735 = tpu.memref_slice %arg8[%dma_wait3A_728, %dma_wait3A_734] : memref<4x200xi32, #tpu.memory_space<vmem>> -> memref<1x96xi32, #tpu.memory_space<vmem>>
    %dma_wait3A_736 = tpu.memref_squeeze %dma_wait3A_735 : memref<1x96xi32, #tpu.memory_space<vmem>> -> memref<96xi32, #tpu.memory_space<vmem>>
    %dma_wait3A_737 = arith.constant 0 : i32
    %dma_wait3A_738 = arith.constant 0 : i32
    %dma_wait3A_739 = tpu.memref_slice %arg2[%dma_wait3A_737, %dma_wait3A_738] : memref<1000000x32xi32, #tpu.memory_space<hbm>> -> memref<1000000x32xi32, #tpu.memory_space<hbm>>
    tpu.wait_indirect_dma semaphore(%arg16 : memref<!tpu.dma_semaphore, #tpu.memory_space<semaphore_mem>>) src(%dma_wait3A_739 : memref<1000000x32xi32, #tpu.memory_space<hbm>>) dst(%dma_wait3A_733 : memref<96x32xi32, #tpu.memory_space<vmem>>)
    %dma_wait3A_740 = arith.constant 1 : i32
    %dma_wait3A_741 = arith.constant 1 : i32
    %dma_wait3A_742 = arith.constant 0 : i32
    %dma_wait3A_743 = arith.constant 0 : i32
    %dma_wait3A_744 = tpu.memref_slice %arg12[%dma_wait3A_741, %dma_wait3A_742, %dma_wait3A_743] : memref<4x200x32xi32, #tpu.memory_space<vmem>> -> memref<1x104x32xi32, #tpu.memory_space<vmem>>
    %dma_wait3A_745 = tpu.memref_squeeze %dma_wait3A_744 : memref<1x104x32xi32, #tpu.memory_space<vmem>> -> memref<104x32xi32, #tpu.memory_space<vmem>>
    %dma_wait3A_746 = arith.constant 0 : i32
    %dma_wait3A_747 = tpu.memref_slice %arg8[%dma_wait3A_740, %dma_wait3A_746] : memref<4x200xi32, #tpu.memory_space<vmem>> -> memref<1x104xi32, #tpu.memory_space<vmem>>
    %dma_wait3A_748 = tpu.memref_squeeze %dma_wait3A_747 : memref<1x104xi32, #tpu.memory_space<vmem>> -> memref<104xi32, #tpu.memory_space<vmem>>
    %dma_wait3A_749 = arith.constant 0 : i32
    %dma_wait3A_750 = arith.constant 0 : i32
    %dma_wait3A_751 = tpu.memref_slice %arg2[%dma_wait3A_749, %dma_wait3A_750] : memref<1000000x32xi32, #tpu.memory_space<hbm>> -> memref<1000000x32xi32, #tpu.memory_space<hbm>>
    tpu.wait_indirect_dma semaphore(%arg16 : memref<!tpu.dma_semaphore, #tpu.memory_space<semaphore_mem>>) src(%dma_wait3A_751 : memref<1000000x32xi32, #tpu.memory_space<hbm>>) dst(%dma_wait3A_745 : memref<104x32xi32, #tpu.memory_space<vmem>>)
    %dma_wait3A_752 = arith.constant 1 : i32
    %dma_wait3A_753 = arith.constant 1 : i32
    %dma_wait3A_754 = arith.constant 104 : i32
    %dma_wait3A_755 = arith.constant 0 : i32
    %dma_wait3A_756 = tpu.memref_slice %arg12[%dma_wait3A_753, %dma_wait3A_754, %dma_wait3A_755] : memref<4x200x32xi32, #tpu.memory_space<vmem>> -> memref<1x96x32xi32, #tpu.memory_space<vmem>>
    %dma_wait3A_757 = tpu.memref_squeeze %dma_wait3A_756 : memref<1x96x32xi32, #tpu.memory_space<vmem>> -> memref<96x32xi32, #tpu.memory_space<vmem>>
    %dma_wait3A_758 = arith.constant 104 : i32
    %dma_wait3A_759 = tpu.memref_slice %arg8[%dma_wait3A_752, %dma_wait3A_758] : memref<4x200xi32, #tpu.memory_space<vmem>> -> memref<1x96xi32, #tpu.memory_space<vmem>>
    %dma_wait3A_760 = tpu.memref_squeeze %dma_wait3A_759 : memref<1x96xi32, #tpu.memory_space<vmem>> -> memref<96xi32, #tpu.memory_space<vmem>>
    %dma_wait3A_761 = arith.constant 0 : i32
    %dma_wait3A_762 = arith.constant 0 : i32
    %dma_wait3A_763 = tpu.memref_slice %arg2[%dma_wait3A_761, %dma_wait3A_762] : memref<1000000x32xi32, #tpu.memory_space<hbm>> -> memref<1000000x32xi32, #tpu.memory_space<hbm>>
    tpu.wait_indirect_dma semaphore(%arg16 : memref<!tpu.dma_semaphore, #tpu.memory_space<semaphore_mem>>) src(%dma_wait3A_763 : memref<1000000x32xi32, #tpu.memory_space<hbm>>) dst(%dma_wait3A_757 : memref<96x32xi32, #tpu.memory_space<vmem>>)
    %dma_wait3A_764 = arith.constant 2 : i32
    %dma_wait3A_765 = arith.constant 2 : i32
    %dma_wait3A_766 = arith.constant 0 : i32
    %dma_wait3A_767 = arith.constant 0 : i32
    %dma_wait3A_768 = tpu.memref_slice %arg12[%dma_wait3A_765, %dma_wait3A_766, %dma_wait3A_767] : memref<4x200x32xi32, #tpu.memory_space<vmem>> -> memref<1x104x32xi32, #tpu.memory_space<vmem>>
    %dma_wait3A_769 = tpu.memref_squeeze %dma_wait3A_768 : memref<1x104x32xi32, #tpu.memory_space<vmem>> -> memref<104x32xi32, #tpu.memory_space<vmem>>
    %dma_wait3A_770 = arith.constant 0 : i32
    %dma_wait3A_771 = tpu.memref_slice %arg8[%dma_wait3A_764, %dma_wait3A_770] : memref<4x200xi32, #tpu.memory_space<vmem>> -> memref<1x104xi32, #tpu.memory_space<vmem>>
    %dma_wait3A_772 = tpu.memref_squeeze %dma_wait3A_771 : memref<1x104xi32, #tpu.memory_space<vmem>> -> memref<104xi32, #tpu.memory_space<vmem>>
    %dma_wait3A_773 = arith.constant 0 : i32
    %dma_wait3A_774 = arith.constant 0 : i32
    %dma_wait3A_775 = tpu.memref_slice %arg2[%dma_wait3A_773, %dma_wait3A_774] : memref<1000000x32xi32, #tpu.memory_space<hbm>> -> memref<1000000x32xi32, #tpu.memory_space<hbm>>
    tpu.wait_indirect_dma semaphore(%arg16 : memref<!tpu.dma_semaphore, #tpu.memory_space<semaphore_mem>>) src(%dma_wait3A_775 : memref<1000000x32xi32, #tpu.memory_space<hbm>>) dst(%dma_wait3A_769 : memref<104x32xi32, #tpu.memory_space<vmem>>)
    %dma_wait3A_776 = arith.constant 2 : i32
    %dma_wait3A_777 = arith.constant 2 : i32
    %dma_wait3A_778 = arith.constant 104 : i32
    %dma_wait3A_779 = arith.constant 0 : i32
    %dma_wait3A_780 = tpu.memref_slice %arg12[%dma_wait3A_777, %dma_wait3A_778, %dma_wait3A_779] : memref<4x200x32xi32, #tpu.memory_space<vmem>> -> memref<1x96x32xi32, #tpu.memory_space<vmem>>
    %dma_wait3A_781 = tpu.memref_squeeze %dma_wait3A_780 : memref<1x96x32xi32, #tpu.memory_space<vmem>> -> memref<96x32xi32, #tpu.memory_space<vmem>>
    %dma_wait3A_782 = arith.constant 104 : i32
    %dma_wait3A_783 = tpu.memref_slice %arg8[%dma_wait3A_776, %dma_wait3A_782] : memref<4x200xi32, #tpu.memory_space<vmem>> -> memref<1x96xi32, #tpu.memory_space<vmem>>
    %dma_wait3A_784 = tpu.memref_squeeze %dma_wait3A_783 : memref<1x96xi32, #tpu.memory_space<vmem>> -> memref<96xi32, #tpu.memory_space<vmem>>
    %dma_wait3A_785 = arith.constant 0 : i32
    %dma_wait3A_786 = arith.constant 0 : i32
    %dma_wait3A_787 = tpu.memref_slice %arg2[%dma_wait3A_785, %dma_wait3A_786] : memref<1000000x32xi32, #tpu.memory_space<hbm>> -> memref<1000000x32xi32, #tpu.memory_space<hbm>>
    tpu.wait_indirect_dma semaphore(%arg16 : memref<!tpu.dma_semaphore, #tpu.memory_space<semaphore_mem>>) src(%dma_wait3A_787 : memref<1000000x32xi32, #tpu.memory_space<hbm>>) dst(%dma_wait3A_781 : memref<96x32xi32, #tpu.memory_space<vmem>>)
    %dma_wait3A_788 = arith.constant 3 : i32
    %dma_wait3A_789 = arith.constant 3 : i32
    %dma_wait3A_790 = arith.constant 0 : i32
    %dma_wait3A_791 = arith.constant 0 : i32
    %dma_wait3A_792 = tpu.memref_slice %arg12[%dma_wait3A_789, %dma_wait3A_790, %dma_wait3A_791] : memref<4x200x32xi32, #tpu.memory_space<vmem>> -> memref<1x104x32xi32, #tpu.memory_space<vmem>>
    %dma_wait3A_793 = tpu.memref_squeeze %dma_wait3A_792 : memref<1x104x32xi32, #tpu.memory_space<vmem>> -> memref<104x32xi32, #tpu.memory_space<vmem>>
    %dma_wait3A_794 = arith.constant 0 : i32
    %dma_wait3A_795 = tpu.memref_slice %arg8[%dma_wait3A_788, %dma_wait3A_794] : memref<4x200xi32, #tpu.memory_space<vmem>> -> memref<1x104xi32, #tpu.memory_space<vmem>>
    %dma_wait3A_796 = tpu.memref_squeeze %dma_wait3A_795 : memref<1x104xi32, #tpu.memory_space<vmem>> -> memref<104xi32, #tpu.memory_space<vmem>>
    %dma_wait3A_797 = arith.constant 0 : i32
    %dma_wait3A_798 = arith.constant 0 : i32
    %dma_wait3A_799 = tpu.memref_slice %arg2[%dma_wait3A_797, %dma_wait3A_798] : memref<1000000x32xi32, #tpu.memory_space<hbm>> -> memref<1000000x32xi32, #tpu.memory_space<hbm>>
    tpu.wait_indirect_dma semaphore(%arg16 : memref<!tpu.dma_semaphore, #tpu.memory_space<semaphore_mem>>) src(%dma_wait3A_799 : memref<1000000x32xi32, #tpu.memory_space<hbm>>) dst(%dma_wait3A_793 : memref<104x32xi32, #tpu.memory_space<vmem>>)
    %dma_wait3A_800 = arith.constant 3 : i32
    %dma_wait3A_801 = arith.constant 3 : i32
    %dma_wait3A_802 = arith.constant 104 : i32
    %dma_wait3A_803 = arith.constant 0 : i32
    %dma_wait3A_804 = tpu.memref_slice %arg12[%dma_wait3A_801, %dma_wait3A_802, %dma_wait3A_803] : memref<4x200x32xi32, #tpu.memory_space<vmem>> -> memref<1x96x32xi32, #tpu.memory_space<vmem>>
    %dma_wait3A_805 = tpu.memref_squeeze %dma_wait3A_804 : memref<1x96x32xi32, #tpu.memory_space<vmem>> -> memref<96x32xi32, #tpu.memory_space<vmem>>
    %dma_wait3A_806 = arith.constant 104 : i32
    %dma_wait3A_807 = tpu.memref_slice %arg8[%dma_wait3A_800, %dma_wait3A_806] : memref<4x200xi32, #tpu.memory_space<vmem>> -> memref<1x96xi32, #tpu.memory_space<vmem>>
    %dma_wait3A_808 = tpu.memref_squeeze %dma_wait3A_807 : memref<1x96xi32, #tpu.memory_space<vmem>> -> memref<96xi32, #tpu.memory_space<vmem>>
    %dma_wait3A_809 = arith.constant 0 : i32
    %dma_wait3A_810 = arith.constant 0 : i32
    %dma_wait3A_811 = tpu.memref_slice %arg2[%dma_wait3A_809, %dma_wait3A_810] : memref<1000000x32xi32, #tpu.memory_space<hbm>> -> memref<1000000x32xi32, #tpu.memory_space<hbm>>
    tpu.wait_indirect_dma semaphore(%arg16 : memref<!tpu.dma_semaphore, #tpu.memory_space<semaphore_mem>>) src(%dma_wait3A_811 : memref<1000000x32xi32, #tpu.memory_space<hbm>>) dst(%dma_wait3A_805 : memref<96x32xi32, #tpu.memory_space<vmem>>)
    %add3A_812 = arith.constant 508 : i32
    %add3A_813 = arith.addi %mul3A_2, %add3A_812 : i32
    %multiple_of3A_814 = tpu.assume_multiple %add3A_813, 4 : i32
    %dma_start3A_815 = arith.constant 0 : i32
    %dma_start3A_816 = arith.constant 0 : i32
    %dma_start3A_817 = tpu.memref_slice %arg4[%multiple_of3A_814, %dma_start3A_815, %dma_start3A_816] : memref<16384x200x32xi32, #tpu.memory_space<hbm>> -> memref<4x200x32xi32, #tpu.memory_space<hbm>>
    %dma_start3A_818 = arith.constant 0 : i32
    %dma_start3A_819 = arith.constant 0 : i32
    %dma_start3A_820 = tpu.memref_slice %arg4[%multiple_of3A_814, %dma_start3A_818, %dma_start3A_819] : memref<16384x200x32xi32, #tpu.memory_space<hbm>> -> memref<4x200x32xi32, #tpu.memory_space<hbm>>
    tpu.enqueue_dma source(%arg12 : memref<4x200x32xi32, #tpu.memory_space<vmem>>) target(%dma_start3A_820 : memref<4x200x32xi32, #tpu.memory_space<hbm>>) target_semaphore(%arg20 : memref<!tpu.dma_semaphore, #tpu.memory_space<semaphore_mem>>)
    %add3A_821 = arith.constant 496 : i32
    %add3A_822 = arith.addi %mul3A_2, %add3A_821 : i32
    %multiple_of3A_823 = tpu.assume_multiple %add3A_822, 4 : i32
    %dma_wait3A_824 = arith.constant 0 : i32
    %dma_wait3A_825 = arith.constant 0 : i32
    %dma_wait3A_826 = tpu.memref_slice %arg4[%multiple_of3A_823, %dma_wait3A_824, %dma_wait3A_825] : memref<16384x200x32xi32, #tpu.memory_space<hbm>> -> memref<4x200x32xi32, #tpu.memory_space<hbm>>
    %dma_wait3A_827 = arith.constant 0 : i32
    %dma_wait3A_828 = arith.constant 0 : i32
    %dma_wait3A_829 = tpu.memref_slice %arg4[%multiple_of3A_823, %dma_wait3A_827, %dma_wait3A_828] : memref<16384x200x32xi32, #tpu.memory_space<hbm>> -> memref<4x200x32xi32, #tpu.memory_space<hbm>>
    tpu.wait_dma2 semaphore(%arg17 : memref<!tpu.dma_semaphore, #tpu.memory_space<semaphore_mem>>) src(%arg9 : memref<4x200x32xi32, #tpu.memory_space<vmem>>) dst(%dma_wait3A_829 : memref<4x200x32xi32, #tpu.memory_space<hbm>>)
    %add3A_830 = arith.constant 500 : i32
    %add3A_831 = arith.addi %mul3A_2, %add3A_830 : i32
    %multiple_of3A_832 = tpu.assume_multiple %add3A_831, 4 : i32
    %dma_wait3A_833 = arith.constant 0 : i32
    %dma_wait3A_834 = arith.constant 0 : i32
    %dma_wait3A_835 = tpu.memref_slice %arg4[%multiple_of3A_832, %dma_wait3A_833, %dma_wait3A_834] : memref<16384x200x32xi32, #tpu.memory_space<hbm>> -> memref<4x200x32xi32, #tpu.memory_space<hbm>>
    %dma_wait3A_836 = arith.constant 0 : i32
    %dma_wait3A_837 = arith.constant 0 : i32
    %dma_wait3A_838 = tpu.memref_slice %arg4[%multiple_of3A_832, %dma_wait3A_836, %dma_wait3A_837] : memref<16384x200x32xi32, #tpu.memory_space<hbm>> -> memref<4x200x32xi32, #tpu.memory_space<hbm>>
    tpu.wait_dma2 semaphore(%arg18 : memref<!tpu.dma_semaphore, #tpu.memory_space<semaphore_mem>>) src(%arg10 : memref<4x200x32xi32, #tpu.memory_space<vmem>>) dst(%dma_wait3A_838 : memref<4x200x32xi32, #tpu.memory_space<hbm>>)
    %add3A_839 = arith.constant 504 : i32
    %add3A_840 = arith.addi %mul3A_2, %add3A_839 : i32
    %multiple_of3A_841 = tpu.assume_multiple %add3A_840, 4 : i32
    %dma_wait3A_842 = arith.constant 0 : i32
    %dma_wait3A_843 = arith.constant 0 : i32
    %dma_wait3A_844 = tpu.memref_slice %arg4[%multiple_of3A_841, %dma_wait3A_842, %dma_wait3A_843] : memref<16384x200x32xi32, #tpu.memory_space<hbm>> -> memref<4x200x32xi32, #tpu.memory_space<hbm>>
    %dma_wait3A_845 = arith.constant 0 : i32
    %dma_wait3A_846 = arith.constant 0 : i32
    %dma_wait3A_847 = tpu.memref_slice %arg4[%multiple_of3A_841, %dma_wait3A_845, %dma_wait3A_846] : memref<16384x200x32xi32, #tpu.memory_space<hbm>> -> memref<4x200x32xi32, #tpu.memory_space<hbm>>
    tpu.wait_dma2 semaphore(%arg19 : memref<!tpu.dma_semaphore, #tpu.memory_space<semaphore_mem>>) src(%arg11 : memref<4x200x32xi32, #tpu.memory_space<vmem>>) dst(%dma_wait3A_847 : memref<4x200x32xi32, #tpu.memory_space<hbm>>)
    %add3A_848 = arith.constant 508 : i32
    %add3A_849 = arith.addi %mul3A_2, %add3A_848 : i32
    %multiple_of3A_850 = tpu.assume_multiple %add3A_849, 4 : i32
    %dma_wait3A_851 = arith.constant 0 : i32
    %dma_wait3A_852 = arith.constant 0 : i32
    %dma_wait3A_853 = tpu.memref_slice %arg4[%multiple_of3A_850, %dma_wait3A_851, %dma_wait3A_852] : memref<16384x200x32xi32, #tpu.memory_space<hbm>> -> memref<4x200x32xi32, #tpu.memory_space<hbm>>
    %dma_wait3A_854 = arith.constant 0 : i32
    %dma_wait3A_855 = arith.constant 0 : i32
    %dma_wait3A_856 = tpu.memref_slice %arg4[%multiple_of3A_850, %dma_wait3A_854, %dma_wait3A_855] : memref<16384x200x32xi32, #tpu.memory_space<hbm>> -> memref<4x200x32xi32, #tpu.memory_space<hbm>>
    tpu.wait_dma2 semaphore(%arg20 : memref<!tpu.dma_semaphore, #tpu.memory_space<semaphore_mem>>) src(%arg12 : memref<4x200x32xi32, #tpu.memory_space<vmem>>) dst(%dma_wait3A_856 : memref<4x200x32xi32, #tpu.memory_space<hbm>>)
    return
  }
}

module attributes {stable_mosaic.version = 14 : i64} {
  func.func @body(%arg0: i32, %arg1: memref<64x8192xf32, #tpu.memory_space<vmem>>, %arg2: memref<2048x128xi32, #tpu.memory_space<vmem>>, %arg3: memref<8192x32xi32, #tpu.memory_space<vmem>>) attributes {dimension_semantics = [#tpu.dimension_semantics<arbitrary>], iteration_bounds = array<i64: 123>, scalar_prefetch = 0 : i64, scratch_operands = 1 : i64, tpu.core_type = #tpu.core_type<tc>, window_params = [{transform_indices = @transform_0, window_bounds = array<i64: 64, 8192>}, {transform_indices = @transform_1, window_bounds = array<i64: 2048, 128>}]} {
    %get3A = arith.constant 0 : index
    %get3A_0 = arith.constant 0 : index
    %get3A_1 = vector.load %arg1[%get3A, %get3A_0] : memref<64x8192xf32, #tpu.memory_space<vmem>>, vector<64x8192xf32>
    %convert_element_type3A = arith.truncf %get3A_1 : vector<64x8192xf32> to vector<64x8192xbf16>
    %bitcast3A = tpu.bitcast %convert_element_type3A : vector<64x8192xbf16> -> vector<32x8192xi32>
    %transpose3A = tpu.transpose %bitcast3A, [1, 0] : vector<32x8192xi32> -> vector<8192x32xi32>
    %swap3A = arith.constant 0 : index
    %swap3A_2 = arith.constant 0 : index
    %swap3A_3 = vector.load %arg3[%swap3A, %swap3A_2] : memref<8192x32xi32, #tpu.memory_space<vmem>>, vector<8192x32xi32>
    tpu.vector_store %arg3[%swap3A, %swap3A_2], %transpose3A {strides = array<i32>} : memref<8192x32xi32, #tpu.memory_space<vmem>>, vector<8192x32xi32>,
    %get3A_4 = arith.constant 0 : index
    %get3A_5 = arith.constant 0 : index
    %get3A_6 = tpu.strided_load %arg3[%get3A_4, %get3A_5] {strides = array<i32: 4, 1>} : memref<8192x32xi32, #tpu.memory_space<vmem>>, vector<2048x32xi32>
    %swap3A_7 = arith.constant 0 : index
    %swap3A_8 = arith.constant 0 : index
    %swap3A_9 = vector.load %arg2[%swap3A_7, %swap3A_8] : memref<2048x128xi32, #tpu.memory_space<vmem>>, vector<2048x32xi32>
    tpu.vector_store %arg2[%swap3A_7, %swap3A_8], %get3A_6 {strides = array<i32>} : memref<2048x128xi32, #tpu.memory_space<vmem>>, vector<2048x32xi32>,
    %get3A_10 = arith.constant 1 : index
    %get3A_11 = arith.constant 0 : index
    %get3A_12 = tpu.strided_load %arg3[%get3A_10, %get3A_11] {strides = array<i32: 4, 1>} : memref<8192x32xi32, #tpu.memory_space<vmem>>, vector<2048x32xi32>
    %swap3A_13 = arith.constant 0 : index
    %swap3A_14 = arith.constant 32 : index
    %swap3A_15 = vector.load %arg2[%swap3A_13, %swap3A_14] : memref<2048x128xi32, #tpu.memory_space<vmem>>, vector<2048x32xi32>
    tpu.vector_store %arg2[%swap3A_13, %swap3A_14], %get3A_12 {strides = array<i32>} : memref<2048x128xi32, #tpu.memory_space<vmem>>, vector<2048x32xi32>,
    %get3A_16 = arith.constant 2 : index
    %get3A_17 = arith.constant 0 : index
    %get3A_18 = tpu.strided_load %arg3[%get3A_16, %get3A_17] {strides = array<i32: 4, 1>} : memref<8192x32xi32, #tpu.memory_space<vmem>>, vector<2048x32xi32>
    %swap3A_19 = arith.constant 0 : index
    %swap3A_20 = arith.constant 64 : index
    %swap3A_21 = vector.load %arg2[%swap3A_19, %swap3A_20] : memref<2048x128xi32, #tpu.memory_space<vmem>>, vector<2048x32xi32>
    tpu.vector_store %arg2[%swap3A_19, %swap3A_20], %get3A_18 {strides = array<i32>} : memref<2048x128xi32, #tpu.memory_space<vmem>>, vector<2048x32xi32>,
    %get3A_22 = arith.constant 3 : index
    %get3A_23 = arith.constant 0 : index
    %get3A_24 = tpu.strided_load %arg3[%get3A_22, %get3A_23] {strides = array<i32: 4, 1>} : memref<8192x32xi32, #tpu.memory_space<vmem>>, vector<2048x32xi32>
    %swap3A_25 = arith.constant 0 : index
    %swap3A_26 = arith.constant 96 : index
    %swap3A_27 = vector.load %arg2[%swap3A_25, %swap3A_26] : memref<2048x128xi32, #tpu.memory_space<vmem>>, vector<2048x32xi32>
    tpu.vector_store %arg2[%swap3A_25, %swap3A_26], %get3A_24 {strides = array<i32>} : memref<2048x128xi32, #tpu.memory_space<vmem>>, vector<2048x32xi32>,
    return
  }
  func.func @transform_0(%arg0: i32) -> (i32, i32) {
    %c0_i32 = arith.constant 0 : i32
    %c0_i32_0 = arith.constant 0 : i32
    return %c0_i32, %arg0 : i32, i32
  }
  func.func @transform_1(%arg0: i32) -> (i32, i32) {
    %c0_i32 = arith.constant 0 : i32
    %c0_i32_0 = arith.constant 0 : i32
    return %arg0, %c0_i32 : i32, i32
  }
}

module attributes {stable_mosaic.version = 14 : i64} {
  func.func @body(%arg0: i32, %arg1: memref<6400x128xi32, #tpu.memory_space<vmem>>, %arg2: memref<200x64x128xbf16, #tpu.memory_space<vmem>>) attributes {dimension_semantics = [#tpu.dimension_semantics<arbitrary>], iteration_bounds = array<i64: 128>, scalar_prefetch = 0 : i64, scratch_operands = 0 : i64, tpu.core_type = #tpu.core_type<tc>, window_params = [{transform_indices = @transform_0, window_bounds = array<i64: 6400, 128>}, {transform_indices = @transform_1, window_bounds = array<i64: 200, 64, 128>}]} {
    %get3A = arith.constant 0 : index
    %get3A_0 = arith.constant 0 : index
    %get3A_1 = tpu.strided_load %arg1[%get3A, %get3A_0] {strides = array<i32: 50, 1>} : memref<6400x128xi32, #tpu.memory_space<vmem>>, vector<128x128xi32>
    %transpose3A = tpu.transpose %get3A_1, [1, 0] : vector<128x128xi32> -> vector<128x128xi32>
    %slice3A = vector.extract_strided_slice %transpose3A {offsets = [0, 0], sizes = [32, 128], strides = [1, 1]} : vector<128x128xi32> to vector<32x128xi32>
    %bitcast3A = tpu.bitcast %slice3A : vector<32x128xi32> -> vector<64x128xbf16>
    %swap3A = arith.constant 0 : index
    %swap3A_2 = arith.constant 0 : index
    %swap3A_3 = arith.constant 0 : index
    %swap3A_4 = vector.load %arg2[%swap3A, %swap3A_2, %swap3A_3] : memref<200x64x128xbf16, #tpu.memory_space<vmem>>, vector<1x64x128xbf16>
    %swap3A_5 = vector.shape_cast %swap3A_4 : vector<1x64x128xbf16> to vector<64x128xbf16>
    %swap3A_6 = vector.shape_cast %bitcast3A : vector<64x128xbf16> to vector<1x64x128xbf16>
    tpu.vector_store %arg2[%swap3A, %swap3A_2, %swap3A_3], %swap3A_6 {strides = array<i32>} : memref<200x64x128xbf16, #tpu.memory_space<vmem>>, vector<1x64x128xbf16>,
    %slice3A_7 = vector.extract_strided_slice %transpose3A {offsets = [32, 0], sizes = [32, 128], strides = [1, 1]} : vector<128x128xi32> to vector<32x128xi32>
    %bitcast3A_8 = tpu.bitcast %slice3A_7 : vector<32x128xi32> -> vector<64x128xbf16>
    %swap3A_9 = arith.constant 1 : index
    %swap3A_10 = arith.constant 0 : index
    %swap3A_11 = arith.constant 0 : index
    %swap3A_12 = vector.load %arg2[%swap3A_9, %swap3A_10, %swap3A_11] : memref<200x64x128xbf16, #tpu.memory_space<vmem>>, vector<1x64x128xbf16>
    %swap3A_13 = vector.shape_cast %swap3A_12 : vector<1x64x128xbf16> to vector<64x128xbf16>
    %swap3A_14 = vector.shape_cast %bitcast3A_8 : vector<64x128xbf16> to vector<1x64x128xbf16>
    tpu.vector_store %arg2[%swap3A_9, %swap3A_10, %swap3A_11], %swap3A_14 {strides = array<i32>} : memref<200x64x128xbf16, #tpu.memory_space<vmem>>, vector<1x64x128xbf16>,
    %slice3A_15 = vector.extract_strided_slice %transpose3A {offsets = [64, 0], sizes = [32, 128], strides = [1, 1]} : vector<128x128xi32> to vector<32x128xi32>
    %bitcast3A_16 = tpu.bitcast %slice3A_15 : vector<32x128xi32> -> vector<64x128xbf16>
    %swap3A_17 = arith.constant 2 : index
    %swap3A_18 = arith.constant 0 : index
    %swap3A_19 = arith.constant 0 : index
    %swap3A_20 = vector.load %arg2[%swap3A_17, %swap3A_18, %swap3A_19] : memref<200x64x128xbf16, #tpu.memory_space<vmem>>, vector<1x64x128xbf16>
    %swap3A_21 = vector.shape_cast %swap3A_20 : vector<1x64x128xbf16> to vector<64x128xbf16>
    %swap3A_22 = vector.shape_cast %bitcast3A_16 : vector<64x128xbf16> to vector<1x64x128xbf16>
    tpu.vector_store %arg2[%swap3A_17, %swap3A_18, %swap3A_19], %swap3A_22 {strides = array<i32>} : memref<200x64x128xbf16, #tpu.memory_space<vmem>>, vector<1x64x128xbf16>,
    %slice3A_23 = vector.extract_strided_slice %transpose3A {offsets = [96, 0], sizes = [32, 128], strides = [1, 1]} : vector<128x128xi32> to vector<32x128xi32>
    %bitcast3A_24 = tpu.bitcast %slice3A_23 : vector<32x128xi32> -> vector<64x128xbf16>
    %swap3A_25 = arith.constant 3 : index
    %swap3A_26 = arith.constant 0 : index
    %swap3A_27 = arith.constant 0 : index
    %swap3A_28 = vector.load %arg2[%swap3A_25, %swap3A_26, %swap3A_27] : memref<200x64x128xbf16, #tpu.memory_space<vmem>>, vector<1x64x128xbf16>
    %swap3A_29 = vector.shape_cast %swap3A_28 : vector<1x64x128xbf16> to vector<64x128xbf16>
    %swap3A_30 = vector.shape_cast %bitcast3A_24 : vector<64x128xbf16> to vector<1x64x128xbf16>
    tpu.vector_store %arg2[%swap3A_25, %swap3A_26, %swap3A_27], %swap3A_30 {strides = array<i32>} : memref<200x64x128xbf16, #tpu.memory_space<vmem>>, vector<1x64x128xbf16>,
    %get3A_31 = arith.constant 1 : index
    %get3A_32 = arith.constant 0 : index
    %get3A_33 = tpu.strided_load %arg1[%get3A_31, %get3A_32] {strides = array<i32: 50, 1>} : memref<6400x128xi32, #tpu.memory_space<vmem>>, vector<128x128xi32>
    %transpose3A_34 = tpu.transpose %get3A_33, [1, 0] : vector<128x128xi32> -> vector<128x128xi32>
    %slice3A_35 = vector.extract_strided_slice %transpose3A_34 {offsets = [0, 0], sizes = [32, 128], strides = [1, 1]} : vector<128x128xi32> to vector<32x128xi32>
    %bitcast3A_36 = tpu.bitcast %slice3A_35 : vector<32x128xi32> -> vector<64x128xbf16>
    %swap3A_37 = arith.constant 4 : index
    %swap3A_38 = arith.constant 0 : index
    %swap3A_39 = arith.constant 0 : index
    %swap3A_40 = vector.load %arg2[%swap3A_37, %swap3A_38, %swap3A_39] : memref<200x64x128xbf16, #tpu.memory_space<vmem>>, vector<1x64x128xbf16>
    %swap3A_41 = vector.shape_cast %swap3A_40 : vector<1x64x128xbf16> to vector<64x128xbf16>
    %swap3A_42 = vector.shape_cast %bitcast3A_36 : vector<64x128xbf16> to vector<1x64x128xbf16>
    tpu.vector_store %arg2[%swap3A_37, %swap3A_38, %swap3A_39], %swap3A_42 {strides = array<i32>} : memref<200x64x128xbf16, #tpu.memory_space<vmem>>, vector<1x64x128xbf16>,
    %slice3A_43 = vector.extract_strided_slice %transpose3A_34 {offsets = [32, 0], sizes = [32, 128], strides = [1, 1]} : vector<128x128xi32> to vector<32x128xi32>
    %bitcast3A_44 = tpu.bitcast %slice3A_43 : vector<32x128xi32> -> vector<64x128xbf16>
    %swap3A_45 = arith.constant 5 : index
    %swap3A_46 = arith.constant 0 : index
    %swap3A_47 = arith.constant 0 : index
    %swap3A_48 = vector.load %arg2[%swap3A_45, %swap3A_46, %swap3A_47] : memref<200x64x128xbf16, #tpu.memory_space<vmem>>, vector<1x64x128xbf16>
    %swap3A_49 = vector.shape_cast %swap3A_48 : vector<1x64x128xbf16> to vector<64x128xbf16>
    %swap3A_50 = vector.shape_cast %bitcast3A_44 : vector<64x128xbf16> to vector<1x64x128xbf16>
    tpu.vector_store %arg2[%swap3A_45, %swap3A_46, %swap3A_47], %swap3A_50 {strides = array<i32>} : memref<200x64x128xbf16, #tpu.memory_space<vmem>>, vector<1x64x128xbf16>,
    %slice3A_51 = vector.extract_strided_slice %transpose3A_34 {offsets = [64, 0], sizes = [32, 128], strides = [1, 1]} : vector<128x128xi32> to vector<32x128xi32>
    %bitcast3A_52 = tpu.bitcast %slice3A_51 : vector<32x128xi32> -> vector<64x128xbf16>
    %swap3A_53 = arith.constant 6 : index
    %swap3A_54 = arith.constant 0 : index
    %swap3A_55 = arith.constant 0 : index
    %swap3A_56 = vector.load %arg2[%swap3A_53, %swap3A_54, %swap3A_55] : memref<200x64x128xbf16, #tpu.memory_space<vmem>>, vector<1x64x128xbf16>
    %swap3A_57 = vector.shape_cast %swap3A_56 : vector<1x64x128xbf16> to vector<64x128xbf16>
    %swap3A_58 = vector.shape_cast %bitcast3A_52 : vector<64x128xbf16> to vector<1x64x128xbf16>
    tpu.vector_store %arg2[%swap3A_53, %swap3A_54, %swap3A_55], %swap3A_58 {strides = array<i32>} : memref<200x64x128xbf16, #tpu.memory_space<vmem>>, vector<1x64x128xbf16>,
    %slice3A_59 = vector.extract_strided_slice %transpose3A_34 {offsets = [96, 0], sizes = [32, 128], strides = [1, 1]} : vector<128x128xi32> to vector<32x128xi32>
    %bitcast3A_60 = tpu.bitcast %slice3A_59 : vector<32x128xi32> -> vector<64x128xbf16>
    %swap3A_61 = arith.constant 7 : index
    %swap3A_62 = arith.constant 0 : index
    %swap3A_63 = arith.constant 0 : index
    %swap3A_64 = vector.load %arg2[%swap3A_61, %swap3A_62, %swap3A_63] : memref<200x64x128xbf16, #tpu.memory_space<vmem>>, vector<1x64x128xbf16>
    %swap3A_65 = vector.shape_cast %swap3A_64 : vector<1x64x128xbf16> to vector<64x128xbf16>
    %swap3A_66 = vector.shape_cast %bitcast3A_60 : vector<64x128xbf16> to vector<1x64x128xbf16>
    tpu.vector_store %arg2[%swap3A_61, %swap3A_62, %swap3A_63], %swap3A_66 {strides = array<i32>} : memref<200x64x128xbf16, #tpu.memory_space<vmem>>, vector<1x64x128xbf16>,
    %get3A_67 = arith.constant 2 : index
    %get3A_68 = arith.constant 0 : index
    %get3A_69 = tpu.strided_load %arg1[%get3A_67, %get3A_68] {strides = array<i32: 50, 1>} : memref<6400x128xi32, #tpu.memory_space<vmem>>, vector<128x128xi32>
    %transpose3A_70 = tpu.transpose %get3A_69, [1, 0] : vector<128x128xi32> -> vector<128x128xi32>
    %slice3A_71 = vector.extract_strided_slice %transpose3A_70 {offsets = [0, 0], sizes = [32, 128], strides = [1, 1]} : vector<128x128xi32> to vector<32x128xi32>
    %bitcast3A_72 = tpu.bitcast %slice3A_71 : vector<32x128xi32> -> vector<64x128xbf16>
    %swap3A_73 = arith.constant 8 : index
    %swap3A_74 = arith.constant 0 : index
    %swap3A_75 = arith.constant 0 : index
    %swap3A_76 = vector.load %arg2[%swap3A_73, %swap3A_74, %swap3A_75] : memref<200x64x128xbf16, #tpu.memory_space<vmem>>, vector<1x64x128xbf16>
    %swap3A_77 = vector.shape_cast %swap3A_76 : vector<1x64x128xbf16> to vector<64x128xbf16>
    %swap3A_78 = vector.shape_cast %bitcast3A_72 : vector<64x128xbf16> to vector<1x64x128xbf16>
    tpu.vector_store %arg2[%swap3A_73, %swap3A_74, %swap3A_75], %swap3A_78 {strides = array<i32>} : memref<200x64x128xbf16, #tpu.memory_space<vmem>>, vector<1x64x128xbf16>,
    %slice3A_79 = vector.extract_strided_slice %transpose3A_70 {offsets = [32, 0], sizes = [32, 128], strides = [1, 1]} : vector<128x128xi32> to vector<32x128xi32>
    %bitcast3A_80 = tpu.bitcast %slice3A_79 : vector<32x128xi32> -> vector<64x128xbf16>
    %swap3A_81 = arith.constant 9 : index
    %swap3A_82 = arith.constant 0 : index
    %swap3A_83 = arith.constant 0 : index
    %swap3A_84 = vector.load %arg2[%swap3A_81, %swap3A_82, %swap3A_83] : memref<200x64x128xbf16, #tpu.memory_space<vmem>>, vector<1x64x128xbf16>
    %swap3A_85 = vector.shape_cast %swap3A_84 : vector<1x64x128xbf16> to vector<64x128xbf16>
    %swap3A_86 = vector.shape_cast %bitcast3A_80 : vector<64x128xbf16> to vector<1x64x128xbf16>
    tpu.vector_store %arg2[%swap3A_81, %swap3A_82, %swap3A_83], %swap3A_86 {strides = array<i32>} : memref<200x64x128xbf16, #tpu.memory_space<vmem>>, vector<1x64x128xbf16>,
    %slice3A_87 = vector.extract_strided_slice %transpose3A_70 {offsets = [64, 0], sizes = [32, 128], strides = [1, 1]} : vector<128x128xi32> to vector<32x128xi32>
    %bitcast3A_88 = tpu.bitcast %slice3A_87 : vector<32x128xi32> -> vector<64x128xbf16>
    %swap3A_89 = arith.constant 10 : index
    %swap3A_90 = arith.constant 0 : index
    %swap3A_91 = arith.constant 0 : index
    %swap3A_92 = vector.load %arg2[%swap3A_89, %swap3A_90, %swap3A_91] : memref<200x64x128xbf16, #tpu.memory_space<vmem>>, vector<1x64x128xbf16>
    %swap3A_93 = vector.shape_cast %swap3A_92 : vector<1x64x128xbf16> to vector<64x128xbf16>
    %swap3A_94 = vector.shape_cast %bitcast3A_88 : vector<64x128xbf16> to vector<1x64x128xbf16>
    tpu.vector_store %arg2[%swap3A_89, %swap3A_90, %swap3A_91], %swap3A_94 {strides = array<i32>} : memref<200x64x128xbf16, #tpu.memory_space<vmem>>, vector<1x64x128xbf16>,
    %slice3A_95 = vector.extract_strided_slice %transpose3A_70 {offsets = [96, 0], sizes = [32, 128], strides = [1, 1]} : vector<128x128xi32> to vector<32x128xi32>
    %bitcast3A_96 = tpu.bitcast %slice3A_95 : vector<32x128xi32> -> vector<64x128xbf16>
    %swap3A_97 = arith.constant 11 : index
    %swap3A_98 = arith.constant 0 : index
    %swap3A_99 = arith.constant 0 : index
    %swap3A_100 = vector.load %arg2[%swap3A_97, %swap3A_98, %swap3A_99] : memref<200x64x128xbf16, #tpu.memory_space<vmem>>, vector<1x64x128xbf16>
    %swap3A_101 = vector.shape_cast %swap3A_100 : vector<1x64x128xbf16> to vector<64x128xbf16>
    %swap3A_102 = vector.shape_cast %bitcast3A_96 : vector<64x128xbf16> to vector<1x64x128xbf16>
    tpu.vector_store %arg2[%swap3A_97, %swap3A_98, %swap3A_99], %swap3A_102 {strides = array<i32>} : memref<200x64x128xbf16, #tpu.memory_space<vmem>>, vector<1x64x128xbf16>,
    %get3A_103 = arith.constant 3 : index
    %get3A_104 = arith.constant 0 : index
    %get3A_105 = tpu.strided_load %arg1[%get3A_103, %get3A_104] {strides = array<i32: 50, 1>} : memref<6400x128xi32, #tpu.memory_space<vmem>>, vector<128x128xi32>
    %transpose3A_106 = tpu.transpose %get3A_105, [1, 0] : vector<128x128xi32> -> vector<128x128xi32>
    %slice3A_107 = vector.extract_strided_slice %transpose3A_106 {offsets = [0, 0], sizes = [32, 128], strides = [1, 1]} : vector<128x128xi32> to vector<32x128xi32>
    %bitcast3A_108 = tpu.bitcast %slice3A_107 : vector<32x128xi32> -> vector<64x128xbf16>
    %swap3A_109 = arith.constant 12 : index
    %swap3A_110 = arith.constant 0 : index
    %swap3A_111 = arith.constant 0 : index
    %swap3A_112 = vector.load %arg2[%swap3A_109, %swap3A_110, %swap3A_111] : memref<200x64x128xbf16, #tpu.memory_space<vmem>>, vector<1x64x128xbf16>
    %swap3A_113 = vector.shape_cast %swap3A_112 : vector<1x64x128xbf16> to vector<64x128xbf16>
    %swap3A_114 = vector.shape_cast %bitcast3A_108 : vector<64x128xbf16> to vector<1x64x128xbf16>
    tpu.vector_store %arg2[%swap3A_109, %swap3A_110, %swap3A_111], %swap3A_114 {strides = array<i32>} : memref<200x64x128xbf16, #tpu.memory_space<vmem>>, vector<1x64x128xbf16>,
    %slice3A_115 = vector.extract_strided_slice %transpose3A_106 {offsets = [32, 0], sizes = [32, 128], strides = [1, 1]} : vector<128x128xi32> to vector<32x128xi32>
    %bitcast3A_116 = tpu.bitcast %slice3A_115 : vector<32x128xi32> -> vector<64x128xbf16>
    %swap3A_117 = arith.constant 13 : index
    %swap3A_118 = arith.constant 0 : index
    %swap3A_119 = arith.constant 0 : index
    %swap3A_120 = vector.load %arg2[%swap3A_117, %swap3A_118, %swap3A_119] : memref<200x64x128xbf16, #tpu.memory_space<vmem>>, vector<1x64x128xbf16>
    %swap3A_121 = vector.shape_cast %swap3A_120 : vector<1x64x128xbf16> to vector<64x128xbf16>
    %swap3A_122 = vector.shape_cast %bitcast3A_116 : vector<64x128xbf16> to vector<1x64x128xbf16>
    tpu.vector_store %arg2[%swap3A_117, %swap3A_118, %swap3A_119], %swap3A_122 {strides = array<i32>} : memref<200x64x128xbf16, #tpu.memory_space<vmem>>, vector<1x64x128xbf16>,
    %slice3A_123 = vector.extract_strided_slice %transpose3A_106 {offsets = [64, 0], sizes = [32, 128], strides = [1, 1]} : vector<128x128xi32> to vector<32x128xi32>
    %bitcast3A_124 = tpu.bitcast %slice3A_123 : vector<32x128xi32> -> vector<64x128xbf16>
    %swap3A_125 = arith.constant 14 : index
    %swap3A_126 = arith.constant 0 : index
    %swap3A_127 = arith.constant 0 : index
    %swap3A_128 = vector.load %arg2[%swap3A_125, %swap3A_126, %swap3A_127] : memref<200x64x128xbf16, #tpu.memory_space<vmem>>, vector<1x64x128xbf16>
    %swap3A_129 = vector.shape_cast %swap3A_128 : vector<1x64x128xbf16> to vector<64x128xbf16>
    %swap3A_130 = vector.shape_cast %bitcast3A_124 : vector<64x128xbf16> to vector<1x64x128xbf16>
    tpu.vector_store %arg2[%swap3A_125, %swap3A_126, %swap3A_127], %swap3A_130 {strides = array<i32>} : memref<200x64x128xbf16, #tpu.memory_space<vmem>>, vector<1x64x128xbf16>,
    %slice3A_131 = vector.extract_strided_slice %transpose3A_106 {offsets = [96, 0], sizes = [32, 128], strides = [1, 1]} : vector<128x128xi32> to vector<32x128xi32>
    %bitcast3A_132 = tpu.bitcast %slice3A_131 : vector<32x128xi32> -> vector<64x128xbf16>
    %swap3A_133 = arith.constant 15 : index
    %swap3A_134 = arith.constant 0 : index
    %swap3A_135 = arith.constant 0 : index
    %swap3A_136 = vector.load %arg2[%swap3A_133, %swap3A_134, %swap3A_135] : memref<200x64x128xbf16, #tpu.memory_space<vmem>>, vector<1x64x128xbf16>
    %swap3A_137 = vector.shape_cast %swap3A_136 : vector<1x64x128xbf16> to vector<64x128xbf16>
    %swap3A_138 = vector.shape_cast %bitcast3A_132 : vector<64x128xbf16> to vector<1x64x128xbf16>
    tpu.vector_store %arg2[%swap3A_133, %swap3A_134, %swap3A_135], %swap3A_138 {strides = array<i32>} : memref<200x64x128xbf16, #tpu.memory_space<vmem>>, vector<1x64x128xbf16>,
    %get3A_139 = arith.constant 4 : index
    %get3A_140 = arith.constant 0 : index
    %get3A_141 = tpu.strided_load %arg1[%get3A_139, %get3A_140] {strides = array<i32: 50, 1>} : memref<6400x128xi32, #tpu.memory_space<vmem>>, vector<128x128xi32>
    %transpose3A_142 = tpu.transpose %get3A_141, [1, 0] : vector<128x128xi32> -> vector<128x128xi32>
    %slice3A_143 = vector.extract_strided_slice %transpose3A_142 {offsets = [0, 0], sizes = [32, 128], strides = [1, 1]} : vector<128x128xi32> to vector<32x128xi32>
    %bitcast3A_144 = tpu.bitcast %slice3A_143 : vector<32x128xi32> -> vector<64x128xbf16>
    %swap3A_145 = arith.constant 16 : index
    %swap3A_146 = arith.constant 0 : index
    %swap3A_147 = arith.constant 0 : index
    %swap3A_148 = vector.load %arg2[%swap3A_145, %swap3A_146, %swap3A_147] : memref<200x64x128xbf16, #tpu.memory_space<vmem>>, vector<1x64x128xbf16>
    %swap3A_149 = vector.shape_cast %swap3A_148 : vector<1x64x128xbf16> to vector<64x128xbf16>
    %swap3A_150 = vector.shape_cast %bitcast3A_144 : vector<64x128xbf16> to vector<1x64x128xbf16>
    tpu.vector_store %arg2[%swap3A_145, %swap3A_146, %swap3A_147], %swap3A_150 {strides = array<i32>} : memref<200x64x128xbf16, #tpu.memory_space<vmem>>, vector<1x64x128xbf16>,
    %slice3A_151 = vector.extract_strided_slice %transpose3A_142 {offsets = [32, 0], sizes = [32, 128], strides = [1, 1]} : vector<128x128xi32> to vector<32x128xi32>
    %bitcast3A_152 = tpu.bitcast %slice3A_151 : vector<32x128xi32> -> vector<64x128xbf16>
    %swap3A_153 = arith.constant 17 : index
    %swap3A_154 = arith.constant 0 : index
    %swap3A_155 = arith.constant 0 : index
    %swap3A_156 = vector.load %arg2[%swap3A_153, %swap3A_154, %swap3A_155] : memref<200x64x128xbf16, #tpu.memory_space<vmem>>, vector<1x64x128xbf16>
    %swap3A_157 = vector.shape_cast %swap3A_156 : vector<1x64x128xbf16> to vector<64x128xbf16>
    %swap3A_158 = vector.shape_cast %bitcast3A_152 : vector<64x128xbf16> to vector<1x64x128xbf16>
    tpu.vector_store %arg2[%swap3A_153, %swap3A_154, %swap3A_155], %swap3A_158 {strides = array<i32>} : memref<200x64x128xbf16, #tpu.memory_space<vmem>>, vector<1x64x128xbf16>,
    %slice3A_159 = vector.extract_strided_slice %transpose3A_142 {offsets = [64, 0], sizes = [32, 128], strides = [1, 1]} : vector<128x128xi32> to vector<32x128xi32>
    %bitcast3A_160 = tpu.bitcast %slice3A_159 : vector<32x128xi32> -> vector<64x128xbf16>
    %swap3A_161 = arith.constant 18 : index
    %swap3A_162 = arith.constant 0 : index
    %swap3A_163 = arith.constant 0 : index
    %swap3A_164 = vector.load %arg2[%swap3A_161, %swap3A_162, %swap3A_163] : memref<200x64x128xbf16, #tpu.memory_space<vmem>>, vector<1x64x128xbf16>
    %swap3A_165 = vector.shape_cast %swap3A_164 : vector<1x64x128xbf16> to vector<64x128xbf16>
    %swap3A_166 = vector.shape_cast %bitcast3A_160 : vector<64x128xbf16> to vector<1x64x128xbf16>
    tpu.vector_store %arg2[%swap3A_161, %swap3A_162, %swap3A_163], %swap3A_166 {strides = array<i32>} : memref<200x64x128xbf16, #tpu.memory_space<vmem>>, vector<1x64x128xbf16>,
    %slice3A_167 = vector.extract_strided_slice %transpose3A_142 {offsets = [96, 0], sizes = [32, 128], strides = [1, 1]} : vector<128x128xi32> to vector<32x128xi32>
    %bitcast3A_168 = tpu.bitcast %slice3A_167 : vector<32x128xi32> -> vector<64x128xbf16>
    %swap3A_169 = arith.constant 19 : index
    %swap3A_170 = arith.constant 0 : index
    %swap3A_171 = arith.constant 0 : index
    %swap3A_172 = vector.load %arg2[%swap3A_169, %swap3A_170, %swap3A_171] : memref<200x64x128xbf16, #tpu.memory_space<vmem>>, vector<1x64x128xbf16>
    %swap3A_173 = vector.shape_cast %swap3A_172 : vector<1x64x128xbf16> to vector<64x128xbf16>
    %swap3A_174 = vector.shape_cast %bitcast3A_168 : vector<64x128xbf16> to vector<1x64x128xbf16>
    tpu.vector_store %arg2[%swap3A_169, %swap3A_170, %swap3A_171], %swap3A_174 {strides = array<i32>} : memref<200x64x128xbf16, #tpu.memory_space<vmem>>, vector<1x64x128xbf16>,
    %get3A_175 = arith.constant 5 : index
    %get3A_176 = arith.constant 0 : index
    %get3A_177 = tpu.strided_load %arg1[%get3A_175, %get3A_176] {strides = array<i32: 50, 1>} : memref<6400x128xi32, #tpu.memory_space<vmem>>, vector<128x128xi32>
    %transpose3A_178 = tpu.transpose %get3A_177, [1, 0] : vector<128x128xi32> -> vector<128x128xi32>
    %slice3A_179 = vector.extract_strided_slice %transpose3A_178 {offsets = [0, 0], sizes = [32, 128], strides = [1, 1]} : vector<128x128xi32> to vector<32x128xi32>
    %bitcast3A_180 = tpu.bitcast %slice3A_179 : vector<32x128xi32> -> vector<64x128xbf16>
    %swap3A_181 = arith.constant 20 : index
    %swap3A_182 = arith.constant 0 : index
    %swap3A_183 = arith.constant 0 : index
    %swap3A_184 = vector.load %arg2[%swap3A_181, %swap3A_182, %swap3A_183] : memref<200x64x128xbf16, #tpu.memory_space<vmem>>, vector<1x64x128xbf16>
    %swap3A_185 = vector.shape_cast %swap3A_184 : vector<1x64x128xbf16> to vector<64x128xbf16>
    %swap3A_186 = vector.shape_cast %bitcast3A_180 : vector<64x128xbf16> to vector<1x64x128xbf16>
    tpu.vector_store %arg2[%swap3A_181, %swap3A_182, %swap3A_183], %swap3A_186 {strides = array<i32>} : memref<200x64x128xbf16, #tpu.memory_space<vmem>>, vector<1x64x128xbf16>,
    %slice3A_187 = vector.extract_strided_slice %transpose3A_178 {offsets = [32, 0], sizes = [32, 128], strides = [1, 1]} : vector<128x128xi32> to vector<32x128xi32>
    %bitcast3A_188 = tpu.bitcast %slice3A_187 : vector<32x128xi32> -> vector<64x128xbf16>
    %swap3A_189 = arith.constant 21 : index
    %swap3A_190 = arith.constant 0 : index
    %swap3A_191 = arith.constant 0 : index
    %swap3A_192 = vector.load %arg2[%swap3A_189, %swap3A_190, %swap3A_191] : memref<200x64x128xbf16, #tpu.memory_space<vmem>>, vector<1x64x128xbf16>
    %swap3A_193 = vector.shape_cast %swap3A_192 : vector<1x64x128xbf16> to vector<64x128xbf16>
    %swap3A_194 = vector.shape_cast %bitcast3A_188 : vector<64x128xbf16> to vector<1x64x128xbf16>
    tpu.vector_store %arg2[%swap3A_189, %swap3A_190, %swap3A_191], %swap3A_194 {strides = array<i32>} : memref<200x64x128xbf16, #tpu.memory_space<vmem>>, vector<1x64x128xbf16>,
    %slice3A_195 = vector.extract_strided_slice %transpose3A_178 {offsets = [64, 0], sizes = [32, 128], strides = [1, 1]} : vector<128x128xi32> to vector<32x128xi32>
    %bitcast3A_196 = tpu.bitcast %slice3A_195 : vector<32x128xi32> -> vector<64x128xbf16>
    %swap3A_197 = arith.constant 22 : index
    %swap3A_198 = arith.constant 0 : index
    %swap3A_199 = arith.constant 0 : index
    %swap3A_200 = vector.load %arg2[%swap3A_197, %swap3A_198, %swap3A_199] : memref<200x64x128xbf16, #tpu.memory_space<vmem>>, vector<1x64x128xbf16>
    %swap3A_201 = vector.shape_cast %swap3A_200 : vector<1x64x128xbf16> to vector<64x128xbf16>
    %swap3A_202 = vector.shape_cast %bitcast3A_196 : vector<64x128xbf16> to vector<1x64x128xbf16>
    tpu.vector_store %arg2[%swap3A_197, %swap3A_198, %swap3A_199], %swap3A_202 {strides = array<i32>} : memref<200x64x128xbf16, #tpu.memory_space<vmem>>, vector<1x64x128xbf16>,
    %slice3A_203 = vector.extract_strided_slice %transpose3A_178 {offsets = [96, 0], sizes = [32, 128], strides = [1, 1]} : vector<128x128xi32> to vector<32x128xi32>
    %bitcast3A_204 = tpu.bitcast %slice3A_203 : vector<32x128xi32> -> vector<64x128xbf16>
    %swap3A_205 = arith.constant 23 : index
    %swap3A_206 = arith.constant 0 : index
    %swap3A_207 = arith.constant 0 : index
    %swap3A_208 = vector.load %arg2[%swap3A_205, %swap3A_206, %swap3A_207] : memref<200x64x128xbf16, #tpu.memory_space<vmem>>, vector<1x64x128xbf16>
    %swap3A_209 = vector.shape_cast %swap3A_208 : vector<1x64x128xbf16> to vector<64x128xbf16>
    %swap3A_210 = vector.shape_cast %bitcast3A_204 : vector<64x128xbf16> to vector<1x64x128xbf16>
    tpu.vector_store %arg2[%swap3A_205, %swap3A_206, %swap3A_207], %swap3A_210 {strides = array<i32>} : memref<200x64x128xbf16, #tpu.memory_space<vmem>>, vector<1x64x128xbf16>,
    %get3A_211 = arith.constant 6 : index
    %get3A_212 = arith.constant 0 : index
    %get3A_213 = tpu.strided_load %arg1[%get3A_211, %get3A_212] {strides = array<i32: 50, 1>} : memref<6400x128xi32, #tpu.memory_space<vmem>>, vector<128x128xi32>
    %transpose3A_214 = tpu.transpose %get3A_213, [1, 0] : vector<128x128xi32> -> vector<128x128xi32>
    %slice3A_215 = vector.extract_strided_slice %transpose3A_214 {offsets = [0, 0], sizes = [32, 128], strides = [1, 1]} : vector<128x128xi32> to vector<32x128xi32>
    %bitcast3A_216 = tpu.bitcast %slice3A_215 : vector<32x128xi32> -> vector<64x128xbf16>
    %swap3A_217 = arith.constant 24 : index
    %swap3A_218 = arith.constant 0 : index
    %swap3A_219 = arith.constant 0 : index
    %swap3A_220 = vector.load %arg2[%swap3A_217, %swap3A_218, %swap3A_219] : memref<200x64x128xbf16, #tpu.memory_space<vmem>>, vector<1x64x128xbf16>
    %swap3A_221 = vector.shape_cast %swap3A_220 : vector<1x64x128xbf16> to vector<64x128xbf16>
    %swap3A_222 = vector.shape_cast %bitcast3A_216 : vector<64x128xbf16> to vector<1x64x128xbf16>
    tpu.vector_store %arg2[%swap3A_217, %swap3A_218, %swap3A_219], %swap3A_222 {strides = array<i32>} : memref<200x64x128xbf16, #tpu.memory_space<vmem>>, vector<1x64x128xbf16>,
    %slice3A_223 = vector.extract_strided_slice %transpose3A_214 {offsets = [32, 0], sizes = [32, 128], strides = [1, 1]} : vector<128x128xi32> to vector<32x128xi32>
    %bitcast3A_224 = tpu.bitcast %slice3A_223 : vector<32x128xi32> -> vector<64x128xbf16>
    %swap3A_225 = arith.constant 25 : index
    %swap3A_226 = arith.constant 0 : index
    %swap3A_227 = arith.constant 0 : index
    %swap3A_228 = vector.load %arg2[%swap3A_225, %swap3A_226, %swap3A_227] : memref<200x64x128xbf16, #tpu.memory_space<vmem>>, vector<1x64x128xbf16>
    %swap3A_229 = vector.shape_cast %swap3A_228 : vector<1x64x128xbf16> to vector<64x128xbf16>
    %swap3A_230 = vector.shape_cast %bitcast3A_224 : vector<64x128xbf16> to vector<1x64x128xbf16>
    tpu.vector_store %arg2[%swap3A_225, %swap3A_226, %swap3A_227], %swap3A_230 {strides = array<i32>} : memref<200x64x128xbf16, #tpu.memory_space<vmem>>, vector<1x64x128xbf16>,
    %slice3A_231 = vector.extract_strided_slice %transpose3A_214 {offsets = [64, 0], sizes = [32, 128], strides = [1, 1]} : vector<128x128xi32> to vector<32x128xi32>
    %bitcast3A_232 = tpu.bitcast %slice3A_231 : vector<32x128xi32> -> vector<64x128xbf16>
    %swap3A_233 = arith.constant 26 : index
    %swap3A_234 = arith.constant 0 : index
    %swap3A_235 = arith.constant 0 : index
    %swap3A_236 = vector.load %arg2[%swap3A_233, %swap3A_234, %swap3A_235] : memref<200x64x128xbf16, #tpu.memory_space<vmem>>, vector<1x64x128xbf16>
    %swap3A_237 = vector.shape_cast %swap3A_236 : vector<1x64x128xbf16> to vector<64x128xbf16>
    %swap3A_238 = vector.shape_cast %bitcast3A_232 : vector<64x128xbf16> to vector<1x64x128xbf16>
    tpu.vector_store %arg2[%swap3A_233, %swap3A_234, %swap3A_235], %swap3A_238 {strides = array<i32>} : memref<200x64x128xbf16, #tpu.memory_space<vmem>>, vector<1x64x128xbf16>,
    %slice3A_239 = vector.extract_strided_slice %transpose3A_214 {offsets = [96, 0], sizes = [32, 128], strides = [1, 1]} : vector<128x128xi32> to vector<32x128xi32>
    %bitcast3A_240 = tpu.bitcast %slice3A_239 : vector<32x128xi32> -> vector<64x128xbf16>
    %swap3A_241 = arith.constant 27 : index
    %swap3A_242 = arith.constant 0 : index
    %swap3A_243 = arith.constant 0 : index
    %swap3A_244 = vector.load %arg2[%swap3A_241, %swap3A_242, %swap3A_243] : memref<200x64x128xbf16, #tpu.memory_space<vmem>>, vector<1x64x128xbf16>
    %swap3A_245 = vector.shape_cast %swap3A_244 : vector<1x64x128xbf16> to vector<64x128xbf16>
    %swap3A_246 = vector.shape_cast %bitcast3A_240 : vector<64x128xbf16> to vector<1x64x128xbf16>
    tpu.vector_store %arg2[%swap3A_241, %swap3A_242, %swap3A_243], %swap3A_246 {strides = array<i32>} : memref<200x64x128xbf16, #tpu.memory_space<vmem>>, vector<1x64x128xbf16>,
    %get3A_247 = arith.constant 7 : index
    %get3A_248 = arith.constant 0 : index
    %get3A_249 = tpu.strided_load %arg1[%get3A_247, %get3A_248] {strides = array<i32: 50, 1>} : memref<6400x128xi32, #tpu.memory_space<vmem>>, vector<128x128xi32>
    %transpose3A_250 = tpu.transpose %get3A_249, [1, 0] : vector<128x128xi32> -> vector<128x128xi32>
    %slice3A_251 = vector.extract_strided_slice %transpose3A_250 {offsets = [0, 0], sizes = [32, 128], strides = [1, 1]} : vector<128x128xi32> to vector<32x128xi32>
    %bitcast3A_252 = tpu.bitcast %slice3A_251 : vector<32x128xi32> -> vector<64x128xbf16>
    %swap3A_253 = arith.constant 28 : index
    %swap3A_254 = arith.constant 0 : index
    %swap3A_255 = arith.constant 0 : index
    %swap3A_256 = vector.load %arg2[%swap3A_253, %swap3A_254, %swap3A_255] : memref<200x64x128xbf16, #tpu.memory_space<vmem>>, vector<1x64x128xbf16>
    %swap3A_257 = vector.shape_cast %swap3A_256 : vector<1x64x128xbf16> to vector<64x128xbf16>
    %swap3A_258 = vector.shape_cast %bitcast3A_252 : vector<64x128xbf16> to vector<1x64x128xbf16>
    tpu.vector_store %arg2[%swap3A_253, %swap3A_254, %swap3A_255], %swap3A_258 {strides = array<i32>} : memref<200x64x128xbf16, #tpu.memory_space<vmem>>, vector<1x64x128xbf16>,
    %slice3A_259 = vector.extract_strided_slice %transpose3A_250 {offsets = [32, 0], sizes = [32, 128], strides = [1, 1]} : vector<128x128xi32> to vector<32x128xi32>
    %bitcast3A_260 = tpu.bitcast %slice3A_259 : vector<32x128xi32> -> vector<64x128xbf16>
    %swap3A_261 = arith.constant 29 : index
    %swap3A_262 = arith.constant 0 : index
    %swap3A_263 = arith.constant 0 : index
    %swap3A_264 = vector.load %arg2[%swap3A_261, %swap3A_262, %swap3A_263] : memref<200x64x128xbf16, #tpu.memory_space<vmem>>, vector<1x64x128xbf16>
    %swap3A_265 = vector.shape_cast %swap3A_264 : vector<1x64x128xbf16> to vector<64x128xbf16>
    %swap3A_266 = vector.shape_cast %bitcast3A_260 : vector<64x128xbf16> to vector<1x64x128xbf16>
    tpu.vector_store %arg2[%swap3A_261, %swap3A_262, %swap3A_263], %swap3A_266 {strides = array<i32>} : memref<200x64x128xbf16, #tpu.memory_space<vmem>>, vector<1x64x128xbf16>,
    %slice3A_267 = vector.extract_strided_slice %transpose3A_250 {offsets = [64, 0], sizes = [32, 128], strides = [1, 1]} : vector<128x128xi32> to vector<32x128xi32>
    %bitcast3A_268 = tpu.bitcast %slice3A_267 : vector<32x128xi32> -> vector<64x128xbf16>
    %swap3A_269 = arith.constant 30 : index
    %swap3A_270 = arith.constant 0 : index
    %swap3A_271 = arith.constant 0 : index
    %swap3A_272 = vector.load %arg2[%swap3A_269, %swap3A_270, %swap3A_271] : memref<200x64x128xbf16, #tpu.memory_space<vmem>>, vector<1x64x128xbf16>
    %swap3A_273 = vector.shape_cast %swap3A_272 : vector<1x64x128xbf16> to vector<64x128xbf16>
    %swap3A_274 = vector.shape_cast %bitcast3A_268 : vector<64x128xbf16> to vector<1x64x128xbf16>
    tpu.vector_store %arg2[%swap3A_269, %swap3A_270, %swap3A_271], %swap3A_274 {strides = array<i32>} : memref<200x64x128xbf16, #tpu.memory_space<vmem>>, vector<1x64x128xbf16>,
    %slice3A_275 = vector.extract_strided_slice %transpose3A_250 {offsets = [96, 0], sizes = [32, 128], strides = [1, 1]} : vector<128x128xi32> to vector<32x128xi32>
    %bitcast3A_276 = tpu.bitcast %slice3A_275 : vector<32x128xi32> -> vector<64x128xbf16>
    %swap3A_277 = arith.constant 31 : index
    %swap3A_278 = arith.constant 0 : index
    %swap3A_279 = arith.constant 0 : index
    %swap3A_280 = vector.load %arg2[%swap3A_277, %swap3A_278, %swap3A_279] : memref<200x64x128xbf16, #tpu.memory_space<vmem>>, vector<1x64x128xbf16>
    %swap3A_281 = vector.shape_cast %swap3A_280 : vector<1x64x128xbf16> to vector<64x128xbf16>
    %swap3A_282 = vector.shape_cast %bitcast3A_276 : vector<64x128xbf16> to vector<1x64x128xbf16>
    tpu.vector_store %arg2[%swap3A_277, %swap3A_278, %swap3A_279], %swap3A_282 {strides = array<i32>} : memref<200x64x128xbf16, #tpu.memory_space<vmem>>, vector<1x64x128xbf16>,
    %get3A_283 = arith.constant 8 : index
    %get3A_284 = arith.constant 0 : index
    %get3A_285 = tpu.strided_load %arg1[%get3A_283, %get3A_284] {strides = array<i32: 50, 1>} : memref<6400x128xi32, #tpu.memory_space<vmem>>, vector<128x128xi32>
    %transpose3A_286 = tpu.transpose %get3A_285, [1, 0] : vector<128x128xi32> -> vector<128x128xi32>
    %slice3A_287 = vector.extract_strided_slice %transpose3A_286 {offsets = [0, 0], sizes = [32, 128], strides = [1, 1]} : vector<128x128xi32> to vector<32x128xi32>
    %bitcast3A_288 = tpu.bitcast %slice3A_287 : vector<32x128xi32> -> vector<64x128xbf16>
    %swap3A_289 = arith.constant 32 : index
    %swap3A_290 = arith.constant 0 : index
    %swap3A_291 = arith.constant 0 : index
    %swap3A_292 = vector.load %arg2[%swap3A_289, %swap3A_290, %swap3A_291] : memref<200x64x128xbf16, #tpu.memory_space<vmem>>, vector<1x64x128xbf16>
    %swap3A_293 = vector.shape_cast %swap3A_292 : vector<1x64x128xbf16> to vector<64x128xbf16>
    %swap3A_294 = vector.shape_cast %bitcast3A_288 : vector<64x128xbf16> to vector<1x64x128xbf16>
    tpu.vector_store %arg2[%swap3A_289, %swap3A_290, %swap3A_291], %swap3A_294 {strides = array<i32>} : memref<200x64x128xbf16, #tpu.memory_space<vmem>>, vector<1x64x128xbf16>,
    %slice3A_295 = vector.extract_strided_slice %transpose3A_286 {offsets = [32, 0], sizes = [32, 128], strides = [1, 1]} : vector<128x128xi32> to vector<32x128xi32>
    %bitcast3A_296 = tpu.bitcast %slice3A_295 : vector<32x128xi32> -> vector<64x128xbf16>
    %swap3A_297 = arith.constant 33 : index
    %swap3A_298 = arith.constant 0 : index
    %swap3A_299 = arith.constant 0 : index
    %swap3A_300 = vector.load %arg2[%swap3A_297, %swap3A_298, %swap3A_299] : memref<200x64x128xbf16, #tpu.memory_space<vmem>>, vector<1x64x128xbf16>
    %swap3A_301 = vector.shape_cast %swap3A_300 : vector<1x64x128xbf16> to vector<64x128xbf16>
    %swap3A_302 = vector.shape_cast %bitcast3A_296 : vector<64x128xbf16> to vector<1x64x128xbf16>
    tpu.vector_store %arg2[%swap3A_297, %swap3A_298, %swap3A_299], %swap3A_302 {strides = array<i32>} : memref<200x64x128xbf16, #tpu.memory_space<vmem>>, vector<1x64x128xbf16>,
    %slice3A_303 = vector.extract_strided_slice %transpose3A_286 {offsets = [64, 0], sizes = [32, 128], strides = [1, 1]} : vector<128x128xi32> to vector<32x128xi32>
    %bitcast3A_304 = tpu.bitcast %slice3A_303 : vector<32x128xi32> -> vector<64x128xbf16>
    %swap3A_305 = arith.constant 34 : index
    %swap3A_306 = arith.constant 0 : index
    %swap3A_307 = arith.constant 0 : index
    %swap3A_308 = vector.load %arg2[%swap3A_305, %swap3A_306, %swap3A_307] : memref<200x64x128xbf16, #tpu.memory_space<vmem>>, vector<1x64x128xbf16>
    %swap3A_309 = vector.shape_cast %swap3A_308 : vector<1x64x128xbf16> to vector<64x128xbf16>
    %swap3A_310 = vector.shape_cast %bitcast3A_304 : vector<64x128xbf16> to vector<1x64x128xbf16>
    tpu.vector_store %arg2[%swap3A_305, %swap3A_306, %swap3A_307], %swap3A_310 {strides = array<i32>} : memref<200x64x128xbf16, #tpu.memory_space<vmem>>, vector<1x64x128xbf16>,
    %slice3A_311 = vector.extract_strided_slice %transpose3A_286 {offsets = [96, 0], sizes = [32, 128], strides = [1, 1]} : vector<128x128xi32> to vector<32x128xi32>
    %bitcast3A_312 = tpu.bitcast %slice3A_311 : vector<32x128xi32> -> vector<64x128xbf16>
    %swap3A_313 = arith.constant 35 : index
    %swap3A_314 = arith.constant 0 : index
    %swap3A_315 = arith.constant 0 : index
    %swap3A_316 = vector.load %arg2[%swap3A_313, %swap3A_314, %swap3A_315] : memref<200x64x128xbf16, #tpu.memory_space<vmem>>, vector<1x64x128xbf16>
    %swap3A_317 = vector.shape_cast %swap3A_316 : vector<1x64x128xbf16> to vector<64x128xbf16>
    %swap3A_318 = vector.shape_cast %bitcast3A_312 : vector<64x128xbf16> to vector<1x64x128xbf16>
    tpu.vector_store %arg2[%swap3A_313, %swap3A_314, %swap3A_315], %swap3A_318 {strides = array<i32>} : memref<200x64x128xbf16, #tpu.memory_space<vmem>>, vector<1x64x128xbf16>,
    %get3A_319 = arith.constant 9 : index
    %get3A_320 = arith.constant 0 : index
    %get3A_321 = tpu.strided_load %arg1[%get3A_319, %get3A_320] {strides = array<i32: 50, 1>} : memref<6400x128xi32, #tpu.memory_space<vmem>>, vector<128x128xi32>
    %transpose3A_322 = tpu.transpose %get3A_321, [1, 0] : vector<128x128xi32> -> vector<128x128xi32>
    %slice3A_323 = vector.extract_strided_slice %transpose3A_322 {offsets = [0, 0], sizes = [32, 128], strides = [1, 1]} : vector<128x128xi32> to vector<32x128xi32>
    %bitcast3A_324 = tpu.bitcast %slice3A_323 : vector<32x128xi32> -> vector<64x128xbf16>
    %swap3A_325 = arith.constant 36 : index
    %swap3A_326 = arith.constant 0 : index
    %swap3A_327 = arith.constant 0 : index
    %swap3A_328 = vector.load %arg2[%swap3A_325, %swap3A_326, %swap3A_327] : memref<200x64x128xbf16, #tpu.memory_space<vmem>>, vector<1x64x128xbf16>
    %swap3A_329 = vector.shape_cast %swap3A_328 : vector<1x64x128xbf16> to vector<64x128xbf16>
    %swap3A_330 = vector.shape_cast %bitcast3A_324 : vector<64x128xbf16> to vector<1x64x128xbf16>
    tpu.vector_store %arg2[%swap3A_325, %swap3A_326, %swap3A_327], %swap3A_330 {strides = array<i32>} : memref<200x64x128xbf16, #tpu.memory_space<vmem>>, vector<1x64x128xbf16>,
    %slice3A_331 = vector.extract_strided_slice %transpose3A_322 {offsets = [32, 0], sizes = [32, 128], strides = [1, 1]} : vector<128x128xi32> to vector<32x128xi32>
    %bitcast3A_332 = tpu.bitcast %slice3A_331 : vector<32x128xi32> -> vector<64x128xbf16>
    %swap3A_333 = arith.constant 37 : index
    %swap3A_334 = arith.constant 0 : index
    %swap3A_335 = arith.constant 0 : index
    %swap3A_336 = vector.load %arg2[%swap3A_333, %swap3A_334, %swap3A_335] : memref<200x64x128xbf16, #tpu.memory_space<vmem>>, vector<1x64x128xbf16>
    %swap3A_337 = vector.shape_cast %swap3A_336 : vector<1x64x128xbf16> to vector<64x128xbf16>
    %swap3A_338 = vector.shape_cast %bitcast3A_332 : vector<64x128xbf16> to vector<1x64x128xbf16>
    tpu.vector_store %arg2[%swap3A_333, %swap3A_334, %swap3A_335], %swap3A_338 {strides = array<i32>} : memref<200x64x128xbf16, #tpu.memory_space<vmem>>, vector<1x64x128xbf16>,
    %slice3A_339 = vector.extract_strided_slice %transpose3A_322 {offsets = [64, 0], sizes = [32, 128], strides = [1, 1]} : vector<128x128xi32> to vector<32x128xi32>
    %bitcast3A_340 = tpu.bitcast %slice3A_339 : vector<32x128xi32> -> vector<64x128xbf16>
    %swap3A_341 = arith.constant 38 : index
    %swap3A_342 = arith.constant 0 : index
    %swap3A_343 = arith.constant 0 : index
    %swap3A_344 = vector.load %arg2[%swap3A_341, %swap3A_342, %swap3A_343] : memref<200x64x128xbf16, #tpu.memory_space<vmem>>, vector<1x64x128xbf16>
    %swap3A_345 = vector.shape_cast %swap3A_344 : vector<1x64x128xbf16> to vector<64x128xbf16>
    %swap3A_346 = vector.shape_cast %bitcast3A_340 : vector<64x128xbf16> to vector<1x64x128xbf16>
    tpu.vector_store %arg2[%swap3A_341, %swap3A_342, %swap3A_343], %swap3A_346 {strides = array<i32>} : memref<200x64x128xbf16, #tpu.memory_space<vmem>>, vector<1x64x128xbf16>,
    %slice3A_347 = vector.extract_strided_slice %transpose3A_322 {offsets = [96, 0], sizes = [32, 128], strides = [1, 1]} : vector<128x128xi32> to vector<32x128xi32>
    %bitcast3A_348 = tpu.bitcast %slice3A_347 : vector<32x128xi32> -> vector<64x128xbf16>
    %swap3A_349 = arith.constant 39 : index
    %swap3A_350 = arith.constant 0 : index
    %swap3A_351 = arith.constant 0 : index
    %swap3A_352 = vector.load %arg2[%swap3A_349, %swap3A_350, %swap3A_351] : memref<200x64x128xbf16, #tpu.memory_space<vmem>>, vector<1x64x128xbf16>
    %swap3A_353 = vector.shape_cast %swap3A_352 : vector<1x64x128xbf16> to vector<64x128xbf16>
    %swap3A_354 = vector.shape_cast %bitcast3A_348 : vector<64x128xbf16> to vector<1x64x128xbf16>
    tpu.vector_store %arg2[%swap3A_349, %swap3A_350, %swap3A_351], %swap3A_354 {strides = array<i32>} : memref<200x64x128xbf16, #tpu.memory_space<vmem>>, vector<1x64x128xbf16>,
    %get3A_355 = arith.constant 10 : index
    %get3A_356 = arith.constant 0 : index
    %get3A_357 = tpu.strided_load %arg1[%get3A_355, %get3A_356] {strides = array<i32: 50, 1>} : memref<6400x128xi32, #tpu.memory_space<vmem>>, vector<128x128xi32>
    %transpose3A_358 = tpu.transpose %get3A_357, [1, 0] : vector<128x128xi32> -> vector<128x128xi32>
    %slice3A_359 = vector.extract_strided_slice %transpose3A_358 {offsets = [0, 0], sizes = [32, 128], strides = [1, 1]} : vector<128x128xi32> to vector<32x128xi32>
    %bitcast3A_360 = tpu.bitcast %slice3A_359 : vector<32x128xi32> -> vector<64x128xbf16>
    %swap3A_361 = arith.constant 40 : index
    %swap3A_362 = arith.constant 0 : index
    %swap3A_363 = arith.constant 0 : index
    %swap3A_364 = vector.load %arg2[%swap3A_361, %swap3A_362, %swap3A_363] : memref<200x64x128xbf16, #tpu.memory_space<vmem>>, vector<1x64x128xbf16>
    %swap3A_365 = vector.shape_cast %swap3A_364 : vector<1x64x128xbf16> to vector<64x128xbf16>
    %swap3A_366 = vector.shape_cast %bitcast3A_360 : vector<64x128xbf16> to vector<1x64x128xbf16>
    tpu.vector_store %arg2[%swap3A_361, %swap3A_362, %swap3A_363], %swap3A_366 {strides = array<i32>} : memref<200x64x128xbf16, #tpu.memory_space<vmem>>, vector<1x64x128xbf16>,
    %slice3A_367 = vector.extract_strided_slice %transpose3A_358 {offsets = [32, 0], sizes = [32, 128], strides = [1, 1]} : vector<128x128xi32> to vector<32x128xi32>
    %bitcast3A_368 = tpu.bitcast %slice3A_367 : vector<32x128xi32> -> vector<64x128xbf16>
    %swap3A_369 = arith.constant 41 : index
    %swap3A_370 = arith.constant 0 : index
    %swap3A_371 = arith.constant 0 : index
    %swap3A_372 = vector.load %arg2[%swap3A_369, %swap3A_370, %swap3A_371] : memref<200x64x128xbf16, #tpu.memory_space<vmem>>, vector<1x64x128xbf16>
    %swap3A_373 = vector.shape_cast %swap3A_372 : vector<1x64x128xbf16> to vector<64x128xbf16>
    %swap3A_374 = vector.shape_cast %bitcast3A_368 : vector<64x128xbf16> to vector<1x64x128xbf16>
    tpu.vector_store %arg2[%swap3A_369, %swap3A_370, %swap3A_371], %swap3A_374 {strides = array<i32>} : memref<200x64x128xbf16, #tpu.memory_space<vmem>>, vector<1x64x128xbf16>,
    %slice3A_375 = vector.extract_strided_slice %transpose3A_358 {offsets = [64, 0], sizes = [32, 128], strides = [1, 1]} : vector<128x128xi32> to vector<32x128xi32>
    %bitcast3A_376 = tpu.bitcast %slice3A_375 : vector<32x128xi32> -> vector<64x128xbf16>
    %swap3A_377 = arith.constant 42 : index
    %swap3A_378 = arith.constant 0 : index
    %swap3A_379 = arith.constant 0 : index
    %swap3A_380 = vector.load %arg2[%swap3A_377, %swap3A_378, %swap3A_379] : memref<200x64x128xbf16, #tpu.memory_space<vmem>>, vector<1x64x128xbf16>
    %swap3A_381 = vector.shape_cast %swap3A_380 : vector<1x64x128xbf16> to vector<64x128xbf16>
    %swap3A_382 = vector.shape_cast %bitcast3A_376 : vector<64x128xbf16> to vector<1x64x128xbf16>
    tpu.vector_store %arg2[%swap3A_377, %swap3A_378, %swap3A_379], %swap3A_382 {strides = array<i32>} : memref<200x64x128xbf16, #tpu.memory_space<vmem>>, vector<1x64x128xbf16>,
    %slice3A_383 = vector.extract_strided_slice %transpose3A_358 {offsets = [96, 0], sizes = [32, 128], strides = [1, 1]} : vector<128x128xi32> to vector<32x128xi32>
    %bitcast3A_384 = tpu.bitcast %slice3A_383 : vector<32x128xi32> -> vector<64x128xbf16>
    %swap3A_385 = arith.constant 43 : index
    %swap3A_386 = arith.constant 0 : index
    %swap3A_387 = arith.constant 0 : index
    %swap3A_388 = vector.load %arg2[%swap3A_385, %swap3A_386, %swap3A_387] : memref<200x64x128xbf16, #tpu.memory_space<vmem>>, vector<1x64x128xbf16>
    %swap3A_389 = vector.shape_cast %swap3A_388 : vector<1x64x128xbf16> to vector<64x128xbf16>
    %swap3A_390 = vector.shape_cast %bitcast3A_384 : vector<64x128xbf16> to vector<1x64x128xbf16>
    tpu.vector_store %arg2[%swap3A_385, %swap3A_386, %swap3A_387], %swap3A_390 {strides = array<i32>} : memref<200x64x128xbf16, #tpu.memory_space<vmem>>, vector<1x64x128xbf16>,
    %get3A_391 = arith.constant 11 : index
    %get3A_392 = arith.constant 0 : index
    %get3A_393 = tpu.strided_load %arg1[%get3A_391, %get3A_392] {strides = array<i32: 50, 1>} : memref<6400x128xi32, #tpu.memory_space<vmem>>, vector<128x128xi32>
    %transpose3A_394 = tpu.transpose %get3A_393, [1, 0] : vector<128x128xi32> -> vector<128x128xi32>
    %slice3A_395 = vector.extract_strided_slice %transpose3A_394 {offsets = [0, 0], sizes = [32, 128], strides = [1, 1]} : vector<128x128xi32> to vector<32x128xi32>
    %bitcast3A_396 = tpu.bitcast %slice3A_395 : vector<32x128xi32> -> vector<64x128xbf16>
    %swap3A_397 = arith.constant 44 : index
    %swap3A_398 = arith.constant 0 : index
    %swap3A_399 = arith.constant 0 : index
    %swap3A_400 = vector.load %arg2[%swap3A_397, %swap3A_398, %swap3A_399] : memref<200x64x128xbf16, #tpu.memory_space<vmem>>, vector<1x64x128xbf16>
    %swap3A_401 = vector.shape_cast %swap3A_400 : vector<1x64x128xbf16> to vector<64x128xbf16>
    %swap3A_402 = vector.shape_cast %bitcast3A_396 : vector<64x128xbf16> to vector<1x64x128xbf16>
    tpu.vector_store %arg2[%swap3A_397, %swap3A_398, %swap3A_399], %swap3A_402 {strides = array<i32>} : memref<200x64x128xbf16, #tpu.memory_space<vmem>>, vector<1x64x128xbf16>,
    %slice3A_403 = vector.extract_strided_slice %transpose3A_394 {offsets = [32, 0], sizes = [32, 128], strides = [1, 1]} : vector<128x128xi32> to vector<32x128xi32>
    %bitcast3A_404 = tpu.bitcast %slice3A_403 : vector<32x128xi32> -> vector<64x128xbf16>
    %swap3A_405 = arith.constant 45 : index
    %swap3A_406 = arith.constant 0 : index
    %swap3A_407 = arith.constant 0 : index
    %swap3A_408 = vector.load %arg2[%swap3A_405, %swap3A_406, %swap3A_407] : memref<200x64x128xbf16, #tpu.memory_space<vmem>>, vector<1x64x128xbf16>
    %swap3A_409 = vector.shape_cast %swap3A_408 : vector<1x64x128xbf16> to vector<64x128xbf16>
    %swap3A_410 = vector.shape_cast %bitcast3A_404 : vector<64x128xbf16> to vector<1x64x128xbf16>
    tpu.vector_store %arg2[%swap3A_405, %swap3A_406, %swap3A_407], %swap3A_410 {strides = array<i32>} : memref<200x64x128xbf16, #tpu.memory_space<vmem>>, vector<1x64x128xbf16>,
    %slice3A_411 = vector.extract_strided_slice %transpose3A_394 {offsets = [64, 0], sizes = [32, 128], strides = [1, 1]} : vector<128x128xi32> to vector<32x128xi32>
    %bitcast3A_412 = tpu.bitcast %slice3A_411 : vector<32x128xi32> -> vector<64x128xbf16>
    %swap3A_413 = arith.constant 46 : index
    %swap3A_414 = arith.constant 0 : index
    %swap3A_415 = arith.constant 0 : index
    %swap3A_416 = vector.load %arg2[%swap3A_413, %swap3A_414, %swap3A_415] : memref<200x64x128xbf16, #tpu.memory_space<vmem>>, vector<1x64x128xbf16>
    %swap3A_417 = vector.shape_cast %swap3A_416 : vector<1x64x128xbf16> to vector<64x128xbf16>
    %swap3A_418 = vector.shape_cast %bitcast3A_412 : vector<64x128xbf16> to vector<1x64x128xbf16>
    tpu.vector_store %arg2[%swap3A_413, %swap3A_414, %swap3A_415], %swap3A_418 {strides = array<i32>} : memref<200x64x128xbf16, #tpu.memory_space<vmem>>, vector<1x64x128xbf16>,
    %slice3A_419 = vector.extract_strided_slice %transpose3A_394 {offsets = [96, 0], sizes = [32, 128], strides = [1, 1]} : vector<128x128xi32> to vector<32x128xi32>
    %bitcast3A_420 = tpu.bitcast %slice3A_419 : vector<32x128xi32> -> vector<64x128xbf16>
    %swap3A_421 = arith.constant 47 : index
    %swap3A_422 = arith.constant 0 : index
    %swap3A_423 = arith.constant 0 : index
    %swap3A_424 = vector.load %arg2[%swap3A_421, %swap3A_422, %swap3A_423] : memref<200x64x128xbf16, #tpu.memory_space<vmem>>, vector<1x64x128xbf16>
    %swap3A_425 = vector.shape_cast %swap3A_424 : vector<1x64x128xbf16> to vector<64x128xbf16>
    %swap3A_426 = vector.shape_cast %bitcast3A_420 : vector<64x128xbf16> to vector<1x64x128xbf16>
    tpu.vector_store %arg2[%swap3A_421, %swap3A_422, %swap3A_423], %swap3A_426 {strides = array<i32>} : memref<200x64x128xbf16, #tpu.memory_space<vmem>>, vector<1x64x128xbf16>,
    %get3A_427 = arith.constant 12 : index
    %get3A_428 = arith.constant 0 : index
    %get3A_429 = tpu.strided_load %arg1[%get3A_427, %get3A_428] {strides = array<i32: 50, 1>} : memref<6400x128xi32, #tpu.memory_space<vmem>>, vector<128x128xi32>
    %transpose3A_430 = tpu.transpose %get3A_429, [1, 0] : vector<128x128xi32> -> vector<128x128xi32>
    %slice3A_431 = vector.extract_strided_slice %transpose3A_430 {offsets = [0, 0], sizes = [32, 128], strides = [1, 1]} : vector<128x128xi32> to vector<32x128xi32>
    %bitcast3A_432 = tpu.bitcast %slice3A_431 : vector<32x128xi32> -> vector<64x128xbf16>
    %swap3A_433 = arith.constant 48 : index
    %swap3A_434 = arith.constant 0 : index
    %swap3A_435 = arith.constant 0 : index
    %swap3A_436 = vector.load %arg2[%swap3A_433, %swap3A_434, %swap3A_435] : memref<200x64x128xbf16, #tpu.memory_space<vmem>>, vector<1x64x128xbf16>
    %swap3A_437 = vector.shape_cast %swap3A_436 : vector<1x64x128xbf16> to vector<64x128xbf16>
    %swap3A_438 = vector.shape_cast %bitcast3A_432 : vector<64x128xbf16> to vector<1x64x128xbf16>
    tpu.vector_store %arg2[%swap3A_433, %swap3A_434, %swap3A_435], %swap3A_438 {strides = array<i32>} : memref<200x64x128xbf16, #tpu.memory_space<vmem>>, vector<1x64x128xbf16>,
    %slice3A_439 = vector.extract_strided_slice %transpose3A_430 {offsets = [32, 0], sizes = [32, 128], strides = [1, 1]} : vector<128x128xi32> to vector<32x128xi32>
    %bitcast3A_440 = tpu.bitcast %slice3A_439 : vector<32x128xi32> -> vector<64x128xbf16>
    %swap3A_441 = arith.constant 49 : index
    %swap3A_442 = arith.constant 0 : index
    %swap3A_443 = arith.constant 0 : index
    %swap3A_444 = vector.load %arg2[%swap3A_441, %swap3A_442, %swap3A_443] : memref<200x64x128xbf16, #tpu.memory_space<vmem>>, vector<1x64x128xbf16>
    %swap3A_445 = vector.shape_cast %swap3A_444 : vector<1x64x128xbf16> to vector<64x128xbf16>
    %swap3A_446 = vector.shape_cast %bitcast3A_440 : vector<64x128xbf16> to vector<1x64x128xbf16>
    tpu.vector_store %arg2[%swap3A_441, %swap3A_442, %swap3A_443], %swap3A_446 {strides = array<i32>} : memref<200x64x128xbf16, #tpu.memory_space<vmem>>, vector<1x64x128xbf16>,
    %slice3A_447 = vector.extract_strided_slice %transpose3A_430 {offsets = [64, 0], sizes = [32, 128], strides = [1, 1]} : vector<128x128xi32> to vector<32x128xi32>
    %bitcast3A_448 = tpu.bitcast %slice3A_447 : vector<32x128xi32> -> vector<64x128xbf16>
    %swap3A_449 = arith.constant 50 : index
    %swap3A_450 = arith.constant 0 : index
    %swap3A_451 = arith.constant 0 : index
    %swap3A_452 = vector.load %arg2[%swap3A_449, %swap3A_450, %swap3A_451] : memref<200x64x128xbf16, #tpu.memory_space<vmem>>, vector<1x64x128xbf16>
    %swap3A_453 = vector.shape_cast %swap3A_452 : vector<1x64x128xbf16> to vector<64x128xbf16>
    %swap3A_454 = vector.shape_cast %bitcast3A_448 : vector<64x128xbf16> to vector<1x64x128xbf16>
    tpu.vector_store %arg2[%swap3A_449, %swap3A_450, %swap3A_451], %swap3A_454 {strides = array<i32>} : memref<200x64x128xbf16, #tpu.memory_space<vmem>>, vector<1x64x128xbf16>,
    %slice3A_455 = vector.extract_strided_slice %transpose3A_430 {offsets = [96, 0], sizes = [32, 128], strides = [1, 1]} : vector<128x128xi32> to vector<32x128xi32>
    %bitcast3A_456 = tpu.bitcast %slice3A_455 : vector<32x128xi32> -> vector<64x128xbf16>
    %swap3A_457 = arith.constant 51 : index
    %swap3A_458 = arith.constant 0 : index
    %swap3A_459 = arith.constant 0 : index
    %swap3A_460 = vector.load %arg2[%swap3A_457, %swap3A_458, %swap3A_459] : memref<200x64x128xbf16, #tpu.memory_space<vmem>>, vector<1x64x128xbf16>
    %swap3A_461 = vector.shape_cast %swap3A_460 : vector<1x64x128xbf16> to vector<64x128xbf16>
    %swap3A_462 = vector.shape_cast %bitcast3A_456 : vector<64x128xbf16> to vector<1x64x128xbf16>
    tpu.vector_store %arg2[%swap3A_457, %swap3A_458, %swap3A_459], %swap3A_462 {strides = array<i32>} : memref<200x64x128xbf16, #tpu.memory_space<vmem>>, vector<1x64x128xbf16>,
    %get3A_463 = arith.constant 13 : index
    %get3A_464 = arith.constant 0 : index
    %get3A_465 = tpu.strided_load %arg1[%get3A_463, %get3A_464] {strides = array<i32: 50, 1>} : memref<6400x128xi32, #tpu.memory_space<vmem>>, vector<128x128xi32>
    %transpose3A_466 = tpu.transpose %get3A_465, [1, 0] : vector<128x128xi32> -> vector<128x128xi32>
    %slice3A_467 = vector.extract_strided_slice %transpose3A_466 {offsets = [0, 0], sizes = [32, 128], strides = [1, 1]} : vector<128x128xi32> to vector<32x128xi32>
    %bitcast3A_468 = tpu.bitcast %slice3A_467 : vector<32x128xi32> -> vector<64x128xbf16>
    %swap3A_469 = arith.constant 52 : index
    %swap3A_470 = arith.constant 0 : index
    %swap3A_471 = arith.constant 0 : index
    %swap3A_472 = vector.load %arg2[%swap3A_469, %swap3A_470, %swap3A_471] : memref<200x64x128xbf16, #tpu.memory_space<vmem>>, vector<1x64x128xbf16>
    %swap3A_473 = vector.shape_cast %swap3A_472 : vector<1x64x128xbf16> to vector<64x128xbf16>
    %swap3A_474 = vector.shape_cast %bitcast3A_468 : vector<64x128xbf16> to vector<1x64x128xbf16>
    tpu.vector_store %arg2[%swap3A_469, %swap3A_470, %swap3A_471], %swap3A_474 {strides = array<i32>} : memref<200x64x128xbf16, #tpu.memory_space<vmem>>, vector<1x64x128xbf16>,
    %slice3A_475 = vector.extract_strided_slice %transpose3A_466 {offsets = [32, 0], sizes = [32, 128], strides = [1, 1]} : vector<128x128xi32> to vector<32x128xi32>
    %bitcast3A_476 = tpu.bitcast %slice3A_475 : vector<32x128xi32> -> vector<64x128xbf16>
    %swap3A_477 = arith.constant 53 : index
    %swap3A_478 = arith.constant 0 : index
    %swap3A_479 = arith.constant 0 : index
    %swap3A_480 = vector.load %arg2[%swap3A_477, %swap3A_478, %swap3A_479] : memref<200x64x128xbf16, #tpu.memory_space<vmem>>, vector<1x64x128xbf16>
    %swap3A_481 = vector.shape_cast %swap3A_480 : vector<1x64x128xbf16> to vector<64x128xbf16>
    %swap3A_482 = vector.shape_cast %bitcast3A_476 : vector<64x128xbf16> to vector<1x64x128xbf16>
    tpu.vector_store %arg2[%swap3A_477, %swap3A_478, %swap3A_479], %swap3A_482 {strides = array<i32>} : memref<200x64x128xbf16, #tpu.memory_space<vmem>>, vector<1x64x128xbf16>,
    %slice3A_483 = vector.extract_strided_slice %transpose3A_466 {offsets = [64, 0], sizes = [32, 128], strides = [1, 1]} : vector<128x128xi32> to vector<32x128xi32>
    %bitcast3A_484 = tpu.bitcast %slice3A_483 : vector<32x128xi32> -> vector<64x128xbf16>
    %swap3A_485 = arith.constant 54 : index
    %swap3A_486 = arith.constant 0 : index
    %swap3A_487 = arith.constant 0 : index
    %swap3A_488 = vector.load %arg2[%swap3A_485, %swap3A_486, %swap3A_487] : memref<200x64x128xbf16, #tpu.memory_space<vmem>>, vector<1x64x128xbf16>
    %swap3A_489 = vector.shape_cast %swap3A_488 : vector<1x64x128xbf16> to vector<64x128xbf16>
    %swap3A_490 = vector.shape_cast %bitcast3A_484 : vector<64x128xbf16> to vector<1x64x128xbf16>
    tpu.vector_store %arg2[%swap3A_485, %swap3A_486, %swap3A_487], %swap3A_490 {strides = array<i32>} : memref<200x64x128xbf16, #tpu.memory_space<vmem>>, vector<1x64x128xbf16>,
    %slice3A_491 = vector.extract_strided_slice %transpose3A_466 {offsets = [96, 0], sizes = [32, 128], strides = [1, 1]} : vector<128x128xi32> to vector<32x128xi32>
    %bitcast3A_492 = tpu.bitcast %slice3A_491 : vector<32x128xi32> -> vector<64x128xbf16>
    %swap3A_493 = arith.constant 55 : index
    %swap3A_494 = arith.constant 0 : index
    %swap3A_495 = arith.constant 0 : index
    %swap3A_496 = vector.load %arg2[%swap3A_493, %swap3A_494, %swap3A_495] : memref<200x64x128xbf16, #tpu.memory_space<vmem>>, vector<1x64x128xbf16>
    %swap3A_497 = vector.shape_cast %swap3A_496 : vector<1x64x128xbf16> to vector<64x128xbf16>
    %swap3A_498 = vector.shape_cast %bitcast3A_492 : vector<64x128xbf16> to vector<1x64x128xbf16>
    tpu.vector_store %arg2[%swap3A_493, %swap3A_494, %swap3A_495], %swap3A_498 {strides = array<i32>} : memref<200x64x128xbf16, #tpu.memory_space<vmem>>, vector<1x64x128xbf16>,
    %get3A_499 = arith.constant 14 : index
    %get3A_500 = arith.constant 0 : index
    %get3A_501 = tpu.strided_load %arg1[%get3A_499, %get3A_500] {strides = array<i32: 50, 1>} : memref<6400x128xi32, #tpu.memory_space<vmem>>, vector<128x128xi32>
    %transpose3A_502 = tpu.transpose %get3A_501, [1, 0] : vector<128x128xi32> -> vector<128x128xi32>
    %slice3A_503 = vector.extract_strided_slice %transpose3A_502 {offsets = [0, 0], sizes = [32, 128], strides = [1, 1]} : vector<128x128xi32> to vector<32x128xi32>
    %bitcast3A_504 = tpu.bitcast %slice3A_503 : vector<32x128xi32> -> vector<64x128xbf16>
    %swap3A_505 = arith.constant 56 : index
    %swap3A_506 = arith.constant 0 : index
    %swap3A_507 = arith.constant 0 : index
    %swap3A_508 = vector.load %arg2[%swap3A_505, %swap3A_506, %swap3A_507] : memref<200x64x128xbf16, #tpu.memory_space<vmem>>, vector<1x64x128xbf16>
    %swap3A_509 = vector.shape_cast %swap3A_508 : vector<1x64x128xbf16> to vector<64x128xbf16>
    %swap3A_510 = vector.shape_cast %bitcast3A_504 : vector<64x128xbf16> to vector<1x64x128xbf16>
    tpu.vector_store %arg2[%swap3A_505, %swap3A_506, %swap3A_507], %swap3A_510 {strides = array<i32>} : memref<200x64x128xbf16, #tpu.memory_space<vmem>>, vector<1x64x128xbf16>,
    %slice3A_511 = vector.extract_strided_slice %transpose3A_502 {offsets = [32, 0], sizes = [32, 128], strides = [1, 1]} : vector<128x128xi32> to vector<32x128xi32>
    %bitcast3A_512 = tpu.bitcast %slice3A_511 : vector<32x128xi32> -> vector<64x128xbf16>
    %swap3A_513 = arith.constant 57 : index
    %swap3A_514 = arith.constant 0 : index
    %swap3A_515 = arith.constant 0 : index
    %swap3A_516 = vector.load %arg2[%swap3A_513, %swap3A_514, %swap3A_515] : memref<200x64x128xbf16, #tpu.memory_space<vmem>>, vector<1x64x128xbf16>
    %swap3A_517 = vector.shape_cast %swap3A_516 : vector<1x64x128xbf16> to vector<64x128xbf16>
    %swap3A_518 = vector.shape_cast %bitcast3A_512 : vector<64x128xbf16> to vector<1x64x128xbf16>
    tpu.vector_store %arg2[%swap3A_513, %swap3A_514, %swap3A_515], %swap3A_518 {strides = array<i32>} : memref<200x64x128xbf16, #tpu.memory_space<vmem>>, vector<1x64x128xbf16>,
    %slice3A_519 = vector.extract_strided_slice %transpose3A_502 {offsets = [64, 0], sizes = [32, 128], strides = [1, 1]} : vector<128x128xi32> to vector<32x128xi32>
    %bitcast3A_520 = tpu.bitcast %slice3A_519 : vector<32x128xi32> -> vector<64x128xbf16>
    %swap3A_521 = arith.constant 58 : index
    %swap3A_522 = arith.constant 0 : index
    %swap3A_523 = arith.constant 0 : index
    %swap3A_524 = vector.load %arg2[%swap3A_521, %swap3A_522, %swap3A_523] : memref<200x64x128xbf16, #tpu.memory_space<vmem>>, vector<1x64x128xbf16>
    %swap3A_525 = vector.shape_cast %swap3A_524 : vector<1x64x128xbf16> to vector<64x128xbf16>
    %swap3A_526 = vector.shape_cast %bitcast3A_520 : vector<64x128xbf16> to vector<1x64x128xbf16>
    tpu.vector_store %arg2[%swap3A_521, %swap3A_522, %swap3A_523], %swap3A_526 {strides = array<i32>} : memref<200x64x128xbf16, #tpu.memory_space<vmem>>, vector<1x64x128xbf16>,
    %slice3A_527 = vector.extract_strided_slice %transpose3A_502 {offsets = [96, 0], sizes = [32, 128], strides = [1, 1]} : vector<128x128xi32> to vector<32x128xi32>
    %bitcast3A_528 = tpu.bitcast %slice3A_527 : vector<32x128xi32> -> vector<64x128xbf16>
    %swap3A_529 = arith.constant 59 : index
    %swap3A_530 = arith.constant 0 : index
    %swap3A_531 = arith.constant 0 : index
    %swap3A_532 = vector.load %arg2[%swap3A_529, %swap3A_530, %swap3A_531] : memref<200x64x128xbf16, #tpu.memory_space<vmem>>, vector<1x64x128xbf16>
    %swap3A_533 = vector.shape_cast %swap3A_532 : vector<1x64x128xbf16> to vector<64x128xbf16>
    %swap3A_534 = vector.shape_cast %bitcast3A_528 : vector<64x128xbf16> to vector<1x64x128xbf16>
    tpu.vector_store %arg2[%swap3A_529, %swap3A_530, %swap3A_531], %swap3A_534 {strides = array<i32>} : memref<200x64x128xbf16, #tpu.memory_space<vmem>>, vector<1x64x128xbf16>,
    %get3A_535 = arith.constant 15 : index
    %get3A_536 = arith.constant 0 : index
    %get3A_537 = tpu.strided_load %arg1[%get3A_535, %get3A_536] {strides = array<i32: 50, 1>} : memref<6400x128xi32, #tpu.memory_space<vmem>>, vector<128x128xi32>
    %transpose3A_538 = tpu.transpose %get3A_537, [1, 0] : vector<128x128xi32> -> vector<128x128xi32>
    %slice3A_539 = vector.extract_strided_slice %transpose3A_538 {offsets = [0, 0], sizes = [32, 128], strides = [1, 1]} : vector<128x128xi32> to vector<32x128xi32>
    %bitcast3A_540 = tpu.bitcast %slice3A_539 : vector<32x128xi32> -> vector<64x128xbf16>
    %swap3A_541 = arith.constant 60 : index
    %swap3A_542 = arith.constant 0 : index
    %swap3A_543 = arith.constant 0 : index
    %swap3A_544 = vector.load %arg2[%swap3A_541, %swap3A_542, %swap3A_543] : memref<200x64x128xbf16, #tpu.memory_space<vmem>>, vector<1x64x128xbf16>
    %swap3A_545 = vector.shape_cast %swap3A_544 : vector<1x64x128xbf16> to vector<64x128xbf16>
    %swap3A_546 = vector.shape_cast %bitcast3A_540 : vector<64x128xbf16> to vector<1x64x128xbf16>
    tpu.vector_store %arg2[%swap3A_541, %swap3A_542, %swap3A_543], %swap3A_546 {strides = array<i32>} : memref<200x64x128xbf16, #tpu.memory_space<vmem>>, vector<1x64x128xbf16>,
    %slice3A_547 = vector.extract_strided_slice %transpose3A_538 {offsets = [32, 0], sizes = [32, 128], strides = [1, 1]} : vector<128x128xi32> to vector<32x128xi32>
    %bitcast3A_548 = tpu.bitcast %slice3A_547 : vector<32x128xi32> -> vector<64x128xbf16>
    %swap3A_549 = arith.constant 61 : index
    %swap3A_550 = arith.constant 0 : index
    %swap3A_551 = arith.constant 0 : index
    %swap3A_552 = vector.load %arg2[%swap3A_549, %swap3A_550, %swap3A_551] : memref<200x64x128xbf16, #tpu.memory_space<vmem>>, vector<1x64x128xbf16>
    %swap3A_553 = vector.shape_cast %swap3A_552 : vector<1x64x128xbf16> to vector<64x128xbf16>
    %swap3A_554 = vector.shape_cast %bitcast3A_548 : vector<64x128xbf16> to vector<1x64x128xbf16>
    tpu.vector_store %arg2[%swap3A_549, %swap3A_550, %swap3A_551], %swap3A_554 {strides = array<i32>} : memref<200x64x128xbf16, #tpu.memory_space<vmem>>, vector<1x64x128xbf16>,
    %slice3A_555 = vector.extract_strided_slice %transpose3A_538 {offsets = [64, 0], sizes = [32, 128], strides = [1, 1]} : vector<128x128xi32> to vector<32x128xi32>
    %bitcast3A_556 = tpu.bitcast %slice3A_555 : vector<32x128xi32> -> vector<64x128xbf16>
    %swap3A_557 = arith.constant 62 : index
    %swap3A_558 = arith.constant 0 : index
    %swap3A_559 = arith.constant 0 : index
    %swap3A_560 = vector.load %arg2[%swap3A_557, %swap3A_558, %swap3A_559] : memref<200x64x128xbf16, #tpu.memory_space<vmem>>, vector<1x64x128xbf16>
    %swap3A_561 = vector.shape_cast %swap3A_560 : vector<1x64x128xbf16> to vector<64x128xbf16>
    %swap3A_562 = vector.shape_cast %bitcast3A_556 : vector<64x128xbf16> to vector<1x64x128xbf16>
    tpu.vector_store %arg2[%swap3A_557, %swap3A_558, %swap3A_559], %swap3A_562 {strides = array<i32>} : memref<200x64x128xbf16, #tpu.memory_space<vmem>>, vector<1x64x128xbf16>,
    %slice3A_563 = vector.extract_strided_slice %transpose3A_538 {offsets = [96, 0], sizes = [32, 128], strides = [1, 1]} : vector<128x128xi32> to vector<32x128xi32>
    %bitcast3A_564 = tpu.bitcast %slice3A_563 : vector<32x128xi32> -> vector<64x128xbf16>
    %swap3A_565 = arith.constant 63 : index
    %swap3A_566 = arith.constant 0 : index
    %swap3A_567 = arith.constant 0 : index
    %swap3A_568 = vector.load %arg2[%swap3A_565, %swap3A_566, %swap3A_567] : memref<200x64x128xbf16, #tpu.memory_space<vmem>>, vector<1x64x128xbf16>
    %swap3A_569 = vector.shape_cast %swap3A_568 : vector<1x64x128xbf16> to vector<64x128xbf16>
    %swap3A_570 = vector.shape_cast %bitcast3A_564 : vector<64x128xbf16> to vector<1x64x128xbf16>
    tpu.vector_store %arg2[%swap3A_565, %swap3A_566, %swap3A_567], %swap3A_570 {strides = array<i32>} : memref<200x64x128xbf16, #tpu.memory_space<vmem>>, vector<1x64x128xbf16>,
    %get3A_571 = arith.constant 16 : index
    %get3A_572 = arith.constant 0 : index
    %get3A_573 = tpu.strided_load %arg1[%get3A_571, %get3A_572] {strides = array<i32: 50, 1>} : memref<6400x128xi32, #tpu.memory_space<vmem>>, vector<128x128xi32>
    %transpose3A_574 = tpu.transpose %get3A_573, [1, 0] : vector<128x128xi32> -> vector<128x128xi32>
    %slice3A_575 = vector.extract_strided_slice %transpose3A_574 {offsets = [0, 0], sizes = [32, 128], strides = [1, 1]} : vector<128x128xi32> to vector<32x128xi32>
    %bitcast3A_576 = tpu.bitcast %slice3A_575 : vector<32x128xi32> -> vector<64x128xbf16>
    %swap3A_577 = arith.constant 64 : index
    %swap3A_578 = arith.constant 0 : index
    %swap3A_579 = arith.constant 0 : index
    %swap3A_580 = vector.load %arg2[%swap3A_577, %swap3A_578, %swap3A_579] : memref<200x64x128xbf16, #tpu.memory_space<vmem>>, vector<1x64x128xbf16>
    %swap3A_581 = vector.shape_cast %swap3A_580 : vector<1x64x128xbf16> to vector<64x128xbf16>
    %swap3A_582 = vector.shape_cast %bitcast3A_576 : vector<64x128xbf16> to vector<1x64x128xbf16>
    tpu.vector_store %arg2[%swap3A_577, %swap3A_578, %swap3A_579], %swap3A_582 {strides = array<i32>} : memref<200x64x128xbf16, #tpu.memory_space<vmem>>, vector<1x64x128xbf16>,
    %slice3A_583 = vector.extract_strided_slice %transpose3A_574 {offsets = [32, 0], sizes = [32, 128], strides = [1, 1]} : vector<128x128xi32> to vector<32x128xi32>
    %bitcast3A_584 = tpu.bitcast %slice3A_583 : vector<32x128xi32> -> vector<64x128xbf16>
    %swap3A_585 = arith.constant 65 : index
    %swap3A_586 = arith.constant 0 : index
    %swap3A_587 = arith.constant 0 : index
    %swap3A_588 = vector.load %arg2[%swap3A_585, %swap3A_586, %swap3A_587] : memref<200x64x128xbf16, #tpu.memory_space<vmem>>, vector<1x64x128xbf16>
    %swap3A_589 = vector.shape_cast %swap3A_588 : vector<1x64x128xbf16> to vector<64x128xbf16>
    %swap3A_590 = vector.shape_cast %bitcast3A_584 : vector<64x128xbf16> to vector<1x64x128xbf16>
    tpu.vector_store %arg2[%swap3A_585, %swap3A_586, %swap3A_587], %swap3A_590 {strides = array<i32>} : memref<200x64x128xbf16, #tpu.memory_space<vmem>>, vector<1x64x128xbf16>,
    %slice3A_591 = vector.extract_strided_slice %transpose3A_574 {offsets = [64, 0], sizes = [32, 128], strides = [1, 1]} : vector<128x128xi32> to vector<32x128xi32>
    %bitcast3A_592 = tpu.bitcast %slice3A_591 : vector<32x128xi32> -> vector<64x128xbf16>
    %swap3A_593 = arith.constant 66 : index
    %swap3A_594 = arith.constant 0 : index
    %swap3A_595 = arith.constant 0 : index
    %swap3A_596 = vector.load %arg2[%swap3A_593, %swap3A_594, %swap3A_595] : memref<200x64x128xbf16, #tpu.memory_space<vmem>>, vector<1x64x128xbf16>
    %swap3A_597 = vector.shape_cast %swap3A_596 : vector<1x64x128xbf16> to vector<64x128xbf16>
    %swap3A_598 = vector.shape_cast %bitcast3A_592 : vector<64x128xbf16> to vector<1x64x128xbf16>
    tpu.vector_store %arg2[%swap3A_593, %swap3A_594, %swap3A_595], %swap3A_598 {strides = array<i32>} : memref<200x64x128xbf16, #tpu.memory_space<vmem>>, vector<1x64x128xbf16>,
    %slice3A_599 = vector.extract_strided_slice %transpose3A_574 {offsets = [96, 0], sizes = [32, 128], strides = [1, 1]} : vector<128x128xi32> to vector<32x128xi32>
    %bitcast3A_600 = tpu.bitcast %slice3A_599 : vector<32x128xi32> -> vector<64x128xbf16>
    %swap3A_601 = arith.constant 67 : index
    %swap3A_602 = arith.constant 0 : index
    %swap3A_603 = arith.constant 0 : index
    %swap3A_604 = vector.load %arg2[%swap3A_601, %swap3A_602, %swap3A_603] : memref<200x64x128xbf16, #tpu.memory_space<vmem>>, vector<1x64x128xbf16>
    %swap3A_605 = vector.shape_cast %swap3A_604 : vector<1x64x128xbf16> to vector<64x128xbf16>
    %swap3A_606 = vector.shape_cast %bitcast3A_600 : vector<64x128xbf16> to vector<1x64x128xbf16>
    tpu.vector_store %arg2[%swap3A_601, %swap3A_602, %swap3A_603], %swap3A_606 {strides = array<i32>} : memref<200x64x128xbf16, #tpu.memory_space<vmem>>, vector<1x64x128xbf16>,
    %get3A_607 = arith.constant 17 : index
    %get3A_608 = arith.constant 0 : index
    %get3A_609 = tpu.strided_load %arg1[%get3A_607, %get3A_608] {strides = array<i32: 50, 1>} : memref<6400x128xi32, #tpu.memory_space<vmem>>, vector<128x128xi32>
    %transpose3A_610 = tpu.transpose %get3A_609, [1, 0] : vector<128x128xi32> -> vector<128x128xi32>
    %slice3A_611 = vector.extract_strided_slice %transpose3A_610 {offsets = [0, 0], sizes = [32, 128], strides = [1, 1]} : vector<128x128xi32> to vector<32x128xi32>
    %bitcast3A_612 = tpu.bitcast %slice3A_611 : vector<32x128xi32> -> vector<64x128xbf16>
    %swap3A_613 = arith.constant 68 : index
    %swap3A_614 = arith.constant 0 : index
    %swap3A_615 = arith.constant 0 : index
    %swap3A_616 = vector.load %arg2[%swap3A_613, %swap3A_614, %swap3A_615] : memref<200x64x128xbf16, #tpu.memory_space<vmem>>, vector<1x64x128xbf16>
    %swap3A_617 = vector.shape_cast %swap3A_616 : vector<1x64x128xbf16> to vector<64x128xbf16>
    %swap3A_618 = vector.shape_cast %bitcast3A_612 : vector<64x128xbf16> to vector<1x64x128xbf16>
    tpu.vector_store %arg2[%swap3A_613, %swap3A_614, %swap3A_615], %swap3A_618 {strides = array<i32>} : memref<200x64x128xbf16, #tpu.memory_space<vmem>>, vector<1x64x128xbf16>,
    %slice3A_619 = vector.extract_strided_slice %transpose3A_610 {offsets = [32, 0], sizes = [32, 128], strides = [1, 1]} : vector<128x128xi32> to vector<32x128xi32>
    %bitcast3A_620 = tpu.bitcast %slice3A_619 : vector<32x128xi32> -> vector<64x128xbf16>
    %swap3A_621 = arith.constant 69 : index
    %swap3A_622 = arith.constant 0 : index
    %swap3A_623 = arith.constant 0 : index
    %swap3A_624 = vector.load %arg2[%swap3A_621, %swap3A_622, %swap3A_623] : memref<200x64x128xbf16, #tpu.memory_space<vmem>>, vector<1x64x128xbf16>
    %swap3A_625 = vector.shape_cast %swap3A_624 : vector<1x64x128xbf16> to vector<64x128xbf16>
    %swap3A_626 = vector.shape_cast %bitcast3A_620 : vector<64x128xbf16> to vector<1x64x128xbf16>
    tpu.vector_store %arg2[%swap3A_621, %swap3A_622, %swap3A_623], %swap3A_626 {strides = array<i32>} : memref<200x64x128xbf16, #tpu.memory_space<vmem>>, vector<1x64x128xbf16>,
    %slice3A_627 = vector.extract_strided_slice %transpose3A_610 {offsets = [64, 0], sizes = [32, 128], strides = [1, 1]} : vector<128x128xi32> to vector<32x128xi32>
    %bitcast3A_628 = tpu.bitcast %slice3A_627 : vector<32x128xi32> -> vector<64x128xbf16>
    %swap3A_629 = arith.constant 70 : index
    %swap3A_630 = arith.constant 0 : index
    %swap3A_631 = arith.constant 0 : index
    %swap3A_632 = vector.load %arg2[%swap3A_629, %swap3A_630, %swap3A_631] : memref<200x64x128xbf16, #tpu.memory_space<vmem>>, vector<1x64x128xbf16>
    %swap3A_633 = vector.shape_cast %swap3A_632 : vector<1x64x128xbf16> to vector<64x128xbf16>
    %swap3A_634 = vector.shape_cast %bitcast3A_628 : vector<64x128xbf16> to vector<1x64x128xbf16>
    tpu.vector_store %arg2[%swap3A_629, %swap3A_630, %swap3A_631], %swap3A_634 {strides = array<i32>} : memref<200x64x128xbf16, #tpu.memory_space<vmem>>, vector<1x64x128xbf16>,
    %slice3A_635 = vector.extract_strided_slice %transpose3A_610 {offsets = [96, 0], sizes = [32, 128], strides = [1, 1]} : vector<128x128xi32> to vector<32x128xi32>
    %bitcast3A_636 = tpu.bitcast %slice3A_635 : vector<32x128xi32> -> vector<64x128xbf16>
    %swap3A_637 = arith.constant 71 : index
    %swap3A_638 = arith.constant 0 : index
    %swap3A_639 = arith.constant 0 : index
    %swap3A_640 = vector.load %arg2[%swap3A_637, %swap3A_638, %swap3A_639] : memref<200x64x128xbf16, #tpu.memory_space<vmem>>, vector<1x64x128xbf16>
    %swap3A_641 = vector.shape_cast %swap3A_640 : vector<1x64x128xbf16> to vector<64x128xbf16>
    %swap3A_642 = vector.shape_cast %bitcast3A_636 : vector<64x128xbf16> to vector<1x64x128xbf16>
    tpu.vector_store %arg2[%swap3A_637, %swap3A_638, %swap3A_639], %swap3A_642 {strides = array<i32>} : memref<200x64x128xbf16, #tpu.memory_space<vmem>>, vector<1x64x128xbf16>,
    %get3A_643 = arith.constant 18 : index
    %get3A_644 = arith.constant 0 : index
    %get3A_645 = tpu.strided_load %arg1[%get3A_643, %get3A_644] {strides = array<i32: 50, 1>} : memref<6400x128xi32, #tpu.memory_space<vmem>>, vector<128x128xi32>
    %transpose3A_646 = tpu.transpose %get3A_645, [1, 0] : vector<128x128xi32> -> vector<128x128xi32>
    %slice3A_647 = vector.extract_strided_slice %transpose3A_646 {offsets = [0, 0], sizes = [32, 128], strides = [1, 1]} : vector<128x128xi32> to vector<32x128xi32>
    %bitcast3A_648 = tpu.bitcast %slice3A_647 : vector<32x128xi32> -> vector<64x128xbf16>
    %swap3A_649 = arith.constant 72 : index
    %swap3A_650 = arith.constant 0 : index
    %swap3A_651 = arith.constant 0 : index
    %swap3A_652 = vector.load %arg2[%swap3A_649, %swap3A_650, %swap3A_651] : memref<200x64x128xbf16, #tpu.memory_space<vmem>>, vector<1x64x128xbf16>
    %swap3A_653 = vector.shape_cast %swap3A_652 : vector<1x64x128xbf16> to vector<64x128xbf16>
    %swap3A_654 = vector.shape_cast %bitcast3A_648 : vector<64x128xbf16> to vector<1x64x128xbf16>
    tpu.vector_store %arg2[%swap3A_649, %swap3A_650, %swap3A_651], %swap3A_654 {strides = array<i32>} : memref<200x64x128xbf16, #tpu.memory_space<vmem>>, vector<1x64x128xbf16>,
    %slice3A_655 = vector.extract_strided_slice %transpose3A_646 {offsets = [32, 0], sizes = [32, 128], strides = [1, 1]} : vector<128x128xi32> to vector<32x128xi32>
    %bitcast3A_656 = tpu.bitcast %slice3A_655 : vector<32x128xi32> -> vector<64x128xbf16>
    %swap3A_657 = arith.constant 73 : index
    %swap3A_658 = arith.constant 0 : index
    %swap3A_659 = arith.constant 0 : index
    %swap3A_660 = vector.load %arg2[%swap3A_657, %swap3A_658, %swap3A_659] : memref<200x64x128xbf16, #tpu.memory_space<vmem>>, vector<1x64x128xbf16>
    %swap3A_661 = vector.shape_cast %swap3A_660 : vector<1x64x128xbf16> to vector<64x128xbf16>
    %swap3A_662 = vector.shape_cast %bitcast3A_656 : vector<64x128xbf16> to vector<1x64x128xbf16>
    tpu.vector_store %arg2[%swap3A_657, %swap3A_658, %swap3A_659], %swap3A_662 {strides = array<i32>} : memref<200x64x128xbf16, #tpu.memory_space<vmem>>, vector<1x64x128xbf16>,
    %slice3A_663 = vector.extract_strided_slice %transpose3A_646 {offsets = [64, 0], sizes = [32, 128], strides = [1, 1]} : vector<128x128xi32> to vector<32x128xi32>
    %bitcast3A_664 = tpu.bitcast %slice3A_663 : vector<32x128xi32> -> vector<64x128xbf16>
    %swap3A_665 = arith.constant 74 : index
    %swap3A_666 = arith.constant 0 : index
    %swap3A_667 = arith.constant 0 : index
    %swap3A_668 = vector.load %arg2[%swap3A_665, %swap3A_666, %swap3A_667] : memref<200x64x128xbf16, #tpu.memory_space<vmem>>, vector<1x64x128xbf16>
    %swap3A_669 = vector.shape_cast %swap3A_668 : vector<1x64x128xbf16> to vector<64x128xbf16>
    %swap3A_670 = vector.shape_cast %bitcast3A_664 : vector<64x128xbf16> to vector<1x64x128xbf16>
    tpu.vector_store %arg2[%swap3A_665, %swap3A_666, %swap3A_667], %swap3A_670 {strides = array<i32>} : memref<200x64x128xbf16, #tpu.memory_space<vmem>>, vector<1x64x128xbf16>,
    %slice3A_671 = vector.extract_strided_slice %transpose3A_646 {offsets = [96, 0], sizes = [32, 128], strides = [1, 1]} : vector<128x128xi32> to vector<32x128xi32>
    %bitcast3A_672 = tpu.bitcast %slice3A_671 : vector<32x128xi32> -> vector<64x128xbf16>
    %swap3A_673 = arith.constant 75 : index
    %swap3A_674 = arith.constant 0 : index
    %swap3A_675 = arith.constant 0 : index
    %swap3A_676 = vector.load %arg2[%swap3A_673, %swap3A_674, %swap3A_675] : memref<200x64x128xbf16, #tpu.memory_space<vmem>>, vector<1x64x128xbf16>
    %swap3A_677 = vector.shape_cast %swap3A_676 : vector<1x64x128xbf16> to vector<64x128xbf16>
    %swap3A_678 = vector.shape_cast %bitcast3A_672 : vector<64x128xbf16> to vector<1x64x128xbf16>
    tpu.vector_store %arg2[%swap3A_673, %swap3A_674, %swap3A_675], %swap3A_678 {strides = array<i32>} : memref<200x64x128xbf16, #tpu.memory_space<vmem>>, vector<1x64x128xbf16>,
    %get3A_679 = arith.constant 19 : index
    %get3A_680 = arith.constant 0 : index
    %get3A_681 = tpu.strided_load %arg1[%get3A_679, %get3A_680] {strides = array<i32: 50, 1>} : memref<6400x128xi32, #tpu.memory_space<vmem>>, vector<128x128xi32>
    %transpose3A_682 = tpu.transpose %get3A_681, [1, 0] : vector<128x128xi32> -> vector<128x128xi32>
    %slice3A_683 = vector.extract_strided_slice %transpose3A_682 {offsets = [0, 0], sizes = [32, 128], strides = [1, 1]} : vector<128x128xi32> to vector<32x128xi32>
    %bitcast3A_684 = tpu.bitcast %slice3A_683 : vector<32x128xi32> -> vector<64x128xbf16>
    %swap3A_685 = arith.constant 76 : index
    %swap3A_686 = arith.constant 0 : index
    %swap3A_687 = arith.constant 0 : index
    %swap3A_688 = vector.load %arg2[%swap3A_685, %swap3A_686, %swap3A_687] : memref<200x64x128xbf16, #tpu.memory_space<vmem>>, vector<1x64x128xbf16>
    %swap3A_689 = vector.shape_cast %swap3A_688 : vector<1x64x128xbf16> to vector<64x128xbf16>
    %swap3A_690 = vector.shape_cast %bitcast3A_684 : vector<64x128xbf16> to vector<1x64x128xbf16>
    tpu.vector_store %arg2[%swap3A_685, %swap3A_686, %swap3A_687], %swap3A_690 {strides = array<i32>} : memref<200x64x128xbf16, #tpu.memory_space<vmem>>, vector<1x64x128xbf16>,
    %slice3A_691 = vector.extract_strided_slice %transpose3A_682 {offsets = [32, 0], sizes = [32, 128], strides = [1, 1]} : vector<128x128xi32> to vector<32x128xi32>
    %bitcast3A_692 = tpu.bitcast %slice3A_691 : vector<32x128xi32> -> vector<64x128xbf16>
    %swap3A_693 = arith.constant 77 : index
    %swap3A_694 = arith.constant 0 : index
    %swap3A_695 = arith.constant 0 : index
    %swap3A_696 = vector.load %arg2[%swap3A_693, %swap3A_694, %swap3A_695] : memref<200x64x128xbf16, #tpu.memory_space<vmem>>, vector<1x64x128xbf16>
    %swap3A_697 = vector.shape_cast %swap3A_696 : vector<1x64x128xbf16> to vector<64x128xbf16>
    %swap3A_698 = vector.shape_cast %bitcast3A_692 : vector<64x128xbf16> to vector<1x64x128xbf16>
    tpu.vector_store %arg2[%swap3A_693, %swap3A_694, %swap3A_695], %swap3A_698 {strides = array<i32>} : memref<200x64x128xbf16, #tpu.memory_space<vmem>>, vector<1x64x128xbf16>,
    %slice3A_699 = vector.extract_strided_slice %transpose3A_682 {offsets = [64, 0], sizes = [32, 128], strides = [1, 1]} : vector<128x128xi32> to vector<32x128xi32>
    %bitcast3A_700 = tpu.bitcast %slice3A_699 : vector<32x128xi32> -> vector<64x128xbf16>
    %swap3A_701 = arith.constant 78 : index
    %swap3A_702 = arith.constant 0 : index
    %swap3A_703 = arith.constant 0 : index
    %swap3A_704 = vector.load %arg2[%swap3A_701, %swap3A_702, %swap3A_703] : memref<200x64x128xbf16, #tpu.memory_space<vmem>>, vector<1x64x128xbf16>
    %swap3A_705 = vector.shape_cast %swap3A_704 : vector<1x64x128xbf16> to vector<64x128xbf16>
    %swap3A_706 = vector.shape_cast %bitcast3A_700 : vector<64x128xbf16> to vector<1x64x128xbf16>
    tpu.vector_store %arg2[%swap3A_701, %swap3A_702, %swap3A_703], %swap3A_706 {strides = array<i32>} : memref<200x64x128xbf16, #tpu.memory_space<vmem>>, vector<1x64x128xbf16>,
    %slice3A_707 = vector.extract_strided_slice %transpose3A_682 {offsets = [96, 0], sizes = [32, 128], strides = [1, 1]} : vector<128x128xi32> to vector<32x128xi32>
    %bitcast3A_708 = tpu.bitcast %slice3A_707 : vector<32x128xi32> -> vector<64x128xbf16>
    %swap3A_709 = arith.constant 79 : index
    %swap3A_710 = arith.constant 0 : index
    %swap3A_711 = arith.constant 0 : index
    %swap3A_712 = vector.load %arg2[%swap3A_709, %swap3A_710, %swap3A_711] : memref<200x64x128xbf16, #tpu.memory_space<vmem>>, vector<1x64x128xbf16>
    %swap3A_713 = vector.shape_cast %swap3A_712 : vector<1x64x128xbf16> to vector<64x128xbf16>
    %swap3A_714 = vector.shape_cast %bitcast3A_708 : vector<64x128xbf16> to vector<1x64x128xbf16>
    tpu.vector_store %arg2[%swap3A_709, %swap3A_710, %swap3A_711], %swap3A_714 {strides = array<i32>} : memref<200x64x128xbf16, #tpu.memory_space<vmem>>, vector<1x64x128xbf16>,
    %get3A_715 = arith.constant 20 : index
    %get3A_716 = arith.constant 0 : index
    %get3A_717 = tpu.strided_load %arg1[%get3A_715, %get3A_716] {strides = array<i32: 50, 1>} : memref<6400x128xi32, #tpu.memory_space<vmem>>, vector<128x128xi32>
    %transpose3A_718 = tpu.transpose %get3A_717, [1, 0] : vector<128x128xi32> -> vector<128x128xi32>
    %slice3A_719 = vector.extract_strided_slice %transpose3A_718 {offsets = [0, 0], sizes = [32, 128], strides = [1, 1]} : vector<128x128xi32> to vector<32x128xi32>
    %bitcast3A_720 = tpu.bitcast %slice3A_719 : vector<32x128xi32> -> vector<64x128xbf16>
    %swap3A_721 = arith.constant 80 : index
    %swap3A_722 = arith.constant 0 : index
    %swap3A_723 = arith.constant 0 : index
    %swap3A_724 = vector.load %arg2[%swap3A_721, %swap3A_722, %swap3A_723] : memref<200x64x128xbf16, #tpu.memory_space<vmem>>, vector<1x64x128xbf16>
    %swap3A_725 = vector.shape_cast %swap3A_724 : vector<1x64x128xbf16> to vector<64x128xbf16>
    %swap3A_726 = vector.shape_cast %bitcast3A_720 : vector<64x128xbf16> to vector<1x64x128xbf16>
    tpu.vector_store %arg2[%swap3A_721, %swap3A_722, %swap3A_723], %swap3A_726 {strides = array<i32>} : memref<200x64x128xbf16, #tpu.memory_space<vmem>>, vector<1x64x128xbf16>,
    %slice3A_727 = vector.extract_strided_slice %transpose3A_718 {offsets = [32, 0], sizes = [32, 128], strides = [1, 1]} : vector<128x128xi32> to vector<32x128xi32>
    %bitcast3A_728 = tpu.bitcast %slice3A_727 : vector<32x128xi32> -> vector<64x128xbf16>
    %swap3A_729 = arith.constant 81 : index
    %swap3A_730 = arith.constant 0 : index
    %swap3A_731 = arith.constant 0 : index
    %swap3A_732 = vector.load %arg2[%swap3A_729, %swap3A_730, %swap3A_731] : memref<200x64x128xbf16, #tpu.memory_space<vmem>>, vector<1x64x128xbf16>
    %swap3A_733 = vector.shape_cast %swap3A_732 : vector<1x64x128xbf16> to vector<64x128xbf16>
    %swap3A_734 = vector.shape_cast %bitcast3A_728 : vector<64x128xbf16> to vector<1x64x128xbf16>
    tpu.vector_store %arg2[%swap3A_729, %swap3A_730, %swap3A_731], %swap3A_734 {strides = array<i32>} : memref<200x64x128xbf16, #tpu.memory_space<vmem>>, vector<1x64x128xbf16>,
    %slice3A_735 = vector.extract_strided_slice %transpose3A_718 {offsets = [64, 0], sizes = [32, 128], strides = [1, 1]} : vector<128x128xi32> to vector<32x128xi32>
    %bitcast3A_736 = tpu.bitcast %slice3A_735 : vector<32x128xi32> -> vector<64x128xbf16>
    %swap3A_737 = arith.constant 82 : index
    %swap3A_738 = arith.constant 0 : index
    %swap3A_739 = arith.constant 0 : index
    %swap3A_740 = vector.load %arg2[%swap3A_737, %swap3A_738, %swap3A_739] : memref<200x64x128xbf16, #tpu.memory_space<vmem>>, vector<1x64x128xbf16>
    %swap3A_741 = vector.shape_cast %swap3A_740 : vector<1x64x128xbf16> to vector<64x128xbf16>
    %swap3A_742 = vector.shape_cast %bitcast3A_736 : vector<64x128xbf16> to vector<1x64x128xbf16>
    tpu.vector_store %arg2[%swap3A_737, %swap3A_738, %swap3A_739], %swap3A_742 {strides = array<i32>} : memref<200x64x128xbf16, #tpu.memory_space<vmem>>, vector<1x64x128xbf16>,
    %slice3A_743 = vector.extract_strided_slice %transpose3A_718 {offsets = [96, 0], sizes = [32, 128], strides = [1, 1]} : vector<128x128xi32> to vector<32x128xi32>
    %bitcast3A_744 = tpu.bitcast %slice3A_743 : vector<32x128xi32> -> vector<64x128xbf16>
    %swap3A_745 = arith.constant 83 : index
    %swap3A_746 = arith.constant 0 : index
    %swap3A_747 = arith.constant 0 : index
    %swap3A_748 = vector.load %arg2[%swap3A_745, %swap3A_746, %swap3A_747] : memref<200x64x128xbf16, #tpu.memory_space<vmem>>, vector<1x64x128xbf16>
    %swap3A_749 = vector.shape_cast %swap3A_748 : vector<1x64x128xbf16> to vector<64x128xbf16>
    %swap3A_750 = vector.shape_cast %bitcast3A_744 : vector<64x128xbf16> to vector<1x64x128xbf16>
    tpu.vector_store %arg2[%swap3A_745, %swap3A_746, %swap3A_747], %swap3A_750 {strides = array<i32>} : memref<200x64x128xbf16, #tpu.memory_space<vmem>>, vector<1x64x128xbf16>,
    %get3A_751 = arith.constant 21 : index
    %get3A_752 = arith.constant 0 : index
    %get3A_753 = tpu.strided_load %arg1[%get3A_751, %get3A_752] {strides = array<i32: 50, 1>} : memref<6400x128xi32, #tpu.memory_space<vmem>>, vector<128x128xi32>
    %transpose3A_754 = tpu.transpose %get3A_753, [1, 0] : vector<128x128xi32> -> vector<128x128xi32>
    %slice3A_755 = vector.extract_strided_slice %transpose3A_754 {offsets = [0, 0], sizes = [32, 128], strides = [1, 1]} : vector<128x128xi32> to vector<32x128xi32>
    %bitcast3A_756 = tpu.bitcast %slice3A_755 : vector<32x128xi32> -> vector<64x128xbf16>
    %swap3A_757 = arith.constant 84 : index
    %swap3A_758 = arith.constant 0 : index
    %swap3A_759 = arith.constant 0 : index
    %swap3A_760 = vector.load %arg2[%swap3A_757, %swap3A_758, %swap3A_759] : memref<200x64x128xbf16, #tpu.memory_space<vmem>>, vector<1x64x128xbf16>
    %swap3A_761 = vector.shape_cast %swap3A_760 : vector<1x64x128xbf16> to vector<64x128xbf16>
    %swap3A_762 = vector.shape_cast %bitcast3A_756 : vector<64x128xbf16> to vector<1x64x128xbf16>
    tpu.vector_store %arg2[%swap3A_757, %swap3A_758, %swap3A_759], %swap3A_762 {strides = array<i32>} : memref<200x64x128xbf16, #tpu.memory_space<vmem>>, vector<1x64x128xbf16>,
    %slice3A_763 = vector.extract_strided_slice %transpose3A_754 {offsets = [32, 0], sizes = [32, 128], strides = [1, 1]} : vector<128x128xi32> to vector<32x128xi32>
    %bitcast3A_764 = tpu.bitcast %slice3A_763 : vector<32x128xi32> -> vector<64x128xbf16>
    %swap3A_765 = arith.constant 85 : index
    %swap3A_766 = arith.constant 0 : index
    %swap3A_767 = arith.constant 0 : index
    %swap3A_768 = vector.load %arg2[%swap3A_765, %swap3A_766, %swap3A_767] : memref<200x64x128xbf16, #tpu.memory_space<vmem>>, vector<1x64x128xbf16>
    %swap3A_769 = vector.shape_cast %swap3A_768 : vector<1x64x128xbf16> to vector<64x128xbf16>
    %swap3A_770 = vector.shape_cast %bitcast3A_764 : vector<64x128xbf16> to vector<1x64x128xbf16>
    tpu.vector_store %arg2[%swap3A_765, %swap3A_766, %swap3A_767], %swap3A_770 {strides = array<i32>} : memref<200x64x128xbf16, #tpu.memory_space<vmem>>, vector<1x64x128xbf16>,
    %slice3A_771 = vector.extract_strided_slice %transpose3A_754 {offsets = [64, 0], sizes = [32, 128], strides = [1, 1]} : vector<128x128xi32> to vector<32x128xi32>
    %bitcast3A_772 = tpu.bitcast %slice3A_771 : vector<32x128xi32> -> vector<64x128xbf16>
    %swap3A_773 = arith.constant 86 : index
    %swap3A_774 = arith.constant 0 : index
    %swap3A_775 = arith.constant 0 : index
    %swap3A_776 = vector.load %arg2[%swap3A_773, %swap3A_774, %swap3A_775] : memref<200x64x128xbf16, #tpu.memory_space<vmem>>, vector<1x64x128xbf16>
    %swap3A_777 = vector.shape_cast %swap3A_776 : vector<1x64x128xbf16> to vector<64x128xbf16>
    %swap3A_778 = vector.shape_cast %bitcast3A_772 : vector<64x128xbf16> to vector<1x64x128xbf16>
    tpu.vector_store %arg2[%swap3A_773, %swap3A_774, %swap3A_775], %swap3A_778 {strides = array<i32>} : memref<200x64x128xbf16, #tpu.memory_space<vmem>>, vector<1x64x128xbf16>,
    %slice3A_779 = vector.extract_strided_slice %transpose3A_754 {offsets = [96, 0], sizes = [32, 128], strides = [1, 1]} : vector<128x128xi32> to vector<32x128xi32>
    %bitcast3A_780 = tpu.bitcast %slice3A_779 : vector<32x128xi32> -> vector<64x128xbf16>
    %swap3A_781 = arith.constant 87 : index
    %swap3A_782 = arith.constant 0 : index
    %swap3A_783 = arith.constant 0 : index
    %swap3A_784 = vector.load %arg2[%swap3A_781, %swap3A_782, %swap3A_783] : memref<200x64x128xbf16, #tpu.memory_space<vmem>>, vector<1x64x128xbf16>
    %swap3A_785 = vector.shape_cast %swap3A_784 : vector<1x64x128xbf16> to vector<64x128xbf16>
    %swap3A_786 = vector.shape_cast %bitcast3A_780 : vector<64x128xbf16> to vector<1x64x128xbf16>
    tpu.vector_store %arg2[%swap3A_781, %swap3A_782, %swap3A_783], %swap3A_786 {strides = array<i32>} : memref<200x64x128xbf16, #tpu.memory_space<vmem>>, vector<1x64x128xbf16>,
    %get3A_787 = arith.constant 22 : index
    %get3A_788 = arith.constant 0 : index
    %get3A_789 = tpu.strided_load %arg1[%get3A_787, %get3A_788] {strides = array<i32: 50, 1>} : memref<6400x128xi32, #tpu.memory_space<vmem>>, vector<128x128xi32>
    %transpose3A_790 = tpu.transpose %get3A_789, [1, 0] : vector<128x128xi32> -> vector<128x128xi32>
    %slice3A_791 = vector.extract_strided_slice %transpose3A_790 {offsets = [0, 0], sizes = [32, 128], strides = [1, 1]} : vector<128x128xi32> to vector<32x128xi32>
    %bitcast3A_792 = tpu.bitcast %slice3A_791 : vector<32x128xi32> -> vector<64x128xbf16>
    %swap3A_793 = arith.constant 88 : index
    %swap3A_794 = arith.constant 0 : index
    %swap3A_795 = arith.constant 0 : index
    %swap3A_796 = vector.load %arg2[%swap3A_793, %swap3A_794, %swap3A_795] : memref<200x64x128xbf16, #tpu.memory_space<vmem>>, vector<1x64x128xbf16>
    %swap3A_797 = vector.shape_cast %swap3A_796 : vector<1x64x128xbf16> to vector<64x128xbf16>
    %swap3A_798 = vector.shape_cast %bitcast3A_792 : vector<64x128xbf16> to vector<1x64x128xbf16>
    tpu.vector_store %arg2[%swap3A_793, %swap3A_794, %swap3A_795], %swap3A_798 {strides = array<i32>} : memref<200x64x128xbf16, #tpu.memory_space<vmem>>, vector<1x64x128xbf16>,
    %slice3A_799 = vector.extract_strided_slice %transpose3A_790 {offsets = [32, 0], sizes = [32, 128], strides = [1, 1]} : vector<128x128xi32> to vector<32x128xi32>
    %bitcast3A_800 = tpu.bitcast %slice3A_799 : vector<32x128xi32> -> vector<64x128xbf16>
    %swap3A_801 = arith.constant 89 : index
    %swap3A_802 = arith.constant 0 : index
    %swap3A_803 = arith.constant 0 : index
    %swap3A_804 = vector.load %arg2[%swap3A_801, %swap3A_802, %swap3A_803] : memref<200x64x128xbf16, #tpu.memory_space<vmem>>, vector<1x64x128xbf16>
    %swap3A_805 = vector.shape_cast %swap3A_804 : vector<1x64x128xbf16> to vector<64x128xbf16>
    %swap3A_806 = vector.shape_cast %bitcast3A_800 : vector<64x128xbf16> to vector<1x64x128xbf16>
    tpu.vector_store %arg2[%swap3A_801, %swap3A_802, %swap3A_803], %swap3A_806 {strides = array<i32>} : memref<200x64x128xbf16, #tpu.memory_space<vmem>>, vector<1x64x128xbf16>,
    %slice3A_807 = vector.extract_strided_slice %transpose3A_790 {offsets = [64, 0], sizes = [32, 128], strides = [1, 1]} : vector<128x128xi32> to vector<32x128xi32>
    %bitcast3A_808 = tpu.bitcast %slice3A_807 : vector<32x128xi32> -> vector<64x128xbf16>
    %swap3A_809 = arith.constant 90 : index
    %swap3A_810 = arith.constant 0 : index
    %swap3A_811 = arith.constant 0 : index
    %swap3A_812 = vector.load %arg2[%swap3A_809, %swap3A_810, %swap3A_811] : memref<200x64x128xbf16, #tpu.memory_space<vmem>>, vector<1x64x128xbf16>
    %swap3A_813 = vector.shape_cast %swap3A_812 : vector<1x64x128xbf16> to vector<64x128xbf16>
    %swap3A_814 = vector.shape_cast %bitcast3A_808 : vector<64x128xbf16> to vector<1x64x128xbf16>
    tpu.vector_store %arg2[%swap3A_809, %swap3A_810, %swap3A_811], %swap3A_814 {strides = array<i32>} : memref<200x64x128xbf16, #tpu.memory_space<vmem>>, vector<1x64x128xbf16>,
    %slice3A_815 = vector.extract_strided_slice %transpose3A_790 {offsets = [96, 0], sizes = [32, 128], strides = [1, 1]} : vector<128x128xi32> to vector<32x128xi32>
    %bitcast3A_816 = tpu.bitcast %slice3A_815 : vector<32x128xi32> -> vector<64x128xbf16>
    %swap3A_817 = arith.constant 91 : index
    %swap3A_818 = arith.constant 0 : index
    %swap3A_819 = arith.constant 0 : index
    %swap3A_820 = vector.load %arg2[%swap3A_817, %swap3A_818, %swap3A_819] : memref<200x64x128xbf16, #tpu.memory_space<vmem>>, vector<1x64x128xbf16>
    %swap3A_821 = vector.shape_cast %swap3A_820 : vector<1x64x128xbf16> to vector<64x128xbf16>
    %swap3A_822 = vector.shape_cast %bitcast3A_816 : vector<64x128xbf16> to vector<1x64x128xbf16>
    tpu.vector_store %arg2[%swap3A_817, %swap3A_818, %swap3A_819], %swap3A_822 {strides = array<i32>} : memref<200x64x128xbf16, #tpu.memory_space<vmem>>, vector<1x64x128xbf16>,
    %get3A_823 = arith.constant 23 : index
    %get3A_824 = arith.constant 0 : index
    %get3A_825 = tpu.strided_load %arg1[%get3A_823, %get3A_824] {strides = array<i32: 50, 1>} : memref<6400x128xi32, #tpu.memory_space<vmem>>, vector<128x128xi32>
    %transpose3A_826 = tpu.transpose %get3A_825, [1, 0] : vector<128x128xi32> -> vector<128x128xi32>
    %slice3A_827 = vector.extract_strided_slice %transpose3A_826 {offsets = [0, 0], sizes = [32, 128], strides = [1, 1]} : vector<128x128xi32> to vector<32x128xi32>
    %bitcast3A_828 = tpu.bitcast %slice3A_827 : vector<32x128xi32> -> vector<64x128xbf16>
    %swap3A_829 = arith.constant 92 : index
    %swap3A_830 = arith.constant 0 : index
    %swap3A_831 = arith.constant 0 : index
    %swap3A_832 = vector.load %arg2[%swap3A_829, %swap3A_830, %swap3A_831] : memref<200x64x128xbf16, #tpu.memory_space<vmem>>, vector<1x64x128xbf16>
    %swap3A_833 = vector.shape_cast %swap3A_832 : vector<1x64x128xbf16> to vector<64x128xbf16>
    %swap3A_834 = vector.shape_cast %bitcast3A_828 : vector<64x128xbf16> to vector<1x64x128xbf16>
    tpu.vector_store %arg2[%swap3A_829, %swap3A_830, %swap3A_831], %swap3A_834 {strides = array<i32>} : memref<200x64x128xbf16, #tpu.memory_space<vmem>>, vector<1x64x128xbf16>,
    %slice3A_835 = vector.extract_strided_slice %transpose3A_826 {offsets = [32, 0], sizes = [32, 128], strides = [1, 1]} : vector<128x128xi32> to vector<32x128xi32>
    %bitcast3A_836 = tpu.bitcast %slice3A_835 : vector<32x128xi32> -> vector<64x128xbf16>
    %swap3A_837 = arith.constant 93 : index
    %swap3A_838 = arith.constant 0 : index
    %swap3A_839 = arith.constant 0 : index
    %swap3A_840 = vector.load %arg2[%swap3A_837, %swap3A_838, %swap3A_839] : memref<200x64x128xbf16, #tpu.memory_space<vmem>>, vector<1x64x128xbf16>
    %swap3A_841 = vector.shape_cast %swap3A_840 : vector<1x64x128xbf16> to vector<64x128xbf16>
    %swap3A_842 = vector.shape_cast %bitcast3A_836 : vector<64x128xbf16> to vector<1x64x128xbf16>
    tpu.vector_store %arg2[%swap3A_837, %swap3A_838, %swap3A_839], %swap3A_842 {strides = array<i32>} : memref<200x64x128xbf16, #tpu.memory_space<vmem>>, vector<1x64x128xbf16>,
    %slice3A_843 = vector.extract_strided_slice %transpose3A_826 {offsets = [64, 0], sizes = [32, 128], strides = [1, 1]} : vector<128x128xi32> to vector<32x128xi32>
    %bitcast3A_844 = tpu.bitcast %slice3A_843 : vector<32x128xi32> -> vector<64x128xbf16>
    %swap3A_845 = arith.constant 94 : index
    %swap3A_846 = arith.constant 0 : index
    %swap3A_847 = arith.constant 0 : index
    %swap3A_848 = vector.load %arg2[%swap3A_845, %swap3A_846, %swap3A_847] : memref<200x64x128xbf16, #tpu.memory_space<vmem>>, vector<1x64x128xbf16>
    %swap3A_849 = vector.shape_cast %swap3A_848 : vector<1x64x128xbf16> to vector<64x128xbf16>
    %swap3A_850 = vector.shape_cast %bitcast3A_844 : vector<64x128xbf16> to vector<1x64x128xbf16>
    tpu.vector_store %arg2[%swap3A_845, %swap3A_846, %swap3A_847], %swap3A_850 {strides = array<i32>} : memref<200x64x128xbf16, #tpu.memory_space<vmem>>, vector<1x64x128xbf16>,
    %slice3A_851 = vector.extract_strided_slice %transpose3A_826 {offsets = [96, 0], sizes = [32, 128], strides = [1, 1]} : vector<128x128xi32> to vector<32x128xi32>
    %bitcast3A_852 = tpu.bitcast %slice3A_851 : vector<32x128xi32> -> vector<64x128xbf16>
    %swap3A_853 = arith.constant 95 : index
    %swap3A_854 = arith.constant 0 : index
    %swap3A_855 = arith.constant 0 : index
    %swap3A_856 = vector.load %arg2[%swap3A_853, %swap3A_854, %swap3A_855] : memref<200x64x128xbf16, #tpu.memory_space<vmem>>, vector<1x64x128xbf16>
    %swap3A_857 = vector.shape_cast %swap3A_856 : vector<1x64x128xbf16> to vector<64x128xbf16>
    %swap3A_858 = vector.shape_cast %bitcast3A_852 : vector<64x128xbf16> to vector<1x64x128xbf16>
    tpu.vector_store %arg2[%swap3A_853, %swap3A_854, %swap3A_855], %swap3A_858 {strides = array<i32>} : memref<200x64x128xbf16, #tpu.memory_space<vmem>>, vector<1x64x128xbf16>,
    %get3A_859 = arith.constant 24 : index
    %get3A_860 = arith.constant 0 : index
    %get3A_861 = tpu.strided_load %arg1[%get3A_859, %get3A_860] {strides = array<i32: 50, 1>} : memref<6400x128xi32, #tpu.memory_space<vmem>>, vector<128x128xi32>
    %transpose3A_862 = tpu.transpose %get3A_861, [1, 0] : vector<128x128xi32> -> vector<128x128xi32>
    %slice3A_863 = vector.extract_strided_slice %transpose3A_862 {offsets = [0, 0], sizes = [32, 128], strides = [1, 1]} : vector<128x128xi32> to vector<32x128xi32>
    %bitcast3A_864 = tpu.bitcast %slice3A_863 : vector<32x128xi32> -> vector<64x128xbf16>
    %swap3A_865 = arith.constant 96 : index
    %swap3A_866 = arith.constant 0 : index
    %swap3A_867 = arith.constant 0 : index
    %swap3A_868 = vector.load %arg2[%swap3A_865, %swap3A_866, %swap3A_867] : memref<200x64x128xbf16, #tpu.memory_space<vmem>>, vector<1x64x128xbf16>
    %swap3A_869 = vector.shape_cast %swap3A_868 : vector<1x64x128xbf16> to vector<64x128xbf16>
    %swap3A_870 = vector.shape_cast %bitcast3A_864 : vector<64x128xbf16> to vector<1x64x128xbf16>
    tpu.vector_store %arg2[%swap3A_865, %swap3A_866, %swap3A_867], %swap3A_870 {strides = array<i32>} : memref<200x64x128xbf16, #tpu.memory_space<vmem>>, vector<1x64x128xbf16>,
    %slice3A_871 = vector.extract_strided_slice %transpose3A_862 {offsets = [32, 0], sizes = [32, 128], strides = [1, 1]} : vector<128x128xi32> to vector<32x128xi32>
    %bitcast3A_872 = tpu.bitcast %slice3A_871 : vector<32x128xi32> -> vector<64x128xbf16>
    %swap3A_873 = arith.constant 97 : index
    %swap3A_874 = arith.constant 0 : index
    %swap3A_875 = arith.constant 0 : index
    %swap3A_876 = vector.load %arg2[%swap3A_873, %swap3A_874, %swap3A_875] : memref<200x64x128xbf16, #tpu.memory_space<vmem>>, vector<1x64x128xbf16>
    %swap3A_877 = vector.shape_cast %swap3A_876 : vector<1x64x128xbf16> to vector<64x128xbf16>
    %swap3A_878 = vector.shape_cast %bitcast3A_872 : vector<64x128xbf16> to vector<1x64x128xbf16>
    tpu.vector_store %arg2[%swap3A_873, %swap3A_874, %swap3A_875], %swap3A_878 {strides = array<i32>} : memref<200x64x128xbf16, #tpu.memory_space<vmem>>, vector<1x64x128xbf16>,
    %slice3A_879 = vector.extract_strided_slice %transpose3A_862 {offsets = [64, 0], sizes = [32, 128], strides = [1, 1]} : vector<128x128xi32> to vector<32x128xi32>
    %bitcast3A_880 = tpu.bitcast %slice3A_879 : vector<32x128xi32> -> vector<64x128xbf16>
    %swap3A_881 = arith.constant 98 : index
    %swap3A_882 = arith.constant 0 : index
    %swap3A_883 = arith.constant 0 : index
    %swap3A_884 = vector.load %arg2[%swap3A_881, %swap3A_882, %swap3A_883] : memref<200x64x128xbf16, #tpu.memory_space<vmem>>, vector<1x64x128xbf16>
    %swap3A_885 = vector.shape_cast %swap3A_884 : vector<1x64x128xbf16> to vector<64x128xbf16>
    %swap3A_886 = vector.shape_cast %bitcast3A_880 : vector<64x128xbf16> to vector<1x64x128xbf16>
    tpu.vector_store %arg2[%swap3A_881, %swap3A_882, %swap3A_883], %swap3A_886 {strides = array<i32>} : memref<200x64x128xbf16, #tpu.memory_space<vmem>>, vector<1x64x128xbf16>,
    %slice3A_887 = vector.extract_strided_slice %transpose3A_862 {offsets = [96, 0], sizes = [32, 128], strides = [1, 1]} : vector<128x128xi32> to vector<32x128xi32>
    %bitcast3A_888 = tpu.bitcast %slice3A_887 : vector<32x128xi32> -> vector<64x128xbf16>
    %swap3A_889 = arith.constant 99 : index
    %swap3A_890 = arith.constant 0 : index
    %swap3A_891 = arith.constant 0 : index
    %swap3A_892 = vector.load %arg2[%swap3A_889, %swap3A_890, %swap3A_891] : memref<200x64x128xbf16, #tpu.memory_space<vmem>>, vector<1x64x128xbf16>
    %swap3A_893 = vector.shape_cast %swap3A_892 : vector<1x64x128xbf16> to vector<64x128xbf16>
    %swap3A_894 = vector.shape_cast %bitcast3A_888 : vector<64x128xbf16> to vector<1x64x128xbf16>
    tpu.vector_store %arg2[%swap3A_889, %swap3A_890, %swap3A_891], %swap3A_894 {strides = array<i32>} : memref<200x64x128xbf16, #tpu.memory_space<vmem>>, vector<1x64x128xbf16>,
    %get3A_895 = arith.constant 25 : index
    %get3A_896 = arith.constant 0 : index
    %get3A_897 = tpu.strided_load %arg1[%get3A_895, %get3A_896] {strides = array<i32: 50, 1>} : memref<6400x128xi32, #tpu.memory_space<vmem>>, vector<128x128xi32>
    %transpose3A_898 = tpu.transpose %get3A_897, [1, 0] : vector<128x128xi32> -> vector<128x128xi32>
    %slice3A_899 = vector.extract_strided_slice %transpose3A_898 {offsets = [0, 0], sizes = [32, 128], strides = [1, 1]} : vector<128x128xi32> to vector<32x128xi32>
    %bitcast3A_900 = tpu.bitcast %slice3A_899 : vector<32x128xi32> -> vector<64x128xbf16>
    %swap3A_901 = arith.constant 100 : index
    %swap3A_902 = arith.constant 0 : index
    %swap3A_903 = arith.constant 0 : index
    %swap3A_904 = vector.load %arg2[%swap3A_901, %swap3A_902, %swap3A_903] : memref<200x64x128xbf16, #tpu.memory_space<vmem>>, vector<1x64x128xbf16>
    %swap3A_905 = vector.shape_cast %swap3A_904 : vector<1x64x128xbf16> to vector<64x128xbf16>
    %swap3A_906 = vector.shape_cast %bitcast3A_900 : vector<64x128xbf16> to vector<1x64x128xbf16>
    tpu.vector_store %arg2[%swap3A_901, %swap3A_902, %swap3A_903], %swap3A_906 {strides = array<i32>} : memref<200x64x128xbf16, #tpu.memory_space<vmem>>, vector<1x64x128xbf16>,
    %slice3A_907 = vector.extract_strided_slice %transpose3A_898 {offsets = [32, 0], sizes = [32, 128], strides = [1, 1]} : vector<128x128xi32> to vector<32x128xi32>
    %bitcast3A_908 = tpu.bitcast %slice3A_907 : vector<32x128xi32> -> vector<64x128xbf16>
    %swap3A_909 = arith.constant 101 : index
    %swap3A_910 = arith.constant 0 : index
    %swap3A_911 = arith.constant 0 : index
    %swap3A_912 = vector.load %arg2[%swap3A_909, %swap3A_910, %swap3A_911] : memref<200x64x128xbf16, #tpu.memory_space<vmem>>, vector<1x64x128xbf16>
    %swap3A_913 = vector.shape_cast %swap3A_912 : vector<1x64x128xbf16> to vector<64x128xbf16>
    %swap3A_914 = vector.shape_cast %bitcast3A_908 : vector<64x128xbf16> to vector<1x64x128xbf16>
    tpu.vector_store %arg2[%swap3A_909, %swap3A_910, %swap3A_911], %swap3A_914 {strides = array<i32>} : memref<200x64x128xbf16, #tpu.memory_space<vmem>>, vector<1x64x128xbf16>,
    %slice3A_915 = vector.extract_strided_slice %transpose3A_898 {offsets = [64, 0], sizes = [32, 128], strides = [1, 1]} : vector<128x128xi32> to vector<32x128xi32>
    %bitcast3A_916 = tpu.bitcast %slice3A_915 : vector<32x128xi32> -> vector<64x128xbf16>
    %swap3A_917 = arith.constant 102 : index
    %swap3A_918 = arith.constant 0 : index
    %swap3A_919 = arith.constant 0 : index
    %swap3A_920 = vector.load %arg2[%swap3A_917, %swap3A_918, %swap3A_919] : memref<200x64x128xbf16, #tpu.memory_space<vmem>>, vector<1x64x128xbf16>
    %swap3A_921 = vector.shape_cast %swap3A_920 : vector<1x64x128xbf16> to vector<64x128xbf16>
    %swap3A_922 = vector.shape_cast %bitcast3A_916 : vector<64x128xbf16> to vector<1x64x128xbf16>
    tpu.vector_store %arg2[%swap3A_917, %swap3A_918, %swap3A_919], %swap3A_922 {strides = array<i32>} : memref<200x64x128xbf16, #tpu.memory_space<vmem>>, vector<1x64x128xbf16>,
    %slice3A_923 = vector.extract_strided_slice %transpose3A_898 {offsets = [96, 0], sizes = [32, 128], strides = [1, 1]} : vector<128x128xi32> to vector<32x128xi32>
    %bitcast3A_924 = tpu.bitcast %slice3A_923 : vector<32x128xi32> -> vector<64x128xbf16>
    %swap3A_925 = arith.constant 103 : index
    %swap3A_926 = arith.constant 0 : index
    %swap3A_927 = arith.constant 0 : index
    %swap3A_928 = vector.load %arg2[%swap3A_925, %swap3A_926, %swap3A_927] : memref<200x64x128xbf16, #tpu.memory_space<vmem>>, vector<1x64x128xbf16>
    %swap3A_929 = vector.shape_cast %swap3A_928 : vector<1x64x128xbf16> to vector<64x128xbf16>
    %swap3A_930 = vector.shape_cast %bitcast3A_924 : vector<64x128xbf16> to vector<1x64x128xbf16>
    tpu.vector_store %arg2[%swap3A_925, %swap3A_926, %swap3A_927], %swap3A_930 {strides = array<i32>} : memref<200x64x128xbf16, #tpu.memory_space<vmem>>, vector<1x64x128xbf16>,
    %get3A_931 = arith.constant 26 : index
    %get3A_932 = arith.constant 0 : index
    %get3A_933 = tpu.strided_load %arg1[%get3A_931, %get3A_932] {strides = array<i32: 50, 1>} : memref<6400x128xi32, #tpu.memory_space<vmem>>, vector<128x128xi32>
    %transpose3A_934 = tpu.transpose %get3A_933, [1, 0] : vector<128x128xi32> -> vector<128x128xi32>
    %slice3A_935 = vector.extract_strided_slice %transpose3A_934 {offsets = [0, 0], sizes = [32, 128], strides = [1, 1]} : vector<128x128xi32> to vector<32x128xi32>
    %bitcast3A_936 = tpu.bitcast %slice3A_935 : vector<32x128xi32> -> vector<64x128xbf16>
    %swap3A_937 = arith.constant 104 : index
    %swap3A_938 = arith.constant 0 : index
    %swap3A_939 = arith.constant 0 : index
    %swap3A_940 = vector.load %arg2[%swap3A_937, %swap3A_938, %swap3A_939] : memref<200x64x128xbf16, #tpu.memory_space<vmem>>, vector<1x64x128xbf16>
    %swap3A_941 = vector.shape_cast %swap3A_940 : vector<1x64x128xbf16> to vector<64x128xbf16>
    %swap3A_942 = vector.shape_cast %bitcast3A_936 : vector<64x128xbf16> to vector<1x64x128xbf16>
    tpu.vector_store %arg2[%swap3A_937, %swap3A_938, %swap3A_939], %swap3A_942 {strides = array<i32>} : memref<200x64x128xbf16, #tpu.memory_space<vmem>>, vector<1x64x128xbf16>,
    %slice3A_943 = vector.extract_strided_slice %transpose3A_934 {offsets = [32, 0], sizes = [32, 128], strides = [1, 1]} : vector<128x128xi32> to vector<32x128xi32>
    %bitcast3A_944 = tpu.bitcast %slice3A_943 : vector<32x128xi32> -> vector<64x128xbf16>
    %swap3A_945 = arith.constant 105 : index
    %swap3A_946 = arith.constant 0 : index
    %swap3A_947 = arith.constant 0 : index
    %swap3A_948 = vector.load %arg2[%swap3A_945, %swap3A_946, %swap3A_947] : memref<200x64x128xbf16, #tpu.memory_space<vmem>>, vector<1x64x128xbf16>
    %swap3A_949 = vector.shape_cast %swap3A_948 : vector<1x64x128xbf16> to vector<64x128xbf16>
    %swap3A_950 = vector.shape_cast %bitcast3A_944 : vector<64x128xbf16> to vector<1x64x128xbf16>
    tpu.vector_store %arg2[%swap3A_945, %swap3A_946, %swap3A_947], %swap3A_950 {strides = array<i32>} : memref<200x64x128xbf16, #tpu.memory_space<vmem>>, vector<1x64x128xbf16>,
    %slice3A_951 = vector.extract_strided_slice %transpose3A_934 {offsets = [64, 0], sizes = [32, 128], strides = [1, 1]} : vector<128x128xi32> to vector<32x128xi32>
    %bitcast3A_952 = tpu.bitcast %slice3A_951 : vector<32x128xi32> -> vector<64x128xbf16>
    %swap3A_953 = arith.constant 106 : index
    %swap3A_954 = arith.constant 0 : index
    %swap3A_955 = arith.constant 0 : index
    %swap3A_956 = vector.load %arg2[%swap3A_953, %swap3A_954, %swap3A_955] : memref<200x64x128xbf16, #tpu.memory_space<vmem>>, vector<1x64x128xbf16>
    %swap3A_957 = vector.shape_cast %swap3A_956 : vector<1x64x128xbf16> to vector<64x128xbf16>
    %swap3A_958 = vector.shape_cast %bitcast3A_952 : vector<64x128xbf16> to vector<1x64x128xbf16>
    tpu.vector_store %arg2[%swap3A_953, %swap3A_954, %swap3A_955], %swap3A_958 {strides = array<i32>} : memref<200x64x128xbf16, #tpu.memory_space<vmem>>, vector<1x64x128xbf16>,
    %slice3A_959 = vector.extract_strided_slice %transpose3A_934 {offsets = [96, 0], sizes = [32, 128], strides = [1, 1]} : vector<128x128xi32> to vector<32x128xi32>
    %bitcast3A_960 = tpu.bitcast %slice3A_959 : vector<32x128xi32> -> vector<64x128xbf16>
    %swap3A_961 = arith.constant 107 : index
    %swap3A_962 = arith.constant 0 : index
    %swap3A_963 = arith.constant 0 : index
    %swap3A_964 = vector.load %arg2[%swap3A_961, %swap3A_962, %swap3A_963] : memref<200x64x128xbf16, #tpu.memory_space<vmem>>, vector<1x64x128xbf16>
    %swap3A_965 = vector.shape_cast %swap3A_964 : vector<1x64x128xbf16> to vector<64x128xbf16>
    %swap3A_966 = vector.shape_cast %bitcast3A_960 : vector<64x128xbf16> to vector<1x64x128xbf16>
    tpu.vector_store %arg2[%swap3A_961, %swap3A_962, %swap3A_963], %swap3A_966 {strides = array<i32>} : memref<200x64x128xbf16, #tpu.memory_space<vmem>>, vector<1x64x128xbf16>,
    %get3A_967 = arith.constant 27 : index
    %get3A_968 = arith.constant 0 : index
    %get3A_969 = tpu.strided_load %arg1[%get3A_967, %get3A_968] {strides = array<i32: 50, 1>} : memref<6400x128xi32, #tpu.memory_space<vmem>>, vector<128x128xi32>
    %transpose3A_970 = tpu.transpose %get3A_969, [1, 0] : vector<128x128xi32> -> vector<128x128xi32>
    %slice3A_971 = vector.extract_strided_slice %transpose3A_970 {offsets = [0, 0], sizes = [32, 128], strides = [1, 1]} : vector<128x128xi32> to vector<32x128xi32>
    %bitcast3A_972 = tpu.bitcast %slice3A_971 : vector<32x128xi32> -> vector<64x128xbf16>
    %swap3A_973 = arith.constant 108 : index
    %swap3A_974 = arith.constant 0 : index
    %swap3A_975 = arith.constant 0 : index
    %swap3A_976 = vector.load %arg2[%swap3A_973, %swap3A_974, %swap3A_975] : memref<200x64x128xbf16, #tpu.memory_space<vmem>>, vector<1x64x128xbf16>
    %swap3A_977 = vector.shape_cast %swap3A_976 : vector<1x64x128xbf16> to vector<64x128xbf16>
    %swap3A_978 = vector.shape_cast %bitcast3A_972 : vector<64x128xbf16> to vector<1x64x128xbf16>
    tpu.vector_store %arg2[%swap3A_973, %swap3A_974, %swap3A_975], %swap3A_978 {strides = array<i32>} : memref<200x64x128xbf16, #tpu.memory_space<vmem>>, vector<1x64x128xbf16>,
    %slice3A_979 = vector.extract_strided_slice %transpose3A_970 {offsets = [32, 0], sizes = [32, 128], strides = [1, 1]} : vector<128x128xi32> to vector<32x128xi32>
    %bitcast3A_980 = tpu.bitcast %slice3A_979 : vector<32x128xi32> -> vector<64x128xbf16>
    %swap3A_981 = arith.constant 109 : index
    %swap3A_982 = arith.constant 0 : index
    %swap3A_983 = arith.constant 0 : index
    %swap3A_984 = vector.load %arg2[%swap3A_981, %swap3A_982, %swap3A_983] : memref<200x64x128xbf16, #tpu.memory_space<vmem>>, vector<1x64x128xbf16>
    %swap3A_985 = vector.shape_cast %swap3A_984 : vector<1x64x128xbf16> to vector<64x128xbf16>
    %swap3A_986 = vector.shape_cast %bitcast3A_980 : vector<64x128xbf16> to vector<1x64x128xbf16>
    tpu.vector_store %arg2[%swap3A_981, %swap3A_982, %swap3A_983], %swap3A_986 {strides = array<i32>} : memref<200x64x128xbf16, #tpu.memory_space<vmem>>, vector<1x64x128xbf16>,
    %slice3A_987 = vector.extract_strided_slice %transpose3A_970 {offsets = [64, 0], sizes = [32, 128], strides = [1, 1]} : vector<128x128xi32> to vector<32x128xi32>
    %bitcast3A_988 = tpu.bitcast %slice3A_987 : vector<32x128xi32> -> vector<64x128xbf16>
    %swap3A_989 = arith.constant 110 : index
    %swap3A_990 = arith.constant 0 : index
    %swap3A_991 = arith.constant 0 : index
    %swap3A_992 = vector.load %arg2[%swap3A_989, %swap3A_990, %swap3A_991] : memref<200x64x128xbf16, #tpu.memory_space<vmem>>, vector<1x64x128xbf16>
    %swap3A_993 = vector.shape_cast %swap3A_992 : vector<1x64x128xbf16> to vector<64x128xbf16>
    %swap3A_994 = vector.shape_cast %bitcast3A_988 : vector<64x128xbf16> to vector<1x64x128xbf16>
    tpu.vector_store %arg2[%swap3A_989, %swap3A_990, %swap3A_991], %swap3A_994 {strides = array<i32>} : memref<200x64x128xbf16, #tpu.memory_space<vmem>>, vector<1x64x128xbf16>,
    %slice3A_995 = vector.extract_strided_slice %transpose3A_970 {offsets = [96, 0], sizes = [32, 128], strides = [1, 1]} : vector<128x128xi32> to vector<32x128xi32>
    %bitcast3A_996 = tpu.bitcast %slice3A_995 : vector<32x128xi32> -> vector<64x128xbf16>
    %swap3A_997 = arith.constant 111 : index
    %swap3A_998 = arith.constant 0 : index
    %swap3A_999 = arith.constant 0 : index
    %swap3A_1000 = vector.load %arg2[%swap3A_997, %swap3A_998, %swap3A_999] : memref<200x64x128xbf16, #tpu.memory_space<vmem>>, vector<1x64x128xbf16>
    %swap3A_1001 = vector.shape_cast %swap3A_1000 : vector<1x64x128xbf16> to vector<64x128xbf16>
    %swap3A_1002 = vector.shape_cast %bitcast3A_996 : vector<64x128xbf16> to vector<1x64x128xbf16>
    tpu.vector_store %arg2[%swap3A_997, %swap3A_998, %swap3A_999], %swap3A_1002 {strides = array<i32>} : memref<200x64x128xbf16, #tpu.memory_space<vmem>>, vector<1x64x128xbf16>,
    %get3A_1003 = arith.constant 28 : index
    %get3A_1004 = arith.constant 0 : index
    %get3A_1005 = tpu.strided_load %arg1[%get3A_1003, %get3A_1004] {strides = array<i32: 50, 1>} : memref<6400x128xi32, #tpu.memory_space<vmem>>, vector<128x128xi32>
    %transpose3A_1006 = tpu.transpose %get3A_1005, [1, 0] : vector<128x128xi32> -> vector<128x128xi32>
    %slice3A_1007 = vector.extract_strided_slice %transpose3A_1006 {offsets = [0, 0], sizes = [32, 128], strides = [1, 1]} : vector<128x128xi32> to vector<32x128xi32>
    %bitcast3A_1008 = tpu.bitcast %slice3A_1007 : vector<32x128xi32> -> vector<64x128xbf16>
    %swap3A_1009 = arith.constant 112 : index
    %swap3A_1010 = arith.constant 0 : index
    %swap3A_1011 = arith.constant 0 : index
    %swap3A_1012 = vector.load %arg2[%swap3A_1009, %swap3A_1010, %swap3A_1011] : memref<200x64x128xbf16, #tpu.memory_space<vmem>>, vector<1x64x128xbf16>
    %swap3A_1013 = vector.shape_cast %swap3A_1012 : vector<1x64x128xbf16> to vector<64x128xbf16>
    %swap3A_1014 = vector.shape_cast %bitcast3A_1008 : vector<64x128xbf16> to vector<1x64x128xbf16>
    tpu.vector_store %arg2[%swap3A_1009, %swap3A_1010, %swap3A_1011], %swap3A_1014 {strides = array<i32>} : memref<200x64x128xbf16, #tpu.memory_space<vmem>>, vector<1x64x128xbf16>,
    %slice3A_1015 = vector.extract_strided_slice %transpose3A_1006 {offsets = [32, 0], sizes = [32, 128], strides = [1, 1]} : vector<128x128xi32> to vector<32x128xi32>
    %bitcast3A_1016 = tpu.bitcast %slice3A_1015 : vector<32x128xi32> -> vector<64x128xbf16>
    %swap3A_1017 = arith.constant 113 : index
    %swap3A_1018 = arith.constant 0 : index
    %swap3A_1019 = arith.constant 0 : index
    %swap3A_1020 = vector.load %arg2[%swap3A_1017, %swap3A_1018, %swap3A_1019] : memref<200x64x128xbf16, #tpu.memory_space<vmem>>, vector<1x64x128xbf16>
    %swap3A_1021 = vector.shape_cast %swap3A_1020 : vector<1x64x128xbf16> to vector<64x128xbf16>
    %swap3A_1022 = vector.shape_cast %bitcast3A_1016 : vector<64x128xbf16> to vector<1x64x128xbf16>
    tpu.vector_store %arg2[%swap3A_1017, %swap3A_1018, %swap3A_1019], %swap3A_1022 {strides = array<i32>} : memref<200x64x128xbf16, #tpu.memory_space<vmem>>, vector<1x64x128xbf16>,
    %slice3A_1023 = vector.extract_strided_slice %transpose3A_1006 {offsets = [64, 0], sizes = [32, 128], strides = [1, 1]} : vector<128x128xi32> to vector<32x128xi32>
    %bitcast3A_1024 = tpu.bitcast %slice3A_1023 : vector<32x128xi32> -> vector<64x128xbf16>
    %swap3A_1025 = arith.constant 114 : index
    %swap3A_1026 = arith.constant 0 : index
    %swap3A_1027 = arith.constant 0 : index
    %swap3A_1028 = vector.load %arg2[%swap3A_1025, %swap3A_1026, %swap3A_1027] : memref<200x64x128xbf16, #tpu.memory_space<vmem>>, vector<1x64x128xbf16>
    %swap3A_1029 = vector.shape_cast %swap3A_1028 : vector<1x64x128xbf16> to vector<64x128xbf16>
    %swap3A_1030 = vector.shape_cast %bitcast3A_1024 : vector<64x128xbf16> to vector<1x64x128xbf16>
    tpu.vector_store %arg2[%swap3A_1025, %swap3A_1026, %swap3A_1027], %swap3A_1030 {strides = array<i32>} : memref<200x64x128xbf16, #tpu.memory_space<vmem>>, vector<1x64x128xbf16>,
    %slice3A_1031 = vector.extract_strided_slice %transpose3A_1006 {offsets = [96, 0], sizes = [32, 128], strides = [1, 1]} : vector<128x128xi32> to vector<32x128xi32>
    %bitcast3A_1032 = tpu.bitcast %slice3A_1031 : vector<32x128xi32> -> vector<64x128xbf16>
    %swap3A_1033 = arith.constant 115 : index
    %swap3A_1034 = arith.constant 0 : index
    %swap3A_1035 = arith.constant 0 : index
    %swap3A_1036 = vector.load %arg2[%swap3A_1033, %swap3A_1034, %swap3A_1035] : memref<200x64x128xbf16, #tpu.memory_space<vmem>>, vector<1x64x128xbf16>
    %swap3A_1037 = vector.shape_cast %swap3A_1036 : vector<1x64x128xbf16> to vector<64x128xbf16>
    %swap3A_1038 = vector.shape_cast %bitcast3A_1032 : vector<64x128xbf16> to vector<1x64x128xbf16>
    tpu.vector_store %arg2[%swap3A_1033, %swap3A_1034, %swap3A_1035], %swap3A_1038 {strides = array<i32>} : memref<200x64x128xbf16, #tpu.memory_space<vmem>>, vector<1x64x128xbf16>,
    %get3A_1039 = arith.constant 29 : index
    %get3A_1040 = arith.constant 0 : index
    %get3A_1041 = tpu.strided_load %arg1[%get3A_1039, %get3A_1040] {strides = array<i32: 50, 1>} : memref<6400x128xi32, #tpu.memory_space<vmem>>, vector<128x128xi32>
    %transpose3A_1042 = tpu.transpose %get3A_1041, [1, 0] : vector<128x128xi32> -> vector<128x128xi32>
    %slice3A_1043 = vector.extract_strided_slice %transpose3A_1042 {offsets = [0, 0], sizes = [32, 128], strides = [1, 1]} : vector<128x128xi32> to vector<32x128xi32>
    %bitcast3A_1044 = tpu.bitcast %slice3A_1043 : vector<32x128xi32> -> vector<64x128xbf16>
    %swap3A_1045 = arith.constant 116 : index
    %swap3A_1046 = arith.constant 0 : index
    %swap3A_1047 = arith.constant 0 : index
    %swap3A_1048 = vector.load %arg2[%swap3A_1045, %swap3A_1046, %swap3A_1047] : memref<200x64x128xbf16, #tpu.memory_space<vmem>>, vector<1x64x128xbf16>
    %swap3A_1049 = vector.shape_cast %swap3A_1048 : vector<1x64x128xbf16> to vector<64x128xbf16>
    %swap3A_1050 = vector.shape_cast %bitcast3A_1044 : vector<64x128xbf16> to vector<1x64x128xbf16>
    tpu.vector_store %arg2[%swap3A_1045, %swap3A_1046, %swap3A_1047], %swap3A_1050 {strides = array<i32>} : memref<200x64x128xbf16, #tpu.memory_space<vmem>>, vector<1x64x128xbf16>,
    %slice3A_1051 = vector.extract_strided_slice %transpose3A_1042 {offsets = [32, 0], sizes = [32, 128], strides = [1, 1]} : vector<128x128xi32> to vector<32x128xi32>
    %bitcast3A_1052 = tpu.bitcast %slice3A_1051 : vector<32x128xi32> -> vector<64x128xbf16>
    %swap3A_1053 = arith.constant 117 : index
    %swap3A_1054 = arith.constant 0 : index
    %swap3A_1055 = arith.constant 0 : index
    %swap3A_1056 = vector.load %arg2[%swap3A_1053, %swap3A_1054, %swap3A_1055] : memref<200x64x128xbf16, #tpu.memory_space<vmem>>, vector<1x64x128xbf16>
    %swap3A_1057 = vector.shape_cast %swap3A_1056 : vector<1x64x128xbf16> to vector<64x128xbf16>
    %swap3A_1058 = vector.shape_cast %bitcast3A_1052 : vector<64x128xbf16> to vector<1x64x128xbf16>
    tpu.vector_store %arg2[%swap3A_1053, %swap3A_1054, %swap3A_1055], %swap3A_1058 {strides = array<i32>} : memref<200x64x128xbf16, #tpu.memory_space<vmem>>, vector<1x64x128xbf16>,
    %slice3A_1059 = vector.extract_strided_slice %transpose3A_1042 {offsets = [64, 0], sizes = [32, 128], strides = [1, 1]} : vector<128x128xi32> to vector<32x128xi32>
    %bitcast3A_1060 = tpu.bitcast %slice3A_1059 : vector<32x128xi32> -> vector<64x128xbf16>
    %swap3A_1061 = arith.constant 118 : index
    %swap3A_1062 = arith.constant 0 : index
    %swap3A_1063 = arith.constant 0 : index
    %swap3A_1064 = vector.load %arg2[%swap3A_1061, %swap3A_1062, %swap3A_1063] : memref<200x64x128xbf16, #tpu.memory_space<vmem>>, vector<1x64x128xbf16>
    %swap3A_1065 = vector.shape_cast %swap3A_1064 : vector<1x64x128xbf16> to vector<64x128xbf16>
    %swap3A_1066 = vector.shape_cast %bitcast3A_1060 : vector<64x128xbf16> to vector<1x64x128xbf16>
    tpu.vector_store %arg2[%swap3A_1061, %swap3A_1062, %swap3A_1063], %swap3A_1066 {strides = array<i32>} : memref<200x64x128xbf16, #tpu.memory_space<vmem>>, vector<1x64x128xbf16>,
    %slice3A_1067 = vector.extract_strided_slice %transpose3A_1042 {offsets = [96, 0], sizes = [32, 128], strides = [1, 1]} : vector<128x128xi32> to vector<32x128xi32>
    %bitcast3A_1068 = tpu.bitcast %slice3A_1067 : vector<32x128xi32> -> vector<64x128xbf16>
    %swap3A_1069 = arith.constant 119 : index
    %swap3A_1070 = arith.constant 0 : index
    %swap3A_1071 = arith.constant 0 : index
    %swap3A_1072 = vector.load %arg2[%swap3A_1069, %swap3A_1070, %swap3A_1071] : memref<200x64x128xbf16, #tpu.memory_space<vmem>>, vector<1x64x128xbf16>
    %swap3A_1073 = vector.shape_cast %swap3A_1072 : vector<1x64x128xbf16> to vector<64x128xbf16>
    %swap3A_1074 = vector.shape_cast %bitcast3A_1068 : vector<64x128xbf16> to vector<1x64x128xbf16>
    tpu.vector_store %arg2[%swap3A_1069, %swap3A_1070, %swap3A_1071], %swap3A_1074 {strides = array<i32>} : memref<200x64x128xbf16, #tpu.memory_space<vmem>>, vector<1x64x128xbf16>,
    %get3A_1075 = arith.constant 30 : index
    %get3A_1076 = arith.constant 0 : index
    %get3A_1077 = tpu.strided_load %arg1[%get3A_1075, %get3A_1076] {strides = array<i32: 50, 1>} : memref<6400x128xi32, #tpu.memory_space<vmem>>, vector<128x128xi32>
    %transpose3A_1078 = tpu.transpose %get3A_1077, [1, 0] : vector<128x128xi32> -> vector<128x128xi32>
    %slice3A_1079 = vector.extract_strided_slice %transpose3A_1078 {offsets = [0, 0], sizes = [32, 128], strides = [1, 1]} : vector<128x128xi32> to vector<32x128xi32>
    %bitcast3A_1080 = tpu.bitcast %slice3A_1079 : vector<32x128xi32> -> vector<64x128xbf16>
    %swap3A_1081 = arith.constant 120 : index
    %swap3A_1082 = arith.constant 0 : index
    %swap3A_1083 = arith.constant 0 : index
    %swap3A_1084 = vector.load %arg2[%swap3A_1081, %swap3A_1082, %swap3A_1083] : memref<200x64x128xbf16, #tpu.memory_space<vmem>>, vector<1x64x128xbf16>
    %swap3A_1085 = vector.shape_cast %swap3A_1084 : vector<1x64x128xbf16> to vector<64x128xbf16>
    %swap3A_1086 = vector.shape_cast %bitcast3A_1080 : vector<64x128xbf16> to vector<1x64x128xbf16>
    tpu.vector_store %arg2[%swap3A_1081, %swap3A_1082, %swap3A_1083], %swap3A_1086 {strides = array<i32>} : memref<200x64x128xbf16, #tpu.memory_space<vmem>>, vector<1x64x128xbf16>,
    %slice3A_1087 = vector.extract_strided_slice %transpose3A_1078 {offsets = [32, 0], sizes = [32, 128], strides = [1, 1]} : vector<128x128xi32> to vector<32x128xi32>
    %bitcast3A_1088 = tpu.bitcast %slice3A_1087 : vector<32x128xi32> -> vector<64x128xbf16>
    %swap3A_1089 = arith.constant 121 : index
    %swap3A_1090 = arith.constant 0 : index
    %swap3A_1091 = arith.constant 0 : index
    %swap3A_1092 = vector.load %arg2[%swap3A_1089, %swap3A_1090, %swap3A_1091] : memref<200x64x128xbf16, #tpu.memory_space<vmem>>, vector<1x64x128xbf16>
    %swap3A_1093 = vector.shape_cast %swap3A_1092 : vector<1x64x128xbf16> to vector<64x128xbf16>
    %swap3A_1094 = vector.shape_cast %bitcast3A_1088 : vector<64x128xbf16> to vector<1x64x128xbf16>
    tpu.vector_store %arg2[%swap3A_1089, %swap3A_1090, %swap3A_1091], %swap3A_1094 {strides = array<i32>} : memref<200x64x128xbf16, #tpu.memory_space<vmem>>, vector<1x64x128xbf16>,
    %slice3A_1095 = vector.extract_strided_slice %transpose3A_1078 {offsets = [64, 0], sizes = [32, 128], strides = [1, 1]} : vector<128x128xi32> to vector<32x128xi32>
    %bitcast3A_1096 = tpu.bitcast %slice3A_1095 : vector<32x128xi32> -> vector<64x128xbf16>
    %swap3A_1097 = arith.constant 122 : index
    %swap3A_1098 = arith.constant 0 : index
    %swap3A_1099 = arith.constant 0 : index
    %swap3A_1100 = vector.load %arg2[%swap3A_1097, %swap3A_1098, %swap3A_1099] : memref<200x64x128xbf16, #tpu.memory_space<vmem>>, vector<1x64x128xbf16>
    %swap3A_1101 = vector.shape_cast %swap3A_1100 : vector<1x64x128xbf16> to vector<64x128xbf16>
    %swap3A_1102 = vector.shape_cast %bitcast3A_1096 : vector<64x128xbf16> to vector<1x64x128xbf16>
    tpu.vector_store %arg2[%swap3A_1097, %swap3A_1098, %swap3A_1099], %swap3A_1102 {strides = array<i32>} : memref<200x64x128xbf16, #tpu.memory_space<vmem>>, vector<1x64x128xbf16>,
    %slice3A_1103 = vector.extract_strided_slice %transpose3A_1078 {offsets = [96, 0], sizes = [32, 128], strides = [1, 1]} : vector<128x128xi32> to vector<32x128xi32>
    %bitcast3A_1104 = tpu.bitcast %slice3A_1103 : vector<32x128xi32> -> vector<64x128xbf16>
    %swap3A_1105 = arith.constant 123 : index
    %swap3A_1106 = arith.constant 0 : index
    %swap3A_1107 = arith.constant 0 : index
    %swap3A_1108 = vector.load %arg2[%swap3A_1105, %swap3A_1106, %swap3A_1107] : memref<200x64x128xbf16, #tpu.memory_space<vmem>>, vector<1x64x128xbf16>
    %swap3A_1109 = vector.shape_cast %swap3A_1108 : vector<1x64x128xbf16> to vector<64x128xbf16>
    %swap3A_1110 = vector.shape_cast %bitcast3A_1104 : vector<64x128xbf16> to vector<1x64x128xbf16>
    tpu.vector_store %arg2[%swap3A_1105, %swap3A_1106, %swap3A_1107], %swap3A_1110 {strides = array<i32>} : memref<200x64x128xbf16, #tpu.memory_space<vmem>>, vector<1x64x128xbf16>,
    %get3A_1111 = arith.constant 31 : index
    %get3A_1112 = arith.constant 0 : index
    %get3A_1113 = tpu.strided_load %arg1[%get3A_1111, %get3A_1112] {strides = array<i32: 50, 1>} : memref<6400x128xi32, #tpu.memory_space<vmem>>, vector<128x128xi32>
    %transpose3A_1114 = tpu.transpose %get3A_1113, [1, 0] : vector<128x128xi32> -> vector<128x128xi32>
    %slice3A_1115 = vector.extract_strided_slice %transpose3A_1114 {offsets = [0, 0], sizes = [32, 128], strides = [1, 1]} : vector<128x128xi32> to vector<32x128xi32>
    %bitcast3A_1116 = tpu.bitcast %slice3A_1115 : vector<32x128xi32> -> vector<64x128xbf16>
    %swap3A_1117 = arith.constant 124 : index
    %swap3A_1118 = arith.constant 0 : index
    %swap3A_1119 = arith.constant 0 : index
    %swap3A_1120 = vector.load %arg2[%swap3A_1117, %swap3A_1118, %swap3A_1119] : memref<200x64x128xbf16, #tpu.memory_space<vmem>>, vector<1x64x128xbf16>
    %swap3A_1121 = vector.shape_cast %swap3A_1120 : vector<1x64x128xbf16> to vector<64x128xbf16>
    %swap3A_1122 = vector.shape_cast %bitcast3A_1116 : vector<64x128xbf16> to vector<1x64x128xbf16>
    tpu.vector_store %arg2[%swap3A_1117, %swap3A_1118, %swap3A_1119], %swap3A_1122 {strides = array<i32>} : memref<200x64x128xbf16, #tpu.memory_space<vmem>>, vector<1x64x128xbf16>,
    %slice3A_1123 = vector.extract_strided_slice %transpose3A_1114 {offsets = [32, 0], sizes = [32, 128], strides = [1, 1]} : vector<128x128xi32> to vector<32x128xi32>
    %bitcast3A_1124 = tpu.bitcast %slice3A_1123 : vector<32x128xi32> -> vector<64x128xbf16>
    %swap3A_1125 = arith.constant 125 : index
    %swap3A_1126 = arith.constant 0 : index
    %swap3A_1127 = arith.constant 0 : index
    %swap3A_1128 = vector.load %arg2[%swap3A_1125, %swap3A_1126, %swap3A_1127] : memref<200x64x128xbf16, #tpu.memory_space<vmem>>, vector<1x64x128xbf16>
    %swap3A_1129 = vector.shape_cast %swap3A_1128 : vector<1x64x128xbf16> to vector<64x128xbf16>
    %swap3A_1130 = vector.shape_cast %bitcast3A_1124 : vector<64x128xbf16> to vector<1x64x128xbf16>
    tpu.vector_store %arg2[%swap3A_1125, %swap3A_1126, %swap3A_1127], %swap3A_1130 {strides = array<i32>} : memref<200x64x128xbf16, #tpu.memory_space<vmem>>, vector<1x64x128xbf16>,
    %slice3A_1131 = vector.extract_strided_slice %transpose3A_1114 {offsets = [64, 0], sizes = [32, 128], strides = [1, 1]} : vector<128x128xi32> to vector<32x128xi32>
    %bitcast3A_1132 = tpu.bitcast %slice3A_1131 : vector<32x128xi32> -> vector<64x128xbf16>
    %swap3A_1133 = arith.constant 126 : index
    %swap3A_1134 = arith.constant 0 : index
    %swap3A_1135 = arith.constant 0 : index
    %swap3A_1136 = vector.load %arg2[%swap3A_1133, %swap3A_1134, %swap3A_1135] : memref<200x64x128xbf16, #tpu.memory_space<vmem>>, vector<1x64x128xbf16>
    %swap3A_1137 = vector.shape_cast %swap3A_1136 : vector<1x64x128xbf16> to vector<64x128xbf16>
    %swap3A_1138 = vector.shape_cast %bitcast3A_1132 : vector<64x128xbf16> to vector<1x64x128xbf16>
    tpu.vector_store %arg2[%swap3A_1133, %swap3A_1134, %swap3A_1135], %swap3A_1138 {strides = array<i32>} : memref<200x64x128xbf16, #tpu.memory_space<vmem>>, vector<1x64x128xbf16>,
    %slice3A_1139 = vector.extract_strided_slice %transpose3A_1114 {offsets = [96, 0], sizes = [32, 128], strides = [1, 1]} : vector<128x128xi32> to vector<32x128xi32>
    %bitcast3A_1140 = tpu.bitcast %slice3A_1139 : vector<32x128xi32> -> vector<64x128xbf16>
    %swap3A_1141 = arith.constant 127 : index
    %swap3A_1142 = arith.constant 0 : index
    %swap3A_1143 = arith.constant 0 : index
    %swap3A_1144 = vector.load %arg2[%swap3A_1141, %swap3A_1142, %swap3A_1143] : memref<200x64x128xbf16, #tpu.memory_space<vmem>>, vector<1x64x128xbf16>
    %swap3A_1145 = vector.shape_cast %swap3A_1144 : vector<1x64x128xbf16> to vector<64x128xbf16>
    %swap3A_1146 = vector.shape_cast %bitcast3A_1140 : vector<64x128xbf16> to vector<1x64x128xbf16>
    tpu.vector_store %arg2[%swap3A_1141, %swap3A_1142, %swap3A_1143], %swap3A_1146 {strides = array<i32>} : memref<200x64x128xbf16, #tpu.memory_space<vmem>>, vector<1x64x128xbf16>,
    %get3A_1147 = arith.constant 32 : index
    %get3A_1148 = arith.constant 0 : index
    %get3A_1149 = tpu.strided_load %arg1[%get3A_1147, %get3A_1148] {strides = array<i32: 50, 1>} : memref<6400x128xi32, #tpu.memory_space<vmem>>, vector<128x128xi32>
    %transpose3A_1150 = tpu.transpose %get3A_1149, [1, 0] : vector<128x128xi32> -> vector<128x128xi32>
    %slice3A_1151 = vector.extract_strided_slice %transpose3A_1150 {offsets = [0, 0], sizes = [32, 128], strides = [1, 1]} : vector<128x128xi32> to vector<32x128xi32>
    %bitcast3A_1152 = tpu.bitcast %slice3A_1151 : vector<32x128xi32> -> vector<64x128xbf16>
    %swap3A_1153 = arith.constant 128 : index
    %swap3A_1154 = arith.constant 0 : index
    %swap3A_1155 = arith.constant 0 : index
    %swap3A_1156 = vector.load %arg2[%swap3A_1153, %swap3A_1154, %swap3A_1155] : memref<200x64x128xbf16, #tpu.memory_space<vmem>>, vector<1x64x128xbf16>
    %swap3A_1157 = vector.shape_cast %swap3A_1156 : vector<1x64x128xbf16> to vector<64x128xbf16>
    %swap3A_1158 = vector.shape_cast %bitcast3A_1152 : vector<64x128xbf16> to vector<1x64x128xbf16>
    tpu.vector_store %arg2[%swap3A_1153, %swap3A_1154, %swap3A_1155], %swap3A_1158 {strides = array<i32>} : memref<200x64x128xbf16, #tpu.memory_space<vmem>>, vector<1x64x128xbf16>,
    %slice3A_1159 = vector.extract_strided_slice %transpose3A_1150 {offsets = [32, 0], sizes = [32, 128], strides = [1, 1]} : vector<128x128xi32> to vector<32x128xi32>
    %bitcast3A_1160 = tpu.bitcast %slice3A_1159 : vector<32x128xi32> -> vector<64x128xbf16>
    %swap3A_1161 = arith.constant 129 : index
    %swap3A_1162 = arith.constant 0 : index
    %swap3A_1163 = arith.constant 0 : index
    %swap3A_1164 = vector.load %arg2[%swap3A_1161, %swap3A_1162, %swap3A_1163] : memref<200x64x128xbf16, #tpu.memory_space<vmem>>, vector<1x64x128xbf16>
    %swap3A_1165 = vector.shape_cast %swap3A_1164 : vector<1x64x128xbf16> to vector<64x128xbf16>
    %swap3A_1166 = vector.shape_cast %bitcast3A_1160 : vector<64x128xbf16> to vector<1x64x128xbf16>
    tpu.vector_store %arg2[%swap3A_1161, %swap3A_1162, %swap3A_1163], %swap3A_1166 {strides = array<i32>} : memref<200x64x128xbf16, #tpu.memory_space<vmem>>, vector<1x64x128xbf16>,
    %slice3A_1167 = vector.extract_strided_slice %transpose3A_1150 {offsets = [64, 0], sizes = [32, 128], strides = [1, 1]} : vector<128x128xi32> to vector<32x128xi32>
    %bitcast3A_1168 = tpu.bitcast %slice3A_1167 : vector<32x128xi32> -> vector<64x128xbf16>
    %swap3A_1169 = arith.constant 130 : index
    %swap3A_1170 = arith.constant 0 : index
    %swap3A_1171 = arith.constant 0 : index
    %swap3A_1172 = vector.load %arg2[%swap3A_1169, %swap3A_1170, %swap3A_1171] : memref<200x64x128xbf16, #tpu.memory_space<vmem>>, vector<1x64x128xbf16>
    %swap3A_1173 = vector.shape_cast %swap3A_1172 : vector<1x64x128xbf16> to vector<64x128xbf16>
    %swap3A_1174 = vector.shape_cast %bitcast3A_1168 : vector<64x128xbf16> to vector<1x64x128xbf16>
    tpu.vector_store %arg2[%swap3A_1169, %swap3A_1170, %swap3A_1171], %swap3A_1174 {strides = array<i32>} : memref<200x64x128xbf16, #tpu.memory_space<vmem>>, vector<1x64x128xbf16>,
    %slice3A_1175 = vector.extract_strided_slice %transpose3A_1150 {offsets = [96, 0], sizes = [32, 128], strides = [1, 1]} : vector<128x128xi32> to vector<32x128xi32>
    %bitcast3A_1176 = tpu.bitcast %slice3A_1175 : vector<32x128xi32> -> vector<64x128xbf16>
    %swap3A_1177 = arith.constant 131 : index
    %swap3A_1178 = arith.constant 0 : index
    %swap3A_1179 = arith.constant 0 : index
    %swap3A_1180 = vector.load %arg2[%swap3A_1177, %swap3A_1178, %swap3A_1179] : memref<200x64x128xbf16, #tpu.memory_space<vmem>>, vector<1x64x128xbf16>
    %swap3A_1181 = vector.shape_cast %swap3A_1180 : vector<1x64x128xbf16> to vector<64x128xbf16>
    %swap3A_1182 = vector.shape_cast %bitcast3A_1176 : vector<64x128xbf16> to vector<1x64x128xbf16>
    tpu.vector_store %arg2[%swap3A_1177, %swap3A_1178, %swap3A_1179], %swap3A_1182 {strides = array<i32>} : memref<200x64x128xbf16, #tpu.memory_space<vmem>>, vector<1x64x128xbf16>,
    %get3A_1183 = arith.constant 33 : index
    %get3A_1184 = arith.constant 0 : index
    %get3A_1185 = tpu.strided_load %arg1[%get3A_1183, %get3A_1184] {strides = array<i32: 50, 1>} : memref<6400x128xi32, #tpu.memory_space<vmem>>, vector<128x128xi32>
    %transpose3A_1186 = tpu.transpose %get3A_1185, [1, 0] : vector<128x128xi32> -> vector<128x128xi32>
    %slice3A_1187 = vector.extract_strided_slice %transpose3A_1186 {offsets = [0, 0], sizes = [32, 128], strides = [1, 1]} : vector<128x128xi32> to vector<32x128xi32>
    %bitcast3A_1188 = tpu.bitcast %slice3A_1187 : vector<32x128xi32> -> vector<64x128xbf16>
    %swap3A_1189 = arith.constant 132 : index
    %swap3A_1190 = arith.constant 0 : index
    %swap3A_1191 = arith.constant 0 : index
    %swap3A_1192 = vector.load %arg2[%swap3A_1189, %swap3A_1190, %swap3A_1191] : memref<200x64x128xbf16, #tpu.memory_space<vmem>>, vector<1x64x128xbf16>
    %swap3A_1193 = vector.shape_cast %swap3A_1192 : vector<1x64x128xbf16> to vector<64x128xbf16>
    %swap3A_1194 = vector.shape_cast %bitcast3A_1188 : vector<64x128xbf16> to vector<1x64x128xbf16>
    tpu.vector_store %arg2[%swap3A_1189, %swap3A_1190, %swap3A_1191], %swap3A_1194 {strides = array<i32>} : memref<200x64x128xbf16, #tpu.memory_space<vmem>>, vector<1x64x128xbf16>,
    %slice3A_1195 = vector.extract_strided_slice %transpose3A_1186 {offsets = [32, 0], sizes = [32, 128], strides = [1, 1]} : vector<128x128xi32> to vector<32x128xi32>
    %bitcast3A_1196 = tpu.bitcast %slice3A_1195 : vector<32x128xi32> -> vector<64x128xbf16>
    %swap3A_1197 = arith.constant 133 : index
    %swap3A_1198 = arith.constant 0 : index
    %swap3A_1199 = arith.constant 0 : index
    %swap3A_1200 = vector.load %arg2[%swap3A_1197, %swap3A_1198, %swap3A_1199] : memref<200x64x128xbf16, #tpu.memory_space<vmem>>, vector<1x64x128xbf16>
    %swap3A_1201 = vector.shape_cast %swap3A_1200 : vector<1x64x128xbf16> to vector<64x128xbf16>
    %swap3A_1202 = vector.shape_cast %bitcast3A_1196 : vector<64x128xbf16> to vector<1x64x128xbf16>
    tpu.vector_store %arg2[%swap3A_1197, %swap3A_1198, %swap3A_1199], %swap3A_1202 {strides = array<i32>} : memref<200x64x128xbf16, #tpu.memory_space<vmem>>, vector<1x64x128xbf16>,
    %slice3A_1203 = vector.extract_strided_slice %transpose3A_1186 {offsets = [64, 0], sizes = [32, 128], strides = [1, 1]} : vector<128x128xi32> to vector<32x128xi32>
    %bitcast3A_1204 = tpu.bitcast %slice3A_1203 : vector<32x128xi32> -> vector<64x128xbf16>
    %swap3A_1205 = arith.constant 134 : index
    %swap3A_1206 = arith.constant 0 : index
    %swap3A_1207 = arith.constant 0 : index
    %swap3A_1208 = vector.load %arg2[%swap3A_1205, %swap3A_1206, %swap3A_1207] : memref<200x64x128xbf16, #tpu.memory_space<vmem>>, vector<1x64x128xbf16>
    %swap3A_1209 = vector.shape_cast %swap3A_1208 : vector<1x64x128xbf16> to vector<64x128xbf16>
    %swap3A_1210 = vector.shape_cast %bitcast3A_1204 : vector<64x128xbf16> to vector<1x64x128xbf16>
    tpu.vector_store %arg2[%swap3A_1205, %swap3A_1206, %swap3A_1207], %swap3A_1210 {strides = array<i32>} : memref<200x64x128xbf16, #tpu.memory_space<vmem>>, vector<1x64x128xbf16>,
    %slice3A_1211 = vector.extract_strided_slice %transpose3A_1186 {offsets = [96, 0], sizes = [32, 128], strides = [1, 1]} : vector<128x128xi32> to vector<32x128xi32>
    %bitcast3A_1212 = tpu.bitcast %slice3A_1211 : vector<32x128xi32> -> vector<64x128xbf16>
    %swap3A_1213 = arith.constant 135 : index
    %swap3A_1214 = arith.constant 0 : index
    %swap3A_1215 = arith.constant 0 : index
    %swap3A_1216 = vector.load %arg2[%swap3A_1213, %swap3A_1214, %swap3A_1215] : memref<200x64x128xbf16, #tpu.memory_space<vmem>>, vector<1x64x128xbf16>
    %swap3A_1217 = vector.shape_cast %swap3A_1216 : vector<1x64x128xbf16> to vector<64x128xbf16>
    %swap3A_1218 = vector.shape_cast %bitcast3A_1212 : vector<64x128xbf16> to vector<1x64x128xbf16>
    tpu.vector_store %arg2[%swap3A_1213, %swap3A_1214, %swap3A_1215], %swap3A_1218 {strides = array<i32>} : memref<200x64x128xbf16, #tpu.memory_space<vmem>>, vector<1x64x128xbf16>,
    %get3A_1219 = arith.constant 34 : index
    %get3A_1220 = arith.constant 0 : index
    %get3A_1221 = tpu.strided_load %arg1[%get3A_1219, %get3A_1220] {strides = array<i32: 50, 1>} : memref<6400x128xi32, #tpu.memory_space<vmem>>, vector<128x128xi32>
    %transpose3A_1222 = tpu.transpose %get3A_1221, [1, 0] : vector<128x128xi32> -> vector<128x128xi32>
    %slice3A_1223 = vector.extract_strided_slice %transpose3A_1222 {offsets = [0, 0], sizes = [32, 128], strides = [1, 1]} : vector<128x128xi32> to vector<32x128xi32>
    %bitcast3A_1224 = tpu.bitcast %slice3A_1223 : vector<32x128xi32> -> vector<64x128xbf16>
    %swap3A_1225 = arith.constant 136 : index
    %swap3A_1226 = arith.constant 0 : index
    %swap3A_1227 = arith.constant 0 : index
    %swap3A_1228 = vector.load %arg2[%swap3A_1225, %swap3A_1226, %swap3A_1227] : memref<200x64x128xbf16, #tpu.memory_space<vmem>>, vector<1x64x128xbf16>
    %swap3A_1229 = vector.shape_cast %swap3A_1228 : vector<1x64x128xbf16> to vector<64x128xbf16>
    %swap3A_1230 = vector.shape_cast %bitcast3A_1224 : vector<64x128xbf16> to vector<1x64x128xbf16>
    tpu.vector_store %arg2[%swap3A_1225, %swap3A_1226, %swap3A_1227], %swap3A_1230 {strides = array<i32>} : memref<200x64x128xbf16, #tpu.memory_space<vmem>>, vector<1x64x128xbf16>,
    %slice3A_1231 = vector.extract_strided_slice %transpose3A_1222 {offsets = [32, 0], sizes = [32, 128], strides = [1, 1]} : vector<128x128xi32> to vector<32x128xi32>
    %bitcast3A_1232 = tpu.bitcast %slice3A_1231 : vector<32x128xi32> -> vector<64x128xbf16>
    %swap3A_1233 = arith.constant 137 : index
    %swap3A_1234 = arith.constant 0 : index
    %swap3A_1235 = arith.constant 0 : index
    %swap3A_1236 = vector.load %arg2[%swap3A_1233, %swap3A_1234, %swap3A_1235] : memref<200x64x128xbf16, #tpu.memory_space<vmem>>, vector<1x64x128xbf16>
    %swap3A_1237 = vector.shape_cast %swap3A_1236 : vector<1x64x128xbf16> to vector<64x128xbf16>
    %swap3A_1238 = vector.shape_cast %bitcast3A_1232 : vector<64x128xbf16> to vector<1x64x128xbf16>
    tpu.vector_store %arg2[%swap3A_1233, %swap3A_1234, %swap3A_1235], %swap3A_1238 {strides = array<i32>} : memref<200x64x128xbf16, #tpu.memory_space<vmem>>, vector<1x64x128xbf16>,
    %slice3A_1239 = vector.extract_strided_slice %transpose3A_1222 {offsets = [64, 0], sizes = [32, 128], strides = [1, 1]} : vector<128x128xi32> to vector<32x128xi32>
    %bitcast3A_1240 = tpu.bitcast %slice3A_1239 : vector<32x128xi32> -> vector<64x128xbf16>
    %swap3A_1241 = arith.constant 138 : index
    %swap3A_1242 = arith.constant 0 : index
    %swap3A_1243 = arith.constant 0 : index
    %swap3A_1244 = vector.load %arg2[%swap3A_1241, %swap3A_1242, %swap3A_1243] : memref<200x64x128xbf16, #tpu.memory_space<vmem>>, vector<1x64x128xbf16>
    %swap3A_1245 = vector.shape_cast %swap3A_1244 : vector<1x64x128xbf16> to vector<64x128xbf16>
    %swap3A_1246 = vector.shape_cast %bitcast3A_1240 : vector<64x128xbf16> to vector<1x64x128xbf16>
    tpu.vector_store %arg2[%swap3A_1241, %swap3A_1242, %swap3A_1243], %swap3A_1246 {strides = array<i32>} : memref<200x64x128xbf16, #tpu.memory_space<vmem>>, vector<1x64x128xbf16>,
    %slice3A_1247 = vector.extract_strided_slice %transpose3A_1222 {offsets = [96, 0], sizes = [32, 128], strides = [1, 1]} : vector<128x128xi32> to vector<32x128xi32>
    %bitcast3A_1248 = tpu.bitcast %slice3A_1247 : vector<32x128xi32> -> vector<64x128xbf16>
    %swap3A_1249 = arith.constant 139 : index
    %swap3A_1250 = arith.constant 0 : index
    %swap3A_1251 = arith.constant 0 : index
    %swap3A_1252 = vector.load %arg2[%swap3A_1249, %swap3A_1250, %swap3A_1251] : memref<200x64x128xbf16, #tpu.memory_space<vmem>>, vector<1x64x128xbf16>
    %swap3A_1253 = vector.shape_cast %swap3A_1252 : vector<1x64x128xbf16> to vector<64x128xbf16>
    %swap3A_1254 = vector.shape_cast %bitcast3A_1248 : vector<64x128xbf16> to vector<1x64x128xbf16>
    tpu.vector_store %arg2[%swap3A_1249, %swap3A_1250, %swap3A_1251], %swap3A_1254 {strides = array<i32>} : memref<200x64x128xbf16, #tpu.memory_space<vmem>>, vector<1x64x128xbf16>,
    %get3A_1255 = arith.constant 35 : index
    %get3A_1256 = arith.constant 0 : index
    %get3A_1257 = tpu.strided_load %arg1[%get3A_1255, %get3A_1256] {strides = array<i32: 50, 1>} : memref<6400x128xi32, #tpu.memory_space<vmem>>, vector<128x128xi32>
    %transpose3A_1258 = tpu.transpose %get3A_1257, [1, 0] : vector<128x128xi32> -> vector<128x128xi32>
    %slice3A_1259 = vector.extract_strided_slice %transpose3A_1258 {offsets = [0, 0], sizes = [32, 128], strides = [1, 1]} : vector<128x128xi32> to vector<32x128xi32>
    %bitcast3A_1260 = tpu.bitcast %slice3A_1259 : vector<32x128xi32> -> vector<64x128xbf16>
    %swap3A_1261 = arith.constant 140 : index
    %swap3A_1262 = arith.constant 0 : index
    %swap3A_1263 = arith.constant 0 : index
    %swap3A_1264 = vector.load %arg2[%swap3A_1261, %swap3A_1262, %swap3A_1263] : memref<200x64x128xbf16, #tpu.memory_space<vmem>>, vector<1x64x128xbf16>
    %swap3A_1265 = vector.shape_cast %swap3A_1264 : vector<1x64x128xbf16> to vector<64x128xbf16>
    %swap3A_1266 = vector.shape_cast %bitcast3A_1260 : vector<64x128xbf16> to vector<1x64x128xbf16>
    tpu.vector_store %arg2[%swap3A_1261, %swap3A_1262, %swap3A_1263], %swap3A_1266 {strides = array<i32>} : memref<200x64x128xbf16, #tpu.memory_space<vmem>>, vector<1x64x128xbf16>,
    %slice3A_1267 = vector.extract_strided_slice %transpose3A_1258 {offsets = [32, 0], sizes = [32, 128], strides = [1, 1]} : vector<128x128xi32> to vector<32x128xi32>
    %bitcast3A_1268 = tpu.bitcast %slice3A_1267 : vector<32x128xi32> -> vector<64x128xbf16>
    %swap3A_1269 = arith.constant 141 : index
    %swap3A_1270 = arith.constant 0 : index
    %swap3A_1271 = arith.constant 0 : index
    %swap3A_1272 = vector.load %arg2[%swap3A_1269, %swap3A_1270, %swap3A_1271] : memref<200x64x128xbf16, #tpu.memory_space<vmem>>, vector<1x64x128xbf16>
    %swap3A_1273 = vector.shape_cast %swap3A_1272 : vector<1x64x128xbf16> to vector<64x128xbf16>
    %swap3A_1274 = vector.shape_cast %bitcast3A_1268 : vector<64x128xbf16> to vector<1x64x128xbf16>
    tpu.vector_store %arg2[%swap3A_1269, %swap3A_1270, %swap3A_1271], %swap3A_1274 {strides = array<i32>} : memref<200x64x128xbf16, #tpu.memory_space<vmem>>, vector<1x64x128xbf16>,
    %slice3A_1275 = vector.extract_strided_slice %transpose3A_1258 {offsets = [64, 0], sizes = [32, 128], strides = [1, 1]} : vector<128x128xi32> to vector<32x128xi32>
    %bitcast3A_1276 = tpu.bitcast %slice3A_1275 : vector<32x128xi32> -> vector<64x128xbf16>
    %swap3A_1277 = arith.constant 142 : index
    %swap3A_1278 = arith.constant 0 : index
    %swap3A_1279 = arith.constant 0 : index
    %swap3A_1280 = vector.load %arg2[%swap3A_1277, %swap3A_1278, %swap3A_1279] : memref<200x64x128xbf16, #tpu.memory_space<vmem>>, vector<1x64x128xbf16>
    %swap3A_1281 = vector.shape_cast %swap3A_1280 : vector<1x64x128xbf16> to vector<64x128xbf16>
    %swap3A_1282 = vector.shape_cast %bitcast3A_1276 : vector<64x128xbf16> to vector<1x64x128xbf16>
    tpu.vector_store %arg2[%swap3A_1277, %swap3A_1278, %swap3A_1279], %swap3A_1282 {strides = array<i32>} : memref<200x64x128xbf16, #tpu.memory_space<vmem>>, vector<1x64x128xbf16>,
    %slice3A_1283 = vector.extract_strided_slice %transpose3A_1258 {offsets = [96, 0], sizes = [32, 128], strides = [1, 1]} : vector<128x128xi32> to vector<32x128xi32>
    %bitcast3A_1284 = tpu.bitcast %slice3A_1283 : vector<32x128xi32> -> vector<64x128xbf16>
    %swap3A_1285 = arith.constant 143 : index
    %swap3A_1286 = arith.constant 0 : index
    %swap3A_1287 = arith.constant 0 : index
    %swap3A_1288 = vector.load %arg2[%swap3A_1285, %swap3A_1286, %swap3A_1287] : memref<200x64x128xbf16, #tpu.memory_space<vmem>>, vector<1x64x128xbf16>
    %swap3A_1289 = vector.shape_cast %swap3A_1288 : vector<1x64x128xbf16> to vector<64x128xbf16>
    %swap3A_1290 = vector.shape_cast %bitcast3A_1284 : vector<64x128xbf16> to vector<1x64x128xbf16>
    tpu.vector_store %arg2[%swap3A_1285, %swap3A_1286, %swap3A_1287], %swap3A_1290 {strides = array<i32>} : memref<200x64x128xbf16, #tpu.memory_space<vmem>>, vector<1x64x128xbf16>,
    %get3A_1291 = arith.constant 36 : index
    %get3A_1292 = arith.constant 0 : index
    %get3A_1293 = tpu.strided_load %arg1[%get3A_1291, %get3A_1292] {strides = array<i32: 50, 1>} : memref<6400x128xi32, #tpu.memory_space<vmem>>, vector<128x128xi32>
    %transpose3A_1294 = tpu.transpose %get3A_1293, [1, 0] : vector<128x128xi32> -> vector<128x128xi32>
    %slice3A_1295 = vector.extract_strided_slice %transpose3A_1294 {offsets = [0, 0], sizes = [32, 128], strides = [1, 1]} : vector<128x128xi32> to vector<32x128xi32>
    %bitcast3A_1296 = tpu.bitcast %slice3A_1295 : vector<32x128xi32> -> vector<64x128xbf16>
    %swap3A_1297 = arith.constant 144 : index
    %swap3A_1298 = arith.constant 0 : index
    %swap3A_1299 = arith.constant 0 : index
    %swap3A_1300 = vector.load %arg2[%swap3A_1297, %swap3A_1298, %swap3A_1299] : memref<200x64x128xbf16, #tpu.memory_space<vmem>>, vector<1x64x128xbf16>
    %swap3A_1301 = vector.shape_cast %swap3A_1300 : vector<1x64x128xbf16> to vector<64x128xbf16>
    %swap3A_1302 = vector.shape_cast %bitcast3A_1296 : vector<64x128xbf16> to vector<1x64x128xbf16>
    tpu.vector_store %arg2[%swap3A_1297, %swap3A_1298, %swap3A_1299], %swap3A_1302 {strides = array<i32>} : memref<200x64x128xbf16, #tpu.memory_space<vmem>>, vector<1x64x128xbf16>,
    %slice3A_1303 = vector.extract_strided_slice %transpose3A_1294 {offsets = [32, 0], sizes = [32, 128], strides = [1, 1]} : vector<128x128xi32> to vector<32x128xi32>
    %bitcast3A_1304 = tpu.bitcast %slice3A_1303 : vector<32x128xi32> -> vector<64x128xbf16>
    %swap3A_1305 = arith.constant 145 : index
    %swap3A_1306 = arith.constant 0 : index
    %swap3A_1307 = arith.constant 0 : index
    %swap3A_1308 = vector.load %arg2[%swap3A_1305, %swap3A_1306, %swap3A_1307] : memref<200x64x128xbf16, #tpu.memory_space<vmem>>, vector<1x64x128xbf16>
    %swap3A_1309 = vector.shape_cast %swap3A_1308 : vector<1x64x128xbf16> to vector<64x128xbf16>
    %swap3A_1310 = vector.shape_cast %bitcast3A_1304 : vector<64x128xbf16> to vector<1x64x128xbf16>
    tpu.vector_store %arg2[%swap3A_1305, %swap3A_1306, %swap3A_1307], %swap3A_1310 {strides = array<i32>} : memref<200x64x128xbf16, #tpu.memory_space<vmem>>, vector<1x64x128xbf16>,
    %slice3A_1311 = vector.extract_strided_slice %transpose3A_1294 {offsets = [64, 0], sizes = [32, 128], strides = [1, 1]} : vector<128x128xi32> to vector<32x128xi32>
    %bitcast3A_1312 = tpu.bitcast %slice3A_1311 : vector<32x128xi32> -> vector<64x128xbf16>
    %swap3A_1313 = arith.constant 146 : index
    %swap3A_1314 = arith.constant 0 : index
    %swap3A_1315 = arith.constant 0 : index
    %swap3A_1316 = vector.load %arg2[%swap3A_1313, %swap3A_1314, %swap3A_1315] : memref<200x64x128xbf16, #tpu.memory_space<vmem>>, vector<1x64x128xbf16>
    %swap3A_1317 = vector.shape_cast %swap3A_1316 : vector<1x64x128xbf16> to vector<64x128xbf16>
    %swap3A_1318 = vector.shape_cast %bitcast3A_1312 : vector<64x128xbf16> to vector<1x64x128xbf16>
    tpu.vector_store %arg2[%swap3A_1313, %swap3A_1314, %swap3A_1315], %swap3A_1318 {strides = array<i32>} : memref<200x64x128xbf16, #tpu.memory_space<vmem>>, vector<1x64x128xbf16>,
    %slice3A_1319 = vector.extract_strided_slice %transpose3A_1294 {offsets = [96, 0], sizes = [32, 128], strides = [1, 1]} : vector<128x128xi32> to vector<32x128xi32>
    %bitcast3A_1320 = tpu.bitcast %slice3A_1319 : vector<32x128xi32> -> vector<64x128xbf16>
    %swap3A_1321 = arith.constant 147 : index
    %swap3A_1322 = arith.constant 0 : index
    %swap3A_1323 = arith.constant 0 : index
    %swap3A_1324 = vector.load %arg2[%swap3A_1321, %swap3A_1322, %swap3A_1323] : memref<200x64x128xbf16, #tpu.memory_space<vmem>>, vector<1x64x128xbf16>
    %swap3A_1325 = vector.shape_cast %swap3A_1324 : vector<1x64x128xbf16> to vector<64x128xbf16>
    %swap3A_1326 = vector.shape_cast %bitcast3A_1320 : vector<64x128xbf16> to vector<1x64x128xbf16>
    tpu.vector_store %arg2[%swap3A_1321, %swap3A_1322, %swap3A_1323], %swap3A_1326 {strides = array<i32>} : memref<200x64x128xbf16, #tpu.memory_space<vmem>>, vector<1x64x128xbf16>,
    %get3A_1327 = arith.constant 37 : index
    %get3A_1328 = arith.constant 0 : index
    %get3A_1329 = tpu.strided_load %arg1[%get3A_1327, %get3A_1328] {strides = array<i32: 50, 1>} : memref<6400x128xi32, #tpu.memory_space<vmem>>, vector<128x128xi32>
    %transpose3A_1330 = tpu.transpose %get3A_1329, [1, 0] : vector<128x128xi32> -> vector<128x128xi32>
    %slice3A_1331 = vector.extract_strided_slice %transpose3A_1330 {offsets = [0, 0], sizes = [32, 128], strides = [1, 1]} : vector<128x128xi32> to vector<32x128xi32>
    %bitcast3A_1332 = tpu.bitcast %slice3A_1331 : vector<32x128xi32> -> vector<64x128xbf16>
    %swap3A_1333 = arith.constant 148 : index
    %swap3A_1334 = arith.constant 0 : index
    %swap3A_1335 = arith.constant 0 : index
    %swap3A_1336 = vector.load %arg2[%swap3A_1333, %swap3A_1334, %swap3A_1335] : memref<200x64x128xbf16, #tpu.memory_space<vmem>>, vector<1x64x128xbf16>
    %swap3A_1337 = vector.shape_cast %swap3A_1336 : vector<1x64x128xbf16> to vector<64x128xbf16>
    %swap3A_1338 = vector.shape_cast %bitcast3A_1332 : vector<64x128xbf16> to vector<1x64x128xbf16>
    tpu.vector_store %arg2[%swap3A_1333, %swap3A_1334, %swap3A_1335], %swap3A_1338 {strides = array<i32>} : memref<200x64x128xbf16, #tpu.memory_space<vmem>>, vector<1x64x128xbf16>,
    %slice3A_1339 = vector.extract_strided_slice %transpose3A_1330 {offsets = [32, 0], sizes = [32, 128], strides = [1, 1]} : vector<128x128xi32> to vector<32x128xi32>
    %bitcast3A_1340 = tpu.bitcast %slice3A_1339 : vector<32x128xi32> -> vector<64x128xbf16>
    %swap3A_1341 = arith.constant 149 : index
    %swap3A_1342 = arith.constant 0 : index
    %swap3A_1343 = arith.constant 0 : index
    %swap3A_1344 = vector.load %arg2[%swap3A_1341, %swap3A_1342, %swap3A_1343] : memref<200x64x128xbf16, #tpu.memory_space<vmem>>, vector<1x64x128xbf16>
    %swap3A_1345 = vector.shape_cast %swap3A_1344 : vector<1x64x128xbf16> to vector<64x128xbf16>
    %swap3A_1346 = vector.shape_cast %bitcast3A_1340 : vector<64x128xbf16> to vector<1x64x128xbf16>
    tpu.vector_store %arg2[%swap3A_1341, %swap3A_1342, %swap3A_1343], %swap3A_1346 {strides = array<i32>} : memref<200x64x128xbf16, #tpu.memory_space<vmem>>, vector<1x64x128xbf16>,
    %slice3A_1347 = vector.extract_strided_slice %transpose3A_1330 {offsets = [64, 0], sizes = [32, 128], strides = [1, 1]} : vector<128x128xi32> to vector<32x128xi32>
    %bitcast3A_1348 = tpu.bitcast %slice3A_1347 : vector<32x128xi32> -> vector<64x128xbf16>
    %swap3A_1349 = arith.constant 150 : index
    %swap3A_1350 = arith.constant 0 : index
    %swap3A_1351 = arith.constant 0 : index
    %swap3A_1352 = vector.load %arg2[%swap3A_1349, %swap3A_1350, %swap3A_1351] : memref<200x64x128xbf16, #tpu.memory_space<vmem>>, vector<1x64x128xbf16>
    %swap3A_1353 = vector.shape_cast %swap3A_1352 : vector<1x64x128xbf16> to vector<64x128xbf16>
    %swap3A_1354 = vector.shape_cast %bitcast3A_1348 : vector<64x128xbf16> to vector<1x64x128xbf16>
    tpu.vector_store %arg2[%swap3A_1349, %swap3A_1350, %swap3A_1351], %swap3A_1354 {strides = array<i32>} : memref<200x64x128xbf16, #tpu.memory_space<vmem>>, vector<1x64x128xbf16>,
    %slice3A_1355 = vector.extract_strided_slice %transpose3A_1330 {offsets = [96, 0], sizes = [32, 128], strides = [1, 1]} : vector<128x128xi32> to vector<32x128xi32>
    %bitcast3A_1356 = tpu.bitcast %slice3A_1355 : vector<32x128xi32> -> vector<64x128xbf16>
    %swap3A_1357 = arith.constant 151 : index
    %swap3A_1358 = arith.constant 0 : index
    %swap3A_1359 = arith.constant 0 : index
    %swap3A_1360 = vector.load %arg2[%swap3A_1357, %swap3A_1358, %swap3A_1359] : memref<200x64x128xbf16, #tpu.memory_space<vmem>>, vector<1x64x128xbf16>
    %swap3A_1361 = vector.shape_cast %swap3A_1360 : vector<1x64x128xbf16> to vector<64x128xbf16>
    %swap3A_1362 = vector.shape_cast %bitcast3A_1356 : vector<64x128xbf16> to vector<1x64x128xbf16>
    tpu.vector_store %arg2[%swap3A_1357, %swap3A_1358, %swap3A_1359], %swap3A_1362 {strides = array<i32>} : memref<200x64x128xbf16, #tpu.memory_space<vmem>>, vector<1x64x128xbf16>,
    %get3A_1363 = arith.constant 38 : index
    %get3A_1364 = arith.constant 0 : index
    %get3A_1365 = tpu.strided_load %arg1[%get3A_1363, %get3A_1364] {strides = array<i32: 50, 1>} : memref<6400x128xi32, #tpu.memory_space<vmem>>, vector<128x128xi32>
    %transpose3A_1366 = tpu.transpose %get3A_1365, [1, 0] : vector<128x128xi32> -> vector<128x128xi32>
    %slice3A_1367 = vector.extract_strided_slice %transpose3A_1366 {offsets = [0, 0], sizes = [32, 128], strides = [1, 1]} : vector<128x128xi32> to vector<32x128xi32>
    %bitcast3A_1368 = tpu.bitcast %slice3A_1367 : vector<32x128xi32> -> vector<64x128xbf16>
    %swap3A_1369 = arith.constant 152 : index
    %swap3A_1370 = arith.constant 0 : index
    %swap3A_1371 = arith.constant 0 : index
    %swap3A_1372 = vector.load %arg2[%swap3A_1369, %swap3A_1370, %swap3A_1371] : memref<200x64x128xbf16, #tpu.memory_space<vmem>>, vector<1x64x128xbf16>
    %swap3A_1373 = vector.shape_cast %swap3A_1372 : vector<1x64x128xbf16> to vector<64x128xbf16>
    %swap3A_1374 = vector.shape_cast %bitcast3A_1368 : vector<64x128xbf16> to vector<1x64x128xbf16>
    tpu.vector_store %arg2[%swap3A_1369, %swap3A_1370, %swap3A_1371], %swap3A_1374 {strides = array<i32>} : memref<200x64x128xbf16, #tpu.memory_space<vmem>>, vector<1x64x128xbf16>,
    %slice3A_1375 = vector.extract_strided_slice %transpose3A_1366 {offsets = [32, 0], sizes = [32, 128], strides = [1, 1]} : vector<128x128xi32> to vector<32x128xi32>
    %bitcast3A_1376 = tpu.bitcast %slice3A_1375 : vector<32x128xi32> -> vector<64x128xbf16>
    %swap3A_1377 = arith.constant 153 : index
    %swap3A_1378 = arith.constant 0 : index
    %swap3A_1379 = arith.constant 0 : index
    %swap3A_1380 = vector.load %arg2[%swap3A_1377, %swap3A_1378, %swap3A_1379] : memref<200x64x128xbf16, #tpu.memory_space<vmem>>, vector<1x64x128xbf16>
    %swap3A_1381 = vector.shape_cast %swap3A_1380 : vector<1x64x128xbf16> to vector<64x128xbf16>
    %swap3A_1382 = vector.shape_cast %bitcast3A_1376 : vector<64x128xbf16> to vector<1x64x128xbf16>
    tpu.vector_store %arg2[%swap3A_1377, %swap3A_1378, %swap3A_1379], %swap3A_1382 {strides = array<i32>} : memref<200x64x128xbf16, #tpu.memory_space<vmem>>, vector<1x64x128xbf16>,
    %slice3A_1383 = vector.extract_strided_slice %transpose3A_1366 {offsets = [64, 0], sizes = [32, 128], strides = [1, 1]} : vector<128x128xi32> to vector<32x128xi32>
    %bitcast3A_1384 = tpu.bitcast %slice3A_1383 : vector<32x128xi32> -> vector<64x128xbf16>
    %swap3A_1385 = arith.constant 154 : index
    %swap3A_1386 = arith.constant 0 : index
    %swap3A_1387 = arith.constant 0 : index
    %swap3A_1388 = vector.load %arg2[%swap3A_1385, %swap3A_1386, %swap3A_1387] : memref<200x64x128xbf16, #tpu.memory_space<vmem>>, vector<1x64x128xbf16>
    %swap3A_1389 = vector.shape_cast %swap3A_1388 : vector<1x64x128xbf16> to vector<64x128xbf16>
    %swap3A_1390 = vector.shape_cast %bitcast3A_1384 : vector<64x128xbf16> to vector<1x64x128xbf16>
    tpu.vector_store %arg2[%swap3A_1385, %swap3A_1386, %swap3A_1387], %swap3A_1390 {strides = array<i32>} : memref<200x64x128xbf16, #tpu.memory_space<vmem>>, vector<1x64x128xbf16>,
    %slice3A_1391 = vector.extract_strided_slice %transpose3A_1366 {offsets = [96, 0], sizes = [32, 128], strides = [1, 1]} : vector<128x128xi32> to vector<32x128xi32>
    %bitcast3A_1392 = tpu.bitcast %slice3A_1391 : vector<32x128xi32> -> vector<64x128xbf16>
    %swap3A_1393 = arith.constant 155 : index
    %swap3A_1394 = arith.constant 0 : index
    %swap3A_1395 = arith.constant 0 : index
    %swap3A_1396 = vector.load %arg2[%swap3A_1393, %swap3A_1394, %swap3A_1395] : memref<200x64x128xbf16, #tpu.memory_space<vmem>>, vector<1x64x128xbf16>
    %swap3A_1397 = vector.shape_cast %swap3A_1396 : vector<1x64x128xbf16> to vector<64x128xbf16>
    %swap3A_1398 = vector.shape_cast %bitcast3A_1392 : vector<64x128xbf16> to vector<1x64x128xbf16>
    tpu.vector_store %arg2[%swap3A_1393, %swap3A_1394, %swap3A_1395], %swap3A_1398 {strides = array<i32>} : memref<200x64x128xbf16, #tpu.memory_space<vmem>>, vector<1x64x128xbf16>,
    %get3A_1399 = arith.constant 39 : index
    %get3A_1400 = arith.constant 0 : index
    %get3A_1401 = tpu.strided_load %arg1[%get3A_1399, %get3A_1400] {strides = array<i32: 50, 1>} : memref<6400x128xi32, #tpu.memory_space<vmem>>, vector<128x128xi32>
    %transpose3A_1402 = tpu.transpose %get3A_1401, [1, 0] : vector<128x128xi32> -> vector<128x128xi32>
    %slice3A_1403 = vector.extract_strided_slice %transpose3A_1402 {offsets = [0, 0], sizes = [32, 128], strides = [1, 1]} : vector<128x128xi32> to vector<32x128xi32>
    %bitcast3A_1404 = tpu.bitcast %slice3A_1403 : vector<32x128xi32> -> vector<64x128xbf16>
    %swap3A_1405 = arith.constant 156 : index
    %swap3A_1406 = arith.constant 0 : index
    %swap3A_1407 = arith.constant 0 : index
    %swap3A_1408 = vector.load %arg2[%swap3A_1405, %swap3A_1406, %swap3A_1407] : memref<200x64x128xbf16, #tpu.memory_space<vmem>>, vector<1x64x128xbf16>
    %swap3A_1409 = vector.shape_cast %swap3A_1408 : vector<1x64x128xbf16> to vector<64x128xbf16>
    %swap3A_1410 = vector.shape_cast %bitcast3A_1404 : vector<64x128xbf16> to vector<1x64x128xbf16>
    tpu.vector_store %arg2[%swap3A_1405, %swap3A_1406, %swap3A_1407], %swap3A_1410 {strides = array<i32>} : memref<200x64x128xbf16, #tpu.memory_space<vmem>>, vector<1x64x128xbf16>,
    %slice3A_1411 = vector.extract_strided_slice %transpose3A_1402 {offsets = [32, 0], sizes = [32, 128], strides = [1, 1]} : vector<128x128xi32> to vector<32x128xi32>
    %bitcast3A_1412 = tpu.bitcast %slice3A_1411 : vector<32x128xi32> -> vector<64x128xbf16>
    %swap3A_1413 = arith.constant 157 : index
    %swap3A_1414 = arith.constant 0 : index
    %swap3A_1415 = arith.constant 0 : index
    %swap3A_1416 = vector.load %arg2[%swap3A_1413, %swap3A_1414, %swap3A_1415] : memref<200x64x128xbf16, #tpu.memory_space<vmem>>, vector<1x64x128xbf16>
    %swap3A_1417 = vector.shape_cast %swap3A_1416 : vector<1x64x128xbf16> to vector<64x128xbf16>
    %swap3A_1418 = vector.shape_cast %bitcast3A_1412 : vector<64x128xbf16> to vector<1x64x128xbf16>
    tpu.vector_store %arg2[%swap3A_1413, %swap3A_1414, %swap3A_1415], %swap3A_1418 {strides = array<i32>} : memref<200x64x128xbf16, #tpu.memory_space<vmem>>, vector<1x64x128xbf16>,
    %slice3A_1419 = vector.extract_strided_slice %transpose3A_1402 {offsets = [64, 0], sizes = [32, 128], strides = [1, 1]} : vector<128x128xi32> to vector<32x128xi32>
    %bitcast3A_1420 = tpu.bitcast %slice3A_1419 : vector<32x128xi32> -> vector<64x128xbf16>
    %swap3A_1421 = arith.constant 158 : index
    %swap3A_1422 = arith.constant 0 : index
    %swap3A_1423 = arith.constant 0 : index
    %swap3A_1424 = vector.load %arg2[%swap3A_1421, %swap3A_1422, %swap3A_1423] : memref<200x64x128xbf16, #tpu.memory_space<vmem>>, vector<1x64x128xbf16>
    %swap3A_1425 = vector.shape_cast %swap3A_1424 : vector<1x64x128xbf16> to vector<64x128xbf16>
    %swap3A_1426 = vector.shape_cast %bitcast3A_1420 : vector<64x128xbf16> to vector<1x64x128xbf16>
    tpu.vector_store %arg2[%swap3A_1421, %swap3A_1422, %swap3A_1423], %swap3A_1426 {strides = array<i32>} : memref<200x64x128xbf16, #tpu.memory_space<vmem>>, vector<1x64x128xbf16>,
    %slice3A_1427 = vector.extract_strided_slice %transpose3A_1402 {offsets = [96, 0], sizes = [32, 128], strides = [1, 1]} : vector<128x128xi32> to vector<32x128xi32>
    %bitcast3A_1428 = tpu.bitcast %slice3A_1427 : vector<32x128xi32> -> vector<64x128xbf16>
    %swap3A_1429 = arith.constant 159 : index
    %swap3A_1430 = arith.constant 0 : index
    %swap3A_1431 = arith.constant 0 : index
    %swap3A_1432 = vector.load %arg2[%swap3A_1429, %swap3A_1430, %swap3A_1431] : memref<200x64x128xbf16, #tpu.memory_space<vmem>>, vector<1x64x128xbf16>
    %swap3A_1433 = vector.shape_cast %swap3A_1432 : vector<1x64x128xbf16> to vector<64x128xbf16>
    %swap3A_1434 = vector.shape_cast %bitcast3A_1428 : vector<64x128xbf16> to vector<1x64x128xbf16>
    tpu.vector_store %arg2[%swap3A_1429, %swap3A_1430, %swap3A_1431], %swap3A_1434 {strides = array<i32>} : memref<200x64x128xbf16, #tpu.memory_space<vmem>>, vector<1x64x128xbf16>,
    %get3A_1435 = arith.constant 40 : index
    %get3A_1436 = arith.constant 0 : index
    %get3A_1437 = tpu.strided_load %arg1[%get3A_1435, %get3A_1436] {strides = array<i32: 50, 1>} : memref<6400x128xi32, #tpu.memory_space<vmem>>, vector<128x128xi32>
    %transpose3A_1438 = tpu.transpose %get3A_1437, [1, 0] : vector<128x128xi32> -> vector<128x128xi32>
    %slice3A_1439 = vector.extract_strided_slice %transpose3A_1438 {offsets = [0, 0], sizes = [32, 128], strides = [1, 1]} : vector<128x128xi32> to vector<32x128xi32>
    %bitcast3A_1440 = tpu.bitcast %slice3A_1439 : vector<32x128xi32> -> vector<64x128xbf16>
    %swap3A_1441 = arith.constant 160 : index
    %swap3A_1442 = arith.constant 0 : index
    %swap3A_1443 = arith.constant 0 : index
    %swap3A_1444 = vector.load %arg2[%swap3A_1441, %swap3A_1442, %swap3A_1443] : memref<200x64x128xbf16, #tpu.memory_space<vmem>>, vector<1x64x128xbf16>
    %swap3A_1445 = vector.shape_cast %swap3A_1444 : vector<1x64x128xbf16> to vector<64x128xbf16>
    %swap3A_1446 = vector.shape_cast %bitcast3A_1440 : vector<64x128xbf16> to vector<1x64x128xbf16>
    tpu.vector_store %arg2[%swap3A_1441, %swap3A_1442, %swap3A_1443], %swap3A_1446 {strides = array<i32>} : memref<200x64x128xbf16, #tpu.memory_space<vmem>>, vector<1x64x128xbf16>,
    %slice3A_1447 = vector.extract_strided_slice %transpose3A_1438 {offsets = [32, 0], sizes = [32, 128], strides = [1, 1]} : vector<128x128xi32> to vector<32x128xi32>
    %bitcast3A_1448 = tpu.bitcast %slice3A_1447 : vector<32x128xi32> -> vector<64x128xbf16>
    %swap3A_1449 = arith.constant 161 : index
    %swap3A_1450 = arith.constant 0 : index
    %swap3A_1451 = arith.constant 0 : index
    %swap3A_1452 = vector.load %arg2[%swap3A_1449, %swap3A_1450, %swap3A_1451] : memref<200x64x128xbf16, #tpu.memory_space<vmem>>, vector<1x64x128xbf16>
    %swap3A_1453 = vector.shape_cast %swap3A_1452 : vector<1x64x128xbf16> to vector<64x128xbf16>
    %swap3A_1454 = vector.shape_cast %bitcast3A_1448 : vector<64x128xbf16> to vector<1x64x128xbf16>
    tpu.vector_store %arg2[%swap3A_1449, %swap3A_1450, %swap3A_1451], %swap3A_1454 {strides = array<i32>} : memref<200x64x128xbf16, #tpu.memory_space<vmem>>, vector<1x64x128xbf16>,
    %slice3A_1455 = vector.extract_strided_slice %transpose3A_1438 {offsets = [64, 0], sizes = [32, 128], strides = [1, 1]} : vector<128x128xi32> to vector<32x128xi32>
    %bitcast3A_1456 = tpu.bitcast %slice3A_1455 : vector<32x128xi32> -> vector<64x128xbf16>
    %swap3A_1457 = arith.constant 162 : index
    %swap3A_1458 = arith.constant 0 : index
    %swap3A_1459 = arith.constant 0 : index
    %swap3A_1460 = vector.load %arg2[%swap3A_1457, %swap3A_1458, %swap3A_1459] : memref<200x64x128xbf16, #tpu.memory_space<vmem>>, vector<1x64x128xbf16>
    %swap3A_1461 = vector.shape_cast %swap3A_1460 : vector<1x64x128xbf16> to vector<64x128xbf16>
    %swap3A_1462 = vector.shape_cast %bitcast3A_1456 : vector<64x128xbf16> to vector<1x64x128xbf16>
    tpu.vector_store %arg2[%swap3A_1457, %swap3A_1458, %swap3A_1459], %swap3A_1462 {strides = array<i32>} : memref<200x64x128xbf16, #tpu.memory_space<vmem>>, vector<1x64x128xbf16>,
    %slice3A_1463 = vector.extract_strided_slice %transpose3A_1438 {offsets = [96, 0], sizes = [32, 128], strides = [1, 1]} : vector<128x128xi32> to vector<32x128xi32>
    %bitcast3A_1464 = tpu.bitcast %slice3A_1463 : vector<32x128xi32> -> vector<64x128xbf16>
    %swap3A_1465 = arith.constant 163 : index
    %swap3A_1466 = arith.constant 0 : index
    %swap3A_1467 = arith.constant 0 : index
    %swap3A_1468 = vector.load %arg2[%swap3A_1465, %swap3A_1466, %swap3A_1467] : memref<200x64x128xbf16, #tpu.memory_space<vmem>>, vector<1x64x128xbf16>
    %swap3A_1469 = vector.shape_cast %swap3A_1468 : vector<1x64x128xbf16> to vector<64x128xbf16>
    %swap3A_1470 = vector.shape_cast %bitcast3A_1464 : vector<64x128xbf16> to vector<1x64x128xbf16>
    tpu.vector_store %arg2[%swap3A_1465, %swap3A_1466, %swap3A_1467], %swap3A_1470 {strides = array<i32>} : memref<200x64x128xbf16, #tpu.memory_space<vmem>>, vector<1x64x128xbf16>,
    %get3A_1471 = arith.constant 41 : index
    %get3A_1472 = arith.constant 0 : index
    %get3A_1473 = tpu.strided_load %arg1[%get3A_1471, %get3A_1472] {strides = array<i32: 50, 1>} : memref<6400x128xi32, #tpu.memory_space<vmem>>, vector<128x128xi32>
    %transpose3A_1474 = tpu.transpose %get3A_1473, [1, 0] : vector<128x128xi32> -> vector<128x128xi32>
    %slice3A_1475 = vector.extract_strided_slice %transpose3A_1474 {offsets = [0, 0], sizes = [32, 128], strides = [1, 1]} : vector<128x128xi32> to vector<32x128xi32>
    %bitcast3A_1476 = tpu.bitcast %slice3A_1475 : vector<32x128xi32> -> vector<64x128xbf16>
    %swap3A_1477 = arith.constant 164 : index
    %swap3A_1478 = arith.constant 0 : index
    %swap3A_1479 = arith.constant 0 : index
    %swap3A_1480 = vector.load %arg2[%swap3A_1477, %swap3A_1478, %swap3A_1479] : memref<200x64x128xbf16, #tpu.memory_space<vmem>>, vector<1x64x128xbf16>
    %swap3A_1481 = vector.shape_cast %swap3A_1480 : vector<1x64x128xbf16> to vector<64x128xbf16>
    %swap3A_1482 = vector.shape_cast %bitcast3A_1476 : vector<64x128xbf16> to vector<1x64x128xbf16>
    tpu.vector_store %arg2[%swap3A_1477, %swap3A_1478, %swap3A_1479], %swap3A_1482 {strides = array<i32>} : memref<200x64x128xbf16, #tpu.memory_space<vmem>>, vector<1x64x128xbf16>,
    %slice3A_1483 = vector.extract_strided_slice %transpose3A_1474 {offsets = [32, 0], sizes = [32, 128], strides = [1, 1]} : vector<128x128xi32> to vector<32x128xi32>
    %bitcast3A_1484 = tpu.bitcast %slice3A_1483 : vector<32x128xi32> -> vector<64x128xbf16>
    %swap3A_1485 = arith.constant 165 : index
    %swap3A_1486 = arith.constant 0 : index
    %swap3A_1487 = arith.constant 0 : index
    %swap3A_1488 = vector.load %arg2[%swap3A_1485, %swap3A_1486, %swap3A_1487] : memref<200x64x128xbf16, #tpu.memory_space<vmem>>, vector<1x64x128xbf16>
    %swap3A_1489 = vector.shape_cast %swap3A_1488 : vector<1x64x128xbf16> to vector<64x128xbf16>
    %swap3A_1490 = vector.shape_cast %bitcast3A_1484 : vector<64x128xbf16> to vector<1x64x128xbf16>
    tpu.vector_store %arg2[%swap3A_1485, %swap3A_1486, %swap3A_1487], %swap3A_1490 {strides = array<i32>} : memref<200x64x128xbf16, #tpu.memory_space<vmem>>, vector<1x64x128xbf16>,
    %slice3A_1491 = vector.extract_strided_slice %transpose3A_1474 {offsets = [64, 0], sizes = [32, 128], strides = [1, 1]} : vector<128x128xi32> to vector<32x128xi32>
    %bitcast3A_1492 = tpu.bitcast %slice3A_1491 : vector<32x128xi32> -> vector<64x128xbf16>
    %swap3A_1493 = arith.constant 166 : index
    %swap3A_1494 = arith.constant 0 : index
    %swap3A_1495 = arith.constant 0 : index
    %swap3A_1496 = vector.load %arg2[%swap3A_1493, %swap3A_1494, %swap3A_1495] : memref<200x64x128xbf16, #tpu.memory_space<vmem>>, vector<1x64x128xbf16>
    %swap3A_1497 = vector.shape_cast %swap3A_1496 : vector<1x64x128xbf16> to vector<64x128xbf16>
    %swap3A_1498 = vector.shape_cast %bitcast3A_1492 : vector<64x128xbf16> to vector<1x64x128xbf16>
    tpu.vector_store %arg2[%swap3A_1493, %swap3A_1494, %swap3A_1495], %swap3A_1498 {strides = array<i32>} : memref<200x64x128xbf16, #tpu.memory_space<vmem>>, vector<1x64x128xbf16>,
    %slice3A_1499 = vector.extract_strided_slice %transpose3A_1474 {offsets = [96, 0], sizes = [32, 128], strides = [1, 1]} : vector<128x128xi32> to vector<32x128xi32>
    %bitcast3A_1500 = tpu.bitcast %slice3A_1499 : vector<32x128xi32> -> vector<64x128xbf16>
    %swap3A_1501 = arith.constant 167 : index
    %swap3A_1502 = arith.constant 0 : index
    %swap3A_1503 = arith.constant 0 : index
    %swap3A_1504 = vector.load %arg2[%swap3A_1501, %swap3A_1502, %swap3A_1503] : memref<200x64x128xbf16, #tpu.memory_space<vmem>>, vector<1x64x128xbf16>
    %swap3A_1505 = vector.shape_cast %swap3A_1504 : vector<1x64x128xbf16> to vector<64x128xbf16>
    %swap3A_1506 = vector.shape_cast %bitcast3A_1500 : vector<64x128xbf16> to vector<1x64x128xbf16>
    tpu.vector_store %arg2[%swap3A_1501, %swap3A_1502, %swap3A_1503], %swap3A_1506 {strides = array<i32>} : memref<200x64x128xbf16, #tpu.memory_space<vmem>>, vector<1x64x128xbf16>,
    %get3A_1507 = arith.constant 42 : index
    %get3A_1508 = arith.constant 0 : index
    %get3A_1509 = tpu.strided_load %arg1[%get3A_1507, %get3A_1508] {strides = array<i32: 50, 1>} : memref<6400x128xi32, #tpu.memory_space<vmem>>, vector<128x128xi32>
    %transpose3A_1510 = tpu.transpose %get3A_1509, [1, 0] : vector<128x128xi32> -> vector<128x128xi32>
    %slice3A_1511 = vector.extract_strided_slice %transpose3A_1510 {offsets = [0, 0], sizes = [32, 128], strides = [1, 1]} : vector<128x128xi32> to vector<32x128xi32>
    %bitcast3A_1512 = tpu.bitcast %slice3A_1511 : vector<32x128xi32> -> vector<64x128xbf16>
    %swap3A_1513 = arith.constant 168 : index
    %swap3A_1514 = arith.constant 0 : index
    %swap3A_1515 = arith.constant 0 : index
    %swap3A_1516 = vector.load %arg2[%swap3A_1513, %swap3A_1514, %swap3A_1515] : memref<200x64x128xbf16, #tpu.memory_space<vmem>>, vector<1x64x128xbf16>
    %swap3A_1517 = vector.shape_cast %swap3A_1516 : vector<1x64x128xbf16> to vector<64x128xbf16>
    %swap3A_1518 = vector.shape_cast %bitcast3A_1512 : vector<64x128xbf16> to vector<1x64x128xbf16>
    tpu.vector_store %arg2[%swap3A_1513, %swap3A_1514, %swap3A_1515], %swap3A_1518 {strides = array<i32>} : memref<200x64x128xbf16, #tpu.memory_space<vmem>>, vector<1x64x128xbf16>,
    %slice3A_1519 = vector.extract_strided_slice %transpose3A_1510 {offsets = [32, 0], sizes = [32, 128], strides = [1, 1]} : vector<128x128xi32> to vector<32x128xi32>
    %bitcast3A_1520 = tpu.bitcast %slice3A_1519 : vector<32x128xi32> -> vector<64x128xbf16>
    %swap3A_1521 = arith.constant 169 : index
    %swap3A_1522 = arith.constant 0 : index
    %swap3A_1523 = arith.constant 0 : index
    %swap3A_1524 = vector.load %arg2[%swap3A_1521, %swap3A_1522, %swap3A_1523] : memref<200x64x128xbf16, #tpu.memory_space<vmem>>, vector<1x64x128xbf16>
    %swap3A_1525 = vector.shape_cast %swap3A_1524 : vector<1x64x128xbf16> to vector<64x128xbf16>
    %swap3A_1526 = vector.shape_cast %bitcast3A_1520 : vector<64x128xbf16> to vector<1x64x128xbf16>
    tpu.vector_store %arg2[%swap3A_1521, %swap3A_1522, %swap3A_1523], %swap3A_1526 {strides = array<i32>} : memref<200x64x128xbf16, #tpu.memory_space<vmem>>, vector<1x64x128xbf16>,
    %slice3A_1527 = vector.extract_strided_slice %transpose3A_1510 {offsets = [64, 0], sizes = [32, 128], strides = [1, 1]} : vector<128x128xi32> to vector<32x128xi32>
    %bitcast3A_1528 = tpu.bitcast %slice3A_1527 : vector<32x128xi32> -> vector<64x128xbf16>
    %swap3A_1529 = arith.constant 170 : index
    %swap3A_1530 = arith.constant 0 : index
    %swap3A_1531 = arith.constant 0 : index
    %swap3A_1532 = vector.load %arg2[%swap3A_1529, %swap3A_1530, %swap3A_1531] : memref<200x64x128xbf16, #tpu.memory_space<vmem>>, vector<1x64x128xbf16>
    %swap3A_1533 = vector.shape_cast %swap3A_1532 : vector<1x64x128xbf16> to vector<64x128xbf16>
    %swap3A_1534 = vector.shape_cast %bitcast3A_1528 : vector<64x128xbf16> to vector<1x64x128xbf16>
    tpu.vector_store %arg2[%swap3A_1529, %swap3A_1530, %swap3A_1531], %swap3A_1534 {strides = array<i32>} : memref<200x64x128xbf16, #tpu.memory_space<vmem>>, vector<1x64x128xbf16>,
    %slice3A_1535 = vector.extract_strided_slice %transpose3A_1510 {offsets = [96, 0], sizes = [32, 128], strides = [1, 1]} : vector<128x128xi32> to vector<32x128xi32>
    %bitcast3A_1536 = tpu.bitcast %slice3A_1535 : vector<32x128xi32> -> vector<64x128xbf16>
    %swap3A_1537 = arith.constant 171 : index
    %swap3A_1538 = arith.constant 0 : index
    %swap3A_1539 = arith.constant 0 : index
    %swap3A_1540 = vector.load %arg2[%swap3A_1537, %swap3A_1538, %swap3A_1539] : memref<200x64x128xbf16, #tpu.memory_space<vmem>>, vector<1x64x128xbf16>
    %swap3A_1541 = vector.shape_cast %swap3A_1540 : vector<1x64x128xbf16> to vector<64x128xbf16>
    %swap3A_1542 = vector.shape_cast %bitcast3A_1536 : vector<64x128xbf16> to vector<1x64x128xbf16>
    tpu.vector_store %arg2[%swap3A_1537, %swap3A_1538, %swap3A_1539], %swap3A_1542 {strides = array<i32>} : memref<200x64x128xbf16, #tpu.memory_space<vmem>>, vector<1x64x128xbf16>,
    %get3A_1543 = arith.constant 43 : index
    %get3A_1544 = arith.constant 0 : index
    %get3A_1545 = tpu.strided_load %arg1[%get3A_1543, %get3A_1544] {strides = array<i32: 50, 1>} : memref<6400x128xi32, #tpu.memory_space<vmem>>, vector<128x128xi32>
    %transpose3A_1546 = tpu.transpose %get3A_1545, [1, 0] : vector<128x128xi32> -> vector<128x128xi32>
    %slice3A_1547 = vector.extract_strided_slice %transpose3A_1546 {offsets = [0, 0], sizes = [32, 128], strides = [1, 1]} : vector<128x128xi32> to vector<32x128xi32>
    %bitcast3A_1548 = tpu.bitcast %slice3A_1547 : vector<32x128xi32> -> vector<64x128xbf16>
    %swap3A_1549 = arith.constant 172 : index
    %swap3A_1550 = arith.constant 0 : index
    %swap3A_1551 = arith.constant 0 : index
    %swap3A_1552 = vector.load %arg2[%swap3A_1549, %swap3A_1550, %swap3A_1551] : memref<200x64x128xbf16, #tpu.memory_space<vmem>>, vector<1x64x128xbf16>
    %swap3A_1553 = vector.shape_cast %swap3A_1552 : vector<1x64x128xbf16> to vector<64x128xbf16>
    %swap3A_1554 = vector.shape_cast %bitcast3A_1548 : vector<64x128xbf16> to vector<1x64x128xbf16>
    tpu.vector_store %arg2[%swap3A_1549, %swap3A_1550, %swap3A_1551], %swap3A_1554 {strides = array<i32>} : memref<200x64x128xbf16, #tpu.memory_space<vmem>>, vector<1x64x128xbf16>,
    %slice3A_1555 = vector.extract_strided_slice %transpose3A_1546 {offsets = [32, 0], sizes = [32, 128], strides = [1, 1]} : vector<128x128xi32> to vector<32x128xi32>
    %bitcast3A_1556 = tpu.bitcast %slice3A_1555 : vector<32x128xi32> -> vector<64x128xbf16>
    %swap3A_1557 = arith.constant 173 : index
    %swap3A_1558 = arith.constant 0 : index
    %swap3A_1559 = arith.constant 0 : index
    %swap3A_1560 = vector.load %arg2[%swap3A_1557, %swap3A_1558, %swap3A_1559] : memref<200x64x128xbf16, #tpu.memory_space<vmem>>, vector<1x64x128xbf16>
    %swap3A_1561 = vector.shape_cast %swap3A_1560 : vector<1x64x128xbf16> to vector<64x128xbf16>
    %swap3A_1562 = vector.shape_cast %bitcast3A_1556 : vector<64x128xbf16> to vector<1x64x128xbf16>
    tpu.vector_store %arg2[%swap3A_1557, %swap3A_1558, %swap3A_1559], %swap3A_1562 {strides = array<i32>} : memref<200x64x128xbf16, #tpu.memory_space<vmem>>, vector<1x64x128xbf16>,
    %slice3A_1563 = vector.extract_strided_slice %transpose3A_1546 {offsets = [64, 0], sizes = [32, 128], strides = [1, 1]} : vector<128x128xi32> to vector<32x128xi32>
    %bitcast3A_1564 = tpu.bitcast %slice3A_1563 : vector<32x128xi32> -> vector<64x128xbf16>
    %swap3A_1565 = arith.constant 174 : index
    %swap3A_1566 = arith.constant 0 : index
    %swap3A_1567 = arith.constant 0 : index
    %swap3A_1568 = vector.load %arg2[%swap3A_1565, %swap3A_1566, %swap3A_1567] : memref<200x64x128xbf16, #tpu.memory_space<vmem>>, vector<1x64x128xbf16>
    %swap3A_1569 = vector.shape_cast %swap3A_1568 : vector<1x64x128xbf16> to vector<64x128xbf16>
    %swap3A_1570 = vector.shape_cast %bitcast3A_1564 : vector<64x128xbf16> to vector<1x64x128xbf16>
    tpu.vector_store %arg2[%swap3A_1565, %swap3A_1566, %swap3A_1567], %swap3A_1570 {strides = array<i32>} : memref<200x64x128xbf16, #tpu.memory_space<vmem>>, vector<1x64x128xbf16>,
    %slice3A_1571 = vector.extract_strided_slice %transpose3A_1546 {offsets = [96, 0], sizes = [32, 128], strides = [1, 1]} : vector<128x128xi32> to vector<32x128xi32>
    %bitcast3A_1572 = tpu.bitcast %slice3A_1571 : vector<32x128xi32> -> vector<64x128xbf16>
    %swap3A_1573 = arith.constant 175 : index
    %swap3A_1574 = arith.constant 0 : index
    %swap3A_1575 = arith.constant 0 : index
    %swap3A_1576 = vector.load %arg2[%swap3A_1573, %swap3A_1574, %swap3A_1575] : memref<200x64x128xbf16, #tpu.memory_space<vmem>>, vector<1x64x128xbf16>
    %swap3A_1577 = vector.shape_cast %swap3A_1576 : vector<1x64x128xbf16> to vector<64x128xbf16>
    %swap3A_1578 = vector.shape_cast %bitcast3A_1572 : vector<64x128xbf16> to vector<1x64x128xbf16>
    tpu.vector_store %arg2[%swap3A_1573, %swap3A_1574, %swap3A_1575], %swap3A_1578 {strides = array<i32>} : memref<200x64x128xbf16, #tpu.memory_space<vmem>>, vector<1x64x128xbf16>,
    %get3A_1579 = arith.constant 44 : index
    %get3A_1580 = arith.constant 0 : index
    %get3A_1581 = tpu.strided_load %arg1[%get3A_1579, %get3A_1580] {strides = array<i32: 50, 1>} : memref<6400x128xi32, #tpu.memory_space<vmem>>, vector<128x128xi32>
    %transpose3A_1582 = tpu.transpose %get3A_1581, [1, 0] : vector<128x128xi32> -> vector<128x128xi32>
    %slice3A_1583 = vector.extract_strided_slice %transpose3A_1582 {offsets = [0, 0], sizes = [32, 128], strides = [1, 1]} : vector<128x128xi32> to vector<32x128xi32>
    %bitcast3A_1584 = tpu.bitcast %slice3A_1583 : vector<32x128xi32> -> vector<64x128xbf16>
    %swap3A_1585 = arith.constant 176 : index
    %swap3A_1586 = arith.constant 0 : index
    %swap3A_1587 = arith.constant 0 : index
    %swap3A_1588 = vector.load %arg2[%swap3A_1585, %swap3A_1586, %swap3A_1587] : memref<200x64x128xbf16, #tpu.memory_space<vmem>>, vector<1x64x128xbf16>
    %swap3A_1589 = vector.shape_cast %swap3A_1588 : vector<1x64x128xbf16> to vector<64x128xbf16>
    %swap3A_1590 = vector.shape_cast %bitcast3A_1584 : vector<64x128xbf16> to vector<1x64x128xbf16>
    tpu.vector_store %arg2[%swap3A_1585, %swap3A_1586, %swap3A_1587], %swap3A_1590 {strides = array<i32>} : memref<200x64x128xbf16, #tpu.memory_space<vmem>>, vector<1x64x128xbf16>,
    %slice3A_1591 = vector.extract_strided_slice %transpose3A_1582 {offsets = [32, 0], sizes = [32, 128], strides = [1, 1]} : vector<128x128xi32> to vector<32x128xi32>
    %bitcast3A_1592 = tpu.bitcast %slice3A_1591 : vector<32x128xi32> -> vector<64x128xbf16>
    %swap3A_1593 = arith.constant 177 : index
    %swap3A_1594 = arith.constant 0 : index
    %swap3A_1595 = arith.constant 0 : index
    %swap3A_1596 = vector.load %arg2[%swap3A_1593, %swap3A_1594, %swap3A_1595] : memref<200x64x128xbf16, #tpu.memory_space<vmem>>, vector<1x64x128xbf16>
    %swap3A_1597 = vector.shape_cast %swap3A_1596 : vector<1x64x128xbf16> to vector<64x128xbf16>
    %swap3A_1598 = vector.shape_cast %bitcast3A_1592 : vector<64x128xbf16> to vector<1x64x128xbf16>
    tpu.vector_store %arg2[%swap3A_1593, %swap3A_1594, %swap3A_1595], %swap3A_1598 {strides = array<i32>} : memref<200x64x128xbf16, #tpu.memory_space<vmem>>, vector<1x64x128xbf16>,
    %slice3A_1599 = vector.extract_strided_slice %transpose3A_1582 {offsets = [64, 0], sizes = [32, 128], strides = [1, 1]} : vector<128x128xi32> to vector<32x128xi32>
    %bitcast3A_1600 = tpu.bitcast %slice3A_1599 : vector<32x128xi32> -> vector<64x128xbf16>
    %swap3A_1601 = arith.constant 178 : index
    %swap3A_1602 = arith.constant 0 : index
    %swap3A_1603 = arith.constant 0 : index
    %swap3A_1604 = vector.load %arg2[%swap3A_1601, %swap3A_1602, %swap3A_1603] : memref<200x64x128xbf16, #tpu.memory_space<vmem>>, vector<1x64x128xbf16>
    %swap3A_1605 = vector.shape_cast %swap3A_1604 : vector<1x64x128xbf16> to vector<64x128xbf16>
    %swap3A_1606 = vector.shape_cast %bitcast3A_1600 : vector<64x128xbf16> to vector<1x64x128xbf16>
    tpu.vector_store %arg2[%swap3A_1601, %swap3A_1602, %swap3A_1603], %swap3A_1606 {strides = array<i32>} : memref<200x64x128xbf16, #tpu.memory_space<vmem>>, vector<1x64x128xbf16>,
    %slice3A_1607 = vector.extract_strided_slice %transpose3A_1582 {offsets = [96, 0], sizes = [32, 128], strides = [1, 1]} : vector<128x128xi32> to vector<32x128xi32>
    %bitcast3A_1608 = tpu.bitcast %slice3A_1607 : vector<32x128xi32> -> vector<64x128xbf16>
    %swap3A_1609 = arith.constant 179 : index
    %swap3A_1610 = arith.constant 0 : index
    %swap3A_1611 = arith.constant 0 : index
    %swap3A_1612 = vector.load %arg2[%swap3A_1609, %swap3A_1610, %swap3A_1611] : memref<200x64x128xbf16, #tpu.memory_space<vmem>>, vector<1x64x128xbf16>
    %swap3A_1613 = vector.shape_cast %swap3A_1612 : vector<1x64x128xbf16> to vector<64x128xbf16>
    %swap3A_1614 = vector.shape_cast %bitcast3A_1608 : vector<64x128xbf16> to vector<1x64x128xbf16>
    tpu.vector_store %arg2[%swap3A_1609, %swap3A_1610, %swap3A_1611], %swap3A_1614 {strides = array<i32>} : memref<200x64x128xbf16, #tpu.memory_space<vmem>>, vector<1x64x128xbf16>,
    %get3A_1615 = arith.constant 45 : index
    %get3A_1616 = arith.constant 0 : index
    %get3A_1617 = tpu.strided_load %arg1[%get3A_1615, %get3A_1616] {strides = array<i32: 50, 1>} : memref<6400x128xi32, #tpu.memory_space<vmem>>, vector<128x128xi32>
    %transpose3A_1618 = tpu.transpose %get3A_1617, [1, 0] : vector<128x128xi32> -> vector<128x128xi32>
    %slice3A_1619 = vector.extract_strided_slice %transpose3A_1618 {offsets = [0, 0], sizes = [32, 128], strides = [1, 1]} : vector<128x128xi32> to vector<32x128xi32>
    %bitcast3A_1620 = tpu.bitcast %slice3A_1619 : vector<32x128xi32> -> vector<64x128xbf16>
    %swap3A_1621 = arith.constant 180 : index
    %swap3A_1622 = arith.constant 0 : index
    %swap3A_1623 = arith.constant 0 : index
    %swap3A_1624 = vector.load %arg2[%swap3A_1621, %swap3A_1622, %swap3A_1623] : memref<200x64x128xbf16, #tpu.memory_space<vmem>>, vector<1x64x128xbf16>
    %swap3A_1625 = vector.shape_cast %swap3A_1624 : vector<1x64x128xbf16> to vector<64x128xbf16>
    %swap3A_1626 = vector.shape_cast %bitcast3A_1620 : vector<64x128xbf16> to vector<1x64x128xbf16>
    tpu.vector_store %arg2[%swap3A_1621, %swap3A_1622, %swap3A_1623], %swap3A_1626 {strides = array<i32>} : memref<200x64x128xbf16, #tpu.memory_space<vmem>>, vector<1x64x128xbf16>,
    %slice3A_1627 = vector.extract_strided_slice %transpose3A_1618 {offsets = [32, 0], sizes = [32, 128], strides = [1, 1]} : vector<128x128xi32> to vector<32x128xi32>
    %bitcast3A_1628 = tpu.bitcast %slice3A_1627 : vector<32x128xi32> -> vector<64x128xbf16>
    %swap3A_1629 = arith.constant 181 : index
    %swap3A_1630 = arith.constant 0 : index
    %swap3A_1631 = arith.constant 0 : index
    %swap3A_1632 = vector.load %arg2[%swap3A_1629, %swap3A_1630, %swap3A_1631] : memref<200x64x128xbf16, #tpu.memory_space<vmem>>, vector<1x64x128xbf16>
    %swap3A_1633 = vector.shape_cast %swap3A_1632 : vector<1x64x128xbf16> to vector<64x128xbf16>
    %swap3A_1634 = vector.shape_cast %bitcast3A_1628 : vector<64x128xbf16> to vector<1x64x128xbf16>
    tpu.vector_store %arg2[%swap3A_1629, %swap3A_1630, %swap3A_1631], %swap3A_1634 {strides = array<i32>} : memref<200x64x128xbf16, #tpu.memory_space<vmem>>, vector<1x64x128xbf16>,
    %slice3A_1635 = vector.extract_strided_slice %transpose3A_1618 {offsets = [64, 0], sizes = [32, 128], strides = [1, 1]} : vector<128x128xi32> to vector<32x128xi32>
    %bitcast3A_1636 = tpu.bitcast %slice3A_1635 : vector<32x128xi32> -> vector<64x128xbf16>
    %swap3A_1637 = arith.constant 182 : index
    %swap3A_1638 = arith.constant 0 : index
    %swap3A_1639 = arith.constant 0 : index
    %swap3A_1640 = vector.load %arg2[%swap3A_1637, %swap3A_1638, %swap3A_1639] : memref<200x64x128xbf16, #tpu.memory_space<vmem>>, vector<1x64x128xbf16>
    %swap3A_1641 = vector.shape_cast %swap3A_1640 : vector<1x64x128xbf16> to vector<64x128xbf16>
    %swap3A_1642 = vector.shape_cast %bitcast3A_1636 : vector<64x128xbf16> to vector<1x64x128xbf16>
    tpu.vector_store %arg2[%swap3A_1637, %swap3A_1638, %swap3A_1639], %swap3A_1642 {strides = array<i32>} : memref<200x64x128xbf16, #tpu.memory_space<vmem>>, vector<1x64x128xbf16>,
    %slice3A_1643 = vector.extract_strided_slice %transpose3A_1618 {offsets = [96, 0], sizes = [32, 128], strides = [1, 1]} : vector<128x128xi32> to vector<32x128xi32>
    %bitcast3A_1644 = tpu.bitcast %slice3A_1643 : vector<32x128xi32> -> vector<64x128xbf16>
    %swap3A_1645 = arith.constant 183 : index
    %swap3A_1646 = arith.constant 0 : index
    %swap3A_1647 = arith.constant 0 : index
    %swap3A_1648 = vector.load %arg2[%swap3A_1645, %swap3A_1646, %swap3A_1647] : memref<200x64x128xbf16, #tpu.memory_space<vmem>>, vector<1x64x128xbf16>
    %swap3A_1649 = vector.shape_cast %swap3A_1648 : vector<1x64x128xbf16> to vector<64x128xbf16>
    %swap3A_1650 = vector.shape_cast %bitcast3A_1644 : vector<64x128xbf16> to vector<1x64x128xbf16>
    tpu.vector_store %arg2[%swap3A_1645, %swap3A_1646, %swap3A_1647], %swap3A_1650 {strides = array<i32>} : memref<200x64x128xbf16, #tpu.memory_space<vmem>>, vector<1x64x128xbf16>,
    %get3A_1651 = arith.constant 46 : index
    %get3A_1652 = arith.constant 0 : index
    %get3A_1653 = tpu.strided_load %arg1[%get3A_1651, %get3A_1652] {strides = array<i32: 50, 1>} : memref<6400x128xi32, #tpu.memory_space<vmem>>, vector<128x128xi32>
    %transpose3A_1654 = tpu.transpose %get3A_1653, [1, 0] : vector<128x128xi32> -> vector<128x128xi32>
    %slice3A_1655 = vector.extract_strided_slice %transpose3A_1654 {offsets = [0, 0], sizes = [32, 128], strides = [1, 1]} : vector<128x128xi32> to vector<32x128xi32>
    %bitcast3A_1656 = tpu.bitcast %slice3A_1655 : vector<32x128xi32> -> vector<64x128xbf16>
    %swap3A_1657 = arith.constant 184 : index
    %swap3A_1658 = arith.constant 0 : index
    %swap3A_1659 = arith.constant 0 : index
    %swap3A_1660 = vector.load %arg2[%swap3A_1657, %swap3A_1658, %swap3A_1659] : memref<200x64x128xbf16, #tpu.memory_space<vmem>>, vector<1x64x128xbf16>
    %swap3A_1661 = vector.shape_cast %swap3A_1660 : vector<1x64x128xbf16> to vector<64x128xbf16>
    %swap3A_1662 = vector.shape_cast %bitcast3A_1656 : vector<64x128xbf16> to vector<1x64x128xbf16>
    tpu.vector_store %arg2[%swap3A_1657, %swap3A_1658, %swap3A_1659], %swap3A_1662 {strides = array<i32>} : memref<200x64x128xbf16, #tpu.memory_space<vmem>>, vector<1x64x128xbf16>,
    %slice3A_1663 = vector.extract_strided_slice %transpose3A_1654 {offsets = [32, 0], sizes = [32, 128], strides = [1, 1]} : vector<128x128xi32> to vector<32x128xi32>
    %bitcast3A_1664 = tpu.bitcast %slice3A_1663 : vector<32x128xi32> -> vector<64x128xbf16>
    %swap3A_1665 = arith.constant 185 : index
    %swap3A_1666 = arith.constant 0 : index
    %swap3A_1667 = arith.constant 0 : index
    %swap3A_1668 = vector.load %arg2[%swap3A_1665, %swap3A_1666, %swap3A_1667] : memref<200x64x128xbf16, #tpu.memory_space<vmem>>, vector<1x64x128xbf16>
    %swap3A_1669 = vector.shape_cast %swap3A_1668 : vector<1x64x128xbf16> to vector<64x128xbf16>
    %swap3A_1670 = vector.shape_cast %bitcast3A_1664 : vector<64x128xbf16> to vector<1x64x128xbf16>
    tpu.vector_store %arg2[%swap3A_1665, %swap3A_1666, %swap3A_1667], %swap3A_1670 {strides = array<i32>} : memref<200x64x128xbf16, #tpu.memory_space<vmem>>, vector<1x64x128xbf16>,
    %slice3A_1671 = vector.extract_strided_slice %transpose3A_1654 {offsets = [64, 0], sizes = [32, 128], strides = [1, 1]} : vector<128x128xi32> to vector<32x128xi32>
    %bitcast3A_1672 = tpu.bitcast %slice3A_1671 : vector<32x128xi32> -> vector<64x128xbf16>
    %swap3A_1673 = arith.constant 186 : index
    %swap3A_1674 = arith.constant 0 : index
    %swap3A_1675 = arith.constant 0 : index
    %swap3A_1676 = vector.load %arg2[%swap3A_1673, %swap3A_1674, %swap3A_1675] : memref<200x64x128xbf16, #tpu.memory_space<vmem>>, vector<1x64x128xbf16>
    %swap3A_1677 = vector.shape_cast %swap3A_1676 : vector<1x64x128xbf16> to vector<64x128xbf16>
    %swap3A_1678 = vector.shape_cast %bitcast3A_1672 : vector<64x128xbf16> to vector<1x64x128xbf16>
    tpu.vector_store %arg2[%swap3A_1673, %swap3A_1674, %swap3A_1675], %swap3A_1678 {strides = array<i32>} : memref<200x64x128xbf16, #tpu.memory_space<vmem>>, vector<1x64x128xbf16>,
    %slice3A_1679 = vector.extract_strided_slice %transpose3A_1654 {offsets = [96, 0], sizes = [32, 128], strides = [1, 1]} : vector<128x128xi32> to vector<32x128xi32>
    %bitcast3A_1680 = tpu.bitcast %slice3A_1679 : vector<32x128xi32> -> vector<64x128xbf16>
    %swap3A_1681 = arith.constant 187 : index
    %swap3A_1682 = arith.constant 0 : index
    %swap3A_1683 = arith.constant 0 : index
    %swap3A_1684 = vector.load %arg2[%swap3A_1681, %swap3A_1682, %swap3A_1683] : memref<200x64x128xbf16, #tpu.memory_space<vmem>>, vector<1x64x128xbf16>
    %swap3A_1685 = vector.shape_cast %swap3A_1684 : vector<1x64x128xbf16> to vector<64x128xbf16>
    %swap3A_1686 = vector.shape_cast %bitcast3A_1680 : vector<64x128xbf16> to vector<1x64x128xbf16>
    tpu.vector_store %arg2[%swap3A_1681, %swap3A_1682, %swap3A_1683], %swap3A_1686 {strides = array<i32>} : memref<200x64x128xbf16, #tpu.memory_space<vmem>>, vector<1x64x128xbf16>,
    %get3A_1687 = arith.constant 47 : index
    %get3A_1688 = arith.constant 0 : index
    %get3A_1689 = tpu.strided_load %arg1[%get3A_1687, %get3A_1688] {strides = array<i32: 50, 1>} : memref<6400x128xi32, #tpu.memory_space<vmem>>, vector<128x128xi32>
    %transpose3A_1690 = tpu.transpose %get3A_1689, [1, 0] : vector<128x128xi32> -> vector<128x128xi32>
    %slice3A_1691 = vector.extract_strided_slice %transpose3A_1690 {offsets = [0, 0], sizes = [32, 128], strides = [1, 1]} : vector<128x128xi32> to vector<32x128xi32>
    %bitcast3A_1692 = tpu.bitcast %slice3A_1691 : vector<32x128xi32> -> vector<64x128xbf16>
    %swap3A_1693 = arith.constant 188 : index
    %swap3A_1694 = arith.constant 0 : index
    %swap3A_1695 = arith.constant 0 : index
    %swap3A_1696 = vector.load %arg2[%swap3A_1693, %swap3A_1694, %swap3A_1695] : memref<200x64x128xbf16, #tpu.memory_space<vmem>>, vector<1x64x128xbf16>
    %swap3A_1697 = vector.shape_cast %swap3A_1696 : vector<1x64x128xbf16> to vector<64x128xbf16>
    %swap3A_1698 = vector.shape_cast %bitcast3A_1692 : vector<64x128xbf16> to vector<1x64x128xbf16>
    tpu.vector_store %arg2[%swap3A_1693, %swap3A_1694, %swap3A_1695], %swap3A_1698 {strides = array<i32>} : memref<200x64x128xbf16, #tpu.memory_space<vmem>>, vector<1x64x128xbf16>,
    %slice3A_1699 = vector.extract_strided_slice %transpose3A_1690 {offsets = [32, 0], sizes = [32, 128], strides = [1, 1]} : vector<128x128xi32> to vector<32x128xi32>
    %bitcast3A_1700 = tpu.bitcast %slice3A_1699 : vector<32x128xi32> -> vector<64x128xbf16>
    %swap3A_1701 = arith.constant 189 : index
    %swap3A_1702 = arith.constant 0 : index
    %swap3A_1703 = arith.constant 0 : index
    %swap3A_1704 = vector.load %arg2[%swap3A_1701, %swap3A_1702, %swap3A_1703] : memref<200x64x128xbf16, #tpu.memory_space<vmem>>, vector<1x64x128xbf16>
    %swap3A_1705 = vector.shape_cast %swap3A_1704 : vector<1x64x128xbf16> to vector<64x128xbf16>
    %swap3A_1706 = vector.shape_cast %bitcast3A_1700 : vector<64x128xbf16> to vector<1x64x128xbf16>
    tpu.vector_store %arg2[%swap3A_1701, %swap3A_1702, %swap3A_1703], %swap3A_1706 {strides = array<i32>} : memref<200x64x128xbf16, #tpu.memory_space<vmem>>, vector<1x64x128xbf16>,
    %slice3A_1707 = vector.extract_strided_slice %transpose3A_1690 {offsets = [64, 0], sizes = [32, 128], strides = [1, 1]} : vector<128x128xi32> to vector<32x128xi32>
    %bitcast3A_1708 = tpu.bitcast %slice3A_1707 : vector<32x128xi32> -> vector<64x128xbf16>
    %swap3A_1709 = arith.constant 190 : index
    %swap3A_1710 = arith.constant 0 : index
    %swap3A_1711 = arith.constant 0 : index
    %swap3A_1712 = vector.load %arg2[%swap3A_1709, %swap3A_1710, %swap3A_1711] : memref<200x64x128xbf16, #tpu.memory_space<vmem>>, vector<1x64x128xbf16>
    %swap3A_1713 = vector.shape_cast %swap3A_1712 : vector<1x64x128xbf16> to vector<64x128xbf16>
    %swap3A_1714 = vector.shape_cast %bitcast3A_1708 : vector<64x128xbf16> to vector<1x64x128xbf16>
    tpu.vector_store %arg2[%swap3A_1709, %swap3A_1710, %swap3A_1711], %swap3A_1714 {strides = array<i32>} : memref<200x64x128xbf16, #tpu.memory_space<vmem>>, vector<1x64x128xbf16>,
    %slice3A_1715 = vector.extract_strided_slice %transpose3A_1690 {offsets = [96, 0], sizes = [32, 128], strides = [1, 1]} : vector<128x128xi32> to vector<32x128xi32>
    %bitcast3A_1716 = tpu.bitcast %slice3A_1715 : vector<32x128xi32> -> vector<64x128xbf16>
    %swap3A_1717 = arith.constant 191 : index
    %swap3A_1718 = arith.constant 0 : index
    %swap3A_1719 = arith.constant 0 : index
    %swap3A_1720 = vector.load %arg2[%swap3A_1717, %swap3A_1718, %swap3A_1719] : memref<200x64x128xbf16, #tpu.memory_space<vmem>>, vector<1x64x128xbf16>
    %swap3A_1721 = vector.shape_cast %swap3A_1720 : vector<1x64x128xbf16> to vector<64x128xbf16>
    %swap3A_1722 = vector.shape_cast %bitcast3A_1716 : vector<64x128xbf16> to vector<1x64x128xbf16>
    tpu.vector_store %arg2[%swap3A_1717, %swap3A_1718, %swap3A_1719], %swap3A_1722 {strides = array<i32>} : memref<200x64x128xbf16, #tpu.memory_space<vmem>>, vector<1x64x128xbf16>,
    %get3A_1723 = arith.constant 48 : index
    %get3A_1724 = arith.constant 0 : index
    %get3A_1725 = tpu.strided_load %arg1[%get3A_1723, %get3A_1724] {strides = array<i32: 50, 1>} : memref<6400x128xi32, #tpu.memory_space<vmem>>, vector<128x128xi32>
    %transpose3A_1726 = tpu.transpose %get3A_1725, [1, 0] : vector<128x128xi32> -> vector<128x128xi32>
    %slice3A_1727 = vector.extract_strided_slice %transpose3A_1726 {offsets = [0, 0], sizes = [32, 128], strides = [1, 1]} : vector<128x128xi32> to vector<32x128xi32>
    %bitcast3A_1728 = tpu.bitcast %slice3A_1727 : vector<32x128xi32> -> vector<64x128xbf16>
    %swap3A_1729 = arith.constant 192 : index
    %swap3A_1730 = arith.constant 0 : index
    %swap3A_1731 = arith.constant 0 : index
    %swap3A_1732 = vector.load %arg2[%swap3A_1729, %swap3A_1730, %swap3A_1731] : memref<200x64x128xbf16, #tpu.memory_space<vmem>>, vector<1x64x128xbf16>
    %swap3A_1733 = vector.shape_cast %swap3A_1732 : vector<1x64x128xbf16> to vector<64x128xbf16>
    %swap3A_1734 = vector.shape_cast %bitcast3A_1728 : vector<64x128xbf16> to vector<1x64x128xbf16>
    tpu.vector_store %arg2[%swap3A_1729, %swap3A_1730, %swap3A_1731], %swap3A_1734 {strides = array<i32>} : memref<200x64x128xbf16, #tpu.memory_space<vmem>>, vector<1x64x128xbf16>,
    %slice3A_1735 = vector.extract_strided_slice %transpose3A_1726 {offsets = [32, 0], sizes = [32, 128], strides = [1, 1]} : vector<128x128xi32> to vector<32x128xi32>
    %bitcast3A_1736 = tpu.bitcast %slice3A_1735 : vector<32x128xi32> -> vector<64x128xbf16>
    %swap3A_1737 = arith.constant 193 : index
    %swap3A_1738 = arith.constant 0 : index
    %swap3A_1739 = arith.constant 0 : index
    %swap3A_1740 = vector.load %arg2[%swap3A_1737, %swap3A_1738, %swap3A_1739] : memref<200x64x128xbf16, #tpu.memory_space<vmem>>, vector<1x64x128xbf16>
    %swap3A_1741 = vector.shape_cast %swap3A_1740 : vector<1x64x128xbf16> to vector<64x128xbf16>
    %swap3A_1742 = vector.shape_cast %bitcast3A_1736 : vector<64x128xbf16> to vector<1x64x128xbf16>
    tpu.vector_store %arg2[%swap3A_1737, %swap3A_1738, %swap3A_1739], %swap3A_1742 {strides = array<i32>} : memref<200x64x128xbf16, #tpu.memory_space<vmem>>, vector<1x64x128xbf16>,
    %slice3A_1743 = vector.extract_strided_slice %transpose3A_1726 {offsets = [64, 0], sizes = [32, 128], strides = [1, 1]} : vector<128x128xi32> to vector<32x128xi32>
    %bitcast3A_1744 = tpu.bitcast %slice3A_1743 : vector<32x128xi32> -> vector<64x128xbf16>
    %swap3A_1745 = arith.constant 194 : index
    %swap3A_1746 = arith.constant 0 : index
    %swap3A_1747 = arith.constant 0 : index
    %swap3A_1748 = vector.load %arg2[%swap3A_1745, %swap3A_1746, %swap3A_1747] : memref<200x64x128xbf16, #tpu.memory_space<vmem>>, vector<1x64x128xbf16>
    %swap3A_1749 = vector.shape_cast %swap3A_1748 : vector<1x64x128xbf16> to vector<64x128xbf16>
    %swap3A_1750 = vector.shape_cast %bitcast3A_1744 : vector<64x128xbf16> to vector<1x64x128xbf16>
    tpu.vector_store %arg2[%swap3A_1745, %swap3A_1746, %swap3A_1747], %swap3A_1750 {strides = array<i32>} : memref<200x64x128xbf16, #tpu.memory_space<vmem>>, vector<1x64x128xbf16>,
    %slice3A_1751 = vector.extract_strided_slice %transpose3A_1726 {offsets = [96, 0], sizes = [32, 128], strides = [1, 1]} : vector<128x128xi32> to vector<32x128xi32>
    %bitcast3A_1752 = tpu.bitcast %slice3A_1751 : vector<32x128xi32> -> vector<64x128xbf16>
    %swap3A_1753 = arith.constant 195 : index
    %swap3A_1754 = arith.constant 0 : index
    %swap3A_1755 = arith.constant 0 : index
    %swap3A_1756 = vector.load %arg2[%swap3A_1753, %swap3A_1754, %swap3A_1755] : memref<200x64x128xbf16, #tpu.memory_space<vmem>>, vector<1x64x128xbf16>
    %swap3A_1757 = vector.shape_cast %swap3A_1756 : vector<1x64x128xbf16> to vector<64x128xbf16>
    %swap3A_1758 = vector.shape_cast %bitcast3A_1752 : vector<64x128xbf16> to vector<1x64x128xbf16>
    tpu.vector_store %arg2[%swap3A_1753, %swap3A_1754, %swap3A_1755], %swap3A_1758 {strides = array<i32>} : memref<200x64x128xbf16, #tpu.memory_space<vmem>>, vector<1x64x128xbf16>,
    %get3A_1759 = arith.constant 49 : index
    %get3A_1760 = arith.constant 0 : index
    %get3A_1761 = tpu.strided_load %arg1[%get3A_1759, %get3A_1760] {strides = array<i32: 50, 1>} : memref<6400x128xi32, #tpu.memory_space<vmem>>, vector<128x128xi32>
    %transpose3A_1762 = tpu.transpose %get3A_1761, [1, 0] : vector<128x128xi32> -> vector<128x128xi32>
    %slice3A_1763 = vector.extract_strided_slice %transpose3A_1762 {offsets = [0, 0], sizes = [32, 128], strides = [1, 1]} : vector<128x128xi32> to vector<32x128xi32>
    %bitcast3A_1764 = tpu.bitcast %slice3A_1763 : vector<32x128xi32> -> vector<64x128xbf16>
    %swap3A_1765 = arith.constant 196 : index
    %swap3A_1766 = arith.constant 0 : index
    %swap3A_1767 = arith.constant 0 : index
    %swap3A_1768 = vector.load %arg2[%swap3A_1765, %swap3A_1766, %swap3A_1767] : memref<200x64x128xbf16, #tpu.memory_space<vmem>>, vector<1x64x128xbf16>
    %swap3A_1769 = vector.shape_cast %swap3A_1768 : vector<1x64x128xbf16> to vector<64x128xbf16>
    %swap3A_1770 = vector.shape_cast %bitcast3A_1764 : vector<64x128xbf16> to vector<1x64x128xbf16>
    tpu.vector_store %arg2[%swap3A_1765, %swap3A_1766, %swap3A_1767], %swap3A_1770 {strides = array<i32>} : memref<200x64x128xbf16, #tpu.memory_space<vmem>>, vector<1x64x128xbf16>,
    %slice3A_1771 = vector.extract_strided_slice %transpose3A_1762 {offsets = [32, 0], sizes = [32, 128], strides = [1, 1]} : vector<128x128xi32> to vector<32x128xi32>
    %bitcast3A_1772 = tpu.bitcast %slice3A_1771 : vector<32x128xi32> -> vector<64x128xbf16>
    %swap3A_1773 = arith.constant 197 : index
    %swap3A_1774 = arith.constant 0 : index
    %swap3A_1775 = arith.constant 0 : index
    %swap3A_1776 = vector.load %arg2[%swap3A_1773, %swap3A_1774, %swap3A_1775] : memref<200x64x128xbf16, #tpu.memory_space<vmem>>, vector<1x64x128xbf16>
    %swap3A_1777 = vector.shape_cast %swap3A_1776 : vector<1x64x128xbf16> to vector<64x128xbf16>
    %swap3A_1778 = vector.shape_cast %bitcast3A_1772 : vector<64x128xbf16> to vector<1x64x128xbf16>
    tpu.vector_store %arg2[%swap3A_1773, %swap3A_1774, %swap3A_1775], %swap3A_1778 {strides = array<i32>} : memref<200x64x128xbf16, #tpu.memory_space<vmem>>, vector<1x64x128xbf16>,
    %slice3A_1779 = vector.extract_strided_slice %transpose3A_1762 {offsets = [64, 0], sizes = [32, 128], strides = [1, 1]} : vector<128x128xi32> to vector<32x128xi32>
    %bitcast3A_1780 = tpu.bitcast %slice3A_1779 : vector<32x128xi32> -> vector<64x128xbf16>
    %swap3A_1781 = arith.constant 198 : index
    %swap3A_1782 = arith.constant 0 : index
    %swap3A_1783 = arith.constant 0 : index
    %swap3A_1784 = vector.load %arg2[%swap3A_1781, %swap3A_1782, %swap3A_1783] : memref<200x64x128xbf16, #tpu.memory_space<vmem>>, vector<1x64x128xbf16>
    %swap3A_1785 = vector.shape_cast %swap3A_1784 : vector<1x64x128xbf16> to vector<64x128xbf16>
    %swap3A_1786 = vector.shape_cast %bitcast3A_1780 : vector<64x128xbf16> to vector<1x64x128xbf16>
    tpu.vector_store %arg2[%swap3A_1781, %swap3A_1782, %swap3A_1783], %swap3A_1786 {strides = array<i32>} : memref<200x64x128xbf16, #tpu.memory_space<vmem>>, vector<1x64x128xbf16>,
    %slice3A_1787 = vector.extract_strided_slice %transpose3A_1762 {offsets = [96, 0], sizes = [32, 128], strides = [1, 1]} : vector<128x128xi32> to vector<32x128xi32>
    %bitcast3A_1788 = tpu.bitcast %slice3A_1787 : vector<32x128xi32> -> vector<64x128xbf16>
    %swap3A_1789 = arith.constant 199 : index
    %swap3A_1790 = arith.constant 0 : index
    %swap3A_1791 = arith.constant 0 : index
    %swap3A_1792 = vector.load %arg2[%swap3A_1789, %swap3A_1790, %swap3A_1791] : memref<200x64x128xbf16, #tpu.memory_space<vmem>>, vector<1x64x128xbf16>
    %swap3A_1793 = vector.shape_cast %swap3A_1792 : vector<1x64x128xbf16> to vector<64x128xbf16>
    %swap3A_1794 = vector.shape_cast %bitcast3A_1788 : vector<64x128xbf16> to vector<1x64x128xbf16>
    tpu.vector_store %arg2[%swap3A_1789, %swap3A_1790, %swap3A_1791], %swap3A_1794 {strides = array<i32>} : memref<200x64x128xbf16, #tpu.memory_space<vmem>>, vector<1x64x128xbf16>,
    return
  }
  func.func @transform_0(%arg0: i32) -> (i32, i32) {
    %c0_i32 = arith.constant 0 : i32
    %c0_i32_0 = arith.constant 0 : i32
    return %arg0, %c0_i32 : i32, i32
  }
  func.func @transform_1(%arg0: i32) -> (i32, i32, i32) {
    %c0_i32 = arith.constant 0 : i32
    %c0_i32_0 = arith.constant 0 : i32
    %c0_i32_1 = arith.constant 0 : i32
    return %c0_i32, %c0_i32_0, %arg0 : i32, i32, i32
  }
}

</mosaic_0001>

<sc_bundles>
// kernel: kernel.5.cloned.1.call-start
scs
__scs_entry_jumppad:
0x0: {  	(pc) =	sbr.rel $0x88, $3  }
0x1: {  	(tag) =	ssettag $0x0;
	lr =	simm.s32 $0x1  }
0x2: {  	[smem:$0x3F9F] =	sst lr;
	_ =	strace $0xD0000000  }
0x3: {  	_ = 	snop  }
0x4: {  	_ = 	snop  }
0x5: {  	_ = 	snop  }
0x6: {  	_ = 	snop  }
0x7: {  	_ = 	snop  }
__scs_overlays_trampoline_lowered:
0x8: {  	[smem:$0x3FAE] =	sst s0  }
0x9: {  	[smem:$0x3FAF] =	sst s1  }
0xa: {  	[smem:$0x3FB0] =	sst s2  }
0xb: {  	[smem:$0x3FB1] =	sst s3  }
0xc: {  	[smem:$0x3FB2] =	sst s4  }
0xd: {  	[smem:$0x3FB3] =	sst s5  }
0xe: {  	[smem:$0x3FB4] =	sst s6  }
0xf: {  	[smem:$0x3FB5] =	sst s7  }
0x10: {  	[smem:$0x3FB6] =	sst s8  }
0x11: {  	[smem:$0x3FB7] =	sst s9;
	s0 =	simm.s32 @!p0 $0x0  }
0x12: {  	s1 =	sld [smem:$0x3F9D];
	s0 =	simm.s32 @p0 $0x1  }
0x13: {  	[smem:$0x3FB8] =	sst s0;
	s0 =	simm.s32 @!p1 $0x0  }
0x14: {  	s2 =	sld [smem:$0x3F9C];
	s0 =	simm.s32 @p1 $0x1  }
0x15: {  	[smem:$0x3FB9] =	sst s0;
	s0 =	simm.s32 @!p2 $0x0  }
0x16: {  	s3 =	sld [smem:$0x3FDB];
	s0 =	simm.s32 @p2 $0x1  }
0x17: {  	s4 =	simm.s32 $0x1BF5;
	[smem:$0x3FBB] =	sst s0  }
0x18: {  	s0 =	sld [smem:$0x3F9E];
	_ =	swait.ge [sflag:s4], $0x0  }
0x19: {  	s7 =	sld [smem:$0x3F9F]  }
0x1a: {  	s8 =	sadd.s32 $0xFFFFE003, lr  }
0x1b: {  	s9 =	sadd.s32 $0xFFFFFEF7, lr;
	s5 =	simm.s32 $0xFFFFFFFF;
	p2 =	slt.u32 s8, $0xFFFFF086  }
0x1c: {  	p1 =	slt.u32 s9, $0xF7A;
	s5 =	simm.s32 @!p2 $0x0  }
0x1d: {  	s5 =	simm.s32 @p1 $0x1;
	p0 =	seq.s32 s7, s2  }
0x1e: {  	s7 =	smul.u32 @!p0 $0xF7A, s2;
	p2 =	seq.s32 @!p0 s5, $0x0  }
0x1f: {  	s9 =	smul.u32 $0xF7A, s1;
	s8 =	simm.s32 @!p0 $0x1BF5;
	p2 =	por !p2, p0  }
0x20: {  	[sflag:s8] =	ssyncset.s32 @!p0 $0xFFFFF086;
	s6 =	sadd.s32 @!p0 s3, s7;
	s7 =	simm.s32 @!p0 $0x108  }
0x21: {  	s3 =	sadd.s32 s3, s9;
	s6 =	sadd.s32 @!p0 $0x88, s6;
	s7 =	simm.s32 @p2 $0x1082  }
0x22: {  	[simem:s7], [sflag:s8] =	dma.local @!p0 [hbm:s6], $0xF7A  }
0x23: {  	s9 =	sor.u32 $0xD0000000, s2;
	s6 =	simm.s32 $0x108;
	_ =	swait.ge @!p0 [sflag:s8], $0x0  }
0x24: {  	s3 =	sadd.s32 $0x88, s3;
	s6 =	simm.s32 @!p1 $0x1082;
	[sflag:s4] =	ssyncset.s32 $0xFFFFF086  }
0x25: {  	[simem:s6], [sflag:s4] =	dma.local [hbm:s3], $0xF7A  }
0x26: {  	[smem:$0x3F9F] =	sst s1;
	(tag) =	ssettag s2;
	_ =	strace s9  }
0x27: {  	s1 =	sld [smem:$0x3FAF]  }
0x28: {  	s2 =	sld [smem:$0x3FB0]  }
0x29: {  	s4 =	sld [smem:$0x3FB2]  }
0x2a: {  	p0 =	seq.s32 s5, $0x0;
	s5 =	sld [smem:$0x3FB3]  }
0x2b: {  	s6 =	sld [smem:$0x3FB4]  }
0x2c: {  	s7 =	sld [smem:$0x3FB5]  }
0x2d: {  	s3 =	simm.s32 $0x108;
	s8 =	sld [smem:$0x3FB6]  }
0x2e: {  	s3 =	simm.s32 @!p0 $0x1082;
	s9 =	sld [smem:$0x3FB7]  }
0x2f: {  	lr =	sadd.s32 s0, s3;
	s0 =	sld [smem:$0x3FAE]  }
0x30: {  	s3 =	sld [smem:$0x3FB1]  }
0x31: {  	[smem:$0x3FBA] =	sst s10  }
0x32: {  	s10 =	sld [smem:$0x3FB8];
	_ =	sdelay $0x3  }
0x33: {  	p0 =	seq.s32 s10, $0x1;
	s10 =	sld [smem:$0x3FBA];
	_ =	sdelay $0x3  }
0x34: {  	[smem:$0x3FBA] =	sst s10  }
0x35: {  	s10 =	sld [smem:$0x3FB9];
	_ =	sdelay $0x3  }
0x36: {  	p1 =	seq.s32 s10, $0x1;
	s10 =	sld [smem:$0x3FBA];
	_ =	sdelay $0x3  }
0x37: {  	[smem:$0x3FBA] =	sst s10  }
0x38: {  	s10 =	sld [smem:$0x3FBB]  }
0x39: {  	_ = 	snop;
	(pc) =	sbr.ind lr, $3  }
0x3a: {  	_ = 	snop  }
0x3b: {  	_ = 	snop  }
0x3c: {  	p2 =	seq.s32 s10, $0x1;
	s10 =	sld [smem:$0x3FBA]  }
0x3d: {  	_ =	shalt  }
0x3e: {  	_ =	shalt  }
0x3f: {  	_ =	shalt  }
0x40: {  	_ =	shalt  }
0x41: {  	_ =	shalt  }
0x42: {  	_ =	shalt  }
0x43: {  	_ =	shalt  }
0x44: {  	_ =	shalt  }
0x45: {  	_ =	shalt  }
0x46: {  	_ =	shalt  }
0x47: {  	_ =	shalt  }
0x48: {  	_ =	shalt  }
0x49: {  	_ =	shalt  }
0x4a: {  	_ =	shalt  }
0x4b: {  	_ =	shalt  }
0x4c: {  	_ =	shalt  }
0x4d: {  	_ =	shalt  }
0x4e: {  	_ =	shalt  }
0x4f: {  	_ =	shalt  }
0x50: {  	_ =	shalt  }
0x51: {  	_ =	shalt  }
0x52: {  	_ =	shalt  }
0x53: {  	_ =	shalt  }
0x54: {  	_ =	shalt  }
0x55: {  	_ =	shalt  }
0x56: {  	_ =	shalt  }
0x57: {  	_ =	shalt  }
0x58: {  	_ =	shalt  }
0x59: {  	_ =	shalt  }
0x5a: {  	_ =	shalt  }
0x5b: {  	_ =	shalt  }
0x5c: {  	_ =	shalt  }
0x5d: {  	_ =	shalt  }
0x5e: {  	_ =	shalt  }
0x5f: {  	_ =	shalt  }
0x60: {  	_ =	shalt  }
0x61: {  	_ =	shalt  }
0x62: {  	_ =	shalt  }
0x63: {  	_ =	shalt  }
0x64: {  	_ =	shalt  }
0x65: {  	_ =	shalt  }
0x66: {  	_ =	shalt  }
0x67: {  	_ =	shalt  }
0x68: {  	_ =	shalt  }
0x69: {  	_ =	shalt  }
0x6a: {  	_ =	shalt  }
0x6b: {  	_ =	shalt  }
0x6c: {  	_ =	shalt  }
0x6d: {  	_ =	shalt  }
0x6e: {  	_ =	shalt  }
0x6f: {  	_ =	shalt  }
0x70: {  	_ =	shalt  }
0x71: {  	_ =	shalt  }
0x72: {  	_ =	shalt  }
0x73: {  	_ =	shalt  }
0x74: {  	_ =	shalt  }
0x75: {  	_ =	shalt  }
0x76: {  	_ =	shalt  }
0x77: {  	_ =	shalt  }
0x78: {  	_ =	shalt  }
0x79: {  	_ =	shalt  }
0x7a: {  	_ =	shalt  }
0x7b: {  	_ =	shalt  }
0x7c: {  	_ =	shalt  }
0x7d: {  	_ =	shalt  }
0x7e: {  	_ =	shalt  }
0x7f: {  	_ =	shalt  }
0x80: {  	_ =	shalt  }
0x81: {  	_ =	shalt  }
0x82: {  	_ =	shalt  }
0x83: {  	_ =	shalt  }
0x84: {  	_ =	shalt  }
0x85: {  	_ =	shalt  }
0x86: {  	_ =	shalt  }
0x87: {  	_ =	shalt  }
.Lfunc_end0:
.L_simem_size_0:
called_computation_lowered:
.L_overlay_start_0:
0x88: {  	s2 =	sld [smem:$0x3FD9]  }
0x89: {  	s3 =	sld [smem:$0x3FFE];
	_ =	sdelay $0x1  }
0x8a: {  	s1 =	srdreg.scid  }
0x8b: {  	s0 =	sand.u32 $0x1, s1  }
0x8c: {  	s17 =	sshll.u32 s0, $0xA;
	s2 =	sadd.s32 s3, s2  }
0x8d: {  	s2 =	sadd.s32 s2, s17  }
0x8e: {  	[smem:$0x3FC6] =	sst s2  }
0x8f: {  	_ = 	snop  }
0x90: {  	s2 =	sld [smem:$0x3FD0];
	(tm) =	ssettm $0x1  }
0x91: {  	s18 =	sld [smem:$0x3FFB];
	_ =	sdelay $0x3  }
0x92: {  	_ =	strace s18  }
0x93: {  	s3 =	sld [smem:$0x3FFC];
	_ =	sdelay $0x3  }
0x94: {  	_ =	strace s3  }
0x95: {  	s3 =	sld [smem:$0x3FFD];
	_ =	sdelay $0x3  }
0x96: {  	_ =	strace s3  }
0x97: {  	_ =	strace $0x8FFFFFFF  }
0x98: {  	s19 =	sld [smem:$0x3FDB];
	_ =	sdelay $0x1  }
0x99: {  	s4 =	simm.s32 $_scs_section_size  }
0x9a: {  	s5 =	simm.s32 $_size__tile_overlayer_lowered;
	s6 =	simm.s32 $_tile_overlayer_lowered  }
0x9b: {  	s22 =	simm.s32 $0x1BFF;
	s21 =	sshll.u32 s6, $0x1;
	s3 =	sadd.s32 s4, s19  }
0x9c: {  	s7 =	simm.s32 $0x0;
	s20 =	sshll.u32 s5, $0x1;
	s5 =	sadd.s32 s21, s3  }
0x9d: {  	[timem:s7], [sflag:s22] =	dma.local [hbm:s5], s20  }
0x9e: {  	_ =	swait.ge [sflag:s22], s20  }
0x9f: {  	s4 =	ssub.s32 $0x0, s20;
	[sflag:s22] =	ssyncset.done $0x0  }
0xa0: {  	[sflag:s22] =	ssyncadd.s32 s4;
	_ =	sdelay $0x1  }
0xa1: {  	s23 =	simm.s32 $0x1B8B  }
0xa2: {  	_ =	swait.ge [sflag:s23], $0x1  }
0xa3: {  	[sflag:s23] =	ssyncset.done $0x0  }
0xa4: {  	s25 =	simm.s32 $0x1B8E;
	s24 =	sld [smem:$0x3FFE];
	[sflag:s23] =	ssyncadd.s32 $0xFFFFFFFF  }
0xa5: {  	s26 =	simm.s32 $execute0_lowered;
	[smem:$0x3FD2] =	sst s25  }
0xa6: {  	s5 =	sshll.u32 s26, $0x1;
	_ =	strace $0x80000046;
	[dreg:$0x1] =	wrdreg $0xFFFFFFFF  }
0xa7: {  	s28 =	simm.s32 $_size_execute0_lowered;
	s3 =	sadd.s32 s3, s5;
	[dreg:$0x0] =	wrdreg $0x0  }
0xa8: {  	s5 =	sshll.u32 s28, $0x1;
	[dreg:$0x2] =	wrdreg s3  }
0xa9: {  	[dreg:$0x3] =	wrdreg s5  }
0xaa: {  	[dreg:$0x4] =	wrdreg $0xC0  }
0xab: {  	_ =	task [dreg:s7], $0x5FFFF  }
0xac: {  	[dreg:$0x1] =	wrdreg $0xFFFFFFFF  }
0xad: {  	[dreg:$0x0] =	wrdreg $0x60  }
0xae: {  	[dreg:$0x2] =	wrdreg s2  }
0xaf: {  	[dreg:$0x3] =	wrdreg s24  }
0xb0: {  	[dreg:$0x4] =	wrdreg $0x9  }
0xb1: {  	_ =	task.clear_ibuf [dreg:s7], $0x5FFFF;
	_ =	strace $0x90000046  }
0xb2: {  	s29 =	simm.s32 $0x9;
	_ =	strace $0x80000048  }
0xb3: {  	_ =	swait.ge [sflag:s29], $0x1  }
0xb4: {  	[sflag:s29] =	ssyncadd.s32 $0xFFFFFFFF  }
0xb5: {  	_ =	strace $0x90000048  }
0xb6: {  	_ =	sfence  }
0xb7: {  	s30 =	sld [smem:$0x0];
	_ =	sdelay $0x2  }
0xb8: {  	s31 =	sshll.u32 s1, $0xD;
	s1 =	sshrl.u32 s1, $0x2  }
0xb9: {  	s3 =	sand.u32 $0x4000, s31;
	s1 =	sadd.s32 s1, s30  }
0xba: {  	s0 =	sor.u32 s3, s0;
	s1 =	sshll.u32 s1, $0x11  }
0xbb: {  	s0 =	sor.u32 s1, s0  }
0xbc: {  	s0 =	sadd.s32 $0x8F2B, s0  }
0xbd: {  	[sflag:s0] =	ssyncadd.remote.s32 $0x1  }
0xbe: {  	_ =	sfence.sel $0xFFFF  }
0xbf: {  	[dreg:$0x0] =	wrdreg $0xFFFFFFFF;
	(pc) =	sbr.abs _section_cstart, $3  }
0xc0: {  	[dreg:$0x1] =	wrdreg $0xFFFFFFFF  }
0xc1: {  	_ =	task.clear_ibuf [dreg:s7], $0x2FFFF;
	_ =	strace $0x9FFFFFFF  }
0xc2: {  	(tm) =	ssettm $0x7FFFFFFF  }
0xc3: {  	_ =	shalt  }
tec
execute0_lowered:
.L_overlay_start_1:
0x0: {  	(tag) =	ssettag $0x1  }
0x1: {  	s0 =	srdreg.scid;
	s2 =	rddreg [dreg:$0x0]  }
0x2: {  	s12 =	stileid.u32;
	s1 =	rddreg [dreg:$0x1];
	s3 =	simm.s32 $0x0  }
0x3: {  	s14 =	simm.s32 $0x9;
	s15 =	simm.s32 $0x68;
	s30 =	simm.s32 $0xC80  }
0x4: {  	s29 =	simm.s32 $0x3E80;
	s31 =	simm.s32 $0x1F8;
	s20 =	smul.u32 $0x6400, s12  }
0x5: {  	s28 =	simm.s32 $0x258;
	s0 =	sand.u32 $0x1, s0;
	s23 =	smul.u32 $0xC8000, s12  }
0x6: {  	s4 =	sshll.u32 s12, $0xA;
	s5 =	sshll.u32 s0, $0x9;
	s21 =	smul.u32 $0x3200, s0  }
0x7: {  	s7 =	ssub.s32 $0x2, s0;
	s0 =	smul.u32 $0x64000, s0;
	s4 =	sor.u32 s5, s4  }
0x8: {  	s13 =	simm.s32 $0x960;
	[smem:$0x7FF] =	sst s3;
	s5 =	smul.u32 $0x19, s4  }
0x9: {  	s9 =	sadd.s32 $0x400, s1;
	s1 =	sadd.s32 $0x64400, s1;
	s11 =	smul.u32 $0x320, s4  }
0xa: {  	s12 =	simm.s32 $0x4;
	s6 =	sor.u32 $0x4, s4;
	s4 =	smul.u32 $0x1900, s4  }
0xb: {  	_ =	strace $0x80000047;
	s10 =	sshrl.u32 s7, $0x1;
	s8 =	smul.u32 $0x19, s6  }
0xc: {  	s7 =	ssub.s32 s7, s10;
	s10 =	simm.s32 $0x3;
	s6 =	smul.u32 $0x320, s6  }
0xd: {  	s26 =	smax.u32 s7, $0x1;
	s7 =	simm.s32 $0x2580;
	s16 =	sadd.s32 s9, s5  }
0xe: {  	s18 =	sadd.s32 s1, s11;
	s4 =	sshrl.u32 s4, $0x3;
	s5 =	sadd.s32 s20, s9  }
0xf: {  	[dreg:$0xc] =	wrdreg s26;
	s26 =	simm.s32 $0x4B80;
	s11 =	simm.s32 $0x5  }
0x10: {  	s20 =	simm.s32 $0x7;
	s17 =	sadd.s32 s9, s8;
	[dreg:$0x6] =	wrdreg s18  }
0x11: {  	s19 =	sadd.s32 $0xC8, s16;
	s6 =	sadd.s32 s1, s6;
	[dreg:$0x4] =	wrdreg s16  }
0x12: {  	s22 =	sadd.s32 $0x12C, s16;
	s4 =	sadd.s32 s1, s4;
	s25 =	sadd.s32 s21, s5  }
0x13: {  	s1 =	sadd.s32 s23, s1;
	s5 =	simm.s32 $0x1980;
	[dreg:$0x5] =	wrdreg s17  }
0x14: {  	s8 =	simm.s32 $0x130;
	s9 =	simm.s32 $0x3280;
	[dreg:$0x7] =	wrdreg s19  }
0x15: {  	s16 =	simm.s32 $0x190;
	s23 =	simm.s32 $0x640;
	[dreg:$0x8] =	wrdreg s6  }
0x16: {  	s18 =	simm.s32 $0x13880;
	s21 =	simm.s32 $0x8;
	[dreg:$0x9] =	wrdreg s22  }
0x17: {  	s24 =	sadd.s32 $0x62700, s4;
	s4 =	sadd.s32 $0x63380, s4;
	[dreg:$0x3] =	wrdreg s25  }
0x18: {  	s0 =	sadd.s32 s0, s1;
	s17 =	simm.s32 $0x60;
	s6 =	simm.s32 $0xC8  }
0x19: {  	s1 =	simm.s32 $0x320;
	s22 =	simm.s32 $0x1;
	[dreg:$0xa] =	wrdreg s24  }
0x1a: {  	s19 =	simm.s32 $0x6;
	s25 =	simm.s32 $0x0;
	[dreg:$0xb] =	wrdreg s4  }
0x1b: {  	s0 =	sadd.s32 $0x3E80, s0;
	s24 =	simm.s32 $0xD480;
	[dreg:$0xe] =	wrdreg s25  }
0x1c: {  	s4 =	simm.s32 $0x2;
	[dreg:$0xd] =	wrdreg s0;
	s0 =	simm.s32 $0x7080  }
.LBB2_1:
0x1d: {  	s25 =	rddreg [dreg:$0x4]  }
0x1e: {  	[tilespmem:s3], [sflag:$0x9] =	stream.linear.gather [hbm4b:s25+s3], $0x320, $0x38;
	[tilespmem:$0x19C80] =	vst v63  }
0x1f: {  	_ =	swait.ge [sflag:s14], $0x320  }
0x20: {  	[sflag:s14] =	ssyncset.done $0x0  }
0x21: {  	[sflag:s14] =	ssyncadd.s32 $0xFFFFFCE0  }
0x22: {  	[tilespmem:s30], [sflag:$0x1] =	stream.indirect.gather [hbm4b:s2+s15], $0x20, s3, s15, $0xb8;
	[tilespmem:$0x19C80] =	vst v63  }
0x23: {  	_ = 	snop  }
0x24: {  	[tilespmem:s5], [sflag:$0x1] =	stream.indirect.gather [hbm4b:s2+s17], $0x20, s15, s17, $0xb8;
	[tilespmem:$0x19C80] =	vst v63  }
0x25: {  	_ = 	snop  }
0x26: {  	[tilespmem:s7], [sflag:$0x1] =	stream.indirect.gather [hbm4b:s2+s15], $0x20, s6, s15, $0xb8;
	[tilespmem:$0x19C80] =	vst v63  }
0x27: {  	_ = 	snop  }
0x28: {  	[tilespmem:s9], [sflag:$0x1] =	stream.indirect.gather [hbm4b:s2+s17], $0x20, s8, s17, $0xb8;
	[tilespmem:$0x19C80] =	vst v63  }
0x29: {  	_ = 	snop  }
0x2a: {  	[tilespmem:s29], [sflag:$0x1] =	stream.indirect.gather [hbm4b:s2+s15], $0x20, s16, s15, $0xb8;
	[tilespmem:$0x19C80] =	vst v63  }
0x2b: {  	_ = 	snop  }
0x2c: {  	[tilespmem:s26], [sflag:$0x1] =	stream.indirect.gather [hbm4b:s2+s17], $0x20, s31, s17, $0xb8;
	[tilespmem:$0x19C80] =	vst v63  }
0x2d: {  	s7 =	simm.s32 $0x5780  }
0x2e: {  	[tilespmem:s7], [sflag:$0x1] =	stream.indirect.gather [hbm4b:s2+s15], $0x20, s28, s15, $0xb8;
	[tilespmem:$0x19C80] =	vst v63  }
0x2f: {  	s8 =	simm.s32 $0x2C0;
	s9 =	simm.s32 $0x6480  }
0x30: {  	[tilespmem:s9], [sflag:$0x1] =	stream.indirect.gather [hbm4b:s2+s17], $0x20, s8, s17, $0xb8;
	[tilespmem:$0x19C80] =	vst v63  }
0x31: {  	s16 =	rddreg [dreg:$0x5]  }
0x32: {  	[tilespmem:s1], [sflag:$0x9] =	stream.linear.gather [hbm4b:s16+s3], $0x320, $0x38;
	[tilespmem:$0x19C80] =	vst v63  }
0x33: {  	_ =	swait.ge [sflag:s14], $0x320  }
0x34: {  	[sflag:s14] =	ssyncset.done $0x0  }
0x35: {  	[sflag:s14] =	ssyncadd.s32 $0xFFFFFCE0  }
0x36: {  	[tilespmem:s0], [sflag:$0x2] =	stream.indirect.gather [hbm4b:s2+s15], $0x20, s1, s15, $0xb8;
	[tilespmem:$0x19C80] =	vst v63  }
0x37: {  	s25 =	simm.s32 $0x388;
	s26 =	simm.s32 $0x7D80  }
0x38: {  	[tilespmem:s26], [sflag:$0x2] =	stream.indirect.gather [hbm4b:s2+s17], $0x20, s25, s17, $0xb8;
	[tilespmem:$0x19C80] =	vst v63  }
0x39: {  	s29 =	simm.s32 $0x8980;
	s28 =	simm.s32 $0x3E8  }
0x3a: {  	[tilespmem:s29], [sflag:$0x2] =	stream.indirect.gather [hbm4b:s2+s15], $0x20, s28, s15, $0xb8;
	[tilespmem:$0x19C80] =	vst v63  }
0x3b: {  	s7 =	simm.s32 $0x450;
	s8 =	simm.s32 $0x9680  }
0x3c: {  	[tilespmem:s8], [sflag:$0x2] =	stream.indirect.gather [hbm4b:s2+s17], $0x20, s7, s17, $0xb8;
	[tilespmem:$0x19C80] =	vst v63  }
0x3d: {  	s9 =	simm.s32 $0x4B0;
	s16 =	simm.s32 $0xA280  }
0x3e: {  	[tilespmem:s16], [sflag:$0x2] =	stream.indirect.gather [hbm4b:s2+s15], $0x20, s9, s15, $0xb8;
	[tilespmem:$0x19C80] =	vst v63  }
0x3f: {  	s25 =	simm.s32 $0x518;
	s26 =	simm.s32 $0xAF80  }
0x40: {  	[tilespmem:s26], [sflag:$0x2] =	stream.indirect.gather [hbm4b:s2+s17], $0x20, s25, s17, $0xb8;
	[tilespmem:$0x19C80] =	vst v63  }
0x41: {  	s28 =	simm.s32 $0x578;
	s29 =	simm.s32 $0xBB80  }
0x42: {  	[tilespmem:s29], [sflag:$0x2] =	stream.indirect.gather [hbm4b:s2+s15], $0x20, s28, s15, $0xb8;
	[tilespmem:$0x19C80] =	vst v63  }
0x43: {  	s6 =	simm.s32 $0x5E0;
	s7 =	simm.s32 $0xC880  }
0x44: {  	[tilespmem:s7], [sflag:$0x2] =	stream.indirect.gather [hbm4b:s2+s17], $0x20, s6, s17, $0xb8;
	[tilespmem:$0x19C80] =	vst v63  }
0x45: {  	_ =	swait.ge [sflag:s22], $0xD00  }
0x46: {  	[sflag:s22] =	ssyncset.done $0x0  }
0x47: {  	[sflag:s22] =	ssyncadd.s32 $0xFFFFF300  }
0x48: {  	_ =	swait.ge [sflag:s22], $0xC00  }
0x49: {  	[sflag:s22] =	ssyncset.done $0x0  }
0x4a: {  	[sflag:s22] =	ssyncadd.s32 $0xFFFFF400  }
0x4b: {  	_ =	swait.ge [sflag:s22], $0xD00  }
0x4c: {  	[sflag:s22] =	ssyncset.done $0x0  }
0x4d: {  	[sflag:s22] =	ssyncadd.s32 $0xFFFFF300  }
0x4e: {  	_ =	swait.ge [sflag:s22], $0xC00  }
0x4f: {  	[sflag:s22] =	ssyncset.done $0x0  }
0x50: {  	[sflag:s22] =	ssyncadd.s32 $0xFFFFF400  }
0x51: {  	_ =	swait.ge [sflag:s22], $0xD00  }
0x52: {  	[sflag:s22] =	ssyncset.done $0x0  }
0x53: {  	[sflag:s22] =	ssyncadd.s32 $0xFFFFF300  }
0x54: {  	_ =	swait.ge [sflag:s22], $0xC00  }
0x55: {  	[sflag:s22] =	ssyncset.done $0x0  }
0x56: {  	[sflag:s22] =	ssyncadd.s32 $0xFFFFF400  }
0x57: {  	_ =	swait.ge [sflag:s22], $0xD00  }
0x58: {  	[sflag:s22] =	ssyncset.done $0x0  }
0x59: {  	[sflag:s22] =	ssyncadd.s32 $0xFFFFF300  }
0x5a: {  	_ =	swait.ge [sflag:s22], $0xC00  }
0x5b: {  	[sflag:s22] =	ssyncset.done $0x0  }
0x5c: {  	s8 =	rddreg [dreg:$0x6];
	[sflag:s22] =	ssyncadd.s32 $0xFFFFF400  }
0x5d: {  	[hbm4b:s8+s3] =	stream.linear.scatter [tilespmem:s30], [sflag:$0x5], $0x6400, $0x38;
	[tilespmem:$0x19C80] =	vst v63  }
0x5e: {  	s9 =	rddreg [dreg:$0x7]  }
0x5f: {  	[tilespmem:s23], [sflag:$0x9] =	stream.linear.gather [hbm4b:s9+s3], $0x320, $0x38;
	[tilespmem:$0x19C80] =	vst v63  }
0x60: {  	_ =	swait.ge [sflag:s14], $0x320  }
0x61: {  	[sflag:s14] =	ssyncset.done $0x0  }
0x62: {  	[sflag:s14] =	ssyncadd.s32 $0xFFFFFCE0  }
0x63: {  	[tilespmem:s24], [sflag:$0x3] =	stream.indirect.gather [hbm4b:s2+s15], $0x20, s23, s15, $0xb8;
	[tilespmem:$0x19C80] =	vst v63  }
0x64: {  	s16 =	simm.s32 $0x6A8;
	s25 =	simm.s32 $0xE180  }
0x65: {  	[tilespmem:s25], [sflag:$0x3] =	stream.indirect.gather [hbm4b:s2+s17], $0x20, s16, s17, $0xb8;
	[tilespmem:$0x19C80] =	vst v63  }
0x66: {  	s26 =	simm.s32 $0x708;
	s28 =	simm.s32 $0xED80  }
0x67: {  	[tilespmem:s28], [sflag:$0x3] =	stream.indirect.gather [hbm4b:s2+s15], $0x20, s26, s15, $0xb8;
	[tilespmem:$0x19C80] =	vst v63  }
0x68: {  	s29 =	simm.s32 $0x770;
	s30 =	simm.s32 $0xFA80  }
0x69: {  	[tilespmem:s30], [sflag:$0x3] =	stream.indirect.gather [hbm4b:s2+s17], $0x20, s29, s17, $0xb8;
	[tilespmem:$0x19C80] =	vst v63  }
0x6a: {  	s7 =	simm.s32 $0x7D0;
	s8 =	simm.s32 $0x10680  }
0x6b: {  	[tilespmem:s8], [sflag:$0x3] =	stream.indirect.gather [hbm4b:s2+s15], $0x20, s7, s15, $0xb8;
	[tilespmem:$0x19C80] =	vst v63  }
0x6c: {  	s9 =	simm.s32 $0x838;
	s16 =	simm.s32 $0x11380  }
0x6d: {  	[tilespmem:s16], [sflag:$0x3] =	stream.indirect.gather [hbm4b:s2+s17], $0x20, s9, s17, $0xb8;
	[tilespmem:$0x19C80] =	vst v63  }
0x6e: {  	s25 =	simm.s32 $0x898;
	s26 =	simm.s32 $0x11F80  }
0x6f: {  	[tilespmem:s26], [sflag:$0x3] =	stream.indirect.gather [hbm4b:s2+s15], $0x20, s25, s15, $0xb8;
	[tilespmem:$0x19C80] =	vst v63  }
0x70: {  	s28 =	simm.s32 $0x900;
	s29 =	simm.s32 $0x12C80  }
0x71: {  	[tilespmem:s29], [sflag:$0x3] =	stream.indirect.gather [hbm4b:s2+s17], $0x20, s28, s17, $0xb8;
	[tilespmem:$0x19C80] =	vst v63  }
0x72: {  	_ =	swait.ge [sflag:s4], $0xD00  }
0x73: {  	[sflag:s4] =	ssyncset.done $0x0  }
0x74: {  	[sflag:s4] =	ssyncadd.s32 $0xFFFFF300  }
0x75: {  	_ =	swait.ge [sflag:s4], $0xC00  }
0x76: {  	[sflag:s4] =	ssyncset.done $0x0  }
0x77: {  	[sflag:s4] =	ssyncadd.s32 $0xFFFFF400  }
0x78: {  	_ =	swait.ge [sflag:s4], $0xD00  }
0x79: {  	[sflag:s4] =	ssyncset.done $0x0  }
0x7a: {  	[sflag:s4] =	ssyncadd.s32 $0xFFFFF300  }
0x7b: {  	_ =	swait.ge [sflag:s4], $0xC00  }
0x7c: {  	[sflag:s4] =	ssyncset.done $0x0  }
0x7d: {  	[sflag:s4] =	ssyncadd.s32 $0xFFFFF400  }
0x7e: {  	_ =	swait.ge [sflag:s4], $0xD00  }
0x7f: {  	[sflag:s4] =	ssyncset.done $0x0  }
0x80: {  	[sflag:s4] =	ssyncadd.s32 $0xFFFFF300  }
0x81: {  	_ =	swait.ge [sflag:s4], $0xC00  }
0x82: {  	[sflag:s4] =	ssyncset.done $0x0  }
0x83: {  	[sflag:s4] =	ssyncadd.s32 $0xFFFFF400  }
0x84: {  	_ =	swait.ge [sflag:s4], $0xD00  }
0x85: {  	[sflag:s4] =	ssyncset.done $0x0  }
0x86: {  	[sflag:s4] =	ssyncadd.s32 $0xFFFFF300  }
0x87: {  	_ =	swait.ge [sflag:s4], $0xC00  }
0x88: {  	[sflag:s4] =	ssyncset.done $0x0  }
0x89: {  	s30 =	rddreg [dreg:$0x8];
	[sflag:s4] =	ssyncadd.s32 $0xFFFFF400  }
0x8a: {  	[hbm4b:s30+s3] =	stream.linear.scatter [tilespmem:s0], [sflag:$0x6], $0x6400, $0x38;
	[tilespmem:$0x19C80] =	vst v63  }
0x8b: {  	s5 =	rddreg [dreg:$0x9]  }
0x8c: {  	[tilespmem:s13], [sflag:$0x9] =	stream.linear.gather [hbm4b:s5+s3], $0x320, $0x38;
	[tilespmem:$0x19C80] =	vst v63  }
0x8d: {  	_ =	swait.ge [sflag:s14], $0x320  }
0x8e: {  	[sflag:s14] =	ssyncset.done $0x0  }
0x8f: {  	[sflag:s14] =	ssyncadd.s32 $0xFFFFFCE0  }
0x90: {  	[tilespmem:s18], [sflag:$0x4] =	stream.indirect.gather [hbm4b:s2+s15], $0x20, s13, s15, $0xb8;
	[tilespmem:$0x19C80] =	vst v63  }
0x91: {  	s6 =	simm.s32 $0x9C8;
	s7 =	simm.s32 $0x14580  }
0x92: {  	[tilespmem:s7], [sflag:$0x4] =	stream.indirect.gather [hbm4b:s2+s17], $0x20, s6, s17, $0xb8;
	[tilespmem:$0x19C80] =	vst v63  }
0x93: {  	s8 =	simm.s32 $0xA28;
	s9 =	simm.s32 $0x15180  }
0x94: {  	[tilespmem:s9], [sflag:$0x4] =	stream.indirect.gather [hbm4b:s2+s15], $0x20, s8, s15, $0xb8;
	[tilespmem:$0x19C80] =	vst v63  }
0x95: {  	s16 =	simm.s32 $0xA90;
	s25 =	simm.s32 $0x15E80  }
0x96: {  	[tilespmem:s25], [sflag:$0x4] =	stream.indirect.gather [hbm4b:s2+s17], $0x20, s16, s17, $0xb8;
	[tilespmem:$0x19C80] =	vst v63  }
0x97: {  	s26 =	simm.s32 $0xAF0;
	s28 =	simm.s32 $0x16A80  }
0x98: {  	[tilespmem:s28], [sflag:$0x4] =	stream.indirect.gather [hbm4b:s2+s15], $0x20, s26, s15, $0xb8;
	[tilespmem:$0x19C80] =	vst v63  }
0x99: {  	s29 =	simm.s32 $0xB58;
	s30 =	simm.s32 $0x17780  }
0x9a: {  	[tilespmem:s30], [sflag:$0x4] =	stream.indirect.gather [hbm4b:s2+s17], $0x20, s29, s17, $0xb8;
	[tilespmem:$0x19C80] =	vst v63  }
0x9b: {  	s7 =	simm.s32 $0xBB8;
	s8 =	simm.s32 $0x18380  }
0x9c: {  	[tilespmem:s8], [sflag:$0x4] =	stream.indirect.gather [hbm4b:s2+s15], $0x20, s7, s15, $0xb8;
	[tilespmem:$0x19C80] =	vst v63  }
0x9d: {  	s9 =	simm.s32 $0xC20;
	s16 =	simm.s32 $0x19080  }
0x9e: {  	[tilespmem:s16], [sflag:$0x4] =	stream.indirect.gather [hbm4b:s2+s17], $0x20, s9, s17, $0xb8;
	[tilespmem:$0x19C80] =	vst v63  }
0x9f: {  	_ =	swait.ge [sflag:s10], $0xD00  }
0xa0: {  	[sflag:s10] =	ssyncset.done $0x0  }
0xa1: {  	[sflag:s10] =	ssyncadd.s32 $0xFFFFF300  }
0xa2: {  	_ =	swait.ge [sflag:s10], $0xC00  }
0xa3: {  	[sflag:s10] =	ssyncset.done $0x0  }
0xa4: {  	[sflag:s10] =	ssyncadd.s32 $0xFFFFF400  }
0xa5: {  	_ =	swait.ge [sflag:s10], $0xD00  }
0xa6: {  	[sflag:s10] =	ssyncset.done $0x0  }
0xa7: {  	[sflag:s10] =	ssyncadd.s32 $0xFFFFF300  }
0xa8: {  	_ =	swait.ge [sflag:s10], $0xC00  }
0xa9: {  	[sflag:s10] =	ssyncset.done $0x0  }
0xaa: {  	[sflag:s10] =	ssyncadd.s32 $0xFFFFF400  }
0xab: {  	_ =	swait.ge [sflag:s10], $0xD00  }
0xac: {  	[sflag:s10] =	ssyncset.done $0x0  }
0xad: {  	[sflag:s10] =	ssyncadd.s32 $0xFFFFF300  }
0xae: {  	_ =	swait.ge [sflag:s10], $0xC00  }
0xaf: {  	[sflag:s10] =	ssyncset.done $0x0  }
0xb0: {  	[sflag:s10] =	ssyncadd.s32 $0xFFFFF400  }
0xb1: {  	_ =	swait.ge [sflag:s10], $0xD00  }
0xb2: {  	[sflag:s10] =	ssyncset.done $0x0  }
0xb3: {  	[sflag:s10] =	ssyncadd.s32 $0xFFFFF300  }
0xb4: {  	_ =	swait.ge [sflag:s10], $0xC00  }
0xb5: {  	s25 =	rddreg [dreg:$0x3]  }
0xb6: {  	[sflag:s10] =	ssyncset.done $0x0;
	s28 =	rddreg [dreg:$0xd]  }
0xb7: {  	[sflag:s10] =	ssyncadd.s32 $0xFFFFF400;
	s26 =	sadd.s32 $0xFFFFDA80, s28;
	s25 =	sadd.s32 $0x0, s25  }
0xb8: {  	[hbm4b:s26+s3] =	stream.linear.scatter [tilespmem:s24], [sflag:$0x7], $0x6400, $0x38;
	[tilespmem:$0x19C80] =	vst v63  }
0xb9: {  	s26 =	sadd.s32 $0x190, s25  }
0xba: {  	[tilespmem:s3], [sflag:$0x9] =	stream.linear.gather [hbm4b:s26+s3], $0x320, $0x38;
	[tilespmem:$0x19C80] =	vst v63  }
0xbb: {  	_ =	swait.ge [sflag:s14], $0x320  }
0xbc: {  	[sflag:s14] =	ssyncset.done $0x0  }
0xbd: {  	[sflag:s14] =	ssyncadd.s32 $0xFFFFFCE0  }
0xbe: {  	_ =	swait.ge [sflag:s11], $0x6400  }
0xbf: {  	[sflag:s11] =	ssyncset.done $0x0  }
0xc0: {  	s5 =	simm.s32 $0xC80;
	[sflag:s11] =	ssyncadd.s32 $0xFFFF9C00  }
0xc1: {  	[tilespmem:s5], [sflag:$0x1] =	stream.indirect.gather [hbm4b:s2+s15], $0x20, s3, s15, $0xb8;
	[tilespmem:$0x19C80] =	vst v63  }
0xc2: {  	s6 =	simm.s32 $0x1980  }
0xc3: {  	[tilespmem:s6], [sflag:$0x1] =	stream.indirect.gather [hbm4b:s2+s17], $0x20, s15, s17, $0xb8;
	[tilespmem:$0x19C80] =	vst v63  }
0xc4: {  	s8 =	simm.s32 $0x2580;
	s7 =	simm.s32 $0xC8  }
0xc5: {  	[tilespmem:s8], [sflag:$0x1] =	stream.indirect.gather [hbm4b:s2+s15], $0x20, s7, s15, $0xb8;
	[tilespmem:$0x19C80] =	vst v63  }
0xc6: {  	s16 =	simm.s32 $0x3280;
	s9 =	simm.s32 $0x130  }
0xc7: {  	[tilespmem:s16], [sflag:$0x1] =	stream.indirect.gather [hbm4b:s2+s17], $0x20, s9, s17, $0xb8;
	[tilespmem:$0x19C80] =	vst v63  }
0xc8: {  	s31 =	simm.s32 $0x190;
	s30 =	simm.s32 $0x3E80  }
0xc9: {  	[tilespmem:s30], [sflag:$0x1] =	stream.indirect.gather [hbm4b:s2+s15], $0x20, s31, s15, $0xb8;
	[tilespmem:$0x19C80] =	vst v63  }
0xca: {  	s29 =	simm.s32 $0x1F8;
	s26 =	simm.s32 $0x4B80  }
0xcb: {  	[tilespmem:s26], [sflag:$0x1] =	stream.indirect.gather [hbm4b:s2+s17], $0x20, s29, s17, $0xb8;
	[tilespmem:$0x19C80] =	vst v63  }
0xcc: {  	s30 =	simm.s32 $0x258;
	s29 =	simm.s32 $0x5780  }
0xcd: {  	[tilespmem:s29], [sflag:$0x1] =	stream.indirect.gather [hbm4b:s2+s15], $0x20, s30, s15, $0xb8;
	[tilespmem:$0x19C80] =	vst v63  }
0xce: {  	s6 =	simm.s32 $0x2C0;
	s7 =	simm.s32 $0x6480  }
0xcf: {  	[tilespmem:s7], [sflag:$0x1] =	stream.indirect.gather [hbm4b:s2+s17], $0x20, s6, s17, $0xb8;
	[tilespmem:$0x19C80] =	vst v63  }
0xd0: {  	_ =	swait.ge [sflag:s12], $0xD00  }
0xd1: {  	[sflag:s12] =	ssyncset.done $0x0  }
0xd2: {  	[sflag:s12] =	ssyncadd.s32 $0xFFFFF300  }
0xd3: {  	_ =	swait.ge [sflag:s12], $0xC00  }
0xd4: {  	[sflag:s12] =	ssyncset.done $0x0  }
0xd5: {  	[sflag:s12] =	ssyncadd.s32 $0xFFFFF400  }
0xd6: {  	_ =	swait.ge [sflag:s12], $0xD00  }
0xd7: {  	[sflag:s12] =	ssyncset.done $0x0  }
0xd8: {  	[sflag:s12] =	ssyncadd.s32 $0xFFFFF300  }
0xd9: {  	_ =	swait.ge [sflag:s12], $0xC00  }
0xda: {  	[sflag:s12] =	ssyncset.done $0x0  }
0xdb: {  	[sflag:s12] =	ssyncadd.s32 $0xFFFFF400  }
0xdc: {  	_ =	swait.ge [sflag:s12], $0xD00  }
0xdd: {  	[sflag:s12] =	ssyncset.done $0x0  }
0xde: {  	[sflag:s12] =	ssyncadd.s32 $0xFFFFF300  }
0xdf: {  	_ =	swait.ge [sflag:s12], $0xC00  }
0xe0: {  	[sflag:s12] =	ssyncset.done $0x0  }
0xe1: {  	[sflag:s12] =	ssyncadd.s32 $0xFFFFF400  }
0xe2: {  	_ =	swait.ge [sflag:s12], $0xD00  }
0xe3: {  	[sflag:s12] =	ssyncset.done $0x0  }
0xe4: {  	[sflag:s12] =	ssyncadd.s32 $0xFFFFF300  }
0xe5: {  	_ =	swait.ge [sflag:s12], $0xC00  }
0xe6: {  	[sflag:s12] =	ssyncset.done $0x0  }
0xe7: {  	s8 =	sadd.s32 $0xFFFFE700, s28;
	[sflag:s12] =	ssyncadd.s32 $0xFFFFF400  }
0xe8: {  	[hbm4b:s8+s3] =	stream.linear.scatter [tilespmem:s18], [sflag:$0x8], $0x6400, $0x38;
	[tilespmem:$0x19C80] =	vst v63  }
0xe9: {  	s9 =	sadd.s32 $0x1F4, s25  }
0xea: {  	[tilespmem:s1], [sflag:$0x9] =	stream.linear.gather [hbm4b:s9+s3], $0x320, $0x38;
	[tilespmem:$0x19C80] =	vst v63  }
0xeb: {  	_ =	swait.ge [sflag:s14], $0x320  }
0xec: {  	[sflag:s14] =	ssyncset.done $0x0  }
0xed: {  	[sflag:s14] =	ssyncadd.s32 $0xFFFFFCE0  }
0xee: {  	_ =	swait.ge [sflag:s19], $0x6400  }
0xef: {  	[sflag:s19] =	ssyncset.done $0x0  }
0xf0: {  	[sflag:s19] =	ssyncadd.s32 $0xFFFF9C00  }
0xf1: {  	[tilespmem:s0], [sflag:$0x2] =	stream.indirect.gather [hbm4b:s2+s15], $0x20, s1, s15, $0xb8;
	[tilespmem:$0x19C80] =	vst v63  }
0xf2: {  	s16 =	simm.s32 $0x388;
	s26 =	simm.s32 $0x7D80  }
0xf3: {  	[tilespmem:s26], [sflag:$0x2] =	stream.indirect.gather [hbm4b:s2+s17], $0x20, s16, s17, $0xb8;
	[tilespmem:$0x19C80] =	vst v63  }
0xf4: {  	s29 =	simm.s32 $0x3E8;
	s30 =	simm.s32 $0x8980  }
0xf5: {  	[tilespmem:s30], [sflag:$0x2] =	stream.indirect.gather [hbm4b:s2+s15], $0x20, s29, s15, $0xb8;
	[tilespmem:$0x19C80] =	vst v63  }
0xf6: {  	s6 =	simm.s32 $0x450;
	s7 =	simm.s32 $0x9680  }
0xf7: {  	[tilespmem:s7], [sflag:$0x2] =	stream.indirect.gather [hbm4b:s2+s17], $0x20, s6, s17, $0xb8;
	[tilespmem:$0x19C80] =	vst v63  }
0xf8: {  	s8 =	simm.s32 $0x4B0;
	s9 =	simm.s32 $0xA280  }
0xf9: {  	[tilespmem:s9], [sflag:$0x2] =	stream.indirect.gather [hbm4b:s2+s15], $0x20, s8, s15, $0xb8;
	[tilespmem:$0x19C80] =	vst v63  }
0xfa: {  	s16 =	simm.s32 $0x518;
	s26 =	simm.s32 $0xAF80  }
0xfb: {  	[tilespmem:s26], [sflag:$0x2] =	stream.indirect.gather [hbm4b:s2+s17], $0x20, s16, s17, $0xb8;
	[tilespmem:$0x19C80] =	vst v63  }
0xfc: {  	s29 =	simm.s32 $0x578;
	s30 =	simm.s32 $0xBB80  }
0xfd: {  	[tilespmem:s30], [sflag:$0x2] =	stream.indirect.gather [hbm4b:s2+s15], $0x20, s29, s15, $0xb8;
	[tilespmem:$0x19C80] =	vst v63  }
0xfe: {  	s6 =	simm.s32 $0x5E0;
	s7 =	simm.s32 $0xC880  }
0xff: {  	[tilespmem:s7], [sflag:$0x2] =	stream.indirect.gather [hbm4b:s2+s17], $0x20, s6, s17, $0xb8;
	[tilespmem:$0x19C80] =	vst v63  }
0x100: {  	_ =	swait.ge [sflag:s22], $0xD00  }
0x101: {  	[sflag:s22] =	ssyncset.done $0x0  }
0x102: {  	[sflag:s22] =	ssyncadd.s32 $0xFFFFF300  }
0x103: {  	_ =	swait.ge [sflag:s22], $0xC00  }
0x104: {  	[sflag:s22] =	ssyncset.done $0x0  }
0x105: {  	[sflag:s22] =	ssyncadd.s32 $0xFFFFF400  }
0x106: {  	_ =	swait.ge [sflag:s22], $0xD00  }
0x107: {  	[sflag:s22] =	ssyncset.done $0x0  }
0x108: {  	[sflag:s22] =	ssyncadd.s32 $0xFFFFF300  }
0x109: {  	_ =	swait.ge [sflag:s22], $0xC00  }
0x10a: {  	[sflag:s22] =	ssyncset.done $0x0  }
0x10b: {  	[sflag:s22] =	ssyncadd.s32 $0xFFFFF400  }
0x10c: {  	_ =	swait.ge [sflag:s22], $0xD00  }
0x10d: {  	[sflag:s22] =	ssyncset.done $0x0  }
0x10e: {  	[sflag:s22] =	ssyncadd.s32 $0xFFFFF300  }
0x10f: {  	_ =	swait.ge [sflag:s22], $0xC00  }
0x110: {  	[sflag:s22] =	ssyncset.done $0x0  }
0x111: {  	[sflag:s22] =	ssyncadd.s32 $0xFFFFF400  }
0x112: {  	_ =	swait.ge [sflag:s22], $0xD00  }
0x113: {  	[sflag:s22] =	ssyncset.done $0x0  }
0x114: {  	[sflag:s22] =	ssyncadd.s32 $0xFFFFF300  }
0x115: {  	_ =	swait.ge [sflag:s22], $0xC00  }
0x116: {  	[sflag:s22] =	ssyncset.done $0x0  }
0x117: {  	s8 =	sadd.s32 $0xFFFFF380, s28;
	s9 =	simm.s32 $0xC80;
	[sflag:s22] =	ssyncadd.s32 $0xFFFFF400  }
0x118: {  	[hbm4b:s8+s3] =	stream.linear.scatter [tilespmem:s9], [sflag:$0x5], $0x6400, $0x38;
	[tilespmem:$0x19C80] =	vst v63  }
0x119: {  	s16 =	sadd.s32 $0x258, s25  }
0x11a: {  	[tilespmem:s23], [sflag:$0x9] =	stream.linear.gather [hbm4b:s16+s3], $0x320, $0x38;
	[tilespmem:$0x19C80] =	vst v63  }
0x11b: {  	_ =	swait.ge [sflag:s14], $0x320  }
0x11c: {  	[sflag:s14] =	ssyncset.done $0x0  }
0x11d: {  	[sflag:s14] =	ssyncadd.s32 $0xFFFFFCE0  }
0x11e: {  	_ =	swait.ge [sflag:s20], $0x6400  }
0x11f: {  	[sflag:s20] =	ssyncset.done $0x0  }
0x120: {  	[sflag:s20] =	ssyncadd.s32 $0xFFFF9C00  }
0x121: {  	[tilespmem:s24], [sflag:$0x3] =	stream.indirect.gather [hbm4b:s2+s15], $0x20, s23, s15, $0xb8;
	[tilespmem:$0x19C80] =	vst v63  }
0x122: {  	s29 =	simm.s32 $0x6A8;
	s30 =	simm.s32 $0xE180  }
0x123: {  	[tilespmem:s30], [sflag:$0x3] =	stream.indirect.gather [hbm4b:s2+s17], $0x20, s29, s17, $0xb8;
	[tilespmem:$0x19C80] =	vst v63  }
0x124: {  	s6 =	simm.s32 $0x708;
	s7 =	simm.s32 $0xED80  }
0x125: {  	[tilespmem:s7], [sflag:$0x3] =	stream.indirect.gather [hbm4b:s2+s15], $0x20, s6, s15, $0xb8;
	[tilespmem:$0x19C80] =	vst v63  }
0x126: {  	s8 =	simm.s32 $0x770;
	s9 =	simm.s32 $0xFA80  }
0x127: {  	[tilespmem:s9], [sflag:$0x3] =	stream.indirect.gather [hbm4b:s2+s17], $0x20, s8, s17, $0xb8;
	[tilespmem:$0x19C80] =	vst v63  }
0x128: {  	s26 =	simm.s32 $0x10680;
	s16 =	simm.s32 $0x7D0  }
0x129: {  	[tilespmem:s26], [sflag:$0x3] =	stream.indirect.gather [hbm4b:s2+s15], $0x20, s16, s15, $0xb8;
	[tilespmem:$0x19C80] =	vst v63  }
0x12a: {  	s29 =	simm.s32 $0x838;
	s30 =	simm.s32 $0x11380  }
0x12b: {  	[tilespmem:s30], [sflag:$0x3] =	stream.indirect.gather [hbm4b:s2+s17], $0x20, s29, s17, $0xb8;
	[tilespmem:$0x19C80] =	vst v63  }
0x12c: {  	s7 =	simm.s32 $0x898;
	s8 =	simm.s32 $0x11F80  }
0x12d: {  	[tilespmem:s8], [sflag:$0x3] =	stream.indirect.gather [hbm4b:s2+s15], $0x20, s7, s15, $0xb8;
	[tilespmem:$0x19C80] =	vst v63  }
0x12e: {  	s9 =	simm.s32 $0x900;
	s16 =	simm.s32 $0x12C80  }
0x12f: {  	[tilespmem:s16], [sflag:$0x3] =	stream.indirect.gather [hbm4b:s2+s17], $0x20, s9, s17, $0xb8;
	[tilespmem:$0x19C80] =	vst v63  }
0x130: {  	_ =	swait.ge [sflag:s4], $0xD00  }
0x131: {  	[sflag:s4] =	ssyncset.done $0x0  }
0x132: {  	[sflag:s4] =	ssyncadd.s32 $0xFFFFF300  }
0x133: {  	_ =	swait.ge [sflag:s4], $0xC00  }
0x134: {  	[sflag:s4] =	ssyncset.done $0x0  }
0x135: {  	[sflag:s4] =	ssyncadd.s32 $0xFFFFF400  }
0x136: {  	_ =	swait.ge [sflag:s4], $0xD00  }
0x137: {  	[sflag:s4] =	ssyncset.done $0x0  }
0x138: {  	[sflag:s4] =	ssyncadd.s32 $0xFFFFF300  }
0x139: {  	_ =	swait.ge [sflag:s4], $0xC00  }
0x13a: {  	[sflag:s4] =	ssyncset.done $0x0  }
0x13b: {  	[sflag:s4] =	ssyncadd.s32 $0xFFFFF400  }
0x13c: {  	_ =	swait.ge [sflag:s4], $0xD00  }
0x13d: {  	[sflag:s4] =	ssyncset.done $0x0  }
0x13e: {  	[sflag:s4] =	ssyncadd.s32 $0xFFFFF300  }
0x13f: {  	_ =	swait.ge [sflag:s4], $0xC00  }
0x140: {  	[sflag:s4] =	ssyncset.done $0x0  }
0x141: {  	[sflag:s4] =	ssyncadd.s32 $0xFFFFF400  }
0x142: {  	_ =	swait.ge [sflag:s4], $0xD00  }
0x143: {  	[sflag:s4] =	ssyncset.done $0x0  }
0x144: {  	[sflag:s4] =	ssyncadd.s32 $0xFFFFF300  }
0x145: {  	_ =	swait.ge [sflag:s4], $0xC00  }
0x146: {  	[sflag:s4] =	ssyncset.done $0x0  }
0x147: {  	[sflag:s4] =	ssyncadd.s32 $0xFFFFF400  }
0x148: {  	[hbm4b:s28+s3] =	stream.linear.scatter [tilespmem:s0], [sflag:$0x6], $0x6400, $0x38;
	[tilespmem:$0x19C80] =	vst v63  }
0x149: {  	s25 =	sadd.s32 $0x2BC, s25  }
0x14a: {  	[tilespmem:s13], [sflag:$0x9] =	stream.linear.gather [hbm4b:s25+s3], $0x320, $0x38;
	[tilespmem:$0x19C80] =	vst v63  }
0x14b: {  	_ =	swait.ge [sflag:s14], $0x320  }
0x14c: {  	[sflag:s14] =	ssyncset.done $0x0  }
0x14d: {  	[sflag:s14] =	ssyncadd.s32 $0xFFFFFCE0  }
0x14e: {  	_ =	swait.ge [sflag:s21], $0x6400  }
0x14f: {  	s5 =	simm.s32 $0x1F8;
	[sflag:s21] =	ssyncset.done $0x0  }
0x150: {  	s31 =	simm.s32 $0xC80;
	s6 =	simm.s32 $0x2580;
	[sflag:s21] =	ssyncadd.s32 $0xFFFF9C00  }
0x151: {  	[tilespmem:s18], [sflag:$0x4] =	stream.indirect.gather [hbm4b:s2+s15], $0x20, s13, s15, $0xb8;
	[tilespmem:$0x19C80] =	vst v63  }
0x152: {  	s26 =	simm.s32 $0x14580;
	s29 =	simm.s32 $0xA28;
	s25 =	simm.s32 $0x9C8  }
0x153: {  	[tilespmem:s26], [sflag:$0x4] =	stream.indirect.gather [hbm4b:s2+s17], $0x20, s25, s17, $0xb8;
	[tilespmem:$0x19C80] =	vst v63  }
0x154: {  	s30 =	simm.s32 $0x15180;
	s7 =	simm.s32 $0xA90;
	s8 =	simm.s32 $0x15E80  }
0x155: {  	[tilespmem:s30], [sflag:$0x4] =	stream.indirect.gather [hbm4b:s2+s15], $0x20, s29, s15, $0xb8;
	[tilespmem:$0x19C80] =	vst v63  }
0x156: {  	s9 =	simm.s32 $0xAF0;
	s16 =	simm.s32 $0x16A80;
	s25 =	simm.s32 $0xB58  }
0x157: {  	[tilespmem:s8], [sflag:$0x4] =	stream.indirect.gather [hbm4b:s2+s17], $0x20, s7, s17, $0xb8;
	[tilespmem:$0x19C80] =	vst v63  }
0x158: {  	s26 =	simm.s32 $0x17780;
	s29 =	simm.s32 $0xBB8;
	s30 =	simm.s32 $0x18380  }
0x159: {  	[tilespmem:s16], [sflag:$0x4] =	stream.indirect.gather [hbm4b:s2+s15], $0x20, s9, s15, $0xb8;
	[tilespmem:$0x19C80] =	vst v63  }
0x15a: {  	s7 =	simm.s32 $0x130;
	s8 =	simm.s32 $0x3280;
	s9 =	simm.s32 $0x190  }
0x15b: {  	[tilespmem:s26], [sflag:$0x4] =	stream.indirect.gather [hbm4b:s2+s17], $0x20, s25, s17, $0xb8;
	[tilespmem:$0x19C80] =	vst v63  }
0x15c: {  	s16 =	simm.s32 $0x3E80;
	s25 =	simm.s32 $0x190;
	s26 =	smov.u32 s28  }
0x15d: {  	[tilespmem:s30], [sflag:$0x4] =	stream.indirect.gather [hbm4b:s2+s15], $0x20, s29, s15, $0xb8;
	[tilespmem:$0x19C80] =	vst v63  }
.LBB2_2:
0x15e: {  	s29 =	simm.s32 $0xC20;
	s30 =	simm.s32 $0x19080  }
0x15f: {  	[tilespmem:s30], [sflag:$0x4] =	stream.indirect.gather [hbm4b:s2+s17], $0x20, s29, s17, $0xb8;
	[tilespmem:$0x19C80] =	vst v63  }
0x160: {  	_ =	swait.ge [sflag:s10], $0xD00  }
0x161: {  	[sflag:s10] =	ssyncset.done $0x0  }
0x162: {  	[sflag:s10] =	ssyncadd.s32 $0xFFFFF300  }
0x163: {  	_ =	swait.ge [sflag:s10], $0xC00  }
0x164: {  	[sflag:s10] =	ssyncset.done $0x0  }
0x165: {  	[sflag:s10] =	ssyncadd.s32 $0xFFFFF400  }
0x166: {  	_ =	swait.ge [sflag:s10], $0xD00  }
0x167: {  	[sflag:s10] =	ssyncset.done $0x0  }
0x168: {  	[sflag:s10] =	ssyncadd.s32 $0xFFFFF300  }
0x169: {  	_ =	swait.ge [sflag:s10], $0xC00  }
0x16a: {  	[sflag:s10] =	ssyncset.done $0x0  }
0x16b: {  	[sflag:s10] =	ssyncadd.s32 $0xFFFFF400  }
0x16c: {  	_ =	swait.ge [sflag:s10], $0xD00  }
0x16d: {  	[sflag:s10] =	ssyncset.done $0x0  }
0x16e: {  	[sflag:s10] =	ssyncadd.s32 $0xFFFFF300  }
0x16f: {  	_ =	swait.ge [sflag:s10], $0xC00  }
0x170: {  	[sflag:s10] =	ssyncset.done $0x0  }
0x171: {  	[sflag:s10] =	ssyncadd.s32 $0xFFFFF400  }
0x172: {  	_ =	swait.ge [sflag:s10], $0xD00  }
0x173: {  	[sflag:s10] =	ssyncset.done $0x0  }
0x174: {  	[sflag:s10] =	ssyncadd.s32 $0xFFFFF300  }
0x175: {  	s26 =	sadd.s32 $0x3200, s26;
	_ =	swait.ge [sflag:s10], $0xC00  }
0x176: {  	s28 =	smov.u32 s25;
	[sflag:s10] =	ssyncset.done $0x0;
	s29 =	rddreg [dreg:$0x3]  }
0x177: {  	s30 =	sadd.s32 $0xFFFFDA80, s26;
	[sflag:s10] =	ssyncadd.s32 $0xFFFFF400;
	s28 =	sadd.s32 s28, s29  }
0x178: {  	[hbm4b:s30+s3] =	stream.linear.scatter [tilespmem:s24], [sflag:$0x7], $0x6400, $0x38;
	[tilespmem:$0x19C80] =	vst v63  }
0x179: {  	s29 =	sadd.s32 $0x190, s28  }
0x17a: {  	[tilespmem:s3], [sflag:$0x9] =	stream.linear.gather [hbm4b:s29+s3], $0x320, $0x38;
	[tilespmem:$0x19C80] =	vst v63  }
0x17b: {  	_ =	swait.ge [sflag:s14], $0x320  }
0x17c: {  	[sflag:s14] =	ssyncset.done $0x0  }
0x17d: {  	[sflag:s14] =	ssyncadd.s32 $0xFFFFFCE0  }
0x17e: {  	_ =	swait.ge [sflag:s11], $0x6400  }
0x17f: {  	[sflag:s11] =	ssyncset.done $0x0  }
0x180: {  	[sflag:s11] =	ssyncadd.s32 $0xFFFF9C00  }
0x181: {  	[tilespmem:s31], [sflag:$0x1] =	stream.indirect.gather [hbm4b:s2+s15], $0x20, s3, s15, $0xb8;
	[tilespmem:$0x19C80] =	vst v63  }
0x182: {  	s30 =	simm.s32 $0x1980  }
0x183: {  	[tilespmem:s30], [sflag:$0x1] =	stream.indirect.gather [hbm4b:s2+s17], $0x20, s15, s17, $0xb8;
	[tilespmem:$0x19C80] =	vst v63  }
0x184: {  	s30 =	simm.s32 $0xC8  }
0x185: {  	[tilespmem:s6], [sflag:$0x1] =	stream.indirect.gather [hbm4b:s2+s15], $0x20, s30, s15, $0xb8;
	[tilespmem:$0x19C80] =	vst v63  }
0x186: {  	_ = 	snop  }
0x187: {  	[tilespmem:s8], [sflag:$0x1] =	stream.indirect.gather [hbm4b:s2+s17], $0x20, s7, s17, $0xb8;
	[tilespmem:$0x19C80] =	vst v63  }
0x188: {  	_ = 	snop  }
0x189: {  	[tilespmem:s16], [sflag:$0x1] =	stream.indirect.gather [hbm4b:s2+s15], $0x20, s9, s15, $0xb8;
	[tilespmem:$0x19C80] =	vst v63  }
0x18a: {  	s30 =	simm.s32 $0x4B80  }
0x18b: {  	[tilespmem:s30], [sflag:$0x1] =	stream.indirect.gather [hbm4b:s2+s17], $0x20, s5, s17, $0xb8;
	[tilespmem:$0x19C80] =	vst v63  }
0x18c: {  	s29 =	simm.s32 $0x5780;
	s30 =	simm.s32 $0x258  }
0x18d: {  	[tilespmem:s29], [sflag:$0x1] =	stream.indirect.gather [hbm4b:s2+s15], $0x20, s30, s15, $0xb8;
	[tilespmem:$0x19C80] =	vst v63  }
0x18e: {  	s29 =	simm.s32 $0x2C0;
	s30 =	simm.s32 $0x6480  }
0x18f: {  	[tilespmem:s30], [sflag:$0x1] =	stream.indirect.gather [hbm4b:s2+s17], $0x20, s29, s17, $0xb8;
	[tilespmem:$0x19C80] =	vst v63  }
0x190: {  	_ =	swait.ge [sflag:s12], $0xD00  }
0x191: {  	[sflag:s12] =	ssyncset.done $0x0  }
0x192: {  	[sflag:s12] =	ssyncadd.s32 $0xFFFFF300  }
0x193: {  	_ =	swait.ge [sflag:s12], $0xC00  }
0x194: {  	[sflag:s12] =	ssyncset.done $0x0  }
0x195: {  	[sflag:s12] =	ssyncadd.s32 $0xFFFFF400  }
0x196: {  	_ =	swait.ge [sflag:s12], $0xD00  }
0x197: {  	[sflag:s12] =	ssyncset.done $0x0  }
0x198: {  	[sflag:s12] =	ssyncadd.s32 $0xFFFFF300  }
0x199: {  	_ =	swait.ge [sflag:s12], $0xC00  }
0x19a: {  	[sflag:s12] =	ssyncset.done $0x0  }
0x19b: {  	[sflag:s12] =	ssyncadd.s32 $0xFFFFF400  }
0x19c: {  	_ =	swait.ge [sflag:s12], $0xD00  }
0x19d: {  	[sflag:s12] =	ssyncset.done $0x0  }
0x19e: {  	[sflag:s12] =	ssyncadd.s32 $0xFFFFF300  }
0x19f: {  	_ =	swait.ge [sflag:s12], $0xC00  }
0x1a0: {  	[sflag:s12] =	ssyncset.done $0x0  }
0x1a1: {  	[sflag:s12] =	ssyncadd.s32 $0xFFFFF400  }
0x1a2: {  	_ =	swait.ge [sflag:s12], $0xD00  }
0x1a3: {  	[sflag:s12] =	ssyncset.done $0x0  }
0x1a4: {  	[sflag:s12] =	ssyncadd.s32 $0xFFFFF300  }
0x1a5: {  	_ =	swait.ge [sflag:s12], $0xC00  }
0x1a6: {  	[sflag:s12] =	ssyncset.done $0x0  }
0x1a7: {  	s29 =	sadd.s32 $0xFFFFE700, s26;
	[sflag:s12] =	ssyncadd.s32 $0xFFFFF400  }
0x1a8: {  	[hbm4b:s29+s3] =	stream.linear.scatter [tilespmem:s18], [sflag:$0x8], $0x6400, $0x38;
	[tilespmem:$0x19C80] =	vst v63  }
0x1a9: {  	s30 =	sadd.s32 $0x1F4, s28  }
0x1aa: {  	[tilespmem:s1], [sflag:$0x9] =	stream.linear.gather [hbm4b:s30+s3], $0x320, $0x38;
	[tilespmem:$0x19C80] =	vst v63  }
0x1ab: {  	_ =	swait.ge [sflag:s14], $0x320  }
0x1ac: {  	[sflag:s14] =	ssyncset.done $0x0  }
0x1ad: {  	[sflag:s14] =	ssyncadd.s32 $0xFFFFFCE0  }
0x1ae: {  	_ =	swait.ge [sflag:s19], $0x6400  }
0x1af: {  	[sflag:s19] =	ssyncset.done $0x0  }
0x1b0: {  	[sflag:s19] =	ssyncadd.s32 $0xFFFF9C00  }
0x1b1: {  	[tilespmem:s0], [sflag:$0x2] =	stream.indirect.gather [hbm4b:s2+s15], $0x20, s1, s15, $0xb8;
	[tilespmem:$0x19C80] =	vst v63  }
0x1b2: {  	s29 =	simm.s32 $0x388;
	s30 =	simm.s32 $0x7D80  }
0x1b3: {  	[tilespmem:s30], [sflag:$0x2] =	stream.indirect.gather [hbm4b:s2+s17], $0x20, s29, s17, $0xb8;
	[tilespmem:$0x19C80] =	vst v63  }
0x1b4: {  	s29 =	simm.s32 $0x3E8;
	s30 =	simm.s32 $0x8980  }
0x1b5: {  	[tilespmem:s30], [sflag:$0x2] =	stream.indirect.gather [hbm4b:s2+s15], $0x20, s29, s15, $0xb8;
	[tilespmem:$0x19C80] =	vst v63  }
0x1b6: {  	s29 =	simm.s32 $0x450;
	s30 =	simm.s32 $0x9680  }
0x1b7: {  	[tilespmem:s30], [sflag:$0x2] =	stream.indirect.gather [hbm4b:s2+s17], $0x20, s29, s17, $0xb8;
	[tilespmem:$0x19C80] =	vst v63  }
0x1b8: {  	s29 =	simm.s32 $0x4B0;
	s30 =	simm.s32 $0xA280  }
0x1b9: {  	[tilespmem:s30], [sflag:$0x2] =	stream.indirect.gather [hbm4b:s2+s15], $0x20, s29, s15, $0xb8;
	[tilespmem:$0x19C80] =	vst v63  }
0x1ba: {  	s29 =	simm.s32 $0x518;
	s30 =	simm.s32 $0xAF80  }
0x1bb: {  	[tilespmem:s30], [sflag:$0x2] =	stream.indirect.gather [hbm4b:s2+s17], $0x20, s29, s17, $0xb8;
	[tilespmem:$0x19C80] =	vst v63  }
0x1bc: {  	s29 =	simm.s32 $0x578;
	s30 =	simm.s32 $0xBB80  }
0x1bd: {  	[tilespmem:s30], [sflag:$0x2] =	stream.indirect.gather [hbm4b:s2+s15], $0x20, s29, s15, $0xb8;
	[tilespmem:$0x19C80] =	vst v63  }
0x1be: {  	s29 =	simm.s32 $0x5E0;
	s30 =	simm.s32 $0xC880  }
0x1bf: {  	[tilespmem:s30], [sflag:$0x2] =	stream.indirect.gather [hbm4b:s2+s17], $0x20, s29, s17, $0xb8;
	[tilespmem:$0x19C80] =	vst v63  }
0x1c0: {  	_ =	swait.ge [sflag:s22], $0xD00  }
0x1c1: {  	[sflag:s22] =	ssyncset.done $0x0  }
0x1c2: {  	[sflag:s22] =	ssyncadd.s32 $0xFFFFF300  }
0x1c3: {  	_ =	swait.ge [sflag:s22], $0xC00  }
0x1c4: {  	[sflag:s22] =	ssyncset.done $0x0  }
0x1c5: {  	[sflag:s22] =	ssyncadd.s32 $0xFFFFF400  }
0x1c6: {  	_ =	swait.ge [sflag:s22], $0xD00  }
0x1c7: {  	[sflag:s22] =	ssyncset.done $0x0  }
0x1c8: {  	[sflag:s22] =	ssyncadd.s32 $0xFFFFF300  }
0x1c9: {  	_ =	swait.ge [sflag:s22], $0xC00  }
0x1ca: {  	[sflag:s22] =	ssyncset.done $0x0  }
0x1cb: {  	[sflag:s22] =	ssyncadd.s32 $0xFFFFF400  }
0x1cc: {  	_ =	swait.ge [sflag:s22], $0xD00  }
0x1cd: {  	[sflag:s22] =	ssyncset.done $0x0  }
0x1ce: {  	[sflag:s22] =	ssyncadd.s32 $0xFFFFF300  }
0x1cf: {  	_ =	swait.ge [sflag:s22], $0xC00  }
0x1d0: {  	[sflag:s22] =	ssyncset.done $0x0  }
0x1d1: {  	[sflag:s22] =	ssyncadd.s32 $0xFFFFF400  }
0x1d2: {  	_ =	swait.ge [sflag:s22], $0xD00  }
0x1d3: {  	[sflag:s22] =	ssyncset.done $0x0  }
0x1d4: {  	[sflag:s22] =	ssyncadd.s32 $0xFFFFF300  }
0x1d5: {  	_ =	swait.ge [sflag:s22], $0xC00  }
0x1d6: {  	[sflag:s22] =	ssyncset.done $0x0  }
0x1d7: {  	s29 =	sadd.s32 $0xFFFFF380, s26;
	[sflag:s22] =	ssyncadd.s32 $0xFFFFF400  }
0x1d8: {  	[hbm4b:s29+s3] =	stream.linear.scatter [tilespmem:s31], [sflag:$0x5], $0x6400, $0x38;
	[tilespmem:$0x19C80] =	vst v63  }
0x1d9: {  	s30 =	sadd.s32 $0x258, s28  }
0x1da: {  	[tilespmem:s23], [sflag:$0x9] =	stream.linear.gather [hbm4b:s30+s3], $0x320, $0x38;
	[tilespmem:$0x19C80] =	vst v63  }
0x1db: {  	_ =	swait.ge [sflag:s14], $0x320  }
0x1dc: {  	[sflag:s14] =	ssyncset.done $0x0  }
0x1dd: {  	[sflag:s14] =	ssyncadd.s32 $0xFFFFFCE0  }
0x1de: {  	_ =	swait.ge [sflag:s20], $0x6400  }
0x1df: {  	[sflag:s20] =	ssyncset.done $0x0  }
0x1e0: {  	[sflag:s20] =	ssyncadd.s32 $0xFFFF9C00  }
0x1e1: {  	[tilespmem:s24], [sflag:$0x3] =	stream.indirect.gather [hbm4b:s2+s15], $0x20, s23, s15, $0xb8;
	[tilespmem:$0x19C80] =	vst v63  }
0x1e2: {  	s29 =	simm.s32 $0x6A8;
	s30 =	simm.s32 $0xE180  }
0x1e3: {  	[tilespmem:s30], [sflag:$0x3] =	stream.indirect.gather [hbm4b:s2+s17], $0x20, s29, s17, $0xb8;
	[tilespmem:$0x19C80] =	vst v63  }
0x1e4: {  	s29 =	simm.s32 $0x708;
	s30 =	simm.s32 $0xED80  }
0x1e5: {  	[tilespmem:s30], [sflag:$0x3] =	stream.indirect.gather [hbm4b:s2+s15], $0x20, s29, s15, $0xb8;
	[tilespmem:$0x19C80] =	vst v63  }
0x1e6: {  	s29 =	simm.s32 $0x770;
	s30 =	simm.s32 $0xFA80  }
0x1e7: {  	[tilespmem:s30], [sflag:$0x3] =	stream.indirect.gather [hbm4b:s2+s17], $0x20, s29, s17, $0xb8;
	[tilespmem:$0x19C80] =	vst v63  }
0x1e8: {  	s29 =	simm.s32 $0x7D0;
	s30 =	simm.s32 $0x10680  }
0x1e9: {  	[tilespmem:s30], [sflag:$0x3] =	stream.indirect.gather [hbm4b:s2+s15], $0x20, s29, s15, $0xb8;
	[tilespmem:$0x19C80] =	vst v63  }
0x1ea: {  	s29 =	simm.s32 $0x838;
	s30 =	simm.s32 $0x11380  }
0x1eb: {  	[tilespmem:s30], [sflag:$0x3] =	stream.indirect.gather [hbm4b:s2+s17], $0x20, s29, s17, $0xb8;
	[tilespmem:$0x19C80] =	vst v63  }
0x1ec: {  	s29 =	simm.s32 $0x898;
	s30 =	simm.s32 $0x11F80  }
0x1ed: {  	[tilespmem:s30], [sflag:$0x3] =	stream.indirect.gather [hbm4b:s2+s15], $0x20, s29, s15, $0xb8;
	[tilespmem:$0x19C80] =	vst v63  }
0x1ee: {  	s29 =	simm.s32 $0x900;
	s30 =	simm.s32 $0x12C80  }
0x1ef: {  	[tilespmem:s30], [sflag:$0x3] =	stream.indirect.gather [hbm4b:s2+s17], $0x20, s29, s17, $0xb8;
	[tilespmem:$0x19C80] =	vst v63  }
0x1f0: {  	_ =	swait.ge [sflag:s4], $0xD00  }
0x1f1: {  	[sflag:s4] =	ssyncset.done $0x0  }
0x1f2: {  	[sflag:s4] =	ssyncadd.s32 $0xFFFFF300  }
0x1f3: {  	_ =	swait.ge [sflag:s4], $0xC00  }
0x1f4: {  	[sflag:s4] =	ssyncset.done $0x0  }
0x1f5: {  	[sflag:s4] =	ssyncadd.s32 $0xFFFFF400  }
0x1f6: {  	_ =	swait.ge [sflag:s4], $0xD00  }
0x1f7: {  	[sflag:s4] =	ssyncset.done $0x0  }
0x1f8: {  	[sflag:s4] =	ssyncadd.s32 $0xFFFFF300  }
0x1f9: {  	_ =	swait.ge [sflag:s4], $0xC00  }
0x1fa: {  	[sflag:s4] =	ssyncset.done $0x0  }
0x1fb: {  	[sflag:s4] =	ssyncadd.s32 $0xFFFFF400  }
0x1fc: {  	_ =	swait.ge [sflag:s4], $0xD00  }
0x1fd: {  	[sflag:s4] =	ssyncset.done $0x0  }
0x1fe: {  	[sflag:s4] =	ssyncadd.s32 $0xFFFFF300  }
0x1ff: {  	_ =	swait.ge [sflag:s4], $0xC00  }
0x200: {  	[sflag:s4] =	ssyncset.done $0x0  }
0x201: {  	[sflag:s4] =	ssyncadd.s32 $0xFFFFF400  }
0x202: {  	_ =	swait.ge [sflag:s4], $0xD00  }
0x203: {  	[sflag:s4] =	ssyncset.done $0x0  }
0x204: {  	[sflag:s4] =	ssyncadd.s32 $0xFFFFF300  }
0x205: {  	_ =	swait.ge [sflag:s4], $0xC00  }
0x206: {  	[sflag:s4] =	ssyncset.done $0x0  }
0x207: {  	[sflag:s4] =	ssyncadd.s32 $0xFFFFF400  }
0x208: {  	[hbm4b:s26+s3] =	stream.linear.scatter [tilespmem:s0], [sflag:$0x6], $0x6400, $0x38;
	[tilespmem:$0x19C80] =	vst v63  }
0x209: {  	s28 =	sadd.s32 $0x2BC, s28  }
0x20a: {  	[tilespmem:s13], [sflag:$0x9] =	stream.linear.gather [hbm4b:s28+s3], $0x320, $0x38;
	[tilespmem:$0x19C80] =	vst v63  }
0x20b: {  	_ =	swait.ge [sflag:s14], $0x320  }
0x20c: {  	[sflag:s14] =	ssyncset.done $0x0  }
0x20d: {  	[sflag:s14] =	ssyncadd.s32 $0xFFFFFCE0  }
0x20e: {  	_ =	swait.ge [sflag:s21], $0x6400  }
0x20f: {  	[sflag:s21] =	ssyncset.done $0x0  }
0x210: {  	[sflag:s21] =	ssyncadd.s32 $0xFFFF9C00  }
0x211: {  	[tilespmem:s18], [sflag:$0x4] =	stream.indirect.gather [hbm4b:s2+s15], $0x20, s13, s15, $0xb8;
	[tilespmem:$0x19C80] =	vst v63  }
0x212: {  	s30 =	simm.s32 $0x14580;
	s28 =	simm.s32 $0x9C8  }
0x213: {  	[tilespmem:s30], [sflag:$0x4] =	stream.indirect.gather [hbm4b:s2+s17], $0x20, s28, s17, $0xb8;
	[tilespmem:$0x19C80] =	vst v63  }
0x214: {  	s28 =	simm.s32 $0xA28;
	s30 =	simm.s32 $0x15180  }
0x215: {  	[tilespmem:s30], [sflag:$0x4] =	stream.indirect.gather [hbm4b:s2+s15], $0x20, s28, s15, $0xb8;
	[tilespmem:$0x19C80] =	vst v63  }
0x216: {  	s28 =	simm.s32 $0xA90;
	s30 =	simm.s32 $0x15E80  }
0x217: {  	[tilespmem:s30], [sflag:$0x4] =	stream.indirect.gather [hbm4b:s2+s17], $0x20, s28, s17, $0xb8;
	[tilespmem:$0x19C80] =	vst v63  }
0x218: {  	p0 =	sne.s32 s25, $0x2EE0;
	s28 =	simm.s32 $0xAF0;
	s30 =	simm.s32 $0x16A80  }
0x219: {  	[tilespmem:s30], [sflag:$0x4] =	stream.indirect.gather [hbm4b:s2+s15], $0x20, s28, s15, $0xb8;
	[tilespmem:$0x19C80] =	vst v63  }
.Ltmp0:
0x21a: {  	_ = 	snop;
	(pc) =	sbr.rel @p0 .LBB2_2-.Ltmp0, $4  }
0x21b: {  	s28 =	simm.s32 $0xB58;
	s30 =	simm.s32 $0x17780  }
0x21c: {  	[tilespmem:s30], [sflag:$0x4] =	stream.indirect.gather [hbm4b:s2+s17], $0x20, s28, s17, $0xb8;
	[tilespmem:$0x19C80] =	vst v63  }
0x21d: {  	s25 =	sadd.s32 $0x190, s25;
	s28 =	simm.s32 $0xBB8;
	s30 =	simm.s32 $0x18380  }
0x21e: {  	[tilespmem:s30], [sflag:$0x4] =	stream.indirect.gather [hbm4b:s2+s15], $0x20, s28, s15, $0xb8;
	[tilespmem:$0x19C80] =	vst v63  }
0x21f: {  	s5 =	simm.s32 $0xC20;
	s6 =	simm.s32 $0x19080  }
0x220: {  	[tilespmem:s6], [sflag:$0x4] =	stream.indirect.gather [hbm4b:s2+s17], $0x20, s5, s17, $0xb8;
	[tilespmem:$0x19C80] =	vst v63  }
0x221: {  	_ =	swait.ge [sflag:s10], $0xD00  }
0x222: {  	[sflag:s10] =	ssyncset.done $0x0  }
0x223: {  	[sflag:s10] =	ssyncadd.s32 $0xFFFFF300  }
0x224: {  	_ =	swait.ge [sflag:s10], $0xC00  }
0x225: {  	[sflag:s10] =	ssyncset.done $0x0  }
0x226: {  	[sflag:s10] =	ssyncadd.s32 $0xFFFFF400  }
0x227: {  	_ =	swait.ge [sflag:s10], $0xD00  }
0x228: {  	[sflag:s10] =	ssyncset.done $0x0  }
0x229: {  	[sflag:s10] =	ssyncadd.s32 $0xFFFFF300  }
0x22a: {  	_ =	swait.ge [sflag:s10], $0xC00  }
0x22b: {  	[sflag:s10] =	ssyncset.done $0x0  }
0x22c: {  	[sflag:s10] =	ssyncadd.s32 $0xFFFFF400  }
0x22d: {  	_ =	swait.ge [sflag:s10], $0xD00  }
0x22e: {  	[sflag:s10] =	ssyncset.done $0x0  }
0x22f: {  	[sflag:s10] =	ssyncadd.s32 $0xFFFFF300  }
0x230: {  	_ =	swait.ge [sflag:s10], $0xC00  }
0x231: {  	[sflag:s10] =	ssyncset.done $0x0  }
0x232: {  	[sflag:s10] =	ssyncadd.s32 $0xFFFFF400  }
0x233: {  	_ =	swait.ge [sflag:s10], $0xD00  }
0x234: {  	[sflag:s10] =	ssyncset.done $0x0  }
0x235: {  	[sflag:s10] =	ssyncadd.s32 $0xFFFFF300  }
0x236: {  	_ =	swait.ge [sflag:s10], $0xC00  }
0x237: {  	[sflag:s10] =	ssyncset.done $0x0  }
0x238: {  	s25 =	rddreg [dreg:$0xa];
	[sflag:s10] =	ssyncadd.s32 $0xFFFFF400  }
0x239: {  	[hbm4b:s25+s3] =	stream.linear.scatter [tilespmem:s24], [sflag:$0x7], $0x6400, $0x38;
	[tilespmem:$0x19C80] =	vst v63  }
0x23a: {  	_ =	swait.ge [sflag:s12], $0xD00  }
0x23b: {  	[sflag:s12] =	ssyncset.done $0x0  }
0x23c: {  	[sflag:s12] =	ssyncadd.s32 $0xFFFFF300  }
0x23d: {  	_ =	swait.ge [sflag:s12], $0xC00  }
0x23e: {  	[sflag:s12] =	ssyncset.done $0x0  }
0x23f: {  	[sflag:s12] =	ssyncadd.s32 $0xFFFFF400  }
0x240: {  	_ =	swait.ge [sflag:s12], $0xD00  }
0x241: {  	[sflag:s12] =	ssyncset.done $0x0  }
0x242: {  	[sflag:s12] =	ssyncadd.s32 $0xFFFFF300  }
0x243: {  	_ =	swait.ge [sflag:s12], $0xC00  }
0x244: {  	[sflag:s12] =	ssyncset.done $0x0  }
0x245: {  	[sflag:s12] =	ssyncadd.s32 $0xFFFFF400  }
0x246: {  	_ =	swait.ge [sflag:s12], $0xD00  }
0x247: {  	[sflag:s12] =	ssyncset.done $0x0  }
0x248: {  	[sflag:s12] =	ssyncadd.s32 $0xFFFFF300  }
0x249: {  	_ =	swait.ge [sflag:s12], $0xC00  }
0x24a: {  	[sflag:s12] =	ssyncset.done $0x0  }
0x24b: {  	[sflag:s12] =	ssyncadd.s32 $0xFFFFF400  }
0x24c: {  	_ =	swait.ge [sflag:s12], $0xD00  }
0x24d: {  	[sflag:s12] =	ssyncset.done $0x0  }
0x24e: {  	[sflag:s12] =	ssyncadd.s32 $0xFFFFF300  }
0x24f: {  	_ =	swait.ge [sflag:s12], $0xC00  }
0x250: {  	[sflag:s12] =	ssyncset.done $0x0  }
0x251: {  	s16 =	rddreg [dreg:$0xb];
	[sflag:s12] =	ssyncadd.s32 $0xFFFFF400  }
0x252: {  	[hbm4b:s16+s3] =	stream.linear.scatter [tilespmem:s18], [sflag:$0x8], $0x6400, $0x38;
	[tilespmem:$0x19C80] =	vst v63  }
0x253: {  	_ =	swait.ge [sflag:s11], $0x6400  }
0x254: {  	[sflag:s11] =	ssyncset.done $0x0  }
0x255: {  	[sflag:s11] =	ssyncadd.s32 $0xFFFF9C00  }
0x256: {  	_ =	swait.ge [sflag:s19], $0x6400  }
0x257: {  	[sflag:s19] =	ssyncset.done $0x0  }
0x258: {  	[sflag:s19] =	ssyncadd.s32 $0xFFFF9C00  }
0x259: {  	_ =	swait.ge [sflag:s20], $0x6400  }
0x25a: {  	[sflag:s20] =	ssyncset.done $0x0  }
0x25b: {  	[sflag:s20] =	ssyncadd.s32 $0xFFFF9C00  }
0x25c: {  	_ =	swait.ge [sflag:s21], $0x6400  }
0x25d: {  	s25 =	rddreg [dreg:$0xe]  }
0x25e: {  	s26 =	rddreg [dreg:$0xc];
	s5 =	sadd.s32 $0x1, s25  }
0x25f: {  	p0 =	sne.s32 s5, s26  }
.Ltmp1:
0x260: {  	s7 =	simm.s32 $0x2580;
	s8 =	simm.s32 $0x130;
	(pc) =	sbr.rel @p0 .LBB2_1-.Ltmp1, $4  }
0x261: {  	s9 =	simm.s32 $0x3280;
	s29 =	simm.s32 $0x3E80;
	s30 =	simm.s32 $0xC80  }
0x262: {  	s31 =	simm.s32 $0x1F8;
	s28 =	simm.s32 $0x258;
	[sflag:s21] =	ssyncset.done $0x0  }
0x263: {  	s6 =	simm.s32 $0xC8;
	s16 =	simm.s32 $0x190;
	[sflag:s21] =	ssyncadd.s32 $0xFFFF9C00  }
0x264: {  	[dreg:$0xe] =	wrdreg s5;
	s5 =	simm.s32 $0x1980;
	s26 =	simm.s32 $0x4B80  }
0x265: {  	_ =	sfence.sel $0x180000  }
0x266: {  	[bflag:$0x0] =	sbarrier.arrive $0xFFFF  }
0x267: {  	_ =	strace $0x90000047  }
0x268: {  	s0 =	stileid.u32;
	[bflag:$0x2] =	sbarrier.arrive $0xFFFF  }
0x269: {  	p0 =	sne.s32 s0, $0x0;
	s0 =	rddreg [dreg:$0x2]  }
0x26a: {  	s0 =	sadd.s32 @!p0 $0x100000, s0  }
0x26b: {  	[sflag:s0] =	ssyncadd.tile.s32 @!p0 $0x1;
	_ =	shalt  }
.Lfunc_end2:
_tile_overlayer_lowered:
.L_overlay_start_2:
0x26c: {  	(tag) =	ssettag $0x2  }
0x26d: {  	s0 =	rddreg [dreg:$0x0];
	s2 =	stileid.u32  }
0x26e: {  	s1 =	rddreg [dreg:$0x1];
	p0 =	sne.s32 s2, $0x0  }
0x26f: {  	s3 =	rddreg [dreg:$0x2];
	[bflag:$0x3] =	sbarrier.arrive $0xFFFF;
	s2 =	simm.s32 @!p0 $0x1C09  }
0x270: {  	[timem:s3], [sflag:s2] =	dma.local @!p0 [hbm:s0], s1  }
0x271: {  	s0 =	simm.s32 @!p0 $0x9  }
0x272: {  	_ =	swait.ge @!p0 [sflag:s0], s1  }
0x273: {  	s1 =	ssub.s32 @!p0 $0x0, s1;
	[sflag:s0] =	ssyncset.done @!p0 $0x0  }
0x274: {  	[sflag:s0] =	ssyncadd.s32 @!p0 s1  }
0x275: {  	[bflag:$0x3] =	sbarrier.arrive $0xFFFF  }
0x276: {  	_ =	shalt  }

</sc_bundles>
